<compile_context>
chip_gen: v7x
topology: tpu7x:2x2x1
jax: 0.10.2.dev20260603
libtpu: 0.0.44.dev20260713+nightly
codegen_flags: <defaults>
</compile_context>

<pallas_src>
import functools

import jax
import jax.numpy as jnp
from jax import lax
from jax.experimental import pallas as pl
from jax.experimental.pallas import tpu as pltpu
from jax.experimental.pallas import tpu_sc as plsc

_K = 128
_G = 10


@functools.lru_cache(maxsize=None)
def _make_sc_gather(n_items, n_users, B, E, d, n_negs):
    info = plsc.get_sparse_core_info()
    NC, NS = info.num_cores, info.num_subcores
    NW = NC * NS
    EW = E // NW
    NCH = EW // _K
    BW = B // NW
    NQ = BW // _K
    NEG = B * n_negs
    NEGW = NEG // NW
    NNCH = NEGW // _K
    RPT = B // NS

    mesh = plsc.VectorSubcoreMesh(core_axis_name="c", subcore_axis_name="s")

    @functools.partial(
        pl.kernel,
        out_type=(
            jax.ShapeDtypeStruct((NC, B, 128), jnp.float32),
            jax.ShapeDtypeStruct((B, 128), jnp.float32),
            jax.ShapeDtypeStruct((B, 128), jnp.float32),
            jax.ShapeDtypeStruct((NEG, 128), jnp.float32),
            jax.ShapeDtypeStruct((B,), jnp.float32),
            jax.ShapeDtypeStruct((B,), jnp.float32),
            jax.ShapeDtypeStruct((NEG,), jnp.float32),
        ),
        mesh=mesh,
        compiler_params=pltpu.CompilerParams(use_tc_tiling_on_sc=False),
        scratch_types=[
            pltpu.VMEM((_G * _K,), jnp.int32),
            pltpu.VMEM((_G, _K), jnp.int32),
            pltpu.VMEM((5, _K, d), jnp.float32),
            pltpu.VMEM(((2 * (B // _K // NW) + (NEG // _K // NW)) * _K,),
                       jnp.int32),
            pltpu.VMEM((_K,), jnp.float32),
            pltpu.VMEM((_K,), jnp.float32),
            pltpu.VMEM_SHARED((B, d), jnp.float32),
            pltpu.SemaphoreType.DMA,
            pltpu.SemaphoreType.DMA,
            pltpu.SemaphoreType.DMA,
            pltpu.SemaphoreType.DMA,
            pltpu.SemaphoreType.DMA,
            pltpu.SemaphoreType.DMA,
            pltpu.SemaphoreType.DMA,
            pltpu.SemaphoreType.DMA,
            pltpu.SemaphoreType.DMA,
            pltpu.SemaphoreType.DMA,
            pltpu.SemaphoreType.DMA,
            pltpu.SemaphoreType.DMA,
            pltpu.SemaphoreType.DMA,
            pltpu.SemaphoreType.DMA,
        ],
    )
    def sc_kernel(p_hbm, q_hbm, bu_hbm, bi_hbm, iu1, us1, i1, u1, ineg1, z_hbm,
                  psum_out, q_out, pself_out, qneg_out, bu_out, bi_out, bineg_out,
                  iu_g, us_g, ring, idx_v, bva, bvb, psum_sh,
                  g0, g1, g2, g3, g4, s0, s1, s2, s3, s4,
                  rsem_a, rsem_b, bsem_a, bsem_b):
        gsems = (g0, g1, g2, g3, g4)
        ssems = (s0, s1, s2, s3, s4)
        gbufs = tuple(ring.at[i] for i in range(5))
        rsems = (rsem_a, rsem_b)
        bsems = (bsem_a, bsem_b)
        bbufs = (bva, bvb)
        cid = lax.axis_index("c")
        sid = lax.axis_index("s")
        wid = cid * NS + sid

        pltpu.sync_copy(z_hbm, gbufs[0])
        for j in range(RPT // _K):
            pltpu.sync_copy(gbufs[0], psum_sh.at[pl.ds(sid * RPT + j * _K, _K)])

        pltpu.sync_copy(i1.at[pl.ds(wid * BW, BW)], idx_v.at[pl.ds(0, BW)])
        pltpu.sync_copy(u1.at[pl.ds(wid * BW, BW)], idx_v.at[pl.ds(BW, BW)])
        pltpu.sync_copy(ineg1.at[pl.ds(wid * NEGW, NEGW)],
                        idx_v.at[pl.ds(2 * BW, NEGW)])

        tasks = []
        for j in range(NQ):
            base = wid * BW + j * _K
            tasks.append((q_hbm, j * _K,
                          q_out.at[pl.ds(base, _K), pl.ds(0, d)],
                          bi_hbm, j * _K, bi_out.at[pl.ds(base, _K)]))
            tasks.append((p_hbm, j * _K,
                          pself_out.at[pl.ds(base, _K), pl.ds(0, d)],
                          bu_hbm, BW + j * _K, bu_out.at[pl.ds(base, _K)]))
        for j in range(NNCH):
            base = wid * NEGW + j * _K
            tasks.append((q_hbm, 2 * BW + j * _K,
                          qneg_out.at[pl.ds(base, _K), pl.ds(0, d)],
                          bi_hbm, 2 * BW + j * _K,
                          bineg_out.at[pl.ds(base, _K)]))

        def fire(t):
            tab, ioff, _, btab, bioff, _ = tasks[t]
            return [
                pltpu.async_copy(tab.at[idx_v.at[pl.ds(ioff, _K)]],
                                 gbufs[t % 2], rsems[t % 2]),
                pltpu.async_copy(btab.at[idx_v.at[pl.ds(bioff, _K)]],
                                 bbufs[t % 2], bsems[t % 2]),
            ]

        pend = fire(0)
        for t in range(len(tasks)):
            nxt = fire(t + 1) if t + 1 < len(tasks) else None
            for dsc in pend:
                dsc.wait()
            pend = nxt
            _, _, out, _, _, bout = tasks[t]
            pltpu.sync_copy(gbufs[t % 2], out)
            pltpu.sync_copy(bbufs[t % 2], bout)

        plsc.subcore_barrier()

        @pl.loop(0, NCH, step=_G)
        def _edges(j):
            ebase = wid * EW + j * _K
            pltpu.sync_copy(iu1.at[pl.ds(ebase, _G * _K)], iu_g)
            sdescs = [pltpu.async_copy(us1.at[pl.ds(ebase + k * _K, _K)],
                                       us_g.at[k], rsem_a) for k in range(_G)]
            for dsc in sdescs:
                dsc.wait()
            _A = 3
            for k0 in range(_A):
                pltpu.async_copy(p_hbm.at[iu_g.at[pl.ds(k0 * _K, _K)]],
                                 gbufs[k0 % 5], gsems[k0 % 5])
            sd = {}
            for k in range(_G):
                cur = gbufs[k % 5]
                pltpu.make_async_copy(p_hbm.at[iu_g.at[pl.ds(k * _K, _K)]],
                                      cur, gsems[k % 5]).wait()
                sd[k] = pltpu.async_copy(cur, psum_sh.at[us_g.at[k]],
                                         ssems[k % 5], add=True)
                if k + _A < _G:
                    kn = k + _A
                    if kn - 5 >= 0:
                        sd.pop(kn - 5).wait()
                    pltpu.async_copy(p_hbm.at[iu_g.at[pl.ds(kn * _K, _K)]],
                                     gbufs[kn % 5], gsems[kn % 5])
            for dsc in sd.values():
                dsc.wait()

        plsc.subcore_barrier()

        pltpu.sync_copy(psum_sh.at[pl.ds(sid * RPT, RPT)],
                        psum_out.at[cid, pl.ds(sid * RPT, RPT), pl.ds(0, d)])

    return sc_kernel, NC, NW, NCH, NNCH, NQ


def _tc_score(psum, q, pself, qneg3, bu, bi, bineg2, B, d, n_negs, NC):
    BLK = 2048
    grid = (B // BLK,)

    def body(psum_ref, q_ref, pself_ref, qneg_ref, bu_ref, bi_ref, bineg_ref,
             r_ref, rneg_ref):
        p_sum = psum_ref[0, :, :d]
        for c in range(1, NC):
            p_sum = p_sum + psum_ref[c, :, :d]
        p_ctx = p_sum - pself_ref[:, :d]
        pq = jnp.sum(p_ctx * q_ref[:, :d], axis=1)
        r_ref[...] = bu_ref[...] + bi_ref[...] + pq
        pqn = jnp.sum(p_ctx[:, None, :] * qneg_ref[:, :, :d], axis=2)
        rneg_ref[...] = bu_ref[...][:, None] + bineg_ref[...] + pqn

    return pl.pallas_call(
        body,
        grid=grid,
        in_specs=[
            pl.BlockSpec((NC, BLK, 128), lambda i: (0, i, 0)),
            pl.BlockSpec((BLK, 128), lambda i: (i, 0)),
            pl.BlockSpec((BLK, 128), lambda i: (i, 0)),
            pl.BlockSpec((BLK, n_negs, 128), lambda i: (i, 0, 0)),
            pl.BlockSpec((BLK,), lambda i: (i,)),
            pl.BlockSpec((BLK,), lambda i: (i,)),
            pl.BlockSpec((BLK, n_negs), lambda i: (i, 0)),
        ],
        out_specs=[
            pl.BlockSpec((BLK,), lambda i: (i,)),
            pl.BlockSpec((BLK, n_negs), lambda i: (i, 0)),
        ],
        out_shape=[
            jax.ShapeDtypeStruct((B,), jnp.float32),
            jax.ShapeDtypeStruct((B, n_negs), jnp.float32),
        ],
    )(psum, q, pself, qneg3, bu, bi, bineg2)


def kernel(P_table, Q_table, b_u, b_i, I, U, I_neg, I_U, U_idx):
    B = I.shape[0]
    n_negs = I_neg.shape[1]
    E = I_U.shape[0]
    n_items, d = P_table.shape
    n_users = b_u.shape[0]

    sc_kernel, NC, NW, NCH, NNCH, NQ = _make_sc_gather(
        n_items, n_users, B, E, d, n_negs)

    iu1 = I_U.astype(jnp.int32)
    us1 = U_idx.astype(jnp.int32)
    i1 = I.astype(jnp.int32)
    u1 = U.astype(jnp.int32)
    ineg1 = I_neg.astype(jnp.int32).reshape(-1)
    zeros = jnp.zeros((_K, d), jnp.float32)

    psum, q, pself, qneg, bu, bi, bineg = sc_kernel(
        P_table, Q_table, b_u, b_i, iu1, us1, i1, u1, ineg1, zeros)

    qneg3 = qneg.reshape(B, n_negs, 128)
    bineg2 = bineg.reshape(B, n_negs)
    r, rneg = _tc_score(psum, q, pself, qneg3, bu, bi, bineg2, B, d, n_negs, NC)
    return (r, rneg)

# --- scband reference (transcript-rebuilt; emitter-appended) ---
"""Pipeline reference for scband-fism-55894704390594 (READ-ONLY COPY).

The authoritative reference and input builder live on the scoring server;
editing this copy changes nothing except your own understanding.
"""

import jax, jax.numpy as jnp
import numpy as np

ALPHA = 0.0

def setup_inputs(seed: int = 0) -> dict:
    key = jax.random.key(seed)
    B = 16384
    n_items = 100000
    n_users = 100000
    d = 64
    n_negs = 4
    E = B * 50
    ks = jax.random.split(key, 9)
    I = jax.random.randint(ks[0], (B,), 0, n_items)
    U = jax.random.randint(ks[1], (B,), 0, n_users)
    I_neg = jax.random.randint(ks[2], (B, n_negs), 0, n_items)
    I_U = jax.random.randint(ks[3], (E,), 0, n_items)
    U_idx = jnp.sort(jax.random.randint(ks[4], (E,), 0, B))
    P_table = jax.random.normal(ks[5], (n_items, d), jnp.float32) * 0.1
    Q_table = jax.random.normal(ks[6], (n_items, d), jnp.float32) * 0.1
    b_u = jnp.zeros((n_users,), jnp.float32)
    b_i = jnp.zeros((n_items,), jnp.float32)
    return {"P_table": P_table, "Q_table": Q_table, "b_u": b_u, "b_i": b_i,
            "I": I, "U": U, "I_neg": I_neg, "I_U": I_U, "U_idx": U_idx}

def reference(P_table, Q_table, b_u, b_i, I, U, I_neg, I_U, U_idx):
    B = I.shape[0]
    n_negs = I_neg.shape[1]
    # item embeddings via P/Q (PinSAGE outputs modeled as embedding lookups)
    q = jnp.take(Q_table, I, axis=0)                      # [B, d]
    p = jnp.take(P_table, I_U, axis=0)                    # [E, d] gather
    p_self = jnp.take(P_table, I, axis=0)                 # [B, d]
    # scatter_add over user segments
    p_sum = jax.ops.segment_sum(p, U_idx, num_segments=B) # [B, d]
    p_ctx = p_sum - p_self
    # degrees N_U
    N_U = jnp.bincount(U_idx, length=B).astype(jnp.float32)
    pq = jnp.sum(p_ctx * q, axis=1) / (N_U ** ALPHA)
    r = jnp.take(b_u, U) + jnp.take(b_i, I) + pq          # [B]
    # negatives
    q_neg = jnp.take(Q_table, I_neg.reshape(-1), axis=0).reshape(B, n_negs, -1)
    pq_neg = jnp.sum(p_ctx[:, None, :] * q_neg, axis=2) / (N_U[:, None] ** ALPHA)
    r_neg = jnp.take(b_u, U)[:, None] + jnp.take(b_i, I_neg.reshape(-1)).reshape(B, n_negs) + pq_neg
    return (r, r_neg)

if __name__ == "__main__":
    import jax
    _d = setup_inputs()
    print(jax.jit(kernel)(*tuple(_d.values())))

</pallas_src>

<mosaic_0001>
#map = affine_map<(d0, d1) -> (0, 0)>
#map1 = affine_map<(d0, d1) -> (0)>
#map2 = affine_map<(d0, d1) -> (0, 0, 0)>
module attributes {stable_mosaic.version = 14 : i64} {
  func.func @sc_kernel(%arg0: i32, %arg1: i32, %arg2: memref<100000x64xf32, #tpu.memory_space<hbm>>, %arg3: memref<100000x64xf32, #tpu.memory_space<hbm>>, %arg4: memref<100000xf32, #tpu.memory_space<hbm>>, %arg5: memref<100000xf32, #tpu.memory_space<hbm>>, %arg6: memref<819200xi32, #tpu.memory_space<hbm>>, %arg7: memref<819200xi32, #tpu.memory_space<hbm>>, %arg8: memref<16384xi32, #tpu.memory_space<hbm>>, %arg9: memref<16384xi32, #tpu.memory_space<hbm>>, %arg10: memref<65536xi32, #tpu.memory_space<hbm>>, %arg11: memref<128x64xf32, #tpu.memory_space<hbm>>, %arg12: memref<2x16384x128xf32, #tpu.memory_space<hbm>>, %arg13: memref<16384x128xf32, #tpu.memory_space<hbm>>, %arg14: memref<16384x128xf32, #tpu.memory_space<hbm>>, %arg15: memref<65536x128xf32, #tpu.memory_space<hbm>>, %arg16: memref<16384xf32, #tpu.memory_space<hbm>>, %arg17: memref<16384xf32, #tpu.memory_space<hbm>>, %arg18: memref<65536xf32, #tpu.memory_space<hbm>>, %arg19: memref<1280xi32, #tpu.memory_space<vmem>>, %arg20: memref<10x128xi32, #tpu.memory_space<vmem>>, %arg21: memref<5x128x64xf32, #tpu.memory_space<vmem>>, %arg22: memref<3072xi32, #tpu.memory_space<vmem>>, %arg23: memref<128xf32, #tpu.memory_space<vmem>>, %arg24: memref<128xf32, #tpu.memory_space<vmem>>, %arg25: memref<16384x64xf32, #tpu.memory_space<vmem_shared>>, %arg26: memref<!tpu.dma_semaphore, #tpu.memory_space<semaphore_mem>>, %arg27: memref<!tpu.dma_semaphore, #tpu.memory_space<semaphore_mem>>, %arg28: memref<!tpu.dma_semaphore, #tpu.memory_space<semaphore_mem>>, %arg29: memref<!tpu.dma_semaphore, #tpu.memory_space<semaphore_mem>>, %arg30: memref<!tpu.dma_semaphore, #tpu.memory_space<semaphore_mem>>, %arg31: memref<!tpu.dma_semaphore, #tpu.memory_space<semaphore_mem>>, %arg32: memref<!tpu.dma_semaphore, #tpu.memory_space<semaphore_mem>>, %arg33: memref<!tpu.dma_semaphore, #tpu.memory_space<semaphore_mem>>, %arg34: memref<!tpu.dma_semaphore, #tpu.memory_space<semaphore_mem>>, %arg35: memref<!tpu.dma_semaphore, #tpu.memory_space<semaphore_mem>>, %arg36: memref<!tpu.dma_semaphore, #tpu.memory_space<semaphore_mem>>, %arg37: memref<!tpu.dma_semaphore, #tpu.memory_space<semaphore_mem>>, %arg38: memref<!tpu.dma_semaphore, #tpu.memory_space<semaphore_mem>>, %arg39: memref<!tpu.dma_semaphore, #tpu.memory_space<semaphore_mem>>) attributes {dimension_semantics = [#tpu.dimension_semantics<core_parallel>, #tpu.dimension_semantics<subcore_parallel>], iteration_bounds = array<i64: 2, 16>, scalar_prefetch = 0 : i64, scratch_operands = 21 : i64, tpu.core_type = #tpu.core_type<sc_vector_subcore>, window_params = [{transform_indices = #map}, {transform_indices = #map}, {transform_indices = #map1}, {transform_indices = #map1}, {transform_indices = #map1}, {transform_indices = #map1}, {transform_indices = #map1}, {transform_indices = #map1}, {transform_indices = #map1}, {transform_indices = #map}, {transform_indices = #map2}, {transform_indices = #map}, {transform_indices = #map}, {transform_indices = #map}, {transform_indices = #map1}, {transform_indices = #map1}, {transform_indices = #map1}]} {
    %mul3A = arith.constant 16 : i32
    %mul3A_0 = arith.muli %arg0, %mul3A : i32
    %add3A = arith.addi %mul3A_0, %arg1 : i32
    %run_scoped3A = arith.constant 0 : i32
    "tpu.region"() ({
      %run_scoped3A_835 = tpu.sem_alloc : memref<!tpu.dma_semaphore, #tpu.memory_space<semaphore_mem>>
      %dma_start3A_836 = arith.constant 0 : i32
      %dma_start3A_837 = arith.constant 0 : i32
      %dma_start3A_838 = tpu.memref_slice %arg21[%run_scoped3A, %dma_start3A_836, %dma_start3A_837] : memref<5x128x64xf32, #tpu.memory_space<vmem>> -> memref<1x128x64xf32, #tpu.memory_space<vmem>>
      %dma_start3A_839 = tpu.memref_squeeze %dma_start3A_838 : memref<1x128x64xf32, #tpu.memory_space<vmem>> -> memref<128x64xf32, #tpu.memory_space<vmem>>
      %dma_start3A_840 = arith.constant 0 : i32
      %dma_start3A_841 = arith.constant 0 : i32
      %dma_start3A_842 = tpu.memref_slice %arg21[%run_scoped3A, %dma_start3A_840, %dma_start3A_841] : memref<5x128x64xf32, #tpu.memory_space<vmem>> -> memref<1x128x64xf32, #tpu.memory_space<vmem>>
      %dma_start3A_843 = tpu.memref_squeeze %dma_start3A_842 : memref<1x128x64xf32, #tpu.memory_space<vmem>> -> memref<128x64xf32, #tpu.memory_space<vmem>>
      tpu.enqueue_dma source(%arg11 : memref<128x64xf32, #tpu.memory_space<hbm>>) target(%dma_start3A_843 : memref<128x64xf32, #tpu.memory_space<vmem>>) target_semaphore(%run_scoped3A_835 : memref<!tpu.dma_semaphore, #tpu.memory_space<semaphore_mem>>)
      %dma_wait3A_844 = arith.constant 0 : i32
      %dma_wait3A_845 = arith.constant 0 : i32
      %dma_wait3A_846 = tpu.memref_slice %arg21[%run_scoped3A, %dma_wait3A_844, %dma_wait3A_845] : memref<5x128x64xf32, #tpu.memory_space<vmem>> -> memref<1x128x64xf32, #tpu.memory_space<vmem>>
      %dma_wait3A_847 = tpu.memref_squeeze %dma_wait3A_846 : memref<1x128x64xf32, #tpu.memory_space<vmem>> -> memref<128x64xf32, #tpu.memory_space<vmem>>
      %dma_wait3A_848 = arith.constant 0 : i32
      %dma_wait3A_849 = arith.constant 0 : i32
      %dma_wait3A_850 = tpu.memref_slice %arg21[%run_scoped3A, %dma_wait3A_848, %dma_wait3A_849] : memref<5x128x64xf32, #tpu.memory_space<vmem>> -> memref<1x128x64xf32, #tpu.memory_space<vmem>>
      %dma_wait3A_851 = tpu.memref_squeeze %dma_wait3A_850 : memref<1x128x64xf32, #tpu.memory_space<vmem>> -> memref<128x64xf32, #tpu.memory_space<vmem>>
      tpu.wait_dma2 semaphore(%run_scoped3A_835 : memref<!tpu.dma_semaphore, #tpu.memory_space<semaphore_mem>>) src(%arg11 : memref<128x64xf32, #tpu.memory_space<hbm>>) dst(%dma_wait3A_851 : memref<128x64xf32, #tpu.memory_space<vmem>>)
      tpu.yield
    }) : () -> ()
    %mul3A_1 = arith.constant 1024 : i32
    %mul3A_2 = arith.muli %arg1, %mul3A_1 : i32
    %add3A_3 = arith.constant 0 : i32
    %add3A_4 = arith.addi %mul3A_2, %add3A_3 : i32
    %run_scoped3A_5 = arith.constant 0 : i32
    "tpu.region"() ({
      %run_scoped3A_835 = tpu.sem_alloc : memref<!tpu.dma_semaphore, #tpu.memory_space<semaphore_mem>>
      %dma_start3A_836 = arith.constant 0 : i32
      %dma_start3A_837 = arith.constant 0 : i32
      %dma_start3A_838 = tpu.memref_slice %arg21[%run_scoped3A_5, %dma_start3A_836, %dma_start3A_837] : memref<5x128x64xf32, #tpu.memory_space<vmem>> -> memref<1x128x64xf32, #tpu.memory_space<vmem>>
      %dma_start3A_839 = tpu.memref_squeeze %dma_start3A_838 : memref<1x128x64xf32, #tpu.memory_space<vmem>> -> memref<128x64xf32, #tpu.memory_space<vmem>>
      %dma_start3A_840 = arith.constant 0 : i32
      %dma_start3A_841 = tpu.memref_slice %arg25[%add3A_4, %dma_start3A_840] : memref<16384x64xf32, #tpu.memory_space<vmem_shared>> -> memref<128x64xf32, #tpu.memory_space<vmem_shared>>
      %dma_start3A_842 = arith.constant 0 : i32
      %dma_start3A_843 = tpu.memref_slice %arg25[%add3A_4, %dma_start3A_842] : memref<16384x64xf32, #tpu.memory_space<vmem_shared>> -> memref<128x64xf32, #tpu.memory_space<vmem_shared>>
      %dma_start3A_844 = arith.constant 0 : i32
      %dma_start3A_845 = arith.constant 0 : i32
      %dma_start3A_846 = tpu.memref_slice %arg21[%run_scoped3A_5, %dma_start3A_844, %dma_start3A_845] : memref<5x128x64xf32, #tpu.memory_space<vmem>> -> memref<1x128x64xf32, #tpu.memory_space<vmem>>
      %dma_start3A_847 = tpu.memref_squeeze %dma_start3A_846 : memref<1x128x64xf32, #tpu.memory_space<vmem>> -> memref<128x64xf32, #tpu.memory_space<vmem>>
      tpu.enqueue_dma source(%dma_start3A_847 : memref<128x64xf32, #tpu.memory_space<vmem>>) target(%dma_start3A_843 : memref<128x64xf32, #tpu.memory_space<vmem_shared>>) target_semaphore(%run_scoped3A_835 : memref<!tpu.dma_semaphore, #tpu.memory_space<semaphore_mem>>)
      %dma_wait3A_848 = arith.constant 0 : i32
      %dma_wait3A_849 = arith.constant 0 : i32
      %dma_wait3A_850 = tpu.memref_slice %arg21[%run_scoped3A_5, %dma_wait3A_848, %dma_wait3A_849] : memref<5x128x64xf32, #tpu.memory_space<vmem>> -> memref<1x128x64xf32, #tpu.memory_space<vmem>>
      %dma_wait3A_851 = tpu.memref_squeeze %dma_wait3A_850 : memref<1x128x64xf32, #tpu.memory_space<vmem>> -> memref<128x64xf32, #tpu.memory_space<vmem>>
      %dma_wait3A_852 = arith.constant 0 : i32
      %dma_wait3A_853 = tpu.memref_slice %arg25[%add3A_4, %dma_wait3A_852] : memref<16384x64xf32, #tpu.memory_space<vmem_shared>> -> memref<128x64xf32, #tpu.memory_space<vmem_shared>>
      %dma_wait3A_854 = arith.constant 0 : i32
      %dma_wait3A_855 = tpu.memref_slice %arg25[%add3A_4, %dma_wait3A_854] : memref<16384x64xf32, #tpu.memory_space<vmem_shared>> -> memref<128x64xf32, #tpu.memory_space<vmem_shared>>
      %dma_wait3A_856 = arith.constant 0 : i32
      %dma_wait3A_857 = arith.constant 0 : i32
      %dma_wait3A_858 = tpu.memref_slice %arg21[%run_scoped3A_5, %dma_wait3A_856, %dma_wait3A_857] : memref<5x128x64xf32, #tpu.memory_space<vmem>> -> memref<1x128x64xf32, #tpu.memory_space<vmem>>
      %dma_wait3A_859 = tpu.memref_squeeze %dma_wait3A_858 : memref<1x128x64xf32, #tpu.memory_space<vmem>> -> memref<128x64xf32, #tpu.memory_space<vmem>>
      tpu.wait_dma2 semaphore(%run_scoped3A_835 : memref<!tpu.dma_semaphore, #tpu.memory_space<semaphore_mem>>) src(%dma_wait3A_859 : memref<128x64xf32, #tpu.memory_space<vmem>>) dst(%dma_wait3A_855 : memref<128x64xf32, #tpu.memory_space<vmem_shared>>)
      tpu.yield
    }) : () -> ()
    %mul3A_6 = arith.constant 1024 : i32
    %mul3A_7 = arith.muli %arg1, %mul3A_6 : i32
    %add3A_8 = arith.constant 128 : i32
    %add3A_9 = arith.addi %mul3A_7, %add3A_8 : i32
    %run_scoped3A_10 = arith.constant 0 : i32
    "tpu.region"() ({
      %run_scoped3A_835 = tpu.sem_alloc : memref<!tpu.dma_semaphore, #tpu.memory_space<semaphore_mem>>
      %dma_start3A_836 = arith.constant 0 : i32
      %dma_start3A_837 = arith.constant 0 : i32
      %dma_start3A_838 = tpu.memref_slice %arg21[%run_scoped3A_10, %dma_start3A_836, %dma_start3A_837] : memref<5x128x64xf32, #tpu.memory_space<vmem>> -> memref<1x128x64xf32, #tpu.memory_space<vmem>>
      %dma_start3A_839 = tpu.memref_squeeze %dma_start3A_838 : memref<1x128x64xf32, #tpu.memory_space<vmem>> -> memref<128x64xf32, #tpu.memory_space<vmem>>
      %dma_start3A_840 = arith.constant 0 : i32
      %dma_start3A_841 = tpu.memref_slice %arg25[%add3A_9, %dma_start3A_840] : memref<16384x64xf32, #tpu.memory_space<vmem_shared>> -> memref<128x64xf32, #tpu.memory_space<vmem_shared>>
      %dma_start3A_842 = arith.constant 0 : i32
      %dma_start3A_843 = tpu.memref_slice %arg25[%add3A_9, %dma_start3A_842] : memref<16384x64xf32, #tpu.memory_space<vmem_shared>> -> memref<128x64xf32, #tpu.memory_space<vmem_shared>>
      %dma_start3A_844 = arith.constant 0 : i32
      %dma_start3A_845 = arith.constant 0 : i32
      %dma_start3A_846 = tpu.memref_slice %arg21[%run_scoped3A_10, %dma_start3A_844, %dma_start3A_845] : memref<5x128x64xf32, #tpu.memory_space<vmem>> -> memref<1x128x64xf32, #tpu.memory_space<vmem>>
      %dma_start3A_847 = tpu.memref_squeeze %dma_start3A_846 : memref<1x128x64xf32, #tpu.memory_space<vmem>> -> memref<128x64xf32, #tpu.memory_space<vmem>>
      tpu.enqueue_dma source(%dma_start3A_847 : memref<128x64xf32, #tpu.memory_space<vmem>>) target(%dma_start3A_843 : memref<128x64xf32, #tpu.memory_space<vmem_shared>>) target_semaphore(%run_scoped3A_835 : memref<!tpu.dma_semaphore, #tpu.memory_space<semaphore_mem>>)
      %dma_wait3A_848 = arith.constant 0 : i32
      %dma_wait3A_849 = arith.constant 0 : i32
      %dma_wait3A_850 = tpu.memref_slice %arg21[%run_scoped3A_10, %dma_wait3A_848, %dma_wait3A_849] : memref<5x128x64xf32, #tpu.memory_space<vmem>> -> memref<1x128x64xf32, #tpu.memory_space<vmem>>
      %dma_wait3A_851 = tpu.memref_squeeze %dma_wait3A_850 : memref<1x128x64xf32, #tpu.memory_space<vmem>> -> memref<128x64xf32, #tpu.memory_space<vmem>>
      %dma_wait3A_852 = arith.constant 0 : i32
      %dma_wait3A_853 = tpu.memref_slice %arg25[%add3A_9, %dma_wait3A_852] : memref<16384x64xf32, #tpu.memory_space<vmem_shared>> -> memref<128x64xf32, #tpu.memory_space<vmem_shared>>
      %dma_wait3A_854 = arith.constant 0 : i32
      %dma_wait3A_855 = tpu.memref_slice %arg25[%add3A_9, %dma_wait3A_854] : memref<16384x64xf32, #tpu.memory_space<vmem_shared>> -> memref<128x64xf32, #tpu.memory_space<vmem_shared>>
      %dma_wait3A_856 = arith.constant 0 : i32
      %dma_wait3A_857 = arith.constant 0 : i32
      %dma_wait3A_858 = tpu.memref_slice %arg21[%run_scoped3A_10, %dma_wait3A_856, %dma_wait3A_857] : memref<5x128x64xf32, #tpu.memory_space<vmem>> -> memref<1x128x64xf32, #tpu.memory_space<vmem>>
      %dma_wait3A_859 = tpu.memref_squeeze %dma_wait3A_858 : memref<1x128x64xf32, #tpu.memory_space<vmem>> -> memref<128x64xf32, #tpu.memory_space<vmem>>
      tpu.wait_dma2 semaphore(%run_scoped3A_835 : memref<!tpu.dma_semaphore, #tpu.memory_space<semaphore_mem>>) src(%dma_wait3A_859 : memref<128x64xf32, #tpu.memory_space<vmem>>) dst(%dma_wait3A_855 : memref<128x64xf32, #tpu.memory_space<vmem_shared>>)
      tpu.yield
    }) : () -> ()
    %mul3A_11 = arith.constant 1024 : i32
    %mul3A_12 = arith.muli %arg1, %mul3A_11 : i32
    %add3A_13 = arith.constant 256 : i32
    %add3A_14 = arith.addi %mul3A_12, %add3A_13 : i32
    %run_scoped3A_15 = arith.constant 0 : i32
    "tpu.region"() ({
      %run_scoped3A_835 = tpu.sem_alloc : memref<!tpu.dma_semaphore, #tpu.memory_space<semaphore_mem>>
      %dma_start3A_836 = arith.constant 0 : i32
      %dma_start3A_837 = arith.constant 0 : i32
      %dma_start3A_838 = tpu.memref_slice %arg21[%run_scoped3A_15, %dma_start3A_836, %dma_start3A_837] : memref<5x128x64xf32, #tpu.memory_space<vmem>> -> memref<1x128x64xf32, #tpu.memory_space<vmem>>
      %dma_start3A_839 = tpu.memref_squeeze %dma_start3A_838 : memref<1x128x64xf32, #tpu.memory_space<vmem>> -> memref<128x64xf32, #tpu.memory_space<vmem>>
      %dma_start3A_840 = arith.constant 0 : i32
      %dma_start3A_841 = tpu.memref_slice %arg25[%add3A_14, %dma_start3A_840] : memref<16384x64xf32, #tpu.memory_space<vmem_shared>> -> memref<128x64xf32, #tpu.memory_space<vmem_shared>>
      %dma_start3A_842 = arith.constant 0 : i32
      %dma_start3A_843 = tpu.memref_slice %arg25[%add3A_14, %dma_start3A_842] : memref<16384x64xf32, #tpu.memory_space<vmem_shared>> -> memref<128x64xf32, #tpu.memory_space<vmem_shared>>
      %dma_start3A_844 = arith.constant 0 : i32
      %dma_start3A_845 = arith.constant 0 : i32
      %dma_start3A_846 = tpu.memref_slice %arg21[%run_scoped3A_15, %dma_start3A_844, %dma_start3A_845] : memref<5x128x64xf32, #tpu.memory_space<vmem>> -> memref<1x128x64xf32, #tpu.memory_space<vmem>>
      %dma_start3A_847 = tpu.memref_squeeze %dma_start3A_846 : memref<1x128x64xf32, #tpu.memory_space<vmem>> -> memref<128x64xf32, #tpu.memory_space<vmem>>
      tpu.enqueue_dma source(%dma_start3A_847 : memref<128x64xf32, #tpu.memory_space<vmem>>) target(%dma_start3A_843 : memref<128x64xf32, #tpu.memory_space<vmem_shared>>) target_semaphore(%run_scoped3A_835 : memref<!tpu.dma_semaphore, #tpu.memory_space<semaphore_mem>>)
      %dma_wait3A_848 = arith.constant 0 : i32
      %dma_wait3A_849 = arith.constant 0 : i32
      %dma_wait3A_850 = tpu.memref_slice %arg21[%run_scoped3A_15, %dma_wait3A_848, %dma_wait3A_849] : memref<5x128x64xf32, #tpu.memory_space<vmem>> -> memref<1x128x64xf32, #tpu.memory_space<vmem>>
      %dma_wait3A_851 = tpu.memref_squeeze %dma_wait3A_850 : memref<1x128x64xf32, #tpu.memory_space<vmem>> -> memref<128x64xf32, #tpu.memory_space<vmem>>
      %dma_wait3A_852 = arith.constant 0 : i32
      %dma_wait3A_853 = tpu.memref_slice %arg25[%add3A_14, %dma_wait3A_852] : memref<16384x64xf32, #tpu.memory_space<vmem_shared>> -> memref<128x64xf32, #tpu.memory_space<vmem_shared>>
      %dma_wait3A_854 = arith.constant 0 : i32
      %dma_wait3A_855 = tpu.memref_slice %arg25[%add3A_14, %dma_wait3A_854] : memref<16384x64xf32, #tpu.memory_space<vmem_shared>> -> memref<128x64xf32, #tpu.memory_space<vmem_shared>>
      %dma_wait3A_856 = arith.constant 0 : i32
      %dma_wait3A_857 = arith.constant 0 : i32
      %dma_wait3A_858 = tpu.memref_slice %arg21[%run_scoped3A_15, %dma_wait3A_856, %dma_wait3A_857] : memref<5x128x64xf32, #tpu.memory_space<vmem>> -> memref<1x128x64xf32, #tpu.memory_space<vmem>>
      %dma_wait3A_859 = tpu.memref_squeeze %dma_wait3A_858 : memref<1x128x64xf32, #tpu.memory_space<vmem>> -> memref<128x64xf32, #tpu.memory_space<vmem>>
      tpu.wait_dma2 semaphore(%run_scoped3A_835 : memref<!tpu.dma_semaphore, #tpu.memory_space<semaphore_mem>>) src(%dma_wait3A_859 : memref<128x64xf32, #tpu.memory_space<vmem>>) dst(%dma_wait3A_855 : memref<128x64xf32, #tpu.memory_space<vmem_shared>>)
      tpu.yield
    }) : () -> ()
    %mul3A_16 = arith.constant 1024 : i32
    %mul3A_17 = arith.muli %arg1, %mul3A_16 : i32
    %add3A_18 = arith.constant 384 : i32
    %add3A_19 = arith.addi %mul3A_17, %add3A_18 : i32
    %run_scoped3A_20 = arith.constant 0 : i32
    "tpu.region"() ({
      %run_scoped3A_835 = tpu.sem_alloc : memref<!tpu.dma_semaphore, #tpu.memory_space<semaphore_mem>>
      %dma_start3A_836 = arith.constant 0 : i32
      %dma_start3A_837 = arith.constant 0 : i32
      %dma_start3A_838 = tpu.memref_slice %arg21[%run_scoped3A_20, %dma_start3A_836, %dma_start3A_837] : memref<5x128x64xf32, #tpu.memory_space<vmem>> -> memref<1x128x64xf32, #tpu.memory_space<vmem>>
      %dma_start3A_839 = tpu.memref_squeeze %dma_start3A_838 : memref<1x128x64xf32, #tpu.memory_space<vmem>> -> memref<128x64xf32, #tpu.memory_space<vmem>>
      %dma_start3A_840 = arith.constant 0 : i32
      %dma_start3A_841 = tpu.memref_slice %arg25[%add3A_19, %dma_start3A_840] : memref<16384x64xf32, #tpu.memory_space<vmem_shared>> -> memref<128x64xf32, #tpu.memory_space<vmem_shared>>
      %dma_start3A_842 = arith.constant 0 : i32
      %dma_start3A_843 = tpu.memref_slice %arg25[%add3A_19, %dma_start3A_842] : memref<16384x64xf32, #tpu.memory_space<vmem_shared>> -> memref<128x64xf32, #tpu.memory_space<vmem_shared>>
      %dma_start3A_844 = arith.constant 0 : i32
      %dma_start3A_845 = arith.constant 0 : i32
      %dma_start3A_846 = tpu.memref_slice %arg21[%run_scoped3A_20, %dma_start3A_844, %dma_start3A_845] : memref<5x128x64xf32, #tpu.memory_space<vmem>> -> memref<1x128x64xf32, #tpu.memory_space<vmem>>
      %dma_start3A_847 = tpu.memref_squeeze %dma_start3A_846 : memref<1x128x64xf32, #tpu.memory_space<vmem>> -> memref<128x64xf32, #tpu.memory_space<vmem>>
      tpu.enqueue_dma source(%dma_start3A_847 : memref<128x64xf32, #tpu.memory_space<vmem>>) target(%dma_start3A_843 : memref<128x64xf32, #tpu.memory_space<vmem_shared>>) target_semaphore(%run_scoped3A_835 : memref<!tpu.dma_semaphore, #tpu.memory_space<semaphore_mem>>)
      %dma_wait3A_848 = arith.constant 0 : i32
      %dma_wait3A_849 = arith.constant 0 : i32
      %dma_wait3A_850 = tpu.memref_slice %arg21[%run_scoped3A_20, %dma_wait3A_848, %dma_wait3A_849] : memref<5x128x64xf32, #tpu.memory_space<vmem>> -> memref<1x128x64xf32, #tpu.memory_space<vmem>>
      %dma_wait3A_851 = tpu.memref_squeeze %dma_wait3A_850 : memref<1x128x64xf32, #tpu.memory_space<vmem>> -> memref<128x64xf32, #tpu.memory_space<vmem>>
      %dma_wait3A_852 = arith.constant 0 : i32
      %dma_wait3A_853 = tpu.memref_slice %arg25[%add3A_19, %dma_wait3A_852] : memref<16384x64xf32, #tpu.memory_space<vmem_shared>> -> memref<128x64xf32, #tpu.memory_space<vmem_shared>>
      %dma_wait3A_854 = arith.constant 0 : i32
      %dma_wait3A_855 = tpu.memref_slice %arg25[%add3A_19, %dma_wait3A_854] : memref<16384x64xf32, #tpu.memory_space<vmem_shared>> -> memref<128x64xf32, #tpu.memory_space<vmem_shared>>
      %dma_wait3A_856 = arith.constant 0 : i32
      %dma_wait3A_857 = arith.constant 0 : i32
      %dma_wait3A_858 = tpu.memref_slice %arg21[%run_scoped3A_20, %dma_wait3A_856, %dma_wait3A_857] : memref<5x128x64xf32, #tpu.memory_space<vmem>> -> memref<1x128x64xf32, #tpu.memory_space<vmem>>
      %dma_wait3A_859 = tpu.memref_squeeze %dma_wait3A_858 : memref<1x128x64xf32, #tpu.memory_space<vmem>> -> memref<128x64xf32, #tpu.memory_space<vmem>>
      tpu.wait_dma2 semaphore(%run_scoped3A_835 : memref<!tpu.dma_semaphore, #tpu.memory_space<semaphore_mem>>) src(%dma_wait3A_859 : memref<128x64xf32, #tpu.memory_space<vmem>>) dst(%dma_wait3A_855 : memref<128x64xf32, #tpu.memory_space<vmem_shared>>)
      tpu.yield
    }) : () -> ()
    %mul3A_21 = arith.constant 1024 : i32
    %mul3A_22 = arith.muli %arg1, %mul3A_21 : i32
    %add3A_23 = arith.constant 512 : i32
    %add3A_24 = arith.addi %mul3A_22, %add3A_23 : i32
    %run_scoped3A_25 = arith.constant 0 : i32
    "tpu.region"() ({
      %run_scoped3A_835 = tpu.sem_alloc : memref<!tpu.dma_semaphore, #tpu.memory_space<semaphore_mem>>
      %dma_start3A_836 = arith.constant 0 : i32
      %dma_start3A_837 = arith.constant 0 : i32
      %dma_start3A_838 = tpu.memref_slice %arg21[%run_scoped3A_25, %dma_start3A_836, %dma_start3A_837] : memref<5x128x64xf32, #tpu.memory_space<vmem>> -> memref<1x128x64xf32, #tpu.memory_space<vmem>>
      %dma_start3A_839 = tpu.memref_squeeze %dma_start3A_838 : memref<1x128x64xf32, #tpu.memory_space<vmem>> -> memref<128x64xf32, #tpu.memory_space<vmem>>
      %dma_start3A_840 = arith.constant 0 : i32
      %dma_start3A_841 = tpu.memref_slice %arg25[%add3A_24, %dma_start3A_840] : memref<16384x64xf32, #tpu.memory_space<vmem_shared>> -> memref<128x64xf32, #tpu.memory_space<vmem_shared>>
      %dma_start3A_842 = arith.constant 0 : i32
      %dma_start3A_843 = tpu.memref_slice %arg25[%add3A_24, %dma_start3A_842] : memref<16384x64xf32, #tpu.memory_space<vmem_shared>> -> memref<128x64xf32, #tpu.memory_space<vmem_shared>>
      %dma_start3A_844 = arith.constant 0 : i32
      %dma_start3A_845 = arith.constant 0 : i32
      %dma_start3A_846 = tpu.memref_slice %arg21[%run_scoped3A_25, %dma_start3A_844, %dma_start3A_845] : memref<5x128x64xf32, #tpu.memory_space<vmem>> -> memref<1x128x64xf32, #tpu.memory_space<vmem>>
      %dma_start3A_847 = tpu.memref_squeeze %dma_start3A_846 : memref<1x128x64xf32, #tpu.memory_space<vmem>> -> memref<128x64xf32, #tpu.memory_space<vmem>>
      tpu.enqueue_dma source(%dma_start3A_847 : memref<128x64xf32, #tpu.memory_space<vmem>>) target(%dma_start3A_843 : memref<128x64xf32, #tpu.memory_space<vmem_shared>>) target_semaphore(%run_scoped3A_835 : memref<!tpu.dma_semaphore, #tpu.memory_space<semaphore_mem>>)
      %dma_wait3A_848 = arith.constant 0 : i32
      %dma_wait3A_849 = arith.constant 0 : i32
      %dma_wait3A_850 = tpu.memref_slice %arg21[%run_scoped3A_25, %dma_wait3A_848, %dma_wait3A_849] : memref<5x128x64xf32, #tpu.memory_space<vmem>> -> memref<1x128x64xf32, #tpu.memory_space<vmem>>
      %dma_wait3A_851 = tpu.memref_squeeze %dma_wait3A_850 : memref<1x128x64xf32, #tpu.memory_space<vmem>> -> memref<128x64xf32, #tpu.memory_space<vmem>>
      %dma_wait3A_852 = arith.constant 0 : i32
      %dma_wait3A_853 = tpu.memref_slice %arg25[%add3A_24, %dma_wait3A_852] : memref<16384x64xf32, #tpu.memory_space<vmem_shared>> -> memref<128x64xf32, #tpu.memory_space<vmem_shared>>
      %dma_wait3A_854 = arith.constant 0 : i32
      %dma_wait3A_855 = tpu.memref_slice %arg25[%add3A_24, %dma_wait3A_854] : memref<16384x64xf32, #tpu.memory_space<vmem_shared>> -> memref<128x64xf32, #tpu.memory_space<vmem_shared>>
      %dma_wait3A_856 = arith.constant 0 : i32
      %dma_wait3A_857 = arith.constant 0 : i32
      %dma_wait3A_858 = tpu.memref_slice %arg21[%run_scoped3A_25, %dma_wait3A_856, %dma_wait3A_857] : memref<5x128x64xf32, #tpu.memory_space<vmem>> -> memref<1x128x64xf32, #tpu.memory_space<vmem>>
      %dma_wait3A_859 = tpu.memref_squeeze %dma_wait3A_858 : memref<1x128x64xf32, #tpu.memory_space<vmem>> -> memref<128x64xf32, #tpu.memory_space<vmem>>
      tpu.wait_dma2 semaphore(%run_scoped3A_835 : memref<!tpu.dma_semaphore, #tpu.memory_space<semaphore_mem>>) src(%dma_wait3A_859 : memref<128x64xf32, #tpu.memory_space<vmem>>) dst(%dma_wait3A_855 : memref<128x64xf32, #tpu.memory_space<vmem_shared>>)
      tpu.yield
    }) : () -> ()
    %mul3A_26 = arith.constant 1024 : i32
    %mul3A_27 = arith.muli %arg1, %mul3A_26 : i32
    %add3A_28 = arith.constant 640 : i32
    %add3A_29 = arith.addi %mul3A_27, %add3A_28 : i32
    %run_scoped3A_30 = arith.constant 0 : i32
    "tpu.region"() ({
      %run_scoped3A_835 = tpu.sem_alloc : memref<!tpu.dma_semaphore, #tpu.memory_space<semaphore_mem>>
      %dma_start3A_836 = arith.constant 0 : i32
      %dma_start3A_837 = arith.constant 0 : i32
      %dma_start3A_838 = tpu.memref_slice %arg21[%run_scoped3A_30, %dma_start3A_836, %dma_start3A_837] : memref<5x128x64xf32, #tpu.memory_space<vmem>> -> memref<1x128x64xf32, #tpu.memory_space<vmem>>
      %dma_start3A_839 = tpu.memref_squeeze %dma_start3A_838 : memref<1x128x64xf32, #tpu.memory_space<vmem>> -> memref<128x64xf32, #tpu.memory_space<vmem>>
      %dma_start3A_840 = arith.constant 0 : i32
      %dma_start3A_841 = tpu.memref_slice %arg25[%add3A_29, %dma_start3A_840] : memref<16384x64xf32, #tpu.memory_space<vmem_shared>> -> memref<128x64xf32, #tpu.memory_space<vmem_shared>>
      %dma_start3A_842 = arith.constant 0 : i32
      %dma_start3A_843 = tpu.memref_slice %arg25[%add3A_29, %dma_start3A_842] : memref<16384x64xf32, #tpu.memory_space<vmem_shared>> -> memref<128x64xf32, #tpu.memory_space<vmem_shared>>
      %dma_start3A_844 = arith.constant 0 : i32
      %dma_start3A_845 = arith.constant 0 : i32
      %dma_start3A_846 = tpu.memref_slice %arg21[%run_scoped3A_30, %dma_start3A_844, %dma_start3A_845] : memref<5x128x64xf32, #tpu.memory_space<vmem>> -> memref<1x128x64xf32, #tpu.memory_space<vmem>>
      %dma_start3A_847 = tpu.memref_squeeze %dma_start3A_846 : memref<1x128x64xf32, #tpu.memory_space<vmem>> -> memref<128x64xf32, #tpu.memory_space<vmem>>
      tpu.enqueue_dma source(%dma_start3A_847 : memref<128x64xf32, #tpu.memory_space<vmem>>) target(%dma_start3A_843 : memref<128x64xf32, #tpu.memory_space<vmem_shared>>) target_semaphore(%run_scoped3A_835 : memref<!tpu.dma_semaphore, #tpu.memory_space<semaphore_mem>>)
      %dma_wait3A_848 = arith.constant 0 : i32
      %dma_wait3A_849 = arith.constant 0 : i32
      %dma_wait3A_850 = tpu.memref_slice %arg21[%run_scoped3A_30, %dma_wait3A_848, %dma_wait3A_849] : memref<5x128x64xf32, #tpu.memory_space<vmem>> -> memref<1x128x64xf32, #tpu.memory_space<vmem>>
      %dma_wait3A_851 = tpu.memref_squeeze %dma_wait3A_850 : memref<1x128x64xf32, #tpu.memory_space<vmem>> -> memref<128x64xf32, #tpu.memory_space<vmem>>
      %dma_wait3A_852 = arith.constant 0 : i32
      %dma_wait3A_853 = tpu.memref_slice %arg25[%add3A_29, %dma_wait3A_852] : memref<16384x64xf32, #tpu.memory_space<vmem_shared>> -> memref<128x64xf32, #tpu.memory_space<vmem_shared>>
      %dma_wait3A_854 = arith.constant 0 : i32
      %dma_wait3A_855 = tpu.memref_slice %arg25[%add3A_29, %dma_wait3A_854] : memref<16384x64xf32, #tpu.memory_space<vmem_shared>> -> memref<128x64xf32, #tpu.memory_space<vmem_shared>>
      %dma_wait3A_856 = arith.constant 0 : i32
      %dma_wait3A_857 = arith.constant 0 : i32
      %dma_wait3A_858 = tpu.memref_slice %arg21[%run_scoped3A_30, %dma_wait3A_856, %dma_wait3A_857] : memref<5x128x64xf32, #tpu.memory_space<vmem>> -> memref<1x128x64xf32, #tpu.memory_space<vmem>>
      %dma_wait3A_859 = tpu.memref_squeeze %dma_wait3A_858 : memref<1x128x64xf32, #tpu.memory_space<vmem>> -> memref<128x64xf32, #tpu.memory_space<vmem>>
      tpu.wait_dma2 semaphore(%run_scoped3A_835 : memref<!tpu.dma_semaphore, #tpu.memory_space<semaphore_mem>>) src(%dma_wait3A_859 : memref<128x64xf32, #tpu.memory_space<vmem>>) dst(%dma_wait3A_855 : memref<128x64xf32, #tpu.memory_space<vmem_shared>>)
      tpu.yield
    }) : () -> ()
    %mul3A_31 = arith.constant 1024 : i32
    %mul3A_32 = arith.muli %arg1, %mul3A_31 : i32
    %add3A_33 = arith.constant 768 : i32
    %add3A_34 = arith.addi %mul3A_32, %add3A_33 : i32
    %run_scoped3A_35 = arith.constant 0 : i32
    "tpu.region"() ({
      %run_scoped3A_835 = tpu.sem_alloc : memref<!tpu.dma_semaphore, #tpu.memory_space<semaphore_mem>>
      %dma_start3A_836 = arith.constant 0 : i32
      %dma_start3A_837 = arith.constant 0 : i32
      %dma_start3A_838 = tpu.memref_slice %arg21[%run_scoped3A_35, %dma_start3A_836, %dma_start3A_837] : memref<5x128x64xf32, #tpu.memory_space<vmem>> -> memref<1x128x64xf32, #tpu.memory_space<vmem>>
      %dma_start3A_839 = tpu.memref_squeeze %dma_start3A_838 : memref<1x128x64xf32, #tpu.memory_space<vmem>> -> memref<128x64xf32, #tpu.memory_space<vmem>>
      %dma_start3A_840 = arith.constant 0 : i32
      %dma_start3A_841 = tpu.memref_slice %arg25[%add3A_34, %dma_start3A_840] : memref<16384x64xf32, #tpu.memory_space<vmem_shared>> -> memref<128x64xf32, #tpu.memory_space<vmem_shared>>
      %dma_start3A_842 = arith.constant 0 : i32
      %dma_start3A_843 = tpu.memref_slice %arg25[%add3A_34, %dma_start3A_842] : memref<16384x64xf32, #tpu.memory_space<vmem_shared>> -> memref<128x64xf32, #tpu.memory_space<vmem_shared>>
      %dma_start3A_844 = arith.constant 0 : i32
      %dma_start3A_845 = arith.constant 0 : i32
      %dma_start3A_846 = tpu.memref_slice %arg21[%run_scoped3A_35, %dma_start3A_844, %dma_start3A_845] : memref<5x128x64xf32, #tpu.memory_space<vmem>> -> memref<1x128x64xf32, #tpu.memory_space<vmem>>
      %dma_start3A_847 = tpu.memref_squeeze %dma_start3A_846 : memref<1x128x64xf32, #tpu.memory_space<vmem>> -> memref<128x64xf32, #tpu.memory_space<vmem>>
      tpu.enqueue_dma source(%dma_start3A_847 : memref<128x64xf32, #tpu.memory_space<vmem>>) target(%dma_start3A_843 : memref<128x64xf32, #tpu.memory_space<vmem_shared>>) target_semaphore(%run_scoped3A_835 : memref<!tpu.dma_semaphore, #tpu.memory_space<semaphore_mem>>)
      %dma_wait3A_848 = arith.constant 0 : i32
      %dma_wait3A_849 = arith.constant 0 : i32
      %dma_wait3A_850 = tpu.memref_slice %arg21[%run_scoped3A_35, %dma_wait3A_848, %dma_wait3A_849] : memref<5x128x64xf32, #tpu.memory_space<vmem>> -> memref<1x128x64xf32, #tpu.memory_space<vmem>>
      %dma_wait3A_851 = tpu.memref_squeeze %dma_wait3A_850 : memref<1x128x64xf32, #tpu.memory_space<vmem>> -> memref<128x64xf32, #tpu.memory_space<vmem>>
      %dma_wait3A_852 = arith.constant 0 : i32
      %dma_wait3A_853 = tpu.memref_slice %arg25[%add3A_34, %dma_wait3A_852] : memref<16384x64xf32, #tpu.memory_space<vmem_shared>> -> memref<128x64xf32, #tpu.memory_space<vmem_shared>>
      %dma_wait3A_854 = arith.constant 0 : i32
      %dma_wait3A_855 = tpu.memref_slice %arg25[%add3A_34, %dma_wait3A_854] : memref<16384x64xf32, #tpu.memory_space<vmem_shared>> -> memref<128x64xf32, #tpu.memory_space<vmem_shared>>
      %dma_wait3A_856 = arith.constant 0 : i32
      %dma_wait3A_857 = arith.constant 0 : i32
      %dma_wait3A_858 = tpu.memref_slice %arg21[%run_scoped3A_35, %dma_wait3A_856, %dma_wait3A_857] : memref<5x128x64xf32, #tpu.memory_space<vmem>> -> memref<1x128x64xf32, #tpu.memory_space<vmem>>
      %dma_wait3A_859 = tpu.memref_squeeze %dma_wait3A_858 : memref<1x128x64xf32, #tpu.memory_space<vmem>> -> memref<128x64xf32, #tpu.memory_space<vmem>>
      tpu.wait_dma2 semaphore(%run_scoped3A_835 : memref<!tpu.dma_semaphore, #tpu.memory_space<semaphore_mem>>) src(%dma_wait3A_859 : memref<128x64xf32, #tpu.memory_space<vmem>>) dst(%dma_wait3A_855 : memref<128x64xf32, #tpu.memory_space<vmem_shared>>)
      tpu.yield
    }) : () -> ()
    %mul3A_36 = arith.constant 1024 : i32
    %mul3A_37 = arith.muli %arg1, %mul3A_36 : i32
    %add3A_38 = arith.constant 896 : i32
    %add3A_39 = arith.addi %mul3A_37, %add3A_38 : i32
    %run_scoped3A_40 = arith.constant 0 : i32
    "tpu.region"() ({
      %run_scoped3A_835 = tpu.sem_alloc : memref<!tpu.dma_semaphore, #tpu.memory_space<semaphore_mem>>
      %dma_start3A_836 = arith.constant 0 : i32
      %dma_start3A_837 = arith.constant 0 : i32
      %dma_start3A_838 = tpu.memref_slice %arg21[%run_scoped3A_40, %dma_start3A_836, %dma_start3A_837] : memref<5x128x64xf32, #tpu.memory_space<vmem>> -> memref<1x128x64xf32, #tpu.memory_space<vmem>>
      %dma_start3A_839 = tpu.memref_squeeze %dma_start3A_838 : memref<1x128x64xf32, #tpu.memory_space<vmem>> -> memref<128x64xf32, #tpu.memory_space<vmem>>
      %dma_start3A_840 = arith.constant 0 : i32
      %dma_start3A_841 = tpu.memref_slice %arg25[%add3A_39, %dma_start3A_840] : memref<16384x64xf32, #tpu.memory_space<vmem_shared>> -> memref<128x64xf32, #tpu.memory_space<vmem_shared>>
      %dma_start3A_842 = arith.constant 0 : i32
      %dma_start3A_843 = tpu.memref_slice %arg25[%add3A_39, %dma_start3A_842] : memref<16384x64xf32, #tpu.memory_space<vmem_shared>> -> memref<128x64xf32, #tpu.memory_space<vmem_shared>>
      %dma_start3A_844 = arith.constant 0 : i32
      %dma_start3A_845 = arith.constant 0 : i32
      %dma_start3A_846 = tpu.memref_slice %arg21[%run_scoped3A_40, %dma_start3A_844, %dma_start3A_845] : memref<5x128x64xf32, #tpu.memory_space<vmem>> -> memref<1x128x64xf32, #tpu.memory_space<vmem>>
      %dma_start3A_847 = tpu.memref_squeeze %dma_start3A_846 : memref<1x128x64xf32, #tpu.memory_space<vmem>> -> memref<128x64xf32, #tpu.memory_space<vmem>>
      tpu.enqueue_dma source(%dma_start3A_847 : memref<128x64xf32, #tpu.memory_space<vmem>>) target(%dma_start3A_843 : memref<128x64xf32, #tpu.memory_space<vmem_shared>>) target_semaphore(%run_scoped3A_835 : memref<!tpu.dma_semaphore, #tpu.memory_space<semaphore_mem>>)
      %dma_wait3A_848 = arith.constant 0 : i32
      %dma_wait3A_849 = arith.constant 0 : i32
      %dma_wait3A_850 = tpu.memref_slice %arg21[%run_scoped3A_40, %dma_wait3A_848, %dma_wait3A_849] : memref<5x128x64xf32, #tpu.memory_space<vmem>> -> memref<1x128x64xf32, #tpu.memory_space<vmem>>
      %dma_wait3A_851 = tpu.memref_squeeze %dma_wait3A_850 : memref<1x128x64xf32, #tpu.memory_space<vmem>> -> memref<128x64xf32, #tpu.memory_space<vmem>>
      %dma_wait3A_852 = arith.constant 0 : i32
      %dma_wait3A_853 = tpu.memref_slice %arg25[%add3A_39, %dma_wait3A_852] : memref<16384x64xf32, #tpu.memory_space<vmem_shared>> -> memref<128x64xf32, #tpu.memory_space<vmem_shared>>
      %dma_wait3A_854 = arith.constant 0 : i32
      %dma_wait3A_855 = tpu.memref_slice %arg25[%add3A_39, %dma_wait3A_854] : memref<16384x64xf32, #tpu.memory_space<vmem_shared>> -> memref<128x64xf32, #tpu.memory_space<vmem_shared>>
      %dma_wait3A_856 = arith.constant 0 : i32
      %dma_wait3A_857 = arith.constant 0 : i32
      %dma_wait3A_858 = tpu.memref_slice %arg21[%run_scoped3A_40, %dma_wait3A_856, %dma_wait3A_857] : memref<5x128x64xf32, #tpu.memory_space<vmem>> -> memref<1x128x64xf32, #tpu.memory_space<vmem>>
      %dma_wait3A_859 = tpu.memref_squeeze %dma_wait3A_858 : memref<1x128x64xf32, #tpu.memory_space<vmem>> -> memref<128x64xf32, #tpu.memory_space<vmem>>
      tpu.wait_dma2 semaphore(%run_scoped3A_835 : memref<!tpu.dma_semaphore, #tpu.memory_space<semaphore_mem>>) src(%dma_wait3A_859 : memref<128x64xf32, #tpu.memory_space<vmem>>) dst(%dma_wait3A_855 : memref<128x64xf32, #tpu.memory_space<vmem_shared>>)
      tpu.yield
    }) : () -> ()
    %mul3A_41 = arith.constant 512 : i32
    %mul3A_42 = arith.muli %add3A, %mul3A_41 : i32
    "tpu.region"() ({
      %run_scoped3A_835 = tpu.sem_alloc : memref<!tpu.dma_semaphore, #tpu.memory_space<semaphore_mem>>
      %dma_start3A_836 = arith.constant 0 : i32
      %dma_start3A_837 = tpu.memref_slice %arg22[%dma_start3A_836] : memref<3072xi32, #tpu.memory_space<vmem>> -> memref<512xi32, #tpu.memory_space<vmem>>
      %dma_start3A_838 = tpu.memref_slice %arg8[%mul3A_42] : memref<16384xi32, #tpu.memory_space<hbm>> -> memref<512xi32, #tpu.memory_space<hbm>>
      %dma_start3A_839 = arith.constant 0 : i32
      %dma_start3A_840 = tpu.memref_slice %arg22[%dma_start3A_839] : memref<3072xi32, #tpu.memory_space<vmem>> -> memref<512xi32, #tpu.memory_space<vmem>>
      %dma_start3A_841 = tpu.memref_slice %arg8[%mul3A_42] : memref<16384xi32, #tpu.memory_space<hbm>> -> memref<512xi32, #tpu.memory_space<hbm>>
      tpu.enqueue_dma source(%dma_start3A_841 : memref<512xi32, #tpu.memory_space<hbm>>) target(%dma_start3A_840 : memref<512xi32, #tpu.memory_space<vmem>>) target_semaphore(%run_scoped3A_835 : memref<!tpu.dma_semaphore, #tpu.memory_space<semaphore_mem>>)
      %dma_wait3A_842 = arith.constant 0 : i32
      %dma_wait3A_843 = tpu.memref_slice %arg22[%dma_wait3A_842] : memref<3072xi32, #tpu.memory_space<vmem>> -> memref<512xi32, #tpu.memory_space<vmem>>
      %dma_wait3A_844 = tpu.memref_slice %arg8[%mul3A_42] : memref<16384xi32, #tpu.memory_space<hbm>> -> memref<512xi32, #tpu.memory_space<hbm>>
      %dma_wait3A_845 = arith.constant 0 : i32
      %dma_wait3A_846 = tpu.memref_slice %arg22[%dma_wait3A_845] : memref<3072xi32, #tpu.memory_space<vmem>> -> memref<512xi32, #tpu.memory_space<vmem>>
      %dma_wait3A_847 = tpu.memref_slice %arg8[%mul3A_42] : memref<16384xi32, #tpu.memory_space<hbm>> -> memref<512xi32, #tpu.memory_space<hbm>>
      tpu.wait_dma2 semaphore(%run_scoped3A_835 : memref<!tpu.dma_semaphore, #tpu.memory_space<semaphore_mem>>) src(%dma_wait3A_847 : memref<512xi32, #tpu.memory_space<hbm>>) dst(%dma_wait3A_846 : memref<512xi32, #tpu.memory_space<vmem>>)
      tpu.yield
    }) : () -> ()
    %mul3A_43 = arith.constant 512 : i32
    %mul3A_44 = arith.muli %add3A, %mul3A_43 : i32
    "tpu.region"() ({
      %run_scoped3A_835 = tpu.sem_alloc : memref<!tpu.dma_semaphore, #tpu.memory_space<semaphore_mem>>
      %dma_start3A_836 = arith.constant 512 : i32
      %dma_start3A_837 = tpu.memref_slice %arg22[%dma_start3A_836] : memref<3072xi32, #tpu.memory_space<vmem>> -> memref<512xi32, #tpu.memory_space<vmem>>
      %dma_start3A_838 = tpu.memref_slice %arg9[%mul3A_44] : memref<16384xi32, #tpu.memory_space<hbm>> -> memref<512xi32, #tpu.memory_space<hbm>>
      %dma_start3A_839 = arith.constant 512 : i32
      %dma_start3A_840 = tpu.memref_slice %arg22[%dma_start3A_839] : memref<3072xi32, #tpu.memory_space<vmem>> -> memref<512xi32, #tpu.memory_space<vmem>>
      %dma_start3A_841 = tpu.memref_slice %arg9[%mul3A_44] : memref<16384xi32, #tpu.memory_space<hbm>> -> memref<512xi32, #tpu.memory_space<hbm>>
      tpu.enqueue_dma source(%dma_start3A_841 : memref<512xi32, #tpu.memory_space<hbm>>) target(%dma_start3A_840 : memref<512xi32, #tpu.memory_space<vmem>>) target_semaphore(%run_scoped3A_835 : memref<!tpu.dma_semaphore, #tpu.memory_space<semaphore_mem>>)
      %dma_wait3A_842 = arith.constant 512 : i32
      %dma_wait3A_843 = tpu.memref_slice %arg22[%dma_wait3A_842] : memref<3072xi32, #tpu.memory_space<vmem>> -> memref<512xi32, #tpu.memory_space<vmem>>
      %dma_wait3A_844 = tpu.memref_slice %arg9[%mul3A_44] : memref<16384xi32, #tpu.memory_space<hbm>> -> memref<512xi32, #tpu.memory_space<hbm>>
      %dma_wait3A_845 = arith.constant 512 : i32
      %dma_wait3A_846 = tpu.memref_slice %arg22[%dma_wait3A_845] : memref<3072xi32, #tpu.memory_space<vmem>> -> memref<512xi32, #tpu.memory_space<vmem>>
      %dma_wait3A_847 = tpu.memref_slice %arg9[%mul3A_44] : memref<16384xi32, #tpu.memory_space<hbm>> -> memref<512xi32, #tpu.memory_space<hbm>>
      tpu.wait_dma2 semaphore(%run_scoped3A_835 : memref<!tpu.dma_semaphore, #tpu.memory_space<semaphore_mem>>) src(%dma_wait3A_847 : memref<512xi32, #tpu.memory_space<hbm>>) dst(%dma_wait3A_846 : memref<512xi32, #tpu.memory_space<vmem>>)
      tpu.yield
    }) : () -> ()
    %mul3A_45 = arith.constant 2048 : i32
    %mul3A_46 = arith.muli %add3A, %mul3A_45 : i32
    "tpu.region"() ({
      %run_scoped3A_835 = tpu.sem_alloc : memref<!tpu.dma_semaphore, #tpu.memory_space<semaphore_mem>>
      %dma_start3A_836 = arith.constant 1024 : i32
      %dma_start3A_837 = tpu.memref_slice %arg22[%dma_start3A_836] : memref<3072xi32, #tpu.memory_space<vmem>> -> memref<2048xi32, #tpu.memory_space<vmem>>
      %dma_start3A_838 = tpu.memref_slice %arg10[%mul3A_46] : memref<65536xi32, #tpu.memory_space<hbm>> -> memref<2048xi32, #tpu.memory_space<hbm>>
      %dma_start3A_839 = arith.constant 1024 : i32
      %dma_start3A_840 = tpu.memref_slice %arg22[%dma_start3A_839] : memref<3072xi32, #tpu.memory_space<vmem>> -> memref<2048xi32, #tpu.memory_space<vmem>>
      %dma_start3A_841 = tpu.memref_slice %arg10[%mul3A_46] : memref<65536xi32, #tpu.memory_space<hbm>> -> memref<2048xi32, #tpu.memory_space<hbm>>
      tpu.enqueue_dma source(%dma_start3A_841 : memref<2048xi32, #tpu.memory_space<hbm>>) target(%dma_start3A_840 : memref<2048xi32, #tpu.memory_space<vmem>>) target_semaphore(%run_scoped3A_835 : memref<!tpu.dma_semaphore, #tpu.memory_space<semaphore_mem>>)
      %dma_wait3A_842 = arith.constant 1024 : i32
      %dma_wait3A_843 = tpu.memref_slice %arg22[%dma_wait3A_842] : memref<3072xi32, #tpu.memory_space<vmem>> -> memref<2048xi32, #tpu.memory_space<vmem>>
      %dma_wait3A_844 = tpu.memref_slice %arg10[%mul3A_46] : memref<65536xi32, #tpu.memory_space<hbm>> -> memref<2048xi32, #tpu.memory_space<hbm>>
      %dma_wait3A_845 = arith.constant 1024 : i32
      %dma_wait3A_846 = tpu.memref_slice %arg22[%dma_wait3A_845] : memref<3072xi32, #tpu.memory_space<vmem>> -> memref<2048xi32, #tpu.memory_space<vmem>>
      %dma_wait3A_847 = tpu.memref_slice %arg10[%mul3A_46] : memref<65536xi32, #tpu.memory_space<hbm>> -> memref<2048xi32, #tpu.memory_space<hbm>>
      tpu.wait_dma2 semaphore(%run_scoped3A_835 : memref<!tpu.dma_semaphore, #tpu.memory_space<semaphore_mem>>) src(%dma_wait3A_847 : memref<2048xi32, #tpu.memory_space<hbm>>) dst(%dma_wait3A_846 : memref<2048xi32, #tpu.memory_space<vmem>>)
      tpu.yield
    }) : () -> ()
    %mul3A_47 = arith.constant 512 : i32
    %mul3A_48 = arith.muli %add3A, %mul3A_47 : i32
    %add3A_49 = arith.constant 0 : i32
    %add3A_50 = arith.addi %mul3A_48, %add3A_49 : i32
    %mul3A_51 = arith.constant 512 : i32
    %mul3A_52 = arith.muli %add3A, %mul3A_51 : i32
    %add3A_53 = arith.constant 128 : i32
    %add3A_54 = arith.addi %mul3A_52, %add3A_53 : i32
    %mul3A_55 = arith.constant 512 : i32
    %mul3A_56 = arith.muli %add3A, %mul3A_55 : i32
    %add3A_57 = arith.constant 256 : i32
    %add3A_58 = arith.addi %mul3A_56, %add3A_57 : i32
    %mul3A_59 = arith.constant 512 : i32
    %mul3A_60 = arith.muli %add3A, %mul3A_59 : i32
    %add3A_61 = arith.constant 384 : i32
    %add3A_62 = arith.addi %mul3A_60, %add3A_61 : i32
    %mul3A_63 = arith.constant 2048 : i32
    %mul3A_64 = arith.muli %add3A, %mul3A_63 : i32
    %add3A_65 = arith.constant 0 : i32
    %add3A_66 = arith.addi %mul3A_64, %add3A_65 : i32
    %mul3A_67 = arith.constant 2048 : i32
    %mul3A_68 = arith.muli %add3A, %mul3A_67 : i32
    %add3A_69 = arith.constant 128 : i32
    %add3A_70 = arith.addi %mul3A_68, %add3A_69 : i32
    %mul3A_71 = arith.constant 2048 : i32
    %mul3A_72 = arith.muli %add3A, %mul3A_71 : i32
    %add3A_73 = arith.constant 256 : i32
    %add3A_74 = arith.addi %mul3A_72, %add3A_73 : i32
    %mul3A_75 = arith.constant 2048 : i32
    %mul3A_76 = arith.muli %add3A, %mul3A_75 : i32
    %add3A_77 = arith.constant 384 : i32
    %add3A_78 = arith.addi %mul3A_76, %add3A_77 : i32
    %mul3A_79 = arith.constant 2048 : i32
    %mul3A_80 = arith.muli %add3A, %mul3A_79 : i32
    %add3A_81 = arith.constant 512 : i32
    %add3A_82 = arith.addi %mul3A_80, %add3A_81 : i32
    %mul3A_83 = arith.constant 2048 : i32
    %mul3A_84 = arith.muli %add3A, %mul3A_83 : i32
    %add3A_85 = arith.constant 640 : i32
    %add3A_86 = arith.addi %mul3A_84, %add3A_85 : i32
    %mul3A_87 = arith.constant 2048 : i32
    %mul3A_88 = arith.muli %add3A, %mul3A_87 : i32
    %add3A_89 = arith.constant 768 : i32
    %add3A_90 = arith.addi %mul3A_88, %add3A_89 : i32
    %mul3A_91 = arith.constant 2048 : i32
    %mul3A_92 = arith.muli %add3A, %mul3A_91 : i32
    %add3A_93 = arith.constant 896 : i32
    %add3A_94 = arith.addi %mul3A_92, %add3A_93 : i32
    %mul3A_95 = arith.constant 2048 : i32
    %mul3A_96 = arith.muli %add3A, %mul3A_95 : i32
    %add3A_97 = arith.constant 1024 : i32
    %add3A_98 = arith.addi %mul3A_96, %add3A_97 : i32
    %mul3A_99 = arith.constant 2048 : i32
    %mul3A_100 = arith.muli %add3A, %mul3A_99 : i32
    %add3A_101 = arith.constant 1152 : i32
    %add3A_102 = arith.addi %mul3A_100, %add3A_101 : i32
    %mul3A_103 = arith.constant 2048 : i32
    %mul3A_104 = arith.muli %add3A, %mul3A_103 : i32
    %add3A_105 = arith.constant 1280 : i32
    %add3A_106 = arith.addi %mul3A_104, %add3A_105 : i32
    %mul3A_107 = arith.constant 2048 : i32
    %mul3A_108 = arith.muli %add3A, %mul3A_107 : i32
    %add3A_109 = arith.constant 1408 : i32
    %add3A_110 = arith.addi %mul3A_108, %add3A_109 : i32
    %mul3A_111 = arith.constant 2048 : i32
    %mul3A_112 = arith.muli %add3A, %mul3A_111 : i32
    %add3A_113 = arith.constant 1536 : i32
    %add3A_114 = arith.addi %mul3A_112, %add3A_113 : i32
    %mul3A_115 = arith.constant 2048 : i32
    %mul3A_116 = arith.muli %add3A, %mul3A_115 : i32
    %add3A_117 = arith.constant 1664 : i32
    %add3A_118 = arith.addi %mul3A_116, %add3A_117 : i32
    %mul3A_119 = arith.constant 2048 : i32
    %mul3A_120 = arith.muli %add3A, %mul3A_119 : i32
    %add3A_121 = arith.constant 1792 : i32
    %add3A_122 = arith.addi %mul3A_120, %add3A_121 : i32
    %mul3A_123 = arith.constant 2048 : i32
    %mul3A_124 = arith.muli %add3A, %mul3A_123 : i32
    %add3A_125 = arith.constant 1920 : i32
    %add3A_126 = arith.addi %mul3A_124, %add3A_125 : i32
    %dma_start3A = arith.constant 0 : i32
    %dma_start3A_127 = arith.constant 0 : i32
    %dma_start3A_128 = arith.constant 0 : i32
    %dma_start3A_129 = tpu.memref_slice %arg21[%dma_start3A, %dma_start3A_127, %dma_start3A_128] : memref<5x128x64xf32, #tpu.memory_space<vmem>> -> memref<1x128x64xf32, #tpu.memory_space<vmem>>
    %dma_start3A_130 = tpu.memref_squeeze %dma_start3A_129 : memref<1x128x64xf32, #tpu.memory_space<vmem>> -> memref<128x64xf32, #tpu.memory_space<vmem>>
    %dma_start3A_131 = arith.constant 0 : i32
    %dma_start3A_132 = tpu.memref_slice %arg22[%dma_start3A_131] : memref<3072xi32, #tpu.memory_space<vmem>> -> memref<128xi32, #tpu.memory_space<vmem>>
    %dma_start3A_133 = arith.constant 0 : i32
    %dma_start3A_134 = arith.constant 0 : i32
    %dma_start3A_135 = tpu.memref_slice %arg3[%dma_start3A_133, %dma_start3A_134] : memref<100000x64xf32, #tpu.memory_space<hbm>> -> memref<100000x64xf32, #tpu.memory_space<hbm>>
    tpu.enqueue_indirect_dma source(%dma_start3A_135 : memref<100000x64xf32, #tpu.memory_space<hbm>>) target(%dma_start3A_130 : memref<128x64xf32, #tpu.memory_space<vmem>>) offsets(%dma_start3A_132 : memref<128xi32, #tpu.memory_space<vmem>>) semaphore(%arg36 : memref<!tpu.dma_semaphore, #tpu.memory_space<semaphore_mem>>)
    %dma_start3A_136 = arith.constant 0 : i32
    %dma_start3A_137 = tpu.memref_slice %arg22[%dma_start3A_136] : memref<3072xi32, #tpu.memory_space<vmem>> -> memref<128xi32, #tpu.memory_space<vmem>>
    %dma_start3A_138 = arith.constant 0 : i32
    %dma_start3A_139 = tpu.memref_slice %arg5[%dma_start3A_138] : memref<100000xf32, #tpu.memory_space<hbm>> -> memref<100000xf32, #tpu.memory_space<hbm>>
    tpu.enqueue_indirect_dma source(%dma_start3A_139 : memref<100000xf32, #tpu.memory_space<hbm>>) target(%arg23 : memref<128xf32, #tpu.memory_space<vmem>>) offsets(%dma_start3A_137 : memref<128xi32, #tpu.memory_space<vmem>>) semaphore(%arg38 : memref<!tpu.dma_semaphore, #tpu.memory_space<semaphore_mem>>)
    %dma_start3A_140 = arith.constant 1 : i32
    %dma_start3A_141 = arith.constant 0 : i32
    %dma_start3A_142 = arith.constant 0 : i32
    %dma_start3A_143 = tpu.memref_slice %arg21[%dma_start3A_140, %dma_start3A_141, %dma_start3A_142] : memref<5x128x64xf32, #tpu.memory_space<vmem>> -> memref<1x128x64xf32, #tpu.memory_space<vmem>>
    %dma_start3A_144 = tpu.memref_squeeze %dma_start3A_143 : memref<1x128x64xf32, #tpu.memory_space<vmem>> -> memref<128x64xf32, #tpu.memory_space<vmem>>
    %dma_start3A_145 = arith.constant 0 : i32
    %dma_start3A_146 = tpu.memref_slice %arg22[%dma_start3A_145] : memref<3072xi32, #tpu.memory_space<vmem>> -> memref<128xi32, #tpu.memory_space<vmem>>
    %dma_start3A_147 = arith.constant 0 : i32
    %dma_start3A_148 = arith.constant 0 : i32
    %dma_start3A_149 = tpu.memref_slice %arg2[%dma_start3A_147, %dma_start3A_148] : memref<100000x64xf32, #tpu.memory_space<hbm>> -> memref<100000x64xf32, #tpu.memory_space<hbm>>
    tpu.enqueue_indirect_dma source(%dma_start3A_149 : memref<100000x64xf32, #tpu.memory_space<hbm>>) target(%dma_start3A_144 : memref<128x64xf32, #tpu.memory_space<vmem>>) offsets(%dma_start3A_146 : memref<128xi32, #tpu.memory_space<vmem>>) semaphore(%arg37 : memref<!tpu.dma_semaphore, #tpu.memory_space<semaphore_mem>>)
    %dma_start3A_150 = arith.constant 512 : i32
    %dma_start3A_151 = tpu.memref_slice %arg22[%dma_start3A_150] : memref<3072xi32, #tpu.memory_space<vmem>> -> memref<128xi32, #tpu.memory_space<vmem>>
    %dma_start3A_152 = arith.constant 0 : i32
    %dma_start3A_153 = tpu.memref_slice %arg4[%dma_start3A_152] : memref<100000xf32, #tpu.memory_space<hbm>> -> memref<100000xf32, #tpu.memory_space<hbm>>
    tpu.enqueue_indirect_dma source(%dma_start3A_153 : memref<100000xf32, #tpu.memory_space<hbm>>) target(%arg24 : memref<128xf32, #tpu.memory_space<vmem>>) offsets(%dma_start3A_151 : memref<128xi32, #tpu.memory_space<vmem>>) semaphore(%arg39 : memref<!tpu.dma_semaphore, #tpu.memory_space<semaphore_mem>>)
    %dma_wait3A = arith.constant 0 : i32
    %dma_wait3A_154 = arith.constant 0 : i32
    %dma_wait3A_155 = arith.constant 0 : i32
    %dma_wait3A_156 = tpu.memref_slice %arg21[%dma_wait3A, %dma_wait3A_154, %dma_wait3A_155] : memref<5x128x64xf32, #tpu.memory_space<vmem>> -> memref<1x128x64xf32, #tpu.memory_space<vmem>>
    %dma_wait3A_157 = tpu.memref_squeeze %dma_wait3A_156 : memref<1x128x64xf32, #tpu.memory_space<vmem>> -> memref<128x64xf32, #tpu.memory_space<vmem>>
    %dma_wait3A_158 = arith.constant 0 : i32
    %dma_wait3A_159 = tpu.memref_slice %arg22[%dma_wait3A_158] : memref<3072xi32, #tpu.memory_space<vmem>> -> memref<128xi32, #tpu.memory_space<vmem>>
    %dma_wait3A_160 = arith.constant 0 : i32
    %dma_wait3A_161 = arith.constant 0 : i32
    %dma_wait3A_162 = tpu.memref_slice %arg3[%dma_wait3A_160, %dma_wait3A_161] : memref<100000x64xf32, #tpu.memory_space<hbm>> -> memref<100000x64xf32, #tpu.memory_space<hbm>>
    tpu.wait_indirect_dma semaphore(%arg36 : memref<!tpu.dma_semaphore, #tpu.memory_space<semaphore_mem>>) src(%dma_wait3A_162 : memref<100000x64xf32, #tpu.memory_space<hbm>>) dst(%dma_wait3A_157 : memref<128x64xf32, #tpu.memory_space<vmem>>)
    %dma_wait3A_163 = arith.constant 0 : i32
    %dma_wait3A_164 = tpu.memref_slice %arg22[%dma_wait3A_163] : memref<3072xi32, #tpu.memory_space<vmem>> -> memref<128xi32, #tpu.memory_space<vmem>>
    %dma_wait3A_165 = arith.constant 0 : i32
    %dma_wait3A_166 = tpu.memref_slice %arg5[%dma_wait3A_165] : memref<100000xf32, #tpu.memory_space<hbm>> -> memref<100000xf32, #tpu.memory_space<hbm>>
    tpu.wait_indirect_dma semaphore(%arg38 : memref<!tpu.dma_semaphore, #tpu.memory_space<semaphore_mem>>) src(%dma_wait3A_166 : memref<100000xf32, #tpu.memory_space<hbm>>) dst(%arg23 : memref<128xf32, #tpu.memory_space<vmem>>)
    %run_scoped3A_167 = arith.constant 0 : i32
    "tpu.region"() ({
      %run_scoped3A_835 = tpu.sem_alloc : memref<!tpu.dma_semaphore, #tpu.memory_space<semaphore_mem>>
      %dma_start3A_836 = arith.constant 0 : i32
      %dma_start3A_837 = arith.constant 0 : i32
      %dma_start3A_838 = tpu.memref_slice %arg21[%run_scoped3A_167, %dma_start3A_836, %dma_start3A_837] : memref<5x128x64xf32, #tpu.memory_space<vmem>> -> memref<1x128x64xf32, #tpu.memory_space<vmem>>
      %dma_start3A_839 = tpu.memref_squeeze %dma_start3A_838 : memref<1x128x64xf32, #tpu.memory_space<vmem>> -> memref<128x64xf32, #tpu.memory_space<vmem>>
      %dma_start3A_840 = arith.constant 0 : i32
      %dma_start3A_841 = tpu.memref_slice %arg13[%add3A_50, %dma_start3A_840] : memref<16384x128xf32, #tpu.memory_space<hbm>> -> memref<128x64xf32, #tpu.memory_space<hbm>>
      %dma_start3A_842 = arith.constant 0 : i32
      %dma_start3A_843 = tpu.memref_slice %arg13[%add3A_50, %dma_start3A_842] : memref<16384x128xf32, #tpu.memory_space<hbm>> -> memref<128x64xf32, #tpu.memory_space<hbm>>
      %dma_start3A_844 = arith.constant 0 : i32
      %dma_start3A_845 = arith.constant 0 : i32
      %dma_start3A_846 = tpu.memref_slice %arg21[%run_scoped3A_167, %dma_start3A_844, %dma_start3A_845] : memref<5x128x64xf32, #tpu.memory_space<vmem>> -> memref<1x128x64xf32, #tpu.memory_space<vmem>>
      %dma_start3A_847 = tpu.memref_squeeze %dma_start3A_846 : memref<1x128x64xf32, #tpu.memory_space<vmem>> -> memref<128x64xf32, #tpu.memory_space<vmem>>
      tpu.enqueue_dma source(%dma_start3A_847 : memref<128x64xf32, #tpu.memory_space<vmem>>) target(%dma_start3A_843 : memref<128x64xf32, #tpu.memory_space<hbm>>) target_semaphore(%run_scoped3A_835 : memref<!tpu.dma_semaphore, #tpu.memory_space<semaphore_mem>>)
      %dma_wait3A_848 = arith.constant 0 : i32
      %dma_wait3A_849 = arith.constant 0 : i32
      %dma_wait3A_850 = tpu.memref_slice %arg21[%run_scoped3A_167, %dma_wait3A_848, %dma_wait3A_849] : memref<5x128x64xf32, #tpu.memory_space<vmem>> -> memref<1x128x64xf32, #tpu.memory_space<vmem>>
      %dma_wait3A_851 = tpu.memref_squeeze %dma_wait3A_850 : memref<1x128x64xf32, #tpu.memory_space<vmem>> -> memref<128x64xf32, #tpu.memory_space<vmem>>
      %dma_wait3A_852 = arith.constant 0 : i32
      %dma_wait3A_853 = tpu.memref_slice %arg13[%add3A_50, %dma_wait3A_852] : memref<16384x128xf32, #tpu.memory_space<hbm>> -> memref<128x64xf32, #tpu.memory_space<hbm>>
      %dma_wait3A_854 = arith.constant 0 : i32
      %dma_wait3A_855 = tpu.memref_slice %arg13[%add3A_50, %dma_wait3A_854] : memref<16384x128xf32, #tpu.memory_space<hbm>> -> memref<128x64xf32, #tpu.memory_space<hbm>>
      %dma_wait3A_856 = arith.constant 0 : i32
      %dma_wait3A_857 = arith.constant 0 : i32
      %dma_wait3A_858 = tpu.memref_slice %arg21[%run_scoped3A_167, %dma_wait3A_856, %dma_wait3A_857] : memref<5x128x64xf32, #tpu.memory_space<vmem>> -> memref<1x128x64xf32, #tpu.memory_space<vmem>>
      %dma_wait3A_859 = tpu.memref_squeeze %dma_wait3A_858 : memref<1x128x64xf32, #tpu.memory_space<vmem>> -> memref<128x64xf32, #tpu.memory_space<vmem>>
      tpu.wait_dma2 semaphore(%run_scoped3A_835 : memref<!tpu.dma_semaphore, #tpu.memory_space<semaphore_mem>>) src(%dma_wait3A_859 : memref<128x64xf32, #tpu.memory_space<vmem>>) dst(%dma_wait3A_855 : memref<128x64xf32, #tpu.memory_space<hbm>>)
      tpu.yield
    }) : () -> ()
    "tpu.region"() ({
      %run_scoped3A_835 = tpu.sem_alloc : memref<!tpu.dma_semaphore, #tpu.memory_space<semaphore_mem>>
      %dma_start3A_836 = tpu.memref_slice %arg17[%add3A_50] : memref<16384xf32, #tpu.memory_space<hbm>> -> memref<128xf32, #tpu.memory_space<hbm>>
      %dma_start3A_837 = tpu.memref_slice %arg17[%add3A_50] : memref<16384xf32, #tpu.memory_space<hbm>> -> memref<128xf32, #tpu.memory_space<hbm>>
      tpu.enqueue_dma source(%arg23 : memref<128xf32, #tpu.memory_space<vmem>>) target(%dma_start3A_837 : memref<128xf32, #tpu.memory_space<hbm>>) target_semaphore(%run_scoped3A_835 : memref<!tpu.dma_semaphore, #tpu.memory_space<semaphore_mem>>)
      %dma_wait3A_838 = tpu.memref_slice %arg17[%add3A_50] : memref<16384xf32, #tpu.memory_space<hbm>> -> memref<128xf32, #tpu.memory_space<hbm>>
      %dma_wait3A_839 = tpu.memref_slice %arg17[%add3A_50] : memref<16384xf32, #tpu.memory_space<hbm>> -> memref<128xf32, #tpu.memory_space<hbm>>
      tpu.wait_dma2 semaphore(%run_scoped3A_835 : memref<!tpu.dma_semaphore, #tpu.memory_space<semaphore_mem>>) src(%arg23 : memref<128xf32, #tpu.memory_space<vmem>>) dst(%dma_wait3A_839 : memref<128xf32, #tpu.memory_space<hbm>>)
      tpu.yield
    }) : () -> ()
    %dma_start3A_168 = arith.constant 0 : i32
    %dma_start3A_169 = arith.constant 0 : i32
    %dma_start3A_170 = arith.constant 0 : i32
    %dma_start3A_171 = tpu.memref_slice %arg21[%dma_start3A_168, %dma_start3A_169, %dma_start3A_170] : memref<5x128x64xf32, #tpu.memory_space<vmem>> -> memref<1x128x64xf32, #tpu.memory_space<vmem>>
    %dma_start3A_172 = tpu.memref_squeeze %dma_start3A_171 : memref<1x128x64xf32, #tpu.memory_space<vmem>> -> memref<128x64xf32, #tpu.memory_space<vmem>>
    %dma_start3A_173 = arith.constant 128 : i32
    %dma_start3A_174 = tpu.memref_slice %arg22[%dma_start3A_173] : memref<3072xi32, #tpu.memory_space<vmem>> -> memref<128xi32, #tpu.memory_space<vmem>>
    %dma_start3A_175 = arith.constant 0 : i32
    %dma_start3A_176 = arith.constant 0 : i32
    %dma_start3A_177 = tpu.memref_slice %arg3[%dma_start3A_175, %dma_start3A_176] : memref<100000x64xf32, #tpu.memory_space<hbm>> -> memref<100000x64xf32, #tpu.memory_space<hbm>>
    tpu.enqueue_indirect_dma source(%dma_start3A_177 : memref<100000x64xf32, #tpu.memory_space<hbm>>) target(%dma_start3A_172 : memref<128x64xf32, #tpu.memory_space<vmem>>) offsets(%dma_start3A_174 : memref<128xi32, #tpu.memory_space<vmem>>) semaphore(%arg36 : memref<!tpu.dma_semaphore, #tpu.memory_space<semaphore_mem>>)
    %dma_start3A_178 = arith.constant 128 : i32
    %dma_start3A_179 = tpu.memref_slice %arg22[%dma_start3A_178] : memref<3072xi32, #tpu.memory_space<vmem>> -> memref<128xi32, #tpu.memory_space<vmem>>
    %dma_start3A_180 = arith.constant 0 : i32
    %dma_start3A_181 = tpu.memref_slice %arg5[%dma_start3A_180] : memref<100000xf32, #tpu.memory_space<hbm>> -> memref<100000xf32, #tpu.memory_space<hbm>>
    tpu.enqueue_indirect_dma source(%dma_start3A_181 : memref<100000xf32, #tpu.memory_space<hbm>>) target(%arg23 : memref<128xf32, #tpu.memory_space<vmem>>) offsets(%dma_start3A_179 : memref<128xi32, #tpu.memory_space<vmem>>) semaphore(%arg38 : memref<!tpu.dma_semaphore, #tpu.memory_space<semaphore_mem>>)
    %dma_wait3A_182 = arith.constant 1 : i32
    %dma_wait3A_183 = arith.constant 0 : i32
    %dma_wait3A_184 = arith.constant 0 : i32
    %dma_wait3A_185 = tpu.memref_slice %arg21[%dma_wait3A_182, %dma_wait3A_183, %dma_wait3A_184] : memref<5x128x64xf32, #tpu.memory_space<vmem>> -> memref<1x128x64xf32, #tpu.memory_space<vmem>>
    %dma_wait3A_186 = tpu.memref_squeeze %dma_wait3A_185 : memref<1x128x64xf32, #tpu.memory_space<vmem>> -> memref<128x64xf32, #tpu.memory_space<vmem>>
    %dma_wait3A_187 = arith.constant 0 : i32
    %dma_wait3A_188 = tpu.memref_slice %arg22[%dma_wait3A_187] : memref<3072xi32, #tpu.memory_space<vmem>> -> memref<128xi32, #tpu.memory_space<vmem>>
    %dma_wait3A_189 = arith.constant 0 : i32
    %dma_wait3A_190 = arith.constant 0 : i32
    %dma_wait3A_191 = tpu.memref_slice %arg2[%dma_wait3A_189, %dma_wait3A_190] : memref<100000x64xf32, #tpu.memory_space<hbm>> -> memref<100000x64xf32, #tpu.memory_space<hbm>>
    tpu.wait_indirect_dma semaphore(%arg37 : memref<!tpu.dma_semaphore, #tpu.memory_space<semaphore_mem>>) src(%dma_wait3A_191 : memref<100000x64xf32, #tpu.memory_space<hbm>>) dst(%dma_wait3A_186 : memref<128x64xf32, #tpu.memory_space<vmem>>)
    %dma_wait3A_192 = arith.constant 512 : i32
    %dma_wait3A_193 = tpu.memref_slice %arg22[%dma_wait3A_192] : memref<3072xi32, #tpu.memory_space<vmem>> -> memref<128xi32, #tpu.memory_space<vmem>>
    %dma_wait3A_194 = arith.constant 0 : i32
    %dma_wait3A_195 = tpu.memref_slice %arg4[%dma_wait3A_194] : memref<100000xf32, #tpu.memory_space<hbm>> -> memref<100000xf32, #tpu.memory_space<hbm>>
    tpu.wait_indirect_dma semaphore(%arg39 : memref<!tpu.dma_semaphore, #tpu.memory_space<semaphore_mem>>) src(%dma_wait3A_195 : memref<100000xf32, #tpu.memory_space<hbm>>) dst(%arg24 : memref<128xf32, #tpu.memory_space<vmem>>)
    %run_scoped3A_196 = arith.constant 1 : i32
    "tpu.region"() ({
      %run_scoped3A_835 = tpu.sem_alloc : memref<!tpu.dma_semaphore, #tpu.memory_space<semaphore_mem>>
      %dma_start3A_836 = arith.constant 0 : i32
      %dma_start3A_837 = arith.constant 0 : i32
      %dma_start3A_838 = tpu.memref_slice %arg21[%run_scoped3A_196, %dma_start3A_836, %dma_start3A_837] : memref<5x128x64xf32, #tpu.memory_space<vmem>> -> memref<1x128x64xf32, #tpu.memory_space<vmem>>
      %dma_start3A_839 = tpu.memref_squeeze %dma_start3A_838 : memref<1x128x64xf32, #tpu.memory_space<vmem>> -> memref<128x64xf32, #tpu.memory_space<vmem>>
      %dma_start3A_840 = arith.constant 0 : i32
      %dma_start3A_841 = tpu.memref_slice %arg14[%add3A_50, %dma_start3A_840] : memref<16384x128xf32, #tpu.memory_space<hbm>> -> memref<128x64xf32, #tpu.memory_space<hbm>>
      %dma_start3A_842 = arith.constant 0 : i32
      %dma_start3A_843 = tpu.memref_slice %arg14[%add3A_50, %dma_start3A_842] : memref<16384x128xf32, #tpu.memory_space<hbm>> -> memref<128x64xf32, #tpu.memory_space<hbm>>
      %dma_start3A_844 = arith.constant 0 : i32
      %dma_start3A_845 = arith.constant 0 : i32
      %dma_start3A_846 = tpu.memref_slice %arg21[%run_scoped3A_196, %dma_start3A_844, %dma_start3A_845] : memref<5x128x64xf32, #tpu.memory_space<vmem>> -> memref<1x128x64xf32, #tpu.memory_space<vmem>>
      %dma_start3A_847 = tpu.memref_squeeze %dma_start3A_846 : memref<1x128x64xf32, #tpu.memory_space<vmem>> -> memref<128x64xf32, #tpu.memory_space<vmem>>
      tpu.enqueue_dma source(%dma_start3A_847 : memref<128x64xf32, #tpu.memory_space<vmem>>) target(%dma_start3A_843 : memref<128x64xf32, #tpu.memory_space<hbm>>) target_semaphore(%run_scoped3A_835 : memref<!tpu.dma_semaphore, #tpu.memory_space<semaphore_mem>>)
      %dma_wait3A_848 = arith.constant 0 : i32
      %dma_wait3A_849 = arith.constant 0 : i32
      %dma_wait3A_850 = tpu.memref_slice %arg21[%run_scoped3A_196, %dma_wait3A_848, %dma_wait3A_849] : memref<5x128x64xf32, #tpu.memory_space<vmem>> -> memref<1x128x64xf32, #tpu.memory_space<vmem>>
      %dma_wait3A_851 = tpu.memref_squeeze %dma_wait3A_850 : memref<1x128x64xf32, #tpu.memory_space<vmem>> -> memref<128x64xf32, #tpu.memory_space<vmem>>
      %dma_wait3A_852 = arith.constant 0 : i32
      %dma_wait3A_853 = tpu.memref_slice %arg14[%add3A_50, %dma_wait3A_852] : memref<16384x128xf32, #tpu.memory_space<hbm>> -> memref<128x64xf32, #tpu.memory_space<hbm>>
      %dma_wait3A_854 = arith.constant 0 : i32
      %dma_wait3A_855 = tpu.memref_slice %arg14[%add3A_50, %dma_wait3A_854] : memref<16384x128xf32, #tpu.memory_space<hbm>> -> memref<128x64xf32, #tpu.memory_space<hbm>>
      %dma_wait3A_856 = arith.constant 0 : i32
      %dma_wait3A_857 = arith.constant 0 : i32
      %dma_wait3A_858 = tpu.memref_slice %arg21[%run_scoped3A_196, %dma_wait3A_856, %dma_wait3A_857] : memref<5x128x64xf32, #tpu.memory_space<vmem>> -> memref<1x128x64xf32, #tpu.memory_space<vmem>>
      %dma_wait3A_859 = tpu.memref_squeeze %dma_wait3A_858 : memref<1x128x64xf32, #tpu.memory_space<vmem>> -> memref<128x64xf32, #tpu.memory_space<vmem>>
      tpu.wait_dma2 semaphore(%run_scoped3A_835 : memref<!tpu.dma_semaphore, #tpu.memory_space<semaphore_mem>>) src(%dma_wait3A_859 : memref<128x64xf32, #tpu.memory_space<vmem>>) dst(%dma_wait3A_855 : memref<128x64xf32, #tpu.memory_space<hbm>>)
      tpu.yield
    }) : () -> ()
    "tpu.region"() ({
      %run_scoped3A_835 = tpu.sem_alloc : memref<!tpu.dma_semaphore, #tpu.memory_space<semaphore_mem>>
      %dma_start3A_836 = tpu.memref_slice %arg16[%add3A_50] : memref<16384xf32, #tpu.memory_space<hbm>> -> memref<128xf32, #tpu.memory_space<hbm>>
      %dma_start3A_837 = tpu.memref_slice %arg16[%add3A_50] : memref<16384xf32, #tpu.memory_space<hbm>> -> memref<128xf32, #tpu.memory_space<hbm>>
      tpu.enqueue_dma source(%arg24 : memref<128xf32, #tpu.memory_space<vmem>>) target(%dma_start3A_837 : memref<128xf32, #tpu.memory_space<hbm>>) target_semaphore(%run_scoped3A_835 : memref<!tpu.dma_semaphore, #tpu.memory_space<semaphore_mem>>)
      %dma_wait3A_838 = tpu.memref_slice %arg16[%add3A_50] : memref<16384xf32, #tpu.memory_space<hbm>> -> memref<128xf32, #tpu.memory_space<hbm>>
      %dma_wait3A_839 = tpu.memref_slice %arg16[%add3A_50] : memref<16384xf32, #tpu.memory_space<hbm>> -> memref<128xf32, #tpu.memory_space<hbm>>
      tpu.wait_dma2 semaphore(%run_scoped3A_835 : memref<!tpu.dma_semaphore, #tpu.memory_space<semaphore_mem>>) src(%arg24 : memref<128xf32, #tpu.memory_space<vmem>>) dst(%dma_wait3A_839 : memref<128xf32, #tpu.memory_space<hbm>>)
      tpu.yield
    }) : () -> ()
    %dma_start3A_197 = arith.constant 1 : i32
    %dma_start3A_198 = arith.constant 0 : i32
    %dma_start3A_199 = arith.constant 0 : i32
    %dma_start3A_200 = tpu.memref_slice %arg21[%dma_start3A_197, %dma_start3A_198, %dma_start3A_199] : memref<5x128x64xf32, #tpu.memory_space<vmem>> -> memref<1x128x64xf32, #tpu.memory_space<vmem>>
    %dma_start3A_201 = tpu.memref_squeeze %dma_start3A_200 : memref<1x128x64xf32, #tpu.memory_space<vmem>> -> memref<128x64xf32, #tpu.memory_space<vmem>>
    %dma_start3A_202 = arith.constant 128 : i32
    %dma_start3A_203 = tpu.memref_slice %arg22[%dma_start3A_202] : memref<3072xi32, #tpu.memory_space<vmem>> -> memref<128xi32, #tpu.memory_space<vmem>>
    %dma_start3A_204 = arith.constant 0 : i32
    %dma_start3A_205 = arith.constant 0 : i32
    %dma_start3A_206 = tpu.memref_slice %arg2[%dma_start3A_204, %dma_start3A_205] : memref<100000x64xf32, #tpu.memory_space<hbm>> -> memref<100000x64xf32, #tpu.memory_space<hbm>>
    tpu.enqueue_indirect_dma source(%dma_start3A_206 : memref<100000x64xf32, #tpu.memory_space<hbm>>) target(%dma_start3A_201 : memref<128x64xf32, #tpu.memory_space<vmem>>) offsets(%dma_start3A_203 : memref<128xi32, #tpu.memory_space<vmem>>) semaphore(%arg37 : memref<!tpu.dma_semaphore, #tpu.memory_space<semaphore_mem>>)
    %dma_start3A_207 = arith.constant 640 : i32
    %dma_start3A_208 = tpu.memref_slice %arg22[%dma_start3A_207] : memref<3072xi32, #tpu.memory_space<vmem>> -> memref<128xi32, #tpu.memory_space<vmem>>
    %dma_start3A_209 = arith.constant 0 : i32
    %dma_start3A_210 = tpu.memref_slice %arg4[%dma_start3A_209] : memref<100000xf32, #tpu.memory_space<hbm>> -> memref<100000xf32, #tpu.memory_space<hbm>>
    tpu.enqueue_indirect_dma source(%dma_start3A_210 : memref<100000xf32, #tpu.memory_space<hbm>>) target(%arg24 : memref<128xf32, #tpu.memory_space<vmem>>) offsets(%dma_start3A_208 : memref<128xi32, #tpu.memory_space<vmem>>) semaphore(%arg39 : memref<!tpu.dma_semaphore, #tpu.memory_space<semaphore_mem>>)
    %dma_wait3A_211 = arith.constant 0 : i32
    %dma_wait3A_212 = arith.constant 0 : i32
    %dma_wait3A_213 = arith.constant 0 : i32
    %dma_wait3A_214 = tpu.memref_slice %arg21[%dma_wait3A_211, %dma_wait3A_212, %dma_wait3A_213] : memref<5x128x64xf32, #tpu.memory_space<vmem>> -> memref<1x128x64xf32, #tpu.memory_space<vmem>>
    %dma_wait3A_215 = tpu.memref_squeeze %dma_wait3A_214 : memref<1x128x64xf32, #tpu.memory_space<vmem>> -> memref<128x64xf32, #tpu.memory_space<vmem>>
    %dma_wait3A_216 = arith.constant 128 : i32
    %dma_wait3A_217 = tpu.memref_slice %arg22[%dma_wait3A_216] : memref<3072xi32, #tpu.memory_space<vmem>> -> memref<128xi32, #tpu.memory_space<vmem>>
    %dma_wait3A_218 = arith.constant 0 : i32
    %dma_wait3A_219 = arith.constant 0 : i32
    %dma_wait3A_220 = tpu.memref_slice %arg3[%dma_wait3A_218, %dma_wait3A_219] : memref<100000x64xf32, #tpu.memory_space<hbm>> -> memref<100000x64xf32, #tpu.memory_space<hbm>>
    tpu.wait_indirect_dma semaphore(%arg36 : memref<!tpu.dma_semaphore, #tpu.memory_space<semaphore_mem>>) src(%dma_wait3A_220 : memref<100000x64xf32, #tpu.memory_space<hbm>>) dst(%dma_wait3A_215 : memref<128x64xf32, #tpu.memory_space<vmem>>)
    %dma_wait3A_221 = arith.constant 128 : i32
    %dma_wait3A_222 = tpu.memref_slice %arg22[%dma_wait3A_221] : memref<3072xi32, #tpu.memory_space<vmem>> -> memref<128xi32, #tpu.memory_space<vmem>>
    %dma_wait3A_223 = arith.constant 0 : i32
    %dma_wait3A_224 = tpu.memref_slice %arg5[%dma_wait3A_223] : memref<100000xf32, #tpu.memory_space<hbm>> -> memref<100000xf32, #tpu.memory_space<hbm>>
    tpu.wait_indirect_dma semaphore(%arg38 : memref<!tpu.dma_semaphore, #tpu.memory_space<semaphore_mem>>) src(%dma_wait3A_224 : memref<100000xf32, #tpu.memory_space<hbm>>) dst(%arg23 : memref<128xf32, #tpu.memory_space<vmem>>)
    %run_scoped3A_225 = arith.constant 0 : i32
    "tpu.region"() ({
      %run_scoped3A_835 = tpu.sem_alloc : memref<!tpu.dma_semaphore, #tpu.memory_space<semaphore_mem>>
      %dma_start3A_836 = arith.constant 0 : i32
      %dma_start3A_837 = arith.constant 0 : i32
      %dma_start3A_838 = tpu.memref_slice %arg21[%run_scoped3A_225, %dma_start3A_836, %dma_start3A_837] : memref<5x128x64xf32, #tpu.memory_space<vmem>> -> memref<1x128x64xf32, #tpu.memory_space<vmem>>
      %dma_start3A_839 = tpu.memref_squeeze %dma_start3A_838 : memref<1x128x64xf32, #tpu.memory_space<vmem>> -> memref<128x64xf32, #tpu.memory_space<vmem>>
      %dma_start3A_840 = arith.constant 0 : i32
      %dma_start3A_841 = tpu.memref_slice %arg13[%add3A_54, %dma_start3A_840] : memref<16384x128xf32, #tpu.memory_space<hbm>> -> memref<128x64xf32, #tpu.memory_space<hbm>>
      %dma_start3A_842 = arith.constant 0 : i32
      %dma_start3A_843 = tpu.memref_slice %arg13[%add3A_54, %dma_start3A_842] : memref<16384x128xf32, #tpu.memory_space<hbm>> -> memref<128x64xf32, #tpu.memory_space<hbm>>
      %dma_start3A_844 = arith.constant 0 : i32
      %dma_start3A_845 = arith.constant 0 : i32
      %dma_start3A_846 = tpu.memref_slice %arg21[%run_scoped3A_225, %dma_start3A_844, %dma_start3A_845] : memref<5x128x64xf32, #tpu.memory_space<vmem>> -> memref<1x128x64xf32, #tpu.memory_space<vmem>>
      %dma_start3A_847 = tpu.memref_squeeze %dma_start3A_846 : memref<1x128x64xf32, #tpu.memory_space<vmem>> -> memref<128x64xf32, #tpu.memory_space<vmem>>
      tpu.enqueue_dma source(%dma_start3A_847 : memref<128x64xf32, #tpu.memory_space<vmem>>) target(%dma_start3A_843 : memref<128x64xf32, #tpu.memory_space<hbm>>) target_semaphore(%run_scoped3A_835 : memref<!tpu.dma_semaphore, #tpu.memory_space<semaphore_mem>>)
      %dma_wait3A_848 = arith.constant 0 : i32
      %dma_wait3A_849 = arith.constant 0 : i32
      %dma_wait3A_850 = tpu.memref_slice %arg21[%run_scoped3A_225, %dma_wait3A_848, %dma_wait3A_849] : memref<5x128x64xf32, #tpu.memory_space<vmem>> -> memref<1x128x64xf32, #tpu.memory_space<vmem>>
      %dma_wait3A_851 = tpu.memref_squeeze %dma_wait3A_850 : memref<1x128x64xf32, #tpu.memory_space<vmem>> -> memref<128x64xf32, #tpu.memory_space<vmem>>
      %dma_wait3A_852 = arith.constant 0 : i32
      %dma_wait3A_853 = tpu.memref_slice %arg13[%add3A_54, %dma_wait3A_852] : memref<16384x128xf32, #tpu.memory_space<hbm>> -> memref<128x64xf32, #tpu.memory_space<hbm>>
      %dma_wait3A_854 = arith.constant 0 : i32
      %dma_wait3A_855 = tpu.memref_slice %arg13[%add3A_54, %dma_wait3A_854] : memref<16384x128xf32, #tpu.memory_space<hbm>> -> memref<128x64xf32, #tpu.memory_space<hbm>>
      %dma_wait3A_856 = arith.constant 0 : i32
      %dma_wait3A_857 = arith.constant 0 : i32
      %dma_wait3A_858 = tpu.memref_slice %arg21[%run_scoped3A_225, %dma_wait3A_856, %dma_wait3A_857] : memref<5x128x64xf32, #tpu.memory_space<vmem>> -> memref<1x128x64xf32, #tpu.memory_space<vmem>>
      %dma_wait3A_859 = tpu.memref_squeeze %dma_wait3A_858 : memref<1x128x64xf32, #tpu.memory_space<vmem>> -> memref<128x64xf32, #tpu.memory_space<vmem>>
      tpu.wait_dma2 semaphore(%run_scoped3A_835 : memref<!tpu.dma_semaphore, #tpu.memory_space<semaphore_mem>>) src(%dma_wait3A_859 : memref<128x64xf32, #tpu.memory_space<vmem>>) dst(%dma_wait3A_855 : memref<128x64xf32, #tpu.memory_space<hbm>>)
      tpu.yield
    }) : () -> ()
    "tpu.region"() ({
      %run_scoped3A_835 = tpu.sem_alloc : memref<!tpu.dma_semaphore, #tpu.memory_space<semaphore_mem>>
      %dma_start3A_836 = tpu.memref_slice %arg17[%add3A_54] : memref<16384xf32, #tpu.memory_space<hbm>> -> memref<128xf32, #tpu.memory_space<hbm>>
      %dma_start3A_837 = tpu.memref_slice %arg17[%add3A_54] : memref<16384xf32, #tpu.memory_space<hbm>> -> memref<128xf32, #tpu.memory_space<hbm>>
      tpu.enqueue_dma source(%arg23 : memref<128xf32, #tpu.memory_space<vmem>>) target(%dma_start3A_837 : memref<128xf32, #tpu.memory_space<hbm>>) target_semaphore(%run_scoped3A_835 : memref<!tpu.dma_semaphore, #tpu.memory_space<semaphore_mem>>)
      %dma_wait3A_838 = tpu.memref_slice %arg17[%add3A_54] : memref<16384xf32, #tpu.memory_space<hbm>> -> memref<128xf32, #tpu.memory_space<hbm>>
      %dma_wait3A_839 = tpu.memref_slice %arg17[%add3A_54] : memref<16384xf32, #tpu.memory_space<hbm>> -> memref<128xf32, #tpu.memory_space<hbm>>
      tpu.wait_dma2 semaphore(%run_scoped3A_835 : memref<!tpu.dma_semaphore, #tpu.memory_space<semaphore_mem>>) src(%arg23 : memref<128xf32, #tpu.memory_space<vmem>>) dst(%dma_wait3A_839 : memref<128xf32, #tpu.memory_space<hbm>>)
      tpu.yield
    }) : () -> ()
    %dma_start3A_226 = arith.constant 0 : i32
    %dma_start3A_227 = arith.constant 0 : i32
    %dma_start3A_228 = arith.constant 0 : i32
    %dma_start3A_229 = tpu.memref_slice %arg21[%dma_start3A_226, %dma_start3A_227, %dma_start3A_228] : memref<5x128x64xf32, #tpu.memory_space<vmem>> -> memref<1x128x64xf32, #tpu.memory_space<vmem>>
    %dma_start3A_230 = tpu.memref_squeeze %dma_start3A_229 : memref<1x128x64xf32, #tpu.memory_space<vmem>> -> memref<128x64xf32, #tpu.memory_space<vmem>>
    %dma_start3A_231 = arith.constant 256 : i32
    %dma_start3A_232 = tpu.memref_slice %arg22[%dma_start3A_231] : memref<3072xi32, #tpu.memory_space<vmem>> -> memref<128xi32, #tpu.memory_space<vmem>>
    %dma_start3A_233 = arith.constant 0 : i32
    %dma_start3A_234 = arith.constant 0 : i32
    %dma_start3A_235 = tpu.memref_slice %arg3[%dma_start3A_233, %dma_start3A_234] : memref<100000x64xf32, #tpu.memory_space<hbm>> -> memref<100000x64xf32, #tpu.memory_space<hbm>>
    tpu.enqueue_indirect_dma source(%dma_start3A_235 : memref<100000x64xf32, #tpu.memory_space<hbm>>) target(%dma_start3A_230 : memref<128x64xf32, #tpu.memory_space<vmem>>) offsets(%dma_start3A_232 : memref<128xi32, #tpu.memory_space<vmem>>) semaphore(%arg36 : memref<!tpu.dma_semaphore, #tpu.memory_space<semaphore_mem>>)
    %dma_start3A_236 = arith.constant 256 : i32
    %dma_start3A_237 = tpu.memref_slice %arg22[%dma_start3A_236] : memref<3072xi32, #tpu.memory_space<vmem>> -> memref<128xi32, #tpu.memory_space<vmem>>
    %dma_start3A_238 = arith.constant 0 : i32
    %dma_start3A_239 = tpu.memref_slice %arg5[%dma_start3A_238] : memref<100000xf32, #tpu.memory_space<hbm>> -> memref<100000xf32, #tpu.memory_space<hbm>>
    tpu.enqueue_indirect_dma source(%dma_start3A_239 : memref<100000xf32, #tpu.memory_space<hbm>>) target(%arg23 : memref<128xf32, #tpu.memory_space<vmem>>) offsets(%dma_start3A_237 : memref<128xi32, #tpu.memory_space<vmem>>) semaphore(%arg38 : memref<!tpu.dma_semaphore, #tpu.memory_space<semaphore_mem>>)
    %dma_wait3A_240 = arith.constant 1 : i32
    %dma_wait3A_241 = arith.constant 0 : i32
    %dma_wait3A_242 = arith.constant 0 : i32
    %dma_wait3A_243 = tpu.memref_slice %arg21[%dma_wait3A_240, %dma_wait3A_241, %dma_wait3A_242] : memref<5x128x64xf32, #tpu.memory_space<vmem>> -> memref<1x128x64xf32, #tpu.memory_space<vmem>>
    %dma_wait3A_244 = tpu.memref_squeeze %dma_wait3A_243 : memref<1x128x64xf32, #tpu.memory_space<vmem>> -> memref<128x64xf32, #tpu.memory_space<vmem>>
    %dma_wait3A_245 = arith.constant 128 : i32
    %dma_wait3A_246 = tpu.memref_slice %arg22[%dma_wait3A_245] : memref<3072xi32, #tpu.memory_space<vmem>> -> memref<128xi32, #tpu.memory_space<vmem>>
    %dma_wait3A_247 = arith.constant 0 : i32
    %dma_wait3A_248 = arith.constant 0 : i32
    %dma_wait3A_249 = tpu.memref_slice %arg2[%dma_wait3A_247, %dma_wait3A_248] : memref<100000x64xf32, #tpu.memory_space<hbm>> -> memref<100000x64xf32, #tpu.memory_space<hbm>>
    tpu.wait_indirect_dma semaphore(%arg37 : memref<!tpu.dma_semaphore, #tpu.memory_space<semaphore_mem>>) src(%dma_wait3A_249 : memref<100000x64xf32, #tpu.memory_space<hbm>>) dst(%dma_wait3A_244 : memref<128x64xf32, #tpu.memory_space<vmem>>)
    %dma_wait3A_250 = arith.constant 640 : i32
    %dma_wait3A_251 = tpu.memref_slice %arg22[%dma_wait3A_250] : memref<3072xi32, #tpu.memory_space<vmem>> -> memref<128xi32, #tpu.memory_space<vmem>>
    %dma_wait3A_252 = arith.constant 0 : i32
    %dma_wait3A_253 = tpu.memref_slice %arg4[%dma_wait3A_252] : memref<100000xf32, #tpu.memory_space<hbm>> -> memref<100000xf32, #tpu.memory_space<hbm>>
    tpu.wait_indirect_dma semaphore(%arg39 : memref<!tpu.dma_semaphore, #tpu.memory_space<semaphore_mem>>) src(%dma_wait3A_253 : memref<100000xf32, #tpu.memory_space<hbm>>) dst(%arg24 : memref<128xf32, #tpu.memory_space<vmem>>)
    %run_scoped3A_254 = arith.constant 1 : i32
    "tpu.region"() ({
      %run_scoped3A_835 = tpu.sem_alloc : memref<!tpu.dma_semaphore, #tpu.memory_space<semaphore_mem>>
      %dma_start3A_836 = arith.constant 0 : i32
      %dma_start3A_837 = arith.constant 0 : i32
      %dma_start3A_838 = tpu.memref_slice %arg21[%run_scoped3A_254, %dma_start3A_836, %dma_start3A_837] : memref<5x128x64xf32, #tpu.memory_space<vmem>> -> memref<1x128x64xf32, #tpu.memory_space<vmem>>
      %dma_start3A_839 = tpu.memref_squeeze %dma_start3A_838 : memref<1x128x64xf32, #tpu.memory_space<vmem>> -> memref<128x64xf32, #tpu.memory_space<vmem>>
      %dma_start3A_840 = arith.constant 0 : i32
      %dma_start3A_841 = tpu.memref_slice %arg14[%add3A_54, %dma_start3A_840] : memref<16384x128xf32, #tpu.memory_space<hbm>> -> memref<128x64xf32, #tpu.memory_space<hbm>>
      %dma_start3A_842 = arith.constant 0 : i32
      %dma_start3A_843 = tpu.memref_slice %arg14[%add3A_54, %dma_start3A_842] : memref<16384x128xf32, #tpu.memory_space<hbm>> -> memref<128x64xf32, #tpu.memory_space<hbm>>
      %dma_start3A_844 = arith.constant 0 : i32
      %dma_start3A_845 = arith.constant 0 : i32
      %dma_start3A_846 = tpu.memref_slice %arg21[%run_scoped3A_254, %dma_start3A_844, %dma_start3A_845] : memref<5x128x64xf32, #tpu.memory_space<vmem>> -> memref<1x128x64xf32, #tpu.memory_space<vmem>>
      %dma_start3A_847 = tpu.memref_squeeze %dma_start3A_846 : memref<1x128x64xf32, #tpu.memory_space<vmem>> -> memref<128x64xf32, #tpu.memory_space<vmem>>
      tpu.enqueue_dma source(%dma_start3A_847 : memref<128x64xf32, #tpu.memory_space<vmem>>) target(%dma_start3A_843 : memref<128x64xf32, #tpu.memory_space<hbm>>) target_semaphore(%run_scoped3A_835 : memref<!tpu.dma_semaphore, #tpu.memory_space<semaphore_mem>>)
      %dma_wait3A_848 = arith.constant 0 : i32
      %dma_wait3A_849 = arith.constant 0 : i32
      %dma_wait3A_850 = tpu.memref_slice %arg21[%run_scoped3A_254, %dma_wait3A_848, %dma_wait3A_849] : memref<5x128x64xf32, #tpu.memory_space<vmem>> -> memref<1x128x64xf32, #tpu.memory_space<vmem>>
      %dma_wait3A_851 = tpu.memref_squeeze %dma_wait3A_850 : memref<1x128x64xf32, #tpu.memory_space<vmem>> -> memref<128x64xf32, #tpu.memory_space<vmem>>
      %dma_wait3A_852 = arith.constant 0 : i32
      %dma_wait3A_853 = tpu.memref_slice %arg14[%add3A_54, %dma_wait3A_852] : memref<16384x128xf32, #tpu.memory_space<hbm>> -> memref<128x64xf32, #tpu.memory_space<hbm>>
      %dma_wait3A_854 = arith.constant 0 : i32
      %dma_wait3A_855 = tpu.memref_slice %arg14[%add3A_54, %dma_wait3A_854] : memref<16384x128xf32, #tpu.memory_space<hbm>> -> memref<128x64xf32, #tpu.memory_space<hbm>>
      %dma_wait3A_856 = arith.constant 0 : i32
      %dma_wait3A_857 = arith.constant 0 : i32
      %dma_wait3A_858 = tpu.memref_slice %arg21[%run_scoped3A_254, %dma_wait3A_856, %dma_wait3A_857] : memref<5x128x64xf32, #tpu.memory_space<vmem>> -> memref<1x128x64xf32, #tpu.memory_space<vmem>>
      %dma_wait3A_859 = tpu.memref_squeeze %dma_wait3A_858 : memref<1x128x64xf32, #tpu.memory_space<vmem>> -> memref<128x64xf32, #tpu.memory_space<vmem>>
      tpu.wait_dma2 semaphore(%run_scoped3A_835 : memref<!tpu.dma_semaphore, #tpu.memory_space<semaphore_mem>>) src(%dma_wait3A_859 : memref<128x64xf32, #tpu.memory_space<vmem>>) dst(%dma_wait3A_855 : memref<128x64xf32, #tpu.memory_space<hbm>>)
      tpu.yield
    }) : () -> ()
    "tpu.region"() ({
      %run_scoped3A_835 = tpu.sem_alloc : memref<!tpu.dma_semaphore, #tpu.memory_space<semaphore_mem>>
      %dma_start3A_836 = tpu.memref_slice %arg16[%add3A_54] : memref<16384xf32, #tpu.memory_space<hbm>> -> memref<128xf32, #tpu.memory_space<hbm>>
      %dma_start3A_837 = tpu.memref_slice %arg16[%add3A_54] : memref<16384xf32, #tpu.memory_space<hbm>> -> memref<128xf32, #tpu.memory_space<hbm>>
      tpu.enqueue_dma source(%arg24 : memref<128xf32, #tpu.memory_space<vmem>>) target(%dma_start3A_837 : memref<128xf32, #tpu.memory_space<hbm>>) target_semaphore(%run_scoped3A_835 : memref<!tpu.dma_semaphore, #tpu.memory_space<semaphore_mem>>)
      %dma_wait3A_838 = tpu.memref_slice %arg16[%add3A_54] : memref<16384xf32, #tpu.memory_space<hbm>> -> memref<128xf32, #tpu.memory_space<hbm>>
      %dma_wait3A_839 = tpu.memref_slice %arg16[%add3A_54] : memref<16384xf32, #tpu.memory_space<hbm>> -> memref<128xf32, #tpu.memory_space<hbm>>
      tpu.wait_dma2 semaphore(%run_scoped3A_835 : memref<!tpu.dma_semaphore, #tpu.memory_space<semaphore_mem>>) src(%arg24 : memref<128xf32, #tpu.memory_space<vmem>>) dst(%dma_wait3A_839 : memref<128xf32, #tpu.memory_space<hbm>>)
      tpu.yield
    }) : () -> ()
    %dma_start3A_255 = arith.constant 1 : i32
    %dma_start3A_256 = arith.constant 0 : i32
    %dma_start3A_257 = arith.constant 0 : i32
    %dma_start3A_258 = tpu.memref_slice %arg21[%dma_start3A_255, %dma_start3A_256, %dma_start3A_257] : memref<5x128x64xf32, #tpu.memory_space<vmem>> -> memref<1x128x64xf32, #tpu.memory_space<vmem>>
    %dma_start3A_259 = tpu.memref_squeeze %dma_start3A_258 : memref<1x128x64xf32, #tpu.memory_space<vmem>> -> memref<128x64xf32, #tpu.memory_space<vmem>>
    %dma_start3A_260 = arith.constant 256 : i32
    %dma_start3A_261 = tpu.memref_slice %arg22[%dma_start3A_260] : memref<3072xi32, #tpu.memory_space<vmem>> -> memref<128xi32, #tpu.memory_space<vmem>>
    %dma_start3A_262 = arith.constant 0 : i32
    %dma_start3A_263 = arith.constant 0 : i32
    %dma_start3A_264 = tpu.memref_slice %arg2[%dma_start3A_262, %dma_start3A_263] : memref<100000x64xf32, #tpu.memory_space<hbm>> -> memref<100000x64xf32, #tpu.memory_space<hbm>>
    tpu.enqueue_indirect_dma source(%dma_start3A_264 : memref<100000x64xf32, #tpu.memory_space<hbm>>) target(%dma_start3A_259 : memref<128x64xf32, #tpu.memory_space<vmem>>) offsets(%dma_start3A_261 : memref<128xi32, #tpu.memory_space<vmem>>) semaphore(%arg37 : memref<!tpu.dma_semaphore, #tpu.memory_space<semaphore_mem>>)
    %dma_start3A_265 = arith.constant 768 : i32
    %dma_start3A_266 = tpu.memref_slice %arg22[%dma_start3A_265] : memref<3072xi32, #tpu.memory_space<vmem>> -> memref<128xi32, #tpu.memory_space<vmem>>
    %dma_start3A_267 = arith.constant 0 : i32
    %dma_start3A_268 = tpu.memref_slice %arg4[%dma_start3A_267] : memref<100000xf32, #tpu.memory_space<hbm>> -> memref<100000xf32, #tpu.memory_space<hbm>>
    tpu.enqueue_indirect_dma source(%dma_start3A_268 : memref<100000xf32, #tpu.memory_space<hbm>>) target(%arg24 : memref<128xf32, #tpu.memory_space<vmem>>) offsets(%dma_start3A_266 : memref<128xi32, #tpu.memory_space<vmem>>) semaphore(%arg39 : memref<!tpu.dma_semaphore, #tpu.memory_space<semaphore_mem>>)
    %dma_wait3A_269 = arith.constant 0 : i32
    %dma_wait3A_270 = arith.constant 0 : i32
    %dma_wait3A_271 = arith.constant 0 : i32
    %dma_wait3A_272 = tpu.memref_slice %arg21[%dma_wait3A_269, %dma_wait3A_270, %dma_wait3A_271] : memref<5x128x64xf32, #tpu.memory_space<vmem>> -> memref<1x128x64xf32, #tpu.memory_space<vmem>>
    %dma_wait3A_273 = tpu.memref_squeeze %dma_wait3A_272 : memref<1x128x64xf32, #tpu.memory_space<vmem>> -> memref<128x64xf32, #tpu.memory_space<vmem>>
    %dma_wait3A_274 = arith.constant 256 : i32
    %dma_wait3A_275 = tpu.memref_slice %arg22[%dma_wait3A_274] : memref<3072xi32, #tpu.memory_space<vmem>> -> memref<128xi32, #tpu.memory_space<vmem>>
    %dma_wait3A_276 = arith.constant 0 : i32
    %dma_wait3A_277 = arith.constant 0 : i32
    %dma_wait3A_278 = tpu.memref_slice %arg3[%dma_wait3A_276, %dma_wait3A_277] : memref<100000x64xf32, #tpu.memory_space<hbm>> -> memref<100000x64xf32, #tpu.memory_space<hbm>>
    tpu.wait_indirect_dma semaphore(%arg36 : memref<!tpu.dma_semaphore, #tpu.memory_space<semaphore_mem>>) src(%dma_wait3A_278 : memref<100000x64xf32, #tpu.memory_space<hbm>>) dst(%dma_wait3A_273 : memref<128x64xf32, #tpu.memory_space<vmem>>)
    %dma_wait3A_279 = arith.constant 256 : i32
    %dma_wait3A_280 = tpu.memref_slice %arg22[%dma_wait3A_279] : memref<3072xi32, #tpu.memory_space<vmem>> -> memref<128xi32, #tpu.memory_space<vmem>>
    %dma_wait3A_281 = arith.constant 0 : i32
    %dma_wait3A_282 = tpu.memref_slice %arg5[%dma_wait3A_281] : memref<100000xf32, #tpu.memory_space<hbm>> -> memref<100000xf32, #tpu.memory_space<hbm>>
    tpu.wait_indirect_dma semaphore(%arg38 : memref<!tpu.dma_semaphore, #tpu.memory_space<semaphore_mem>>) src(%dma_wait3A_282 : memref<100000xf32, #tpu.memory_space<hbm>>) dst(%arg23 : memref<128xf32, #tpu.memory_space<vmem>>)
    %run_scoped3A_283 = arith.constant 0 : i32
    "tpu.region"() ({
      %run_scoped3A_835 = tpu.sem_alloc : memref<!tpu.dma_semaphore, #tpu.memory_space<semaphore_mem>>
      %dma_start3A_836 = arith.constant 0 : i32
      %dma_start3A_837 = arith.constant 0 : i32
      %dma_start3A_838 = tpu.memref_slice %arg21[%run_scoped3A_283, %dma_start3A_836, %dma_start3A_837] : memref<5x128x64xf32, #tpu.memory_space<vmem>> -> memref<1x128x64xf32, #tpu.memory_space<vmem>>
      %dma_start3A_839 = tpu.memref_squeeze %dma_start3A_838 : memref<1x128x64xf32, #tpu.memory_space<vmem>> -> memref<128x64xf32, #tpu.memory_space<vmem>>
      %dma_start3A_840 = arith.constant 0 : i32
      %dma_start3A_841 = tpu.memref_slice %arg13[%add3A_58, %dma_start3A_840] : memref<16384x128xf32, #tpu.memory_space<hbm>> -> memref<128x64xf32, #tpu.memory_space<hbm>>
      %dma_start3A_842 = arith.constant 0 : i32
      %dma_start3A_843 = tpu.memref_slice %arg13[%add3A_58, %dma_start3A_842] : memref<16384x128xf32, #tpu.memory_space<hbm>> -> memref<128x64xf32, #tpu.memory_space<hbm>>
      %dma_start3A_844 = arith.constant 0 : i32
      %dma_start3A_845 = arith.constant 0 : i32
      %dma_start3A_846 = tpu.memref_slice %arg21[%run_scoped3A_283, %dma_start3A_844, %dma_start3A_845] : memref<5x128x64xf32, #tpu.memory_space<vmem>> -> memref<1x128x64xf32, #tpu.memory_space<vmem>>
      %dma_start3A_847 = tpu.memref_squeeze %dma_start3A_846 : memref<1x128x64xf32, #tpu.memory_space<vmem>> -> memref<128x64xf32, #tpu.memory_space<vmem>>
      tpu.enqueue_dma source(%dma_start3A_847 : memref<128x64xf32, #tpu.memory_space<vmem>>) target(%dma_start3A_843 : memref<128x64xf32, #tpu.memory_space<hbm>>) target_semaphore(%run_scoped3A_835 : memref<!tpu.dma_semaphore, #tpu.memory_space<semaphore_mem>>)
      %dma_wait3A_848 = arith.constant 0 : i32
      %dma_wait3A_849 = arith.constant 0 : i32
      %dma_wait3A_850 = tpu.memref_slice %arg21[%run_scoped3A_283, %dma_wait3A_848, %dma_wait3A_849] : memref<5x128x64xf32, #tpu.memory_space<vmem>> -> memref<1x128x64xf32, #tpu.memory_space<vmem>>
      %dma_wait3A_851 = tpu.memref_squeeze %dma_wait3A_850 : memref<1x128x64xf32, #tpu.memory_space<vmem>> -> memref<128x64xf32, #tpu.memory_space<vmem>>
      %dma_wait3A_852 = arith.constant 0 : i32
      %dma_wait3A_853 = tpu.memref_slice %arg13[%add3A_58, %dma_wait3A_852] : memref<16384x128xf32, #tpu.memory_space<hbm>> -> memref<128x64xf32, #tpu.memory_space<hbm>>
      %dma_wait3A_854 = arith.constant 0 : i32
      %dma_wait3A_855 = tpu.memref_slice %arg13[%add3A_58, %dma_wait3A_854] : memref<16384x128xf32, #tpu.memory_space<hbm>> -> memref<128x64xf32, #tpu.memory_space<hbm>>
      %dma_wait3A_856 = arith.constant 0 : i32
      %dma_wait3A_857 = arith.constant 0 : i32
      %dma_wait3A_858 = tpu.memref_slice %arg21[%run_scoped3A_283, %dma_wait3A_856, %dma_wait3A_857] : memref<5x128x64xf32, #tpu.memory_space<vmem>> -> memref<1x128x64xf32, #tpu.memory_space<vmem>>
      %dma_wait3A_859 = tpu.memref_squeeze %dma_wait3A_858 : memref<1x128x64xf32, #tpu.memory_space<vmem>> -> memref<128x64xf32, #tpu.memory_space<vmem>>
      tpu.wait_dma2 semaphore(%run_scoped3A_835 : memref<!tpu.dma_semaphore, #tpu.memory_space<semaphore_mem>>) src(%dma_wait3A_859 : memref<128x64xf32, #tpu.memory_space<vmem>>) dst(%dma_wait3A_855 : memref<128x64xf32, #tpu.memory_space<hbm>>)
      tpu.yield
    }) : () -> ()
    "tpu.region"() ({
      %run_scoped3A_835 = tpu.sem_alloc : memref<!tpu.dma_semaphore, #tpu.memory_space<semaphore_mem>>
      %dma_start3A_836 = tpu.memref_slice %arg17[%add3A_58] : memref<16384xf32, #tpu.memory_space<hbm>> -> memref<128xf32, #tpu.memory_space<hbm>>
      %dma_start3A_837 = tpu.memref_slice %arg17[%add3A_58] : memref<16384xf32, #tpu.memory_space<hbm>> -> memref<128xf32, #tpu.memory_space<hbm>>
      tpu.enqueue_dma source(%arg23 : memref<128xf32, #tpu.memory_space<vmem>>) target(%dma_start3A_837 : memref<128xf32, #tpu.memory_space<hbm>>) target_semaphore(%run_scoped3A_835 : memref<!tpu.dma_semaphore, #tpu.memory_space<semaphore_mem>>)
      %dma_wait3A_838 = tpu.memref_slice %arg17[%add3A_58] : memref<16384xf32, #tpu.memory_space<hbm>> -> memref<128xf32, #tpu.memory_space<hbm>>
      %dma_wait3A_839 = tpu.memref_slice %arg17[%add3A_58] : memref<16384xf32, #tpu.memory_space<hbm>> -> memref<128xf32, #tpu.memory_space<hbm>>
      tpu.wait_dma2 semaphore(%run_scoped3A_835 : memref<!tpu.dma_semaphore, #tpu.memory_space<semaphore_mem>>) src(%arg23 : memref<128xf32, #tpu.memory_space<vmem>>) dst(%dma_wait3A_839 : memref<128xf32, #tpu.memory_space<hbm>>)
      tpu.yield
    }) : () -> ()
    %dma_start3A_284 = arith.constant 0 : i32
    %dma_start3A_285 = arith.constant 0 : i32
    %dma_start3A_286 = arith.constant 0 : i32
    %dma_start3A_287 = tpu.memref_slice %arg21[%dma_start3A_284, %dma_start3A_285, %dma_start3A_286] : memref<5x128x64xf32, #tpu.memory_space<vmem>> -> memref<1x128x64xf32, #tpu.memory_space<vmem>>
    %dma_start3A_288 = tpu.memref_squeeze %dma_start3A_287 : memref<1x128x64xf32, #tpu.memory_space<vmem>> -> memref<128x64xf32, #tpu.memory_space<vmem>>
    %dma_start3A_289 = arith.constant 384 : i32
    %dma_start3A_290 = tpu.memref_slice %arg22[%dma_start3A_289] : memref<3072xi32, #tpu.memory_space<vmem>> -> memref<128xi32, #tpu.memory_space<vmem>>
    %dma_start3A_291 = arith.constant 0 : i32
    %dma_start3A_292 = arith.constant 0 : i32
    %dma_start3A_293 = tpu.memref_slice %arg3[%dma_start3A_291, %dma_start3A_292] : memref<100000x64xf32, #tpu.memory_space<hbm>> -> memref<100000x64xf32, #tpu.memory_space<hbm>>
    tpu.enqueue_indirect_dma source(%dma_start3A_293 : memref<100000x64xf32, #tpu.memory_space<hbm>>) target(%dma_start3A_288 : memref<128x64xf32, #tpu.memory_space<vmem>>) offsets(%dma_start3A_290 : memref<128xi32, #tpu.memory_space<vmem>>) semaphore(%arg36 : memref<!tpu.dma_semaphore, #tpu.memory_space<semaphore_mem>>)
    %dma_start3A_294 = arith.constant 384 : i32
    %dma_start3A_295 = tpu.memref_slice %arg22[%dma_start3A_294] : memref<3072xi32, #tpu.memory_space<vmem>> -> memref<128xi32, #tpu.memory_space<vmem>>
    %dma_start3A_296 = arith.constant 0 : i32
    %dma_start3A_297 = tpu.memref_slice %arg5[%dma_start3A_296] : memref<100000xf32, #tpu.memory_space<hbm>> -> memref<100000xf32, #tpu.memory_space<hbm>>
    tpu.enqueue_indirect_dma source(%dma_start3A_297 : memref<100000xf32, #tpu.memory_space<hbm>>) target(%arg23 : memref<128xf32, #tpu.memory_space<vmem>>) offsets(%dma_start3A_295 : memref<128xi32, #tpu.memory_space<vmem>>) semaphore(%arg38 : memref<!tpu.dma_semaphore, #tpu.memory_space<semaphore_mem>>)
    %dma_wait3A_298 = arith.constant 1 : i32
    %dma_wait3A_299 = arith.constant 0 : i32
    %dma_wait3A_300 = arith.constant 0 : i32
    %dma_wait3A_301 = tpu.memref_slice %arg21[%dma_wait3A_298, %dma_wait3A_299, %dma_wait3A_300] : memref<5x128x64xf32, #tpu.memory_space<vmem>> -> memref<1x128x64xf32, #tpu.memory_space<vmem>>
    %dma_wait3A_302 = tpu.memref_squeeze %dma_wait3A_301 : memref<1x128x64xf32, #tpu.memory_space<vmem>> -> memref<128x64xf32, #tpu.memory_space<vmem>>
    %dma_wait3A_303 = arith.constant 256 : i32
    %dma_wait3A_304 = tpu.memref_slice %arg22[%dma_wait3A_303] : memref<3072xi32, #tpu.memory_space<vmem>> -> memref<128xi32, #tpu.memory_space<vmem>>
    %dma_wait3A_305 = arith.constant 0 : i32
    %dma_wait3A_306 = arith.constant 0 : i32
    %dma_wait3A_307 = tpu.memref_slice %arg2[%dma_wait3A_305, %dma_wait3A_306] : memref<100000x64xf32, #tpu.memory_space<hbm>> -> memref<100000x64xf32, #tpu.memory_space<hbm>>
    tpu.wait_indirect_dma semaphore(%arg37 : memref<!tpu.dma_semaphore, #tpu.memory_space<semaphore_mem>>) src(%dma_wait3A_307 : memref<100000x64xf32, #tpu.memory_space<hbm>>) dst(%dma_wait3A_302 : memref<128x64xf32, #tpu.memory_space<vmem>>)
    %dma_wait3A_308 = arith.constant 768 : i32
    %dma_wait3A_309 = tpu.memref_slice %arg22[%dma_wait3A_308] : memref<3072xi32, #tpu.memory_space<vmem>> -> memref<128xi32, #tpu.memory_space<vmem>>
    %dma_wait3A_310 = arith.constant 0 : i32
    %dma_wait3A_311 = tpu.memref_slice %arg4[%dma_wait3A_310] : memref<100000xf32, #tpu.memory_space<hbm>> -> memref<100000xf32, #tpu.memory_space<hbm>>
    tpu.wait_indirect_dma semaphore(%arg39 : memref<!tpu.dma_semaphore, #tpu.memory_space<semaphore_mem>>) src(%dma_wait3A_311 : memref<100000xf32, #tpu.memory_space<hbm>>) dst(%arg24 : memref<128xf32, #tpu.memory_space<vmem>>)
    %run_scoped3A_312 = arith.constant 1 : i32
    "tpu.region"() ({
      %run_scoped3A_835 = tpu.sem_alloc : memref<!tpu.dma_semaphore, #tpu.memory_space<semaphore_mem>>
      %dma_start3A_836 = arith.constant 0 : i32
      %dma_start3A_837 = arith.constant 0 : i32
      %dma_start3A_838 = tpu.memref_slice %arg21[%run_scoped3A_312, %dma_start3A_836, %dma_start3A_837] : memref<5x128x64xf32, #tpu.memory_space<vmem>> -> memref<1x128x64xf32, #tpu.memory_space<vmem>>
      %dma_start3A_839 = tpu.memref_squeeze %dma_start3A_838 : memref<1x128x64xf32, #tpu.memory_space<vmem>> -> memref<128x64xf32, #tpu.memory_space<vmem>>
      %dma_start3A_840 = arith.constant 0 : i32
      %dma_start3A_841 = tpu.memref_slice %arg14[%add3A_58, %dma_start3A_840] : memref<16384x128xf32, #tpu.memory_space<hbm>> -> memref<128x64xf32, #tpu.memory_space<hbm>>
      %dma_start3A_842 = arith.constant 0 : i32
      %dma_start3A_843 = tpu.memref_slice %arg14[%add3A_58, %dma_start3A_842] : memref<16384x128xf32, #tpu.memory_space<hbm>> -> memref<128x64xf32, #tpu.memory_space<hbm>>
      %dma_start3A_844 = arith.constant 0 : i32
      %dma_start3A_845 = arith.constant 0 : i32
      %dma_start3A_846 = tpu.memref_slice %arg21[%run_scoped3A_312, %dma_start3A_844, %dma_start3A_845] : memref<5x128x64xf32, #tpu.memory_space<vmem>> -> memref<1x128x64xf32, #tpu.memory_space<vmem>>
      %dma_start3A_847 = tpu.memref_squeeze %dma_start3A_846 : memref<1x128x64xf32, #tpu.memory_space<vmem>> -> memref<128x64xf32, #tpu.memory_space<vmem>>
      tpu.enqueue_dma source(%dma_start3A_847 : memref<128x64xf32, #tpu.memory_space<vmem>>) target(%dma_start3A_843 : memref<128x64xf32, #tpu.memory_space<hbm>>) target_semaphore(%run_scoped3A_835 : memref<!tpu.dma_semaphore, #tpu.memory_space<semaphore_mem>>)
      %dma_wait3A_848 = arith.constant 0 : i32
      %dma_wait3A_849 = arith.constant 0 : i32
      %dma_wait3A_850 = tpu.memref_slice %arg21[%run_scoped3A_312, %dma_wait3A_848, %dma_wait3A_849] : memref<5x128x64xf32, #tpu.memory_space<vmem>> -> memref<1x128x64xf32, #tpu.memory_space<vmem>>
      %dma_wait3A_851 = tpu.memref_squeeze %dma_wait3A_850 : memref<1x128x64xf32, #tpu.memory_space<vmem>> -> memref<128x64xf32, #tpu.memory_space<vmem>>
      %dma_wait3A_852 = arith.constant 0 : i32
      %dma_wait3A_853 = tpu.memref_slice %arg14[%add3A_58, %dma_wait3A_852] : memref<16384x128xf32, #tpu.memory_space<hbm>> -> memref<128x64xf32, #tpu.memory_space<hbm>>
      %dma_wait3A_854 = arith.constant 0 : i32
      %dma_wait3A_855 = tpu.memref_slice %arg14[%add3A_58, %dma_wait3A_854] : memref<16384x128xf32, #tpu.memory_space<hbm>> -> memref<128x64xf32, #tpu.memory_space<hbm>>
      %dma_wait3A_856 = arith.constant 0 : i32
      %dma_wait3A_857 = arith.constant 0 : i32
      %dma_wait3A_858 = tpu.memref_slice %arg21[%run_scoped3A_312, %dma_wait3A_856, %dma_wait3A_857] : memref<5x128x64xf32, #tpu.memory_space<vmem>> -> memref<1x128x64xf32, #tpu.memory_space<vmem>>
      %dma_wait3A_859 = tpu.memref_squeeze %dma_wait3A_858 : memref<1x128x64xf32, #tpu.memory_space<vmem>> -> memref<128x64xf32, #tpu.memory_space<vmem>>
      tpu.wait_dma2 semaphore(%run_scoped3A_835 : memref<!tpu.dma_semaphore, #tpu.memory_space<semaphore_mem>>) src(%dma_wait3A_859 : memref<128x64xf32, #tpu.memory_space<vmem>>) dst(%dma_wait3A_855 : memref<128x64xf32, #tpu.memory_space<hbm>>)
      tpu.yield
    }) : () -> ()
    "tpu.region"() ({
      %run_scoped3A_835 = tpu.sem_alloc : memref<!tpu.dma_semaphore, #tpu.memory_space<semaphore_mem>>
      %dma_start3A_836 = tpu.memref_slice %arg16[%add3A_58] : memref<16384xf32, #tpu.memory_space<hbm>> -> memref<128xf32, #tpu.memory_space<hbm>>
      %dma_start3A_837 = tpu.memref_slice %arg16[%add3A_58] : memref<16384xf32, #tpu.memory_space<hbm>> -> memref<128xf32, #tpu.memory_space<hbm>>
      tpu.enqueue_dma source(%arg24 : memref<128xf32, #tpu.memory_space<vmem>>) target(%dma_start3A_837 : memref<128xf32, #tpu.memory_space<hbm>>) target_semaphore(%run_scoped3A_835 : memref<!tpu.dma_semaphore, #tpu.memory_space<semaphore_mem>>)
      %dma_wait3A_838 = tpu.memref_slice %arg16[%add3A_58] : memref<16384xf32, #tpu.memory_space<hbm>> -> memref<128xf32, #tpu.memory_space<hbm>>
      %dma_wait3A_839 = tpu.memref_slice %arg16[%add3A_58] : memref<16384xf32, #tpu.memory_space<hbm>> -> memref<128xf32, #tpu.memory_space<hbm>>
      tpu.wait_dma2 semaphore(%run_scoped3A_835 : memref<!tpu.dma_semaphore, #tpu.memory_space<semaphore_mem>>) src(%arg24 : memref<128xf32, #tpu.memory_space<vmem>>) dst(%dma_wait3A_839 : memref<128xf32, #tpu.memory_space<hbm>>)
      tpu.yield
    }) : () -> ()
    %dma_start3A_313 = arith.constant 1 : i32
    %dma_start3A_314 = arith.constant 0 : i32
    %dma_start3A_315 = arith.constant 0 : i32
    %dma_start3A_316 = tpu.memref_slice %arg21[%dma_start3A_313, %dma_start3A_314, %dma_start3A_315] : memref<5x128x64xf32, #tpu.memory_space<vmem>> -> memref<1x128x64xf32, #tpu.memory_space<vmem>>
    %dma_start3A_317 = tpu.memref_squeeze %dma_start3A_316 : memref<1x128x64xf32, #tpu.memory_space<vmem>> -> memref<128x64xf32, #tpu.memory_space<vmem>>
    %dma_start3A_318 = arith.constant 384 : i32
    %dma_start3A_319 = tpu.memref_slice %arg22[%dma_start3A_318] : memref<3072xi32, #tpu.memory_space<vmem>> -> memref<128xi32, #tpu.memory_space<vmem>>
    %dma_start3A_320 = arith.constant 0 : i32
    %dma_start3A_321 = arith.constant 0 : i32
    %dma_start3A_322 = tpu.memref_slice %arg2[%dma_start3A_320, %dma_start3A_321] : memref<100000x64xf32, #tpu.memory_space<hbm>> -> memref<100000x64xf32, #tpu.memory_space<hbm>>
    tpu.enqueue_indirect_dma source(%dma_start3A_322 : memref<100000x64xf32, #tpu.memory_space<hbm>>) target(%dma_start3A_317 : memref<128x64xf32, #tpu.memory_space<vmem>>) offsets(%dma_start3A_319 : memref<128xi32, #tpu.memory_space<vmem>>) semaphore(%arg37 : memref<!tpu.dma_semaphore, #tpu.memory_space<semaphore_mem>>)
    %dma_start3A_323 = arith.constant 896 : i32
    %dma_start3A_324 = tpu.memref_slice %arg22[%dma_start3A_323] : memref<3072xi32, #tpu.memory_space<vmem>> -> memref<128xi32, #tpu.memory_space<vmem>>
    %dma_start3A_325 = arith.constant 0 : i32
    %dma_start3A_326 = tpu.memref_slice %arg4[%dma_start3A_325] : memref<100000xf32, #tpu.memory_space<hbm>> -> memref<100000xf32, #tpu.memory_space<hbm>>
    tpu.enqueue_indirect_dma source(%dma_start3A_326 : memref<100000xf32, #tpu.memory_space<hbm>>) target(%arg24 : memref<128xf32, #tpu.memory_space<vmem>>) offsets(%dma_start3A_324 : memref<128xi32, #tpu.memory_space<vmem>>) semaphore(%arg39 : memref<!tpu.dma_semaphore, #tpu.memory_space<semaphore_mem>>)
    %dma_wait3A_327 = arith.constant 0 : i32
    %dma_wait3A_328 = arith.constant 0 : i32
    %dma_wait3A_329 = arith.constant 0 : i32
    %dma_wait3A_330 = tpu.memref_slice %arg21[%dma_wait3A_327, %dma_wait3A_328, %dma_wait3A_329] : memref<5x128x64xf32, #tpu.memory_space<vmem>> -> memref<1x128x64xf32, #tpu.memory_space<vmem>>
    %dma_wait3A_331 = tpu.memref_squeeze %dma_wait3A_330 : memref<1x128x64xf32, #tpu.memory_space<vmem>> -> memref<128x64xf32, #tpu.memory_space<vmem>>
    %dma_wait3A_332 = arith.constant 384 : i32
    %dma_wait3A_333 = tpu.memref_slice %arg22[%dma_wait3A_332] : memref<3072xi32, #tpu.memory_space<vmem>> -> memref<128xi32, #tpu.memory_space<vmem>>
    %dma_wait3A_334 = arith.constant 0 : i32
    %dma_wait3A_335 = arith.constant 0 : i32
    %dma_wait3A_336 = tpu.memref_slice %arg3[%dma_wait3A_334, %dma_wait3A_335] : memref<100000x64xf32, #tpu.memory_space<hbm>> -> memref<100000x64xf32, #tpu.memory_space<hbm>>
    tpu.wait_indirect_dma semaphore(%arg36 : memref<!tpu.dma_semaphore, #tpu.memory_space<semaphore_mem>>) src(%dma_wait3A_336 : memref<100000x64xf32, #tpu.memory_space<hbm>>) dst(%dma_wait3A_331 : memref<128x64xf32, #tpu.memory_space<vmem>>)
    %dma_wait3A_337 = arith.constant 384 : i32
    %dma_wait3A_338 = tpu.memref_slice %arg22[%dma_wait3A_337] : memref<3072xi32, #tpu.memory_space<vmem>> -> memref<128xi32, #tpu.memory_space<vmem>>
    %dma_wait3A_339 = arith.constant 0 : i32
    %dma_wait3A_340 = tpu.memref_slice %arg5[%dma_wait3A_339] : memref<100000xf32, #tpu.memory_space<hbm>> -> memref<100000xf32, #tpu.memory_space<hbm>>
    tpu.wait_indirect_dma semaphore(%arg38 : memref<!tpu.dma_semaphore, #tpu.memory_space<semaphore_mem>>) src(%dma_wait3A_340 : memref<100000xf32, #tpu.memory_space<hbm>>) dst(%arg23 : memref<128xf32, #tpu.memory_space<vmem>>)
    %run_scoped3A_341 = arith.constant 0 : i32
    "tpu.region"() ({
      %run_scoped3A_835 = tpu.sem_alloc : memref<!tpu.dma_semaphore, #tpu.memory_space<semaphore_mem>>
      %dma_start3A_836 = arith.constant 0 : i32
      %dma_start3A_837 = arith.constant 0 : i32
      %dma_start3A_838 = tpu.memref_slice %arg21[%run_scoped3A_341, %dma_start3A_836, %dma_start3A_837] : memref<5x128x64xf32, #tpu.memory_space<vmem>> -> memref<1x128x64xf32, #tpu.memory_space<vmem>>
      %dma_start3A_839 = tpu.memref_squeeze %dma_start3A_838 : memref<1x128x64xf32, #tpu.memory_space<vmem>> -> memref<128x64xf32, #tpu.memory_space<vmem>>
      %dma_start3A_840 = arith.constant 0 : i32
      %dma_start3A_841 = tpu.memref_slice %arg13[%add3A_62, %dma_start3A_840] : memref<16384x128xf32, #tpu.memory_space<hbm>> -> memref<128x64xf32, #tpu.memory_space<hbm>>
      %dma_start3A_842 = arith.constant 0 : i32
      %dma_start3A_843 = tpu.memref_slice %arg13[%add3A_62, %dma_start3A_842] : memref<16384x128xf32, #tpu.memory_space<hbm>> -> memref<128x64xf32, #tpu.memory_space<hbm>>
      %dma_start3A_844 = arith.constant 0 : i32
      %dma_start3A_845 = arith.constant 0 : i32
      %dma_start3A_846 = tpu.memref_slice %arg21[%run_scoped3A_341, %dma_start3A_844, %dma_start3A_845] : memref<5x128x64xf32, #tpu.memory_space<vmem>> -> memref<1x128x64xf32, #tpu.memory_space<vmem>>
      %dma_start3A_847 = tpu.memref_squeeze %dma_start3A_846 : memref<1x128x64xf32, #tpu.memory_space<vmem>> -> memref<128x64xf32, #tpu.memory_space<vmem>>
      tpu.enqueue_dma source(%dma_start3A_847 : memref<128x64xf32, #tpu.memory_space<vmem>>) target(%dma_start3A_843 : memref<128x64xf32, #tpu.memory_space<hbm>>) target_semaphore(%run_scoped3A_835 : memref<!tpu.dma_semaphore, #tpu.memory_space<semaphore_mem>>)
      %dma_wait3A_848 = arith.constant 0 : i32
      %dma_wait3A_849 = arith.constant 0 : i32
      %dma_wait3A_850 = tpu.memref_slice %arg21[%run_scoped3A_341, %dma_wait3A_848, %dma_wait3A_849] : memref<5x128x64xf32, #tpu.memory_space<vmem>> -> memref<1x128x64xf32, #tpu.memory_space<vmem>>
      %dma_wait3A_851 = tpu.memref_squeeze %dma_wait3A_850 : memref<1x128x64xf32, #tpu.memory_space<vmem>> -> memref<128x64xf32, #tpu.memory_space<vmem>>
      %dma_wait3A_852 = arith.constant 0 : i32
      %dma_wait3A_853 = tpu.memref_slice %arg13[%add3A_62, %dma_wait3A_852] : memref<16384x128xf32, #tpu.memory_space<hbm>> -> memref<128x64xf32, #tpu.memory_space<hbm>>
      %dma_wait3A_854 = arith.constant 0 : i32
      %dma_wait3A_855 = tpu.memref_slice %arg13[%add3A_62, %dma_wait3A_854] : memref<16384x128xf32, #tpu.memory_space<hbm>> -> memref<128x64xf32, #tpu.memory_space<hbm>>
      %dma_wait3A_856 = arith.constant 0 : i32
      %dma_wait3A_857 = arith.constant 0 : i32
      %dma_wait3A_858 = tpu.memref_slice %arg21[%run_scoped3A_341, %dma_wait3A_856, %dma_wait3A_857] : memref<5x128x64xf32, #tpu.memory_space<vmem>> -> memref<1x128x64xf32, #tpu.memory_space<vmem>>
      %dma_wait3A_859 = tpu.memref_squeeze %dma_wait3A_858 : memref<1x128x64xf32, #tpu.memory_space<vmem>> -> memref<128x64xf32, #tpu.memory_space<vmem>>
      tpu.wait_dma2 semaphore(%run_scoped3A_835 : memref<!tpu.dma_semaphore, #tpu.memory_space<semaphore_mem>>) src(%dma_wait3A_859 : memref<128x64xf32, #tpu.memory_space<vmem>>) dst(%dma_wait3A_855 : memref<128x64xf32, #tpu.memory_space<hbm>>)
      tpu.yield
    }) : () -> ()
    "tpu.region"() ({
      %run_scoped3A_835 = tpu.sem_alloc : memref<!tpu.dma_semaphore, #tpu.memory_space<semaphore_mem>>
      %dma_start3A_836 = tpu.memref_slice %arg17[%add3A_62] : memref<16384xf32, #tpu.memory_space<hbm>> -> memref<128xf32, #tpu.memory_space<hbm>>
      %dma_start3A_837 = tpu.memref_slice %arg17[%add3A_62] : memref<16384xf32, #tpu.memory_space<hbm>> -> memref<128xf32, #tpu.memory_space<hbm>>
      tpu.enqueue_dma source(%arg23 : memref<128xf32, #tpu.memory_space<vmem>>) target(%dma_start3A_837 : memref<128xf32, #tpu.memory_space<hbm>>) target_semaphore(%run_scoped3A_835 : memref<!tpu.dma_semaphore, #tpu.memory_space<semaphore_mem>>)
      %dma_wait3A_838 = tpu.memref_slice %arg17[%add3A_62] : memref<16384xf32, #tpu.memory_space<hbm>> -> memref<128xf32, #tpu.memory_space<hbm>>
      %dma_wait3A_839 = tpu.memref_slice %arg17[%add3A_62] : memref<16384xf32, #tpu.memory_space<hbm>> -> memref<128xf32, #tpu.memory_space<hbm>>
      tpu.wait_dma2 semaphore(%run_scoped3A_835 : memref<!tpu.dma_semaphore, #tpu.memory_space<semaphore_mem>>) src(%arg23 : memref<128xf32, #tpu.memory_space<vmem>>) dst(%dma_wait3A_839 : memref<128xf32, #tpu.memory_space<hbm>>)
      tpu.yield
    }) : () -> ()
    %dma_start3A_342 = arith.constant 0 : i32
    %dma_start3A_343 = arith.constant 0 : i32
    %dma_start3A_344 = arith.constant 0 : i32
    %dma_start3A_345 = tpu.memref_slice %arg21[%dma_start3A_342, %dma_start3A_343, %dma_start3A_344] : memref<5x128x64xf32, #tpu.memory_space<vmem>> -> memref<1x128x64xf32, #tpu.memory_space<vmem>>
    %dma_start3A_346 = tpu.memref_squeeze %dma_start3A_345 : memref<1x128x64xf32, #tpu.memory_space<vmem>> -> memref<128x64xf32, #tpu.memory_space<vmem>>
    %dma_start3A_347 = arith.constant 1024 : i32
    %dma_start3A_348 = tpu.memref_slice %arg22[%dma_start3A_347] : memref<3072xi32, #tpu.memory_space<vmem>> -> memref<128xi32, #tpu.memory_space<vmem>>
    %dma_start3A_349 = arith.constant 0 : i32
    %dma_start3A_350 = arith.constant 0 : i32
    %dma_start3A_351 = tpu.memref_slice %arg3[%dma_start3A_349, %dma_start3A_350] : memref<100000x64xf32, #tpu.memory_space<hbm>> -> memref<100000x64xf32, #tpu.memory_space<hbm>>
    tpu.enqueue_indirect_dma source(%dma_start3A_351 : memref<100000x64xf32, #tpu.memory_space<hbm>>) target(%dma_start3A_346 : memref<128x64xf32, #tpu.memory_space<vmem>>) offsets(%dma_start3A_348 : memref<128xi32, #tpu.memory_space<vmem>>) semaphore(%arg36 : memref<!tpu.dma_semaphore, #tpu.memory_space<semaphore_mem>>)
    %dma_start3A_352 = arith.constant 1024 : i32
    %dma_start3A_353 = tpu.memref_slice %arg22[%dma_start3A_352] : memref<3072xi32, #tpu.memory_space<vmem>> -> memref<128xi32, #tpu.memory_space<vmem>>
    %dma_start3A_354 = arith.constant 0 : i32
    %dma_start3A_355 = tpu.memref_slice %arg5[%dma_start3A_354] : memref<100000xf32, #tpu.memory_space<hbm>> -> memref<100000xf32, #tpu.memory_space<hbm>>
    tpu.enqueue_indirect_dma source(%dma_start3A_355 : memref<100000xf32, #tpu.memory_space<hbm>>) target(%arg23 : memref<128xf32, #tpu.memory_space<vmem>>) offsets(%dma_start3A_353 : memref<128xi32, #tpu.memory_space<vmem>>) semaphore(%arg38 : memref<!tpu.dma_semaphore, #tpu.memory_space<semaphore_mem>>)
    %dma_wait3A_356 = arith.constant 1 : i32
    %dma_wait3A_357 = arith.constant 0 : i32
    %dma_wait3A_358 = arith.constant 0 : i32
    %dma_wait3A_359 = tpu.memref_slice %arg21[%dma_wait3A_356, %dma_wait3A_357, %dma_wait3A_358] : memref<5x128x64xf32, #tpu.memory_space<vmem>> -> memref<1x128x64xf32, #tpu.memory_space<vmem>>
    %dma_wait3A_360 = tpu.memref_squeeze %dma_wait3A_359 : memref<1x128x64xf32, #tpu.memory_space<vmem>> -> memref<128x64xf32, #tpu.memory_space<vmem>>
    %dma_wait3A_361 = arith.constant 384 : i32
    %dma_wait3A_362 = tpu.memref_slice %arg22[%dma_wait3A_361] : memref<3072xi32, #tpu.memory_space<vmem>> -> memref<128xi32, #tpu.memory_space<vmem>>
    %dma_wait3A_363 = arith.constant 0 : i32
    %dma_wait3A_364 = arith.constant 0 : i32
    %dma_wait3A_365 = tpu.memref_slice %arg2[%dma_wait3A_363, %dma_wait3A_364] : memref<100000x64xf32, #tpu.memory_space<hbm>> -> memref<100000x64xf32, #tpu.memory_space<hbm>>
    tpu.wait_indirect_dma semaphore(%arg37 : memref<!tpu.dma_semaphore, #tpu.memory_space<semaphore_mem>>) src(%dma_wait3A_365 : memref<100000x64xf32, #tpu.memory_space<hbm>>) dst(%dma_wait3A_360 : memref<128x64xf32, #tpu.memory_space<vmem>>)
    %dma_wait3A_366 = arith.constant 896 : i32
    %dma_wait3A_367 = tpu.memref_slice %arg22[%dma_wait3A_366] : memref<3072xi32, #tpu.memory_space<vmem>> -> memref<128xi32, #tpu.memory_space<vmem>>
    %dma_wait3A_368 = arith.constant 0 : i32
    %dma_wait3A_369 = tpu.memref_slice %arg4[%dma_wait3A_368] : memref<100000xf32, #tpu.memory_space<hbm>> -> memref<100000xf32, #tpu.memory_space<hbm>>
    tpu.wait_indirect_dma semaphore(%arg39 : memref<!tpu.dma_semaphore, #tpu.memory_space<semaphore_mem>>) src(%dma_wait3A_369 : memref<100000xf32, #tpu.memory_space<hbm>>) dst(%arg24 : memref<128xf32, #tpu.memory_space<vmem>>)
    %run_scoped3A_370 = arith.constant 1 : i32
    "tpu.region"() ({
      %run_scoped3A_835 = tpu.sem_alloc : memref<!tpu.dma_semaphore, #tpu.memory_space<semaphore_mem>>
      %dma_start3A_836 = arith.constant 0 : i32
      %dma_start3A_837 = arith.constant 0 : i32
      %dma_start3A_838 = tpu.memref_slice %arg21[%run_scoped3A_370, %dma_start3A_836, %dma_start3A_837] : memref<5x128x64xf32, #tpu.memory_space<vmem>> -> memref<1x128x64xf32, #tpu.memory_space<vmem>>
      %dma_start3A_839 = tpu.memref_squeeze %dma_start3A_838 : memref<1x128x64xf32, #tpu.memory_space<vmem>> -> memref<128x64xf32, #tpu.memory_space<vmem>>
      %dma_start3A_840 = arith.constant 0 : i32
      %dma_start3A_841 = tpu.memref_slice %arg14[%add3A_62, %dma_start3A_840] : memref<16384x128xf32, #tpu.memory_space<hbm>> -> memref<128x64xf32, #tpu.memory_space<hbm>>
      %dma_start3A_842 = arith.constant 0 : i32
      %dma_start3A_843 = tpu.memref_slice %arg14[%add3A_62, %dma_start3A_842] : memref<16384x128xf32, #tpu.memory_space<hbm>> -> memref<128x64xf32, #tpu.memory_space<hbm>>
      %dma_start3A_844 = arith.constant 0 : i32
      %dma_start3A_845 = arith.constant 0 : i32
      %dma_start3A_846 = tpu.memref_slice %arg21[%run_scoped3A_370, %dma_start3A_844, %dma_start3A_845] : memref<5x128x64xf32, #tpu.memory_space<vmem>> -> memref<1x128x64xf32, #tpu.memory_space<vmem>>
      %dma_start3A_847 = tpu.memref_squeeze %dma_start3A_846 : memref<1x128x64xf32, #tpu.memory_space<vmem>> -> memref<128x64xf32, #tpu.memory_space<vmem>>
      tpu.enqueue_dma source(%dma_start3A_847 : memref<128x64xf32, #tpu.memory_space<vmem>>) target(%dma_start3A_843 : memref<128x64xf32, #tpu.memory_space<hbm>>) target_semaphore(%run_scoped3A_835 : memref<!tpu.dma_semaphore, #tpu.memory_space<semaphore_mem>>)
      %dma_wait3A_848 = arith.constant 0 : i32
      %dma_wait3A_849 = arith.constant 0 : i32
      %dma_wait3A_850 = tpu.memref_slice %arg21[%run_scoped3A_370, %dma_wait3A_848, %dma_wait3A_849] : memref<5x128x64xf32, #tpu.memory_space<vmem>> -> memref<1x128x64xf32, #tpu.memory_space<vmem>>
      %dma_wait3A_851 = tpu.memref_squeeze %dma_wait3A_850 : memref<1x128x64xf32, #tpu.memory_space<vmem>> -> memref<128x64xf32, #tpu.memory_space<vmem>>
      %dma_wait3A_852 = arith.constant 0 : i32
      %dma_wait3A_853 = tpu.memref_slice %arg14[%add3A_62, %dma_wait3A_852] : memref<16384x128xf32, #tpu.memory_space<hbm>> -> memref<128x64xf32, #tpu.memory_space<hbm>>
      %dma_wait3A_854 = arith.constant 0 : i32
      %dma_wait3A_855 = tpu.memref_slice %arg14[%add3A_62, %dma_wait3A_854] : memref<16384x128xf32, #tpu.memory_space<hbm>> -> memref<128x64xf32, #tpu.memory_space<hbm>>
      %dma_wait3A_856 = arith.constant 0 : i32
      %dma_wait3A_857 = arith.constant 0 : i32
      %dma_wait3A_858 = tpu.memref_slice %arg21[%run_scoped3A_370, %dma_wait3A_856, %dma_wait3A_857] : memref<5x128x64xf32, #tpu.memory_space<vmem>> -> memref<1x128x64xf32, #tpu.memory_space<vmem>>
      %dma_wait3A_859 = tpu.memref_squeeze %dma_wait3A_858 : memref<1x128x64xf32, #tpu.memory_space<vmem>> -> memref<128x64xf32, #tpu.memory_space<vmem>>
      tpu.wait_dma2 semaphore(%run_scoped3A_835 : memref<!tpu.dma_semaphore, #tpu.memory_space<semaphore_mem>>) src(%dma_wait3A_859 : memref<128x64xf32, #tpu.memory_space<vmem>>) dst(%dma_wait3A_855 : memref<128x64xf32, #tpu.memory_space<hbm>>)
      tpu.yield
    }) : () -> ()
    "tpu.region"() ({
      %run_scoped3A_835 = tpu.sem_alloc : memref<!tpu.dma_semaphore, #tpu.memory_space<semaphore_mem>>
      %dma_start3A_836 = tpu.memref_slice %arg16[%add3A_62] : memref<16384xf32, #tpu.memory_space<hbm>> -> memref<128xf32, #tpu.memory_space<hbm>>
      %dma_start3A_837 = tpu.memref_slice %arg16[%add3A_62] : memref<16384xf32, #tpu.memory_space<hbm>> -> memref<128xf32, #tpu.memory_space<hbm>>
      tpu.enqueue_dma source(%arg24 : memref<128xf32, #tpu.memory_space<vmem>>) target(%dma_start3A_837 : memref<128xf32, #tpu.memory_space<hbm>>) target_semaphore(%run_scoped3A_835 : memref<!tpu.dma_semaphore, #tpu.memory_space<semaphore_mem>>)
      %dma_wait3A_838 = tpu.memref_slice %arg16[%add3A_62] : memref<16384xf32, #tpu.memory_space<hbm>> -> memref<128xf32, #tpu.memory_space<hbm>>
      %dma_wait3A_839 = tpu.memref_slice %arg16[%add3A_62] : memref<16384xf32, #tpu.memory_space<hbm>> -> memref<128xf32, #tpu.memory_space<hbm>>
      tpu.wait_dma2 semaphore(%run_scoped3A_835 : memref<!tpu.dma_semaphore, #tpu.memory_space<semaphore_mem>>) src(%arg24 : memref<128xf32, #tpu.memory_space<vmem>>) dst(%dma_wait3A_839 : memref<128xf32, #tpu.memory_space<hbm>>)
      tpu.yield
    }) : () -> ()
    %dma_start3A_371 = arith.constant 1 : i32
    %dma_start3A_372 = arith.constant 0 : i32
    %dma_start3A_373 = arith.constant 0 : i32
    %dma_start3A_374 = tpu.memref_slice %arg21[%dma_start3A_371, %dma_start3A_372, %dma_start3A_373] : memref<5x128x64xf32, #tpu.memory_space<vmem>> -> memref<1x128x64xf32, #tpu.memory_space<vmem>>
    %dma_start3A_375 = tpu.memref_squeeze %dma_start3A_374 : memref<1x128x64xf32, #tpu.memory_space<vmem>> -> memref<128x64xf32, #tpu.memory_space<vmem>>
    %dma_start3A_376 = arith.constant 1152 : i32
    %dma_start3A_377 = tpu.memref_slice %arg22[%dma_start3A_376] : memref<3072xi32, #tpu.memory_space<vmem>> -> memref<128xi32, #tpu.memory_space<vmem>>
    %dma_start3A_378 = arith.constant 0 : i32
    %dma_start3A_379 = arith.constant 0 : i32
    %dma_start3A_380 = tpu.memref_slice %arg3[%dma_start3A_378, %dma_start3A_379] : memref<100000x64xf32, #tpu.memory_space<hbm>> -> memref<100000x64xf32, #tpu.memory_space<hbm>>
    tpu.enqueue_indirect_dma source(%dma_start3A_380 : memref<100000x64xf32, #tpu.memory_space<hbm>>) target(%dma_start3A_375 : memref<128x64xf32, #tpu.memory_space<vmem>>) offsets(%dma_start3A_377 : memref<128xi32, #tpu.memory_space<vmem>>) semaphore(%arg37 : memref<!tpu.dma_semaphore, #tpu.memory_space<semaphore_mem>>)
    %dma_start3A_381 = arith.constant 1152 : i32
    %dma_start3A_382 = tpu.memref_slice %arg22[%dma_start3A_381] : memref<3072xi32, #tpu.memory_space<vmem>> -> memref<128xi32, #tpu.memory_space<vmem>>
    %dma_start3A_383 = arith.constant 0 : i32
    %dma_start3A_384 = tpu.memref_slice %arg5[%dma_start3A_383] : memref<100000xf32, #tpu.memory_space<hbm>> -> memref<100000xf32, #tpu.memory_space<hbm>>
    tpu.enqueue_indirect_dma source(%dma_start3A_384 : memref<100000xf32, #tpu.memory_space<hbm>>) target(%arg24 : memref<128xf32, #tpu.memory_space<vmem>>) offsets(%dma_start3A_382 : memref<128xi32, #tpu.memory_space<vmem>>) semaphore(%arg39 : memref<!tpu.dma_semaphore, #tpu.memory_space<semaphore_mem>>)
    %dma_wait3A_385 = arith.constant 0 : i32
    %dma_wait3A_386 = arith.constant 0 : i32
    %dma_wait3A_387 = arith.constant 0 : i32
    %dma_wait3A_388 = tpu.memref_slice %arg21[%dma_wait3A_385, %dma_wait3A_386, %dma_wait3A_387] : memref<5x128x64xf32, #tpu.memory_space<vmem>> -> memref<1x128x64xf32, #tpu.memory_space<vmem>>
    %dma_wait3A_389 = tpu.memref_squeeze %dma_wait3A_388 : memref<1x128x64xf32, #tpu.memory_space<vmem>> -> memref<128x64xf32, #tpu.memory_space<vmem>>
    %dma_wait3A_390 = arith.constant 1024 : i32
    %dma_wait3A_391 = tpu.memref_slice %arg22[%dma_wait3A_390] : memref<3072xi32, #tpu.memory_space<vmem>> -> memref<128xi32, #tpu.memory_space<vmem>>
    %dma_wait3A_392 = arith.constant 0 : i32
    %dma_wait3A_393 = arith.constant 0 : i32
    %dma_wait3A_394 = tpu.memref_slice %arg3[%dma_wait3A_392, %dma_wait3A_393] : memref<100000x64xf32, #tpu.memory_space<hbm>> -> memref<100000x64xf32, #tpu.memory_space<hbm>>
    tpu.wait_indirect_dma semaphore(%arg36 : memref<!tpu.dma_semaphore, #tpu.memory_space<semaphore_mem>>) src(%dma_wait3A_394 : memref<100000x64xf32, #tpu.memory_space<hbm>>) dst(%dma_wait3A_389 : memref<128x64xf32, #tpu.memory_space<vmem>>)
    %dma_wait3A_395 = arith.constant 1024 : i32
    %dma_wait3A_396 = tpu.memref_slice %arg22[%dma_wait3A_395] : memref<3072xi32, #tpu.memory_space<vmem>> -> memref<128xi32, #tpu.memory_space<vmem>>
    %dma_wait3A_397 = arith.constant 0 : i32
    %dma_wait3A_398 = tpu.memref_slice %arg5[%dma_wait3A_397] : memref<100000xf32, #tpu.memory_space<hbm>> -> memref<100000xf32, #tpu.memory_space<hbm>>
    tpu.wait_indirect_dma semaphore(%arg38 : memref<!tpu.dma_semaphore, #tpu.memory_space<semaphore_mem>>) src(%dma_wait3A_398 : memref<100000xf32, #tpu.memory_space<hbm>>) dst(%arg23 : memref<128xf32, #tpu.memory_space<vmem>>)
    %run_scoped3A_399 = arith.constant 0 : i32
    "tpu.region"() ({
      %run_scoped3A_835 = tpu.sem_alloc : memref<!tpu.dma_semaphore, #tpu.memory_space<semaphore_mem>>
      %dma_start3A_836 = arith.constant 0 : i32
      %dma_start3A_837 = arith.constant 0 : i32
      %dma_start3A_838 = tpu.memref_slice %arg21[%run_scoped3A_399, %dma_start3A_836, %dma_start3A_837] : memref<5x128x64xf32, #tpu.memory_space<vmem>> -> memref<1x128x64xf32, #tpu.memory_space<vmem>>
      %dma_start3A_839 = tpu.memref_squeeze %dma_start3A_838 : memref<1x128x64xf32, #tpu.memory_space<vmem>> -> memref<128x64xf32, #tpu.memory_space<vmem>>
      %dma_start3A_840 = arith.constant 0 : i32
      %dma_start3A_841 = tpu.memref_slice %arg15[%add3A_66, %dma_start3A_840] : memref<65536x128xf32, #tpu.memory_space<hbm>> -> memref<128x64xf32, #tpu.memory_space<hbm>>
      %dma_start3A_842 = arith.constant 0 : i32
      %dma_start3A_843 = tpu.memref_slice %arg15[%add3A_66, %dma_start3A_842] : memref<65536x128xf32, #tpu.memory_space<hbm>> -> memref<128x64xf32, #tpu.memory_space<hbm>>
      %dma_start3A_844 = arith.constant 0 : i32
      %dma_start3A_845 = arith.constant 0 : i32
      %dma_start3A_846 = tpu.memref_slice %arg21[%run_scoped3A_399, %dma_start3A_844, %dma_start3A_845] : memref<5x128x64xf32, #tpu.memory_space<vmem>> -> memref<1x128x64xf32, #tpu.memory_space<vmem>>
      %dma_start3A_847 = tpu.memref_squeeze %dma_start3A_846 : memref<1x128x64xf32, #tpu.memory_space<vmem>> -> memref<128x64xf32, #tpu.memory_space<vmem>>
      tpu.enqueue_dma source(%dma_start3A_847 : memref<128x64xf32, #tpu.memory_space<vmem>>) target(%dma_start3A_843 : memref<128x64xf32, #tpu.memory_space<hbm>>) target_semaphore(%run_scoped3A_835 : memref<!tpu.dma_semaphore, #tpu.memory_space<semaphore_mem>>)
      %dma_wait3A_848 = arith.constant 0 : i32
      %dma_wait3A_849 = arith.constant 0 : i32
      %dma_wait3A_850 = tpu.memref_slice %arg21[%run_scoped3A_399, %dma_wait3A_848, %dma_wait3A_849] : memref<5x128x64xf32, #tpu.memory_space<vmem>> -> memref<1x128x64xf32, #tpu.memory_space<vmem>>
      %dma_wait3A_851 = tpu.memref_squeeze %dma_wait3A_850 : memref<1x128x64xf32, #tpu.memory_space<vmem>> -> memref<128x64xf32, #tpu.memory_space<vmem>>
      %dma_wait3A_852 = arith.constant 0 : i32
      %dma_wait3A_853 = tpu.memref_slice %arg15[%add3A_66, %dma_wait3A_852] : memref<65536x128xf32, #tpu.memory_space<hbm>> -> memref<128x64xf32, #tpu.memory_space<hbm>>
      %dma_wait3A_854 = arith.constant 0 : i32
      %dma_wait3A_855 = tpu.memref_slice %arg15[%add3A_66, %dma_wait3A_854] : memref<65536x128xf32, #tpu.memory_space<hbm>> -> memref<128x64xf32, #tpu.memory_space<hbm>>
      %dma_wait3A_856 = arith.constant 0 : i32
      %dma_wait3A_857 = arith.constant 0 : i32
      %dma_wait3A_858 = tpu.memref_slice %arg21[%run_scoped3A_399, %dma_wait3A_856, %dma_wait3A_857] : memref<5x128x64xf32, #tpu.memory_space<vmem>> -> memref<1x128x64xf32, #tpu.memory_space<vmem>>
      %dma_wait3A_859 = tpu.memref_squeeze %dma_wait3A_858 : memref<1x128x64xf32, #tpu.memory_space<vmem>> -> memref<128x64xf32, #tpu.memory_space<vmem>>
      tpu.wait_dma2 semaphore(%run_scoped3A_835 : memref<!tpu.dma_semaphore, #tpu.memory_space<semaphore_mem>>) src(%dma_wait3A_859 : memref<128x64xf32, #tpu.memory_space<vmem>>) dst(%dma_wait3A_855 : memref<128x64xf32, #tpu.memory_space<hbm>>)
      tpu.yield
    }) : () -> ()
    "tpu.region"() ({
      %run_scoped3A_835 = tpu.sem_alloc : memref<!tpu.dma_semaphore, #tpu.memory_space<semaphore_mem>>
      %dma_start3A_836 = tpu.memref_slice %arg18[%add3A_66] : memref<65536xf32, #tpu.memory_space<hbm>> -> memref<128xf32, #tpu.memory_space<hbm>>
      %dma_start3A_837 = tpu.memref_slice %arg18[%add3A_66] : memref<65536xf32, #tpu.memory_space<hbm>> -> memref<128xf32, #tpu.memory_space<hbm>>
      tpu.enqueue_dma source(%arg23 : memref<128xf32, #tpu.memory_space<vmem>>) target(%dma_start3A_837 : memref<128xf32, #tpu.memory_space<hbm>>) target_semaphore(%run_scoped3A_835 : memref<!tpu.dma_semaphore, #tpu.memory_space<semaphore_mem>>)
      %dma_wait3A_838 = tpu.memref_slice %arg18[%add3A_66] : memref<65536xf32, #tpu.memory_space<hbm>> -> memref<128xf32, #tpu.memory_space<hbm>>
      %dma_wait3A_839 = tpu.memref_slice %arg18[%add3A_66] : memref<65536xf32, #tpu.memory_space<hbm>> -> memref<128xf32, #tpu.memory_space<hbm>>
      tpu.wait_dma2 semaphore(%run_scoped3A_835 : memref<!tpu.dma_semaphore, #tpu.memory_space<semaphore_mem>>) src(%arg23 : memref<128xf32, #tpu.memory_space<vmem>>) dst(%dma_wait3A_839 : memref<128xf32, #tpu.memory_space<hbm>>)
      tpu.yield
    }) : () -> ()
    %dma_start3A_400 = arith.constant 0 : i32
    %dma_start3A_401 = arith.constant 0 : i32
    %dma_start3A_402 = arith.constant 0 : i32
    %dma_start3A_403 = tpu.memref_slice %arg21[%dma_start3A_400, %dma_start3A_401, %dma_start3A_402] : memref<5x128x64xf32, #tpu.memory_space<vmem>> -> memref<1x128x64xf32, #tpu.memory_space<vmem>>
    %dma_start3A_404 = tpu.memref_squeeze %dma_start3A_403 : memref<1x128x64xf32, #tpu.memory_space<vmem>> -> memref<128x64xf32, #tpu.memory_space<vmem>>
    %dma_start3A_405 = arith.constant 1280 : i32
    %dma_start3A_406 = tpu.memref_slice %arg22[%dma_start3A_405] : memref<3072xi32, #tpu.memory_space<vmem>> -> memref<128xi32, #tpu.memory_space<vmem>>
    %dma_start3A_407 = arith.constant 0 : i32
    %dma_start3A_408 = arith.constant 0 : i32
    %dma_start3A_409 = tpu.memref_slice %arg3[%dma_start3A_407, %dma_start3A_408] : memref<100000x64xf32, #tpu.memory_space<hbm>> -> memref<100000x64xf32, #tpu.memory_space<hbm>>
    tpu.enqueue_indirect_dma source(%dma_start3A_409 : memref<100000x64xf32, #tpu.memory_space<hbm>>) target(%dma_start3A_404 : memref<128x64xf32, #tpu.memory_space<vmem>>) offsets(%dma_start3A_406 : memref<128xi32, #tpu.memory_space<vmem>>) semaphore(%arg36 : memref<!tpu.dma_semaphore, #tpu.memory_space<semaphore_mem>>)
    %dma_start3A_410 = arith.constant 1280 : i32
    %dma_start3A_411 = tpu.memref_slice %arg22[%dma_start3A_410] : memref<3072xi32, #tpu.memory_space<vmem>> -> memref<128xi32, #tpu.memory_space<vmem>>
    %dma_start3A_412 = arith.constant 0 : i32
    %dma_start3A_413 = tpu.memref_slice %arg5[%dma_start3A_412] : memref<100000xf32, #tpu.memory_space<hbm>> -> memref<100000xf32, #tpu.memory_space<hbm>>
    tpu.enqueue_indirect_dma source(%dma_start3A_413 : memref<100000xf32, #tpu.memory_space<hbm>>) target(%arg23 : memref<128xf32, #tpu.memory_space<vmem>>) offsets(%dma_start3A_411 : memref<128xi32, #tpu.memory_space<vmem>>) semaphore(%arg38 : memref<!tpu.dma_semaphore, #tpu.memory_space<semaphore_mem>>)
    %dma_wait3A_414 = arith.constant 1 : i32
    %dma_wait3A_415 = arith.constant 0 : i32
    %dma_wait3A_416 = arith.constant 0 : i32
    %dma_wait3A_417 = tpu.memref_slice %arg21[%dma_wait3A_414, %dma_wait3A_415, %dma_wait3A_416] : memref<5x128x64xf32, #tpu.memory_space<vmem>> -> memref<1x128x64xf32, #tpu.memory_space<vmem>>
    %dma_wait3A_418 = tpu.memref_squeeze %dma_wait3A_417 : memref<1x128x64xf32, #tpu.memory_space<vmem>> -> memref<128x64xf32, #tpu.memory_space<vmem>>
    %dma_wait3A_419 = arith.constant 1152 : i32
    %dma_wait3A_420 = tpu.memref_slice %arg22[%dma_wait3A_419] : memref<3072xi32, #tpu.memory_space<vmem>> -> memref<128xi32, #tpu.memory_space<vmem>>
    %dma_wait3A_421 = arith.constant 0 : i32
    %dma_wait3A_422 = arith.constant 0 : i32
    %dma_wait3A_423 = tpu.memref_slice %arg3[%dma_wait3A_421, %dma_wait3A_422] : memref<100000x64xf32, #tpu.memory_space<hbm>> -> memref<100000x64xf32, #tpu.memory_space<hbm>>
    tpu.wait_indirect_dma semaphore(%arg37 : memref<!tpu.dma_semaphore, #tpu.memory_space<semaphore_mem>>) src(%dma_wait3A_423 : memref<100000x64xf32, #tpu.memory_space<hbm>>) dst(%dma_wait3A_418 : memref<128x64xf32, #tpu.memory_space<vmem>>)
    %dma_wait3A_424 = arith.constant 1152 : i32
    %dma_wait3A_425 = tpu.memref_slice %arg22[%dma_wait3A_424] : memref<3072xi32, #tpu.memory_space<vmem>> -> memref<128xi32, #tpu.memory_space<vmem>>
    %dma_wait3A_426 = arith.constant 0 : i32
    %dma_wait3A_427 = tpu.memref_slice %arg5[%dma_wait3A_426] : memref<100000xf32, #tpu.memory_space<hbm>> -> memref<100000xf32, #tpu.memory_space<hbm>>
    tpu.wait_indirect_dma semaphore(%arg39 : memref<!tpu.dma_semaphore, #tpu.memory_space<semaphore_mem>>) src(%dma_wait3A_427 : memref<100000xf32, #tpu.memory_space<hbm>>) dst(%arg24 : memref<128xf32, #tpu.memory_space<vmem>>)
    %run_scoped3A_428 = arith.constant 1 : i32
    "tpu.region"() ({
      %run_scoped3A_835 = tpu.sem_alloc : memref<!tpu.dma_semaphore, #tpu.memory_space<semaphore_mem>>
      %dma_start3A_836 = arith.constant 0 : i32
      %dma_start3A_837 = arith.constant 0 : i32
      %dma_start3A_838 = tpu.memref_slice %arg21[%run_scoped3A_428, %dma_start3A_836, %dma_start3A_837] : memref<5x128x64xf32, #tpu.memory_space<vmem>> -> memref<1x128x64xf32, #tpu.memory_space<vmem>>
      %dma_start3A_839 = tpu.memref_squeeze %dma_start3A_838 : memref<1x128x64xf32, #tpu.memory_space<vmem>> -> memref<128x64xf32, #tpu.memory_space<vmem>>
      %dma_start3A_840 = arith.constant 0 : i32
      %dma_start3A_841 = tpu.memref_slice %arg15[%add3A_70, %dma_start3A_840] : memref<65536x128xf32, #tpu.memory_space<hbm>> -> memref<128x64xf32, #tpu.memory_space<hbm>>
      %dma_start3A_842 = arith.constant 0 : i32
      %dma_start3A_843 = tpu.memref_slice %arg15[%add3A_70, %dma_start3A_842] : memref<65536x128xf32, #tpu.memory_space<hbm>> -> memref<128x64xf32, #tpu.memory_space<hbm>>
      %dma_start3A_844 = arith.constant 0 : i32
      %dma_start3A_845 = arith.constant 0 : i32
      %dma_start3A_846 = tpu.memref_slice %arg21[%run_scoped3A_428, %dma_start3A_844, %dma_start3A_845] : memref<5x128x64xf32, #tpu.memory_space<vmem>> -> memref<1x128x64xf32, #tpu.memory_space<vmem>>
      %dma_start3A_847 = tpu.memref_squeeze %dma_start3A_846 : memref<1x128x64xf32, #tpu.memory_space<vmem>> -> memref<128x64xf32, #tpu.memory_space<vmem>>
      tpu.enqueue_dma source(%dma_start3A_847 : memref<128x64xf32, #tpu.memory_space<vmem>>) target(%dma_start3A_843 : memref<128x64xf32, #tpu.memory_space<hbm>>) target_semaphore(%run_scoped3A_835 : memref<!tpu.dma_semaphore, #tpu.memory_space<semaphore_mem>>)
      %dma_wait3A_848 = arith.constant 0 : i32
      %dma_wait3A_849 = arith.constant 0 : i32
      %dma_wait3A_850 = tpu.memref_slice %arg21[%run_scoped3A_428, %dma_wait3A_848, %dma_wait3A_849] : memref<5x128x64xf32, #tpu.memory_space<vmem>> -> memref<1x128x64xf32, #tpu.memory_space<vmem>>
      %dma_wait3A_851 = tpu.memref_squeeze %dma_wait3A_850 : memref<1x128x64xf32, #tpu.memory_space<vmem>> -> memref<128x64xf32, #tpu.memory_space<vmem>>
      %dma_wait3A_852 = arith.constant 0 : i32
      %dma_wait3A_853 = tpu.memref_slice %arg15[%add3A_70, %dma_wait3A_852] : memref<65536x128xf32, #tpu.memory_space<hbm>> -> memref<128x64xf32, #tpu.memory_space<hbm>>
      %dma_wait3A_854 = arith.constant 0 : i32
      %dma_wait3A_855 = tpu.memref_slice %arg15[%add3A_70, %dma_wait3A_854] : memref<65536x128xf32, #tpu.memory_space<hbm>> -> memref<128x64xf32, #tpu.memory_space<hbm>>
      %dma_wait3A_856 = arith.constant 0 : i32
      %dma_wait3A_857 = arith.constant 0 : i32
      %dma_wait3A_858 = tpu.memref_slice %arg21[%run_scoped3A_428, %dma_wait3A_856, %dma_wait3A_857] : memref<5x128x64xf32, #tpu.memory_space<vmem>> -> memref<1x128x64xf32, #tpu.memory_space<vmem>>
      %dma_wait3A_859 = tpu.memref_squeeze %dma_wait3A_858 : memref<1x128x64xf32, #tpu.memory_space<vmem>> -> memref<128x64xf32, #tpu.memory_space<vmem>>
      tpu.wait_dma2 semaphore(%run_scoped3A_835 : memref<!tpu.dma_semaphore, #tpu.memory_space<semaphore_mem>>) src(%dma_wait3A_859 : memref<128x64xf32, #tpu.memory_space<vmem>>) dst(%dma_wait3A_855 : memref<128x64xf32, #tpu.memory_space<hbm>>)
      tpu.yield
    }) : () -> ()
    "tpu.region"() ({
      %run_scoped3A_835 = tpu.sem_alloc : memref<!tpu.dma_semaphore, #tpu.memory_space<semaphore_mem>>
      %dma_start3A_836 = tpu.memref_slice %arg18[%add3A_70] : memref<65536xf32, #tpu.memory_space<hbm>> -> memref<128xf32, #tpu.memory_space<hbm>>
      %dma_start3A_837 = tpu.memref_slice %arg18[%add3A_70] : memref<65536xf32, #tpu.memory_space<hbm>> -> memref<128xf32, #tpu.memory_space<hbm>>
      tpu.enqueue_dma source(%arg24 : memref<128xf32, #tpu.memory_space<vmem>>) target(%dma_start3A_837 : memref<128xf32, #tpu.memory_space<hbm>>) target_semaphore(%run_scoped3A_835 : memref<!tpu.dma_semaphore, #tpu.memory_space<semaphore_mem>>)
      %dma_wait3A_838 = tpu.memref_slice %arg18[%add3A_70] : memref<65536xf32, #tpu.memory_space<hbm>> -> memref<128xf32, #tpu.memory_space<hbm>>
      %dma_wait3A_839 = tpu.memref_slice %arg18[%add3A_70] : memref<65536xf32, #tpu.memory_space<hbm>> -> memref<128xf32, #tpu.memory_space<hbm>>
      tpu.wait_dma2 semaphore(%run_scoped3A_835 : memref<!tpu.dma_semaphore, #tpu.memory_space<semaphore_mem>>) src(%arg24 : memref<128xf32, #tpu.memory_space<vmem>>) dst(%dma_wait3A_839 : memref<128xf32, #tpu.memory_space<hbm>>)
      tpu.yield
    }) : () -> ()
    %dma_start3A_429 = arith.constant 1 : i32
    %dma_start3A_430 = arith.constant 0 : i32
    %dma_start3A_431 = arith.constant 0 : i32
    %dma_start3A_432 = tpu.memref_slice %arg21[%dma_start3A_429, %dma_start3A_430, %dma_start3A_431] : memref<5x128x64xf32, #tpu.memory_space<vmem>> -> memref<1x128x64xf32, #tpu.memory_space<vmem>>
    %dma_start3A_433 = tpu.memref_squeeze %dma_start3A_432 : memref<1x128x64xf32, #tpu.memory_space<vmem>> -> memref<128x64xf32, #tpu.memory_space<vmem>>
    %dma_start3A_434 = arith.constant 1408 : i32
    %dma_start3A_435 = tpu.memref_slice %arg22[%dma_start3A_434] : memref<3072xi32, #tpu.memory_space<vmem>> -> memref<128xi32, #tpu.memory_space<vmem>>
    %dma_start3A_436 = arith.constant 0 : i32
    %dma_start3A_437 = arith.constant 0 : i32
    %dma_start3A_438 = tpu.memref_slice %arg3[%dma_start3A_436, %dma_start3A_437] : memref<100000x64xf32, #tpu.memory_space<hbm>> -> memref<100000x64xf32, #tpu.memory_space<hbm>>
    tpu.enqueue_indirect_dma source(%dma_start3A_438 : memref<100000x64xf32, #tpu.memory_space<hbm>>) target(%dma_start3A_433 : memref<128x64xf32, #tpu.memory_space<vmem>>) offsets(%dma_start3A_435 : memref<128xi32, #tpu.memory_space<vmem>>) semaphore(%arg37 : memref<!tpu.dma_semaphore, #tpu.memory_space<semaphore_mem>>)
    %dma_start3A_439 = arith.constant 1408 : i32
    %dma_start3A_440 = tpu.memref_slice %arg22[%dma_start3A_439] : memref<3072xi32, #tpu.memory_space<vmem>> -> memref<128xi32, #tpu.memory_space<vmem>>
    %dma_start3A_441 = arith.constant 0 : i32
    %dma_start3A_442 = tpu.memref_slice %arg5[%dma_start3A_441] : memref<100000xf32, #tpu.memory_space<hbm>> -> memref<100000xf32, #tpu.memory_space<hbm>>
    tpu.enqueue_indirect_dma source(%dma_start3A_442 : memref<100000xf32, #tpu.memory_space<hbm>>) target(%arg24 : memref<128xf32, #tpu.memory_space<vmem>>) offsets(%dma_start3A_440 : memref<128xi32, #tpu.memory_space<vmem>>) semaphore(%arg39 : memref<!tpu.dma_semaphore, #tpu.memory_space<semaphore_mem>>)
    %dma_wait3A_443 = arith.constant 0 : i32
    %dma_wait3A_444 = arith.constant 0 : i32
    %dma_wait3A_445 = arith.constant 0 : i32
    %dma_wait3A_446 = tpu.memref_slice %arg21[%dma_wait3A_443, %dma_wait3A_444, %dma_wait3A_445] : memref<5x128x64xf32, #tpu.memory_space<vmem>> -> memref<1x128x64xf32, #tpu.memory_space<vmem>>
    %dma_wait3A_447 = tpu.memref_squeeze %dma_wait3A_446 : memref<1x128x64xf32, #tpu.memory_space<vmem>> -> memref<128x64xf32, #tpu.memory_space<vmem>>
    %dma_wait3A_448 = arith.constant 1280 : i32
    %dma_wait3A_449 = tpu.memref_slice %arg22[%dma_wait3A_448] : memref<3072xi32, #tpu.memory_space<vmem>> -> memref<128xi32, #tpu.memory_space<vmem>>
    %dma_wait3A_450 = arith.constant 0 : i32
    %dma_wait3A_451 = arith.constant 0 : i32
    %dma_wait3A_452 = tpu.memref_slice %arg3[%dma_wait3A_450, %dma_wait3A_451] : memref<100000x64xf32, #tpu.memory_space<hbm>> -> memref<100000x64xf32, #tpu.memory_space<hbm>>
    tpu.wait_indirect_dma semaphore(%arg36 : memref<!tpu.dma_semaphore, #tpu.memory_space<semaphore_mem>>) src(%dma_wait3A_452 : memref<100000x64xf32, #tpu.memory_space<hbm>>) dst(%dma_wait3A_447 : memref<128x64xf32, #tpu.memory_space<vmem>>)
    %dma_wait3A_453 = arith.constant 1280 : i32
    %dma_wait3A_454 = tpu.memref_slice %arg22[%dma_wait3A_453] : memref<3072xi32, #tpu.memory_space<vmem>> -> memref<128xi32, #tpu.memory_space<vmem>>
    %dma_wait3A_455 = arith.constant 0 : i32
    %dma_wait3A_456 = tpu.memref_slice %arg5[%dma_wait3A_455] : memref<100000xf32, #tpu.memory_space<hbm>> -> memref<100000xf32, #tpu.memory_space<hbm>>
    tpu.wait_indirect_dma semaphore(%arg38 : memref<!tpu.dma_semaphore, #tpu.memory_space<semaphore_mem>>) src(%dma_wait3A_456 : memref<100000xf32, #tpu.memory_space<hbm>>) dst(%arg23 : memref<128xf32, #tpu.memory_space<vmem>>)
    %run_scoped3A_457 = arith.constant 0 : i32
    "tpu.region"() ({
      %run_scoped3A_835 = tpu.sem_alloc : memref<!tpu.dma_semaphore, #tpu.memory_space<semaphore_mem>>
      %dma_start3A_836 = arith.constant 0 : i32
      %dma_start3A_837 = arith.constant 0 : i32
      %dma_start3A_838 = tpu.memref_slice %arg21[%run_scoped3A_457, %dma_start3A_836, %dma_start3A_837] : memref<5x128x64xf32, #tpu.memory_space<vmem>> -> memref<1x128x64xf32, #tpu.memory_space<vmem>>
      %dma_start3A_839 = tpu.memref_squeeze %dma_start3A_838 : memref<1x128x64xf32, #tpu.memory_space<vmem>> -> memref<128x64xf32, #tpu.memory_space<vmem>>
      %dma_start3A_840 = arith.constant 0 : i32
      %dma_start3A_841 = tpu.memref_slice %arg15[%add3A_74, %dma_start3A_840] : memref<65536x128xf32, #tpu.memory_space<hbm>> -> memref<128x64xf32, #tpu.memory_space<hbm>>
      %dma_start3A_842 = arith.constant 0 : i32
      %dma_start3A_843 = tpu.memref_slice %arg15[%add3A_74, %dma_start3A_842] : memref<65536x128xf32, #tpu.memory_space<hbm>> -> memref<128x64xf32, #tpu.memory_space<hbm>>
      %dma_start3A_844 = arith.constant 0 : i32
      %dma_start3A_845 = arith.constant 0 : i32
      %dma_start3A_846 = tpu.memref_slice %arg21[%run_scoped3A_457, %dma_start3A_844, %dma_start3A_845] : memref<5x128x64xf32, #tpu.memory_space<vmem>> -> memref<1x128x64xf32, #tpu.memory_space<vmem>>
      %dma_start3A_847 = tpu.memref_squeeze %dma_start3A_846 : memref<1x128x64xf32, #tpu.memory_space<vmem>> -> memref<128x64xf32, #tpu.memory_space<vmem>>
      tpu.enqueue_dma source(%dma_start3A_847 : memref<128x64xf32, #tpu.memory_space<vmem>>) target(%dma_start3A_843 : memref<128x64xf32, #tpu.memory_space<hbm>>) target_semaphore(%run_scoped3A_835 : memref<!tpu.dma_semaphore, #tpu.memory_space<semaphore_mem>>)
      %dma_wait3A_848 = arith.constant 0 : i32
      %dma_wait3A_849 = arith.constant 0 : i32
      %dma_wait3A_850 = tpu.memref_slice %arg21[%run_scoped3A_457, %dma_wait3A_848, %dma_wait3A_849] : memref<5x128x64xf32, #tpu.memory_space<vmem>> -> memref<1x128x64xf32, #tpu.memory_space<vmem>>
      %dma_wait3A_851 = tpu.memref_squeeze %dma_wait3A_850 : memref<1x128x64xf32, #tpu.memory_space<vmem>> -> memref<128x64xf32, #tpu.memory_space<vmem>>
      %dma_wait3A_852 = arith.constant 0 : i32
      %dma_wait3A_853 = tpu.memref_slice %arg15[%add3A_74, %dma_wait3A_852] : memref<65536x128xf32, #tpu.memory_space<hbm>> -> memref<128x64xf32, #tpu.memory_space<hbm>>
      %dma_wait3A_854 = arith.constant 0 : i32
      %dma_wait3A_855 = tpu.memref_slice %arg15[%add3A_74, %dma_wait3A_854] : memref<65536x128xf32, #tpu.memory_space<hbm>> -> memref<128x64xf32, #tpu.memory_space<hbm>>
      %dma_wait3A_856 = arith.constant 0 : i32
      %dma_wait3A_857 = arith.constant 0 : i32
      %dma_wait3A_858 = tpu.memref_slice %arg21[%run_scoped3A_457, %dma_wait3A_856, %dma_wait3A_857] : memref<5x128x64xf32, #tpu.memory_space<vmem>> -> memref<1x128x64xf32, #tpu.memory_space<vmem>>
      %dma_wait3A_859 = tpu.memref_squeeze %dma_wait3A_858 : memref<1x128x64xf32, #tpu.memory_space<vmem>> -> memref<128x64xf32, #tpu.memory_space<vmem>>
      tpu.wait_dma2 semaphore(%run_scoped3A_835 : memref<!tpu.dma_semaphore, #tpu.memory_space<semaphore_mem>>) src(%dma_wait3A_859 : memref<128x64xf32, #tpu.memory_space<vmem>>) dst(%dma_wait3A_855 : memref<128x64xf32, #tpu.memory_space<hbm>>)
      tpu.yield
    }) : () -> ()
    "tpu.region"() ({
      %run_scoped3A_835 = tpu.sem_alloc : memref<!tpu.dma_semaphore, #tpu.memory_space<semaphore_mem>>
      %dma_start3A_836 = tpu.memref_slice %arg18[%add3A_74] : memref<65536xf32, #tpu.memory_space<hbm>> -> memref<128xf32, #tpu.memory_space<hbm>>
      %dma_start3A_837 = tpu.memref_slice %arg18[%add3A_74] : memref<65536xf32, #tpu.memory_space<hbm>> -> memref<128xf32, #tpu.memory_space<hbm>>
      tpu.enqueue_dma source(%arg23 : memref<128xf32, #tpu.memory_space<vmem>>) target(%dma_start3A_837 : memref<128xf32, #tpu.memory_space<hbm>>) target_semaphore(%run_scoped3A_835 : memref<!tpu.dma_semaphore, #tpu.memory_space<semaphore_mem>>)
      %dma_wait3A_838 = tpu.memref_slice %arg18[%add3A_74] : memref<65536xf32, #tpu.memory_space<hbm>> -> memref<128xf32, #tpu.memory_space<hbm>>
      %dma_wait3A_839 = tpu.memref_slice %arg18[%add3A_74] : memref<65536xf32, #tpu.memory_space<hbm>> -> memref<128xf32, #tpu.memory_space<hbm>>
      tpu.wait_dma2 semaphore(%run_scoped3A_835 : memref<!tpu.dma_semaphore, #tpu.memory_space<semaphore_mem>>) src(%arg23 : memref<128xf32, #tpu.memory_space<vmem>>) dst(%dma_wait3A_839 : memref<128xf32, #tpu.memory_space<hbm>>)
      tpu.yield
    }) : () -> ()
    %dma_start3A_458 = arith.constant 0 : i32
    %dma_start3A_459 = arith.constant 0 : i32
    %dma_start3A_460 = arith.constant 0 : i32
    %dma_start3A_461 = tpu.memref_slice %arg21[%dma_start3A_458, %dma_start3A_459, %dma_start3A_460] : memref<5x128x64xf32, #tpu.memory_space<vmem>> -> memref<1x128x64xf32, #tpu.memory_space<vmem>>
    %dma_start3A_462 = tpu.memref_squeeze %dma_start3A_461 : memref<1x128x64xf32, #tpu.memory_space<vmem>> -> memref<128x64xf32, #tpu.memory_space<vmem>>
    %dma_start3A_463 = arith.constant 1536 : i32
    %dma_start3A_464 = tpu.memref_slice %arg22[%dma_start3A_463] : memref<3072xi32, #tpu.memory_space<vmem>> -> memref<128xi32, #tpu.memory_space<vmem>>
    %dma_start3A_465 = arith.constant 0 : i32
    %dma_start3A_466 = arith.constant 0 : i32
    %dma_start3A_467 = tpu.memref_slice %arg3[%dma_start3A_465, %dma_start3A_466] : memref<100000x64xf32, #tpu.memory_space<hbm>> -> memref<100000x64xf32, #tpu.memory_space<hbm>>
    tpu.enqueue_indirect_dma source(%dma_start3A_467 : memref<100000x64xf32, #tpu.memory_space<hbm>>) target(%dma_start3A_462 : memref<128x64xf32, #tpu.memory_space<vmem>>) offsets(%dma_start3A_464 : memref<128xi32, #tpu.memory_space<vmem>>) semaphore(%arg36 : memref<!tpu.dma_semaphore, #tpu.memory_space<semaphore_mem>>)
    %dma_start3A_468 = arith.constant 1536 : i32
    %dma_start3A_469 = tpu.memref_slice %arg22[%dma_start3A_468] : memref<3072xi32, #tpu.memory_space<vmem>> -> memref<128xi32, #tpu.memory_space<vmem>>
    %dma_start3A_470 = arith.constant 0 : i32
    %dma_start3A_471 = tpu.memref_slice %arg5[%dma_start3A_470] : memref<100000xf32, #tpu.memory_space<hbm>> -> memref<100000xf32, #tpu.memory_space<hbm>>
    tpu.enqueue_indirect_dma source(%dma_start3A_471 : memref<100000xf32, #tpu.memory_space<hbm>>) target(%arg23 : memref<128xf32, #tpu.memory_space<vmem>>) offsets(%dma_start3A_469 : memref<128xi32, #tpu.memory_space<vmem>>) semaphore(%arg38 : memref<!tpu.dma_semaphore, #tpu.memory_space<semaphore_mem>>)
    %dma_wait3A_472 = arith.constant 1 : i32
    %dma_wait3A_473 = arith.constant 0 : i32
    %dma_wait3A_474 = arith.constant 0 : i32
    %dma_wait3A_475 = tpu.memref_slice %arg21[%dma_wait3A_472, %dma_wait3A_473, %dma_wait3A_474] : memref<5x128x64xf32, #tpu.memory_space<vmem>> -> memref<1x128x64xf32, #tpu.memory_space<vmem>>
    %dma_wait3A_476 = tpu.memref_squeeze %dma_wait3A_475 : memref<1x128x64xf32, #tpu.memory_space<vmem>> -> memref<128x64xf32, #tpu.memory_space<vmem>>
    %dma_wait3A_477 = arith.constant 1408 : i32
    %dma_wait3A_478 = tpu.memref_slice %arg22[%dma_wait3A_477] : memref<3072xi32, #tpu.memory_space<vmem>> -> memref<128xi32, #tpu.memory_space<vmem>>
    %dma_wait3A_479 = arith.constant 0 : i32
    %dma_wait3A_480 = arith.constant 0 : i32
    %dma_wait3A_481 = tpu.memref_slice %arg3[%dma_wait3A_479, %dma_wait3A_480] : memref<100000x64xf32, #tpu.memory_space<hbm>> -> memref<100000x64xf32, #tpu.memory_space<hbm>>
    tpu.wait_indirect_dma semaphore(%arg37 : memref<!tpu.dma_semaphore, #tpu.memory_space<semaphore_mem>>) src(%dma_wait3A_481 : memref<100000x64xf32, #tpu.memory_space<hbm>>) dst(%dma_wait3A_476 : memref<128x64xf32, #tpu.memory_space<vmem>>)
    %dma_wait3A_482 = arith.constant 1408 : i32
    %dma_wait3A_483 = tpu.memref_slice %arg22[%dma_wait3A_482] : memref<3072xi32, #tpu.memory_space<vmem>> -> memref<128xi32, #tpu.memory_space<vmem>>
    %dma_wait3A_484 = arith.constant 0 : i32
    %dma_wait3A_485 = tpu.memref_slice %arg5[%dma_wait3A_484] : memref<100000xf32, #tpu.memory_space<hbm>> -> memref<100000xf32, #tpu.memory_space<hbm>>
    tpu.wait_indirect_dma semaphore(%arg39 : memref<!tpu.dma_semaphore, #tpu.memory_space<semaphore_mem>>) src(%dma_wait3A_485 : memref<100000xf32, #tpu.memory_space<hbm>>) dst(%arg24 : memref<128xf32, #tpu.memory_space<vmem>>)
    %run_scoped3A_486 = arith.constant 1 : i32
    "tpu.region"() ({
      %run_scoped3A_835 = tpu.sem_alloc : memref<!tpu.dma_semaphore, #tpu.memory_space<semaphore_mem>>
      %dma_start3A_836 = arith.constant 0 : i32
      %dma_start3A_837 = arith.constant 0 : i32
      %dma_start3A_838 = tpu.memref_slice %arg21[%run_scoped3A_486, %dma_start3A_836, %dma_start3A_837] : memref<5x128x64xf32, #tpu.memory_space<vmem>> -> memref<1x128x64xf32, #tpu.memory_space<vmem>>
      %dma_start3A_839 = tpu.memref_squeeze %dma_start3A_838 : memref<1x128x64xf32, #tpu.memory_space<vmem>> -> memref<128x64xf32, #tpu.memory_space<vmem>>
      %dma_start3A_840 = arith.constant 0 : i32
      %dma_start3A_841 = tpu.memref_slice %arg15[%add3A_78, %dma_start3A_840] : memref<65536x128xf32, #tpu.memory_space<hbm>> -> memref<128x64xf32, #tpu.memory_space<hbm>>
      %dma_start3A_842 = arith.constant 0 : i32
      %dma_start3A_843 = tpu.memref_slice %arg15[%add3A_78, %dma_start3A_842] : memref<65536x128xf32, #tpu.memory_space<hbm>> -> memref<128x64xf32, #tpu.memory_space<hbm>>
      %dma_start3A_844 = arith.constant 0 : i32
      %dma_start3A_845 = arith.constant 0 : i32
      %dma_start3A_846 = tpu.memref_slice %arg21[%run_scoped3A_486, %dma_start3A_844, %dma_start3A_845] : memref<5x128x64xf32, #tpu.memory_space<vmem>> -> memref<1x128x64xf32, #tpu.memory_space<vmem>>
      %dma_start3A_847 = tpu.memref_squeeze %dma_start3A_846 : memref<1x128x64xf32, #tpu.memory_space<vmem>> -> memref<128x64xf32, #tpu.memory_space<vmem>>
      tpu.enqueue_dma source(%dma_start3A_847 : memref<128x64xf32, #tpu.memory_space<vmem>>) target(%dma_start3A_843 : memref<128x64xf32, #tpu.memory_space<hbm>>) target_semaphore(%run_scoped3A_835 : memref<!tpu.dma_semaphore, #tpu.memory_space<semaphore_mem>>)
      %dma_wait3A_848 = arith.constant 0 : i32
      %dma_wait3A_849 = arith.constant 0 : i32
      %dma_wait3A_850 = tpu.memref_slice %arg21[%run_scoped3A_486, %dma_wait3A_848, %dma_wait3A_849] : memref<5x128x64xf32, #tpu.memory_space<vmem>> -> memref<1x128x64xf32, #tpu.memory_space<vmem>>
      %dma_wait3A_851 = tpu.memref_squeeze %dma_wait3A_850 : memref<1x128x64xf32, #tpu.memory_space<vmem>> -> memref<128x64xf32, #tpu.memory_space<vmem>>
      %dma_wait3A_852 = arith.constant 0 : i32
      %dma_wait3A_853 = tpu.memref_slice %arg15[%add3A_78, %dma_wait3A_852] : memref<65536x128xf32, #tpu.memory_space<hbm>> -> memref<128x64xf32, #tpu.memory_space<hbm>>
      %dma_wait3A_854 = arith.constant 0 : i32
      %dma_wait3A_855 = tpu.memref_slice %arg15[%add3A_78, %dma_wait3A_854] : memref<65536x128xf32, #tpu.memory_space<hbm>> -> memref<128x64xf32, #tpu.memory_space<hbm>>
      %dma_wait3A_856 = arith.constant 0 : i32
      %dma_wait3A_857 = arith.constant 0 : i32
      %dma_wait3A_858 = tpu.memref_slice %arg21[%run_scoped3A_486, %dma_wait3A_856, %dma_wait3A_857] : memref<5x128x64xf32, #tpu.memory_space<vmem>> -> memref<1x128x64xf32, #tpu.memory_space<vmem>>
      %dma_wait3A_859 = tpu.memref_squeeze %dma_wait3A_858 : memref<1x128x64xf32, #tpu.memory_space<vmem>> -> memref<128x64xf32, #tpu.memory_space<vmem>>
      tpu.wait_dma2 semaphore(%run_scoped3A_835 : memref<!tpu.dma_semaphore, #tpu.memory_space<semaphore_mem>>) src(%dma_wait3A_859 : memref<128x64xf32, #tpu.memory_space<vmem>>) dst(%dma_wait3A_855 : memref<128x64xf32, #tpu.memory_space<hbm>>)
      tpu.yield
    }) : () -> ()
    "tpu.region"() ({
      %run_scoped3A_835 = tpu.sem_alloc : memref<!tpu.dma_semaphore, #tpu.memory_space<semaphore_mem>>
      %dma_start3A_836 = tpu.memref_slice %arg18[%add3A_78] : memref<65536xf32, #tpu.memory_space<hbm>> -> memref<128xf32, #tpu.memory_space<hbm>>
      %dma_start3A_837 = tpu.memref_slice %arg18[%add3A_78] : memref<65536xf32, #tpu.memory_space<hbm>> -> memref<128xf32, #tpu.memory_space<hbm>>
      tpu.enqueue_dma source(%arg24 : memref<128xf32, #tpu.memory_space<vmem>>) target(%dma_start3A_837 : memref<128xf32, #tpu.memory_space<hbm>>) target_semaphore(%run_scoped3A_835 : memref<!tpu.dma_semaphore, #tpu.memory_space<semaphore_mem>>)
      %dma_wait3A_838 = tpu.memref_slice %arg18[%add3A_78] : memref<65536xf32, #tpu.memory_space<hbm>> -> memref<128xf32, #tpu.memory_space<hbm>>
      %dma_wait3A_839 = tpu.memref_slice %arg18[%add3A_78] : memref<65536xf32, #tpu.memory_space<hbm>> -> memref<128xf32, #tpu.memory_space<hbm>>
      tpu.wait_dma2 semaphore(%run_scoped3A_835 : memref<!tpu.dma_semaphore, #tpu.memory_space<semaphore_mem>>) src(%arg24 : memref<128xf32, #tpu.memory_space<vmem>>) dst(%dma_wait3A_839 : memref<128xf32, #tpu.memory_space<hbm>>)
      tpu.yield
    }) : () -> ()
    %dma_start3A_487 = arith.constant 1 : i32
    %dma_start3A_488 = arith.constant 0 : i32
    %dma_start3A_489 = arith.constant 0 : i32
    %dma_start3A_490 = tpu.memref_slice %arg21[%dma_start3A_487, %dma_start3A_488, %dma_start3A_489] : memref<5x128x64xf32, #tpu.memory_space<vmem>> -> memref<1x128x64xf32, #tpu.memory_space<vmem>>
    %dma_start3A_491 = tpu.memref_squeeze %dma_start3A_490 : memref<1x128x64xf32, #tpu.memory_space<vmem>> -> memref<128x64xf32, #tpu.memory_space<vmem>>
    %dma_start3A_492 = arith.constant 1664 : i32
    %dma_start3A_493 = tpu.memref_slice %arg22[%dma_start3A_492] : memref<3072xi32, #tpu.memory_space<vmem>> -> memref<128xi32, #tpu.memory_space<vmem>>
    %dma_start3A_494 = arith.constant 0 : i32
    %dma_start3A_495 = arith.constant 0 : i32
    %dma_start3A_496 = tpu.memref_slice %arg3[%dma_start3A_494, %dma_start3A_495] : memref<100000x64xf32, #tpu.memory_space<hbm>> -> memref<100000x64xf32, #tpu.memory_space<hbm>>
    tpu.enqueue_indirect_dma source(%dma_start3A_496 : memref<100000x64xf32, #tpu.memory_space<hbm>>) target(%dma_start3A_491 : memref<128x64xf32, #tpu.memory_space<vmem>>) offsets(%dma_start3A_493 : memref<128xi32, #tpu.memory_space<vmem>>) semaphore(%arg37 : memref<!tpu.dma_semaphore, #tpu.memory_space<semaphore_mem>>)
    %dma_start3A_497 = arith.constant 1664 : i32
    %dma_start3A_498 = tpu.memref_slice %arg22[%dma_start3A_497] : memref<3072xi32, #tpu.memory_space<vmem>> -> memref<128xi32, #tpu.memory_space<vmem>>
    %dma_start3A_499 = arith.constant 0 : i32
    %dma_start3A_500 = tpu.memref_slice %arg5[%dma_start3A_499] : memref<100000xf32, #tpu.memory_space<hbm>> -> memref<100000xf32, #tpu.memory_space<hbm>>
    tpu.enqueue_indirect_dma source(%dma_start3A_500 : memref<100000xf32, #tpu.memory_space<hbm>>) target(%arg24 : memref<128xf32, #tpu.memory_space<vmem>>) offsets(%dma_start3A_498 : memref<128xi32, #tpu.memory_space<vmem>>) semaphore(%arg39 : memref<!tpu.dma_semaphore, #tpu.memory_space<semaphore_mem>>)
    %dma_wait3A_501 = arith.constant 0 : i32
    %dma_wait3A_502 = arith.constant 0 : i32
    %dma_wait3A_503 = arith.constant 0 : i32
    %dma_wait3A_504 = tpu.memref_slice %arg21[%dma_wait3A_501, %dma_wait3A_502, %dma_wait3A_503] : memref<5x128x64xf32, #tpu.memory_space<vmem>> -> memref<1x128x64xf32, #tpu.memory_space<vmem>>
    %dma_wait3A_505 = tpu.memref_squeeze %dma_wait3A_504 : memref<1x128x64xf32, #tpu.memory_space<vmem>> -> memref<128x64xf32, #tpu.memory_space<vmem>>
    %dma_wait3A_506 = arith.constant 1536 : i32
    %dma_wait3A_507 = tpu.memref_slice %arg22[%dma_wait3A_506] : memref<3072xi32, #tpu.memory_space<vmem>> -> memref<128xi32, #tpu.memory_space<vmem>>
    %dma_wait3A_508 = arith.constant 0 : i32
    %dma_wait3A_509 = arith.constant 0 : i32
    %dma_wait3A_510 = tpu.memref_slice %arg3[%dma_wait3A_508, %dma_wait3A_509] : memref<100000x64xf32, #tpu.memory_space<hbm>> -> memref<100000x64xf32, #tpu.memory_space<hbm>>
    tpu.wait_indirect_dma semaphore(%arg36 : memref<!tpu.dma_semaphore, #tpu.memory_space<semaphore_mem>>) src(%dma_wait3A_510 : memref<100000x64xf32, #tpu.memory_space<hbm>>) dst(%dma_wait3A_505 : memref<128x64xf32, #tpu.memory_space<vmem>>)
    %dma_wait3A_511 = arith.constant 1536 : i32
    %dma_wait3A_512 = tpu.memref_slice %arg22[%dma_wait3A_511] : memref<3072xi32, #tpu.memory_space<vmem>> -> memref<128xi32, #tpu.memory_space<vmem>>
    %dma_wait3A_513 = arith.constant 0 : i32
    %dma_wait3A_514 = tpu.memref_slice %arg5[%dma_wait3A_513] : memref<100000xf32, #tpu.memory_space<hbm>> -> memref<100000xf32, #tpu.memory_space<hbm>>
    tpu.wait_indirect_dma semaphore(%arg38 : memref<!tpu.dma_semaphore, #tpu.memory_space<semaphore_mem>>) src(%dma_wait3A_514 : memref<100000xf32, #tpu.memory_space<hbm>>) dst(%arg23 : memref<128xf32, #tpu.memory_space<vmem>>)
    %run_scoped3A_515 = arith.constant 0 : i32
    "tpu.region"() ({
      %run_scoped3A_835 = tpu.sem_alloc : memref<!tpu.dma_semaphore, #tpu.memory_space<semaphore_mem>>
      %dma_start3A_836 = arith.constant 0 : i32
      %dma_start3A_837 = arith.constant 0 : i32
      %dma_start3A_838 = tpu.memref_slice %arg21[%run_scoped3A_515, %dma_start3A_836, %dma_start3A_837] : memref<5x128x64xf32, #tpu.memory_space<vmem>> -> memref<1x128x64xf32, #tpu.memory_space<vmem>>
      %dma_start3A_839 = tpu.memref_squeeze %dma_start3A_838 : memref<1x128x64xf32, #tpu.memory_space<vmem>> -> memref<128x64xf32, #tpu.memory_space<vmem>>
      %dma_start3A_840 = arith.constant 0 : i32
      %dma_start3A_841 = tpu.memref_slice %arg15[%add3A_82, %dma_start3A_840] : memref<65536x128xf32, #tpu.memory_space<hbm>> -> memref<128x64xf32, #tpu.memory_space<hbm>>
      %dma_start3A_842 = arith.constant 0 : i32
      %dma_start3A_843 = tpu.memref_slice %arg15[%add3A_82, %dma_start3A_842] : memref<65536x128xf32, #tpu.memory_space<hbm>> -> memref<128x64xf32, #tpu.memory_space<hbm>>
      %dma_start3A_844 = arith.constant 0 : i32
      %dma_start3A_845 = arith.constant 0 : i32
      %dma_start3A_846 = tpu.memref_slice %arg21[%run_scoped3A_515, %dma_start3A_844, %dma_start3A_845] : memref<5x128x64xf32, #tpu.memory_space<vmem>> -> memref<1x128x64xf32, #tpu.memory_space<vmem>>
      %dma_start3A_847 = tpu.memref_squeeze %dma_start3A_846 : memref<1x128x64xf32, #tpu.memory_space<vmem>> -> memref<128x64xf32, #tpu.memory_space<vmem>>
      tpu.enqueue_dma source(%dma_start3A_847 : memref<128x64xf32, #tpu.memory_space<vmem>>) target(%dma_start3A_843 : memref<128x64xf32, #tpu.memory_space<hbm>>) target_semaphore(%run_scoped3A_835 : memref<!tpu.dma_semaphore, #tpu.memory_space<semaphore_mem>>)
      %dma_wait3A_848 = arith.constant 0 : i32
      %dma_wait3A_849 = arith.constant 0 : i32
      %dma_wait3A_850 = tpu.memref_slice %arg21[%run_scoped3A_515, %dma_wait3A_848, %dma_wait3A_849] : memref<5x128x64xf32, #tpu.memory_space<vmem>> -> memref<1x128x64xf32, #tpu.memory_space<vmem>>
      %dma_wait3A_851 = tpu.memref_squeeze %dma_wait3A_850 : memref<1x128x64xf32, #tpu.memory_space<vmem>> -> memref<128x64xf32, #tpu.memory_space<vmem>>
      %dma_wait3A_852 = arith.constant 0 : i32
      %dma_wait3A_853 = tpu.memref_slice %arg15[%add3A_82, %dma_wait3A_852] : memref<65536x128xf32, #tpu.memory_space<hbm>> -> memref<128x64xf32, #tpu.memory_space<hbm>>
      %dma_wait3A_854 = arith.constant 0 : i32
      %dma_wait3A_855 = tpu.memref_slice %arg15[%add3A_82, %dma_wait3A_854] : memref<65536x128xf32, #tpu.memory_space<hbm>> -> memref<128x64xf32, #tpu.memory_space<hbm>>
      %dma_wait3A_856 = arith.constant 0 : i32
      %dma_wait3A_857 = arith.constant 0 : i32
      %dma_wait3A_858 = tpu.memref_slice %arg21[%run_scoped3A_515, %dma_wait3A_856, %dma_wait3A_857] : memref<5x128x64xf32, #tpu.memory_space<vmem>> -> memref<1x128x64xf32, #tpu.memory_space<vmem>>
      %dma_wait3A_859 = tpu.memref_squeeze %dma_wait3A_858 : memref<1x128x64xf32, #tpu.memory_space<vmem>> -> memref<128x64xf32, #tpu.memory_space<vmem>>
      tpu.wait_dma2 semaphore(%run_scoped3A_835 : memref<!tpu.dma_semaphore, #tpu.memory_space<semaphore_mem>>) src(%dma_wait3A_859 : memref<128x64xf32, #tpu.memory_space<vmem>>) dst(%dma_wait3A_855 : memref<128x64xf32, #tpu.memory_space<hbm>>)
      tpu.yield
    }) : () -> ()
    "tpu.region"() ({
      %run_scoped3A_835 = tpu.sem_alloc : memref<!tpu.dma_semaphore, #tpu.memory_space<semaphore_mem>>
      %dma_start3A_836 = tpu.memref_slice %arg18[%add3A_82] : memref<65536xf32, #tpu.memory_space<hbm>> -> memref<128xf32, #tpu.memory_space<hbm>>
      %dma_start3A_837 = tpu.memref_slice %arg18[%add3A_82] : memref<65536xf32, #tpu.memory_space<hbm>> -> memref<128xf32, #tpu.memory_space<hbm>>
      tpu.enqueue_dma source(%arg23 : memref<128xf32, #tpu.memory_space<vmem>>) target(%dma_start3A_837 : memref<128xf32, #tpu.memory_space<hbm>>) target_semaphore(%run_scoped3A_835 : memref<!tpu.dma_semaphore, #tpu.memory_space<semaphore_mem>>)
      %dma_wait3A_838 = tpu.memref_slice %arg18[%add3A_82] : memref<65536xf32, #tpu.memory_space<hbm>> -> memref<128xf32, #tpu.memory_space<hbm>>
      %dma_wait3A_839 = tpu.memref_slice %arg18[%add3A_82] : memref<65536xf32, #tpu.memory_space<hbm>> -> memref<128xf32, #tpu.memory_space<hbm>>
      tpu.wait_dma2 semaphore(%run_scoped3A_835 : memref<!tpu.dma_semaphore, #tpu.memory_space<semaphore_mem>>) src(%arg23 : memref<128xf32, #tpu.memory_space<vmem>>) dst(%dma_wait3A_839 : memref<128xf32, #tpu.memory_space<hbm>>)
      tpu.yield
    }) : () -> ()
    %dma_start3A_516 = arith.constant 0 : i32
    %dma_start3A_517 = arith.constant 0 : i32
    %dma_start3A_518 = arith.constant 0 : i32
    %dma_start3A_519 = tpu.memref_slice %arg21[%dma_start3A_516, %dma_start3A_517, %dma_start3A_518] : memref<5x128x64xf32, #tpu.memory_space<vmem>> -> memref<1x128x64xf32, #tpu.memory_space<vmem>>
    %dma_start3A_520 = tpu.memref_squeeze %dma_start3A_519 : memref<1x128x64xf32, #tpu.memory_space<vmem>> -> memref<128x64xf32, #tpu.memory_space<vmem>>
    %dma_start3A_521 = arith.constant 1792 : i32
    %dma_start3A_522 = tpu.memref_slice %arg22[%dma_start3A_521] : memref<3072xi32, #tpu.memory_space<vmem>> -> memref<128xi32, #tpu.memory_space<vmem>>
    %dma_start3A_523 = arith.constant 0 : i32
    %dma_start3A_524 = arith.constant 0 : i32
    %dma_start3A_525 = tpu.memref_slice %arg3[%dma_start3A_523, %dma_start3A_524] : memref<100000x64xf32, #tpu.memory_space<hbm>> -> memref<100000x64xf32, #tpu.memory_space<hbm>>
    tpu.enqueue_indirect_dma source(%dma_start3A_525 : memref<100000x64xf32, #tpu.memory_space<hbm>>) target(%dma_start3A_520 : memref<128x64xf32, #tpu.memory_space<vmem>>) offsets(%dma_start3A_522 : memref<128xi32, #tpu.memory_space<vmem>>) semaphore(%arg36 : memref<!tpu.dma_semaphore, #tpu.memory_space<semaphore_mem>>)
    %dma_start3A_526 = arith.constant 1792 : i32
    %dma_start3A_527 = tpu.memref_slice %arg22[%dma_start3A_526] : memref<3072xi32, #tpu.memory_space<vmem>> -> memref<128xi32, #tpu.memory_space<vmem>>
    %dma_start3A_528 = arith.constant 0 : i32
    %dma_start3A_529 = tpu.memref_slice %arg5[%dma_start3A_528] : memref<100000xf32, #tpu.memory_space<hbm>> -> memref<100000xf32, #tpu.memory_space<hbm>>
    tpu.enqueue_indirect_dma source(%dma_start3A_529 : memref<100000xf32, #tpu.memory_space<hbm>>) target(%arg23 : memref<128xf32, #tpu.memory_space<vmem>>) offsets(%dma_start3A_527 : memref<128xi32, #tpu.memory_space<vmem>>) semaphore(%arg38 : memref<!tpu.dma_semaphore, #tpu.memory_space<semaphore_mem>>)
    %dma_wait3A_530 = arith.constant 1 : i32
    %dma_wait3A_531 = arith.constant 0 : i32
    %dma_wait3A_532 = arith.constant 0 : i32
    %dma_wait3A_533 = tpu.memref_slice %arg21[%dma_wait3A_530, %dma_wait3A_531, %dma_wait3A_532] : memref<5x128x64xf32, #tpu.memory_space<vmem>> -> memref<1x128x64xf32, #tpu.memory_space<vmem>>
    %dma_wait3A_534 = tpu.memref_squeeze %dma_wait3A_533 : memref<1x128x64xf32, #tpu.memory_space<vmem>> -> memref<128x64xf32, #tpu.memory_space<vmem>>
    %dma_wait3A_535 = arith.constant 1664 : i32
    %dma_wait3A_536 = tpu.memref_slice %arg22[%dma_wait3A_535] : memref<3072xi32, #tpu.memory_space<vmem>> -> memref<128xi32, #tpu.memory_space<vmem>>
    %dma_wait3A_537 = arith.constant 0 : i32
    %dma_wait3A_538 = arith.constant 0 : i32
    %dma_wait3A_539 = tpu.memref_slice %arg3[%dma_wait3A_537, %dma_wait3A_538] : memref<100000x64xf32, #tpu.memory_space<hbm>> -> memref<100000x64xf32, #tpu.memory_space<hbm>>
    tpu.wait_indirect_dma semaphore(%arg37 : memref<!tpu.dma_semaphore, #tpu.memory_space<semaphore_mem>>) src(%dma_wait3A_539 : memref<100000x64xf32, #tpu.memory_space<hbm>>) dst(%dma_wait3A_534 : memref<128x64xf32, #tpu.memory_space<vmem>>)
    %dma_wait3A_540 = arith.constant 1664 : i32
    %dma_wait3A_541 = tpu.memref_slice %arg22[%dma_wait3A_540] : memref<3072xi32, #tpu.memory_space<vmem>> -> memref<128xi32, #tpu.memory_space<vmem>>
    %dma_wait3A_542 = arith.constant 0 : i32
    %dma_wait3A_543 = tpu.memref_slice %arg5[%dma_wait3A_542] : memref<100000xf32, #tpu.memory_space<hbm>> -> memref<100000xf32, #tpu.memory_space<hbm>>
    tpu.wait_indirect_dma semaphore(%arg39 : memref<!tpu.dma_semaphore, #tpu.memory_space<semaphore_mem>>) src(%dma_wait3A_543 : memref<100000xf32, #tpu.memory_space<hbm>>) dst(%arg24 : memref<128xf32, #tpu.memory_space<vmem>>)
    %run_scoped3A_544 = arith.constant 1 : i32
    "tpu.region"() ({
      %run_scoped3A_835 = tpu.sem_alloc : memref<!tpu.dma_semaphore, #tpu.memory_space<semaphore_mem>>
      %dma_start3A_836 = arith.constant 0 : i32
      %dma_start3A_837 = arith.constant 0 : i32
      %dma_start3A_838 = tpu.memref_slice %arg21[%run_scoped3A_544, %dma_start3A_836, %dma_start3A_837] : memref<5x128x64xf32, #tpu.memory_space<vmem>> -> memref<1x128x64xf32, #tpu.memory_space<vmem>>
      %dma_start3A_839 = tpu.memref_squeeze %dma_start3A_838 : memref<1x128x64xf32, #tpu.memory_space<vmem>> -> memref<128x64xf32, #tpu.memory_space<vmem>>
      %dma_start3A_840 = arith.constant 0 : i32
      %dma_start3A_841 = tpu.memref_slice %arg15[%add3A_86, %dma_start3A_840] : memref<65536x128xf32, #tpu.memory_space<hbm>> -> memref<128x64xf32, #tpu.memory_space<hbm>>
      %dma_start3A_842 = arith.constant 0 : i32
      %dma_start3A_843 = tpu.memref_slice %arg15[%add3A_86, %dma_start3A_842] : memref<65536x128xf32, #tpu.memory_space<hbm>> -> memref<128x64xf32, #tpu.memory_space<hbm>>
      %dma_start3A_844 = arith.constant 0 : i32
      %dma_start3A_845 = arith.constant 0 : i32
      %dma_start3A_846 = tpu.memref_slice %arg21[%run_scoped3A_544, %dma_start3A_844, %dma_start3A_845] : memref<5x128x64xf32, #tpu.memory_space<vmem>> -> memref<1x128x64xf32, #tpu.memory_space<vmem>>
      %dma_start3A_847 = tpu.memref_squeeze %dma_start3A_846 : memref<1x128x64xf32, #tpu.memory_space<vmem>> -> memref<128x64xf32, #tpu.memory_space<vmem>>
      tpu.enqueue_dma source(%dma_start3A_847 : memref<128x64xf32, #tpu.memory_space<vmem>>) target(%dma_start3A_843 : memref<128x64xf32, #tpu.memory_space<hbm>>) target_semaphore(%run_scoped3A_835 : memref<!tpu.dma_semaphore, #tpu.memory_space<semaphore_mem>>)
      %dma_wait3A_848 = arith.constant 0 : i32
      %dma_wait3A_849 = arith.constant 0 : i32
      %dma_wait3A_850 = tpu.memref_slice %arg21[%run_scoped3A_544, %dma_wait3A_848, %dma_wait3A_849] : memref<5x128x64xf32, #tpu.memory_space<vmem>> -> memref<1x128x64xf32, #tpu.memory_space<vmem>>
      %dma_wait3A_851 = tpu.memref_squeeze %dma_wait3A_850 : memref<1x128x64xf32, #tpu.memory_space<vmem>> -> memref<128x64xf32, #tpu.memory_space<vmem>>
      %dma_wait3A_852 = arith.constant 0 : i32
      %dma_wait3A_853 = tpu.memref_slice %arg15[%add3A_86, %dma_wait3A_852] : memref<65536x128xf32, #tpu.memory_space<hbm>> -> memref<128x64xf32, #tpu.memory_space<hbm>>
      %dma_wait3A_854 = arith.constant 0 : i32
      %dma_wait3A_855 = tpu.memref_slice %arg15[%add3A_86, %dma_wait3A_854] : memref<65536x128xf32, #tpu.memory_space<hbm>> -> memref<128x64xf32, #tpu.memory_space<hbm>>
      %dma_wait3A_856 = arith.constant 0 : i32
      %dma_wait3A_857 = arith.constant 0 : i32
      %dma_wait3A_858 = tpu.memref_slice %arg21[%run_scoped3A_544, %dma_wait3A_856, %dma_wait3A_857] : memref<5x128x64xf32, #tpu.memory_space<vmem>> -> memref<1x128x64xf32, #tpu.memory_space<vmem>>
      %dma_wait3A_859 = tpu.memref_squeeze %dma_wait3A_858 : memref<1x128x64xf32, #tpu.memory_space<vmem>> -> memref<128x64xf32, #tpu.memory_space<vmem>>
      tpu.wait_dma2 semaphore(%run_scoped3A_835 : memref<!tpu.dma_semaphore, #tpu.memory_space<semaphore_mem>>) src(%dma_wait3A_859 : memref<128x64xf32, #tpu.memory_space<vmem>>) dst(%dma_wait3A_855 : memref<128x64xf32, #tpu.memory_space<hbm>>)
      tpu.yield
    }) : () -> ()
    "tpu.region"() ({
      %run_scoped3A_835 = tpu.sem_alloc : memref<!tpu.dma_semaphore, #tpu.memory_space<semaphore_mem>>
      %dma_start3A_836 = tpu.memref_slice %arg18[%add3A_86] : memref<65536xf32, #tpu.memory_space<hbm>> -> memref<128xf32, #tpu.memory_space<hbm>>
      %dma_start3A_837 = tpu.memref_slice %arg18[%add3A_86] : memref<65536xf32, #tpu.memory_space<hbm>> -> memref<128xf32, #tpu.memory_space<hbm>>
      tpu.enqueue_dma source(%arg24 : memref<128xf32, #tpu.memory_space<vmem>>) target(%dma_start3A_837 : memref<128xf32, #tpu.memory_space<hbm>>) target_semaphore(%run_scoped3A_835 : memref<!tpu.dma_semaphore, #tpu.memory_space<semaphore_mem>>)
      %dma_wait3A_838 = tpu.memref_slice %arg18[%add3A_86] : memref<65536xf32, #tpu.memory_space<hbm>> -> memref<128xf32, #tpu.memory_space<hbm>>
      %dma_wait3A_839 = tpu.memref_slice %arg18[%add3A_86] : memref<65536xf32, #tpu.memory_space<hbm>> -> memref<128xf32, #tpu.memory_space<hbm>>
      tpu.wait_dma2 semaphore(%run_scoped3A_835 : memref<!tpu.dma_semaphore, #tpu.memory_space<semaphore_mem>>) src(%arg24 : memref<128xf32, #tpu.memory_space<vmem>>) dst(%dma_wait3A_839 : memref<128xf32, #tpu.memory_space<hbm>>)
      tpu.yield
    }) : () -> ()
    %dma_start3A_545 = arith.constant 1 : i32
    %dma_start3A_546 = arith.constant 0 : i32
    %dma_start3A_547 = arith.constant 0 : i32
    %dma_start3A_548 = tpu.memref_slice %arg21[%dma_start3A_545, %dma_start3A_546, %dma_start3A_547] : memref<5x128x64xf32, #tpu.memory_space<vmem>> -> memref<1x128x64xf32, #tpu.memory_space<vmem>>
    %dma_start3A_549 = tpu.memref_squeeze %dma_start3A_548 : memref<1x128x64xf32, #tpu.memory_space<vmem>> -> memref<128x64xf32, #tpu.memory_space<vmem>>
    %dma_start3A_550 = arith.constant 1920 : i32
    %dma_start3A_551 = tpu.memref_slice %arg22[%dma_start3A_550] : memref<3072xi32, #tpu.memory_space<vmem>> -> memref<128xi32, #tpu.memory_space<vmem>>
    %dma_start3A_552 = arith.constant 0 : i32
    %dma_start3A_553 = arith.constant 0 : i32
    %dma_start3A_554 = tpu.memref_slice %arg3[%dma_start3A_552, %dma_start3A_553] : memref<100000x64xf32, #tpu.memory_space<hbm>> -> memref<100000x64xf32, #tpu.memory_space<hbm>>
    tpu.enqueue_indirect_dma source(%dma_start3A_554 : memref<100000x64xf32, #tpu.memory_space<hbm>>) target(%dma_start3A_549 : memref<128x64xf32, #tpu.memory_space<vmem>>) offsets(%dma_start3A_551 : memref<128xi32, #tpu.memory_space<vmem>>) semaphore(%arg37 : memref<!tpu.dma_semaphore, #tpu.memory_space<semaphore_mem>>)
    %dma_start3A_555 = arith.constant 1920 : i32
    %dma_start3A_556 = tpu.memref_slice %arg22[%dma_start3A_555] : memref<3072xi32, #tpu.memory_space<vmem>> -> memref<128xi32, #tpu.memory_space<vmem>>
    %dma_start3A_557 = arith.constant 0 : i32
    %dma_start3A_558 = tpu.memref_slice %arg5[%dma_start3A_557] : memref<100000xf32, #tpu.memory_space<hbm>> -> memref<100000xf32, #tpu.memory_space<hbm>>
    tpu.enqueue_indirect_dma source(%dma_start3A_558 : memref<100000xf32, #tpu.memory_space<hbm>>) target(%arg24 : memref<128xf32, #tpu.memory_space<vmem>>) offsets(%dma_start3A_556 : memref<128xi32, #tpu.memory_space<vmem>>) semaphore(%arg39 : memref<!tpu.dma_semaphore, #tpu.memory_space<semaphore_mem>>)
    %dma_wait3A_559 = arith.constant 0 : i32
    %dma_wait3A_560 = arith.constant 0 : i32
    %dma_wait3A_561 = arith.constant 0 : i32
    %dma_wait3A_562 = tpu.memref_slice %arg21[%dma_wait3A_559, %dma_wait3A_560, %dma_wait3A_561] : memref<5x128x64xf32, #tpu.memory_space<vmem>> -> memref<1x128x64xf32, #tpu.memory_space<vmem>>
    %dma_wait3A_563 = tpu.memref_squeeze %dma_wait3A_562 : memref<1x128x64xf32, #tpu.memory_space<vmem>> -> memref<128x64xf32, #tpu.memory_space<vmem>>
    %dma_wait3A_564 = arith.constant 1792 : i32
    %dma_wait3A_565 = tpu.memref_slice %arg22[%dma_wait3A_564] : memref<3072xi32, #tpu.memory_space<vmem>> -> memref<128xi32, #tpu.memory_space<vmem>>
    %dma_wait3A_566 = arith.constant 0 : i32
    %dma_wait3A_567 = arith.constant 0 : i32
    %dma_wait3A_568 = tpu.memref_slice %arg3[%dma_wait3A_566, %dma_wait3A_567] : memref<100000x64xf32, #tpu.memory_space<hbm>> -> memref<100000x64xf32, #tpu.memory_space<hbm>>
    tpu.wait_indirect_dma semaphore(%arg36 : memref<!tpu.dma_semaphore, #tpu.memory_space<semaphore_mem>>) src(%dma_wait3A_568 : memref<100000x64xf32, #tpu.memory_space<hbm>>) dst(%dma_wait3A_563 : memref<128x64xf32, #tpu.memory_space<vmem>>)
    %dma_wait3A_569 = arith.constant 1792 : i32
    %dma_wait3A_570 = tpu.memref_slice %arg22[%dma_wait3A_569] : memref<3072xi32, #tpu.memory_space<vmem>> -> memref<128xi32, #tpu.memory_space<vmem>>
    %dma_wait3A_571 = arith.constant 0 : i32
    %dma_wait3A_572 = tpu.memref_slice %arg5[%dma_wait3A_571] : memref<100000xf32, #tpu.memory_space<hbm>> -> memref<100000xf32, #tpu.memory_space<hbm>>
    tpu.wait_indirect_dma semaphore(%arg38 : memref<!tpu.dma_semaphore, #tpu.memory_space<semaphore_mem>>) src(%dma_wait3A_572 : memref<100000xf32, #tpu.memory_space<hbm>>) dst(%arg23 : memref<128xf32, #tpu.memory_space<vmem>>)
    %run_scoped3A_573 = arith.constant 0 : i32
    "tpu.region"() ({
      %run_scoped3A_835 = tpu.sem_alloc : memref<!tpu.dma_semaphore, #tpu.memory_space<semaphore_mem>>
      %dma_start3A_836 = arith.constant 0 : i32
      %dma_start3A_837 = arith.constant 0 : i32
      %dma_start3A_838 = tpu.memref_slice %arg21[%run_scoped3A_573, %dma_start3A_836, %dma_start3A_837] : memref<5x128x64xf32, #tpu.memory_space<vmem>> -> memref<1x128x64xf32, #tpu.memory_space<vmem>>
      %dma_start3A_839 = tpu.memref_squeeze %dma_start3A_838 : memref<1x128x64xf32, #tpu.memory_space<vmem>> -> memref<128x64xf32, #tpu.memory_space<vmem>>
      %dma_start3A_840 = arith.constant 0 : i32
      %dma_start3A_841 = tpu.memref_slice %arg15[%add3A_90, %dma_start3A_840] : memref<65536x128xf32, #tpu.memory_space<hbm>> -> memref<128x64xf32, #tpu.memory_space<hbm>>
      %dma_start3A_842 = arith.constant 0 : i32
      %dma_start3A_843 = tpu.memref_slice %arg15[%add3A_90, %dma_start3A_842] : memref<65536x128xf32, #tpu.memory_space<hbm>> -> memref<128x64xf32, #tpu.memory_space<hbm>>
      %dma_start3A_844 = arith.constant 0 : i32
      %dma_start3A_845 = arith.constant 0 : i32
      %dma_start3A_846 = tpu.memref_slice %arg21[%run_scoped3A_573, %dma_start3A_844, %dma_start3A_845] : memref<5x128x64xf32, #tpu.memory_space<vmem>> -> memref<1x128x64xf32, #tpu.memory_space<vmem>>
      %dma_start3A_847 = tpu.memref_squeeze %dma_start3A_846 : memref<1x128x64xf32, #tpu.memory_space<vmem>> -> memref<128x64xf32, #tpu.memory_space<vmem>>
      tpu.enqueue_dma source(%dma_start3A_847 : memref<128x64xf32, #tpu.memory_space<vmem>>) target(%dma_start3A_843 : memref<128x64xf32, #tpu.memory_space<hbm>>) target_semaphore(%run_scoped3A_835 : memref<!tpu.dma_semaphore, #tpu.memory_space<semaphore_mem>>)
      %dma_wait3A_848 = arith.constant 0 : i32
      %dma_wait3A_849 = arith.constant 0 : i32
      %dma_wait3A_850 = tpu.memref_slice %arg21[%run_scoped3A_573, %dma_wait3A_848, %dma_wait3A_849] : memref<5x128x64xf32, #tpu.memory_space<vmem>> -> memref<1x128x64xf32, #tpu.memory_space<vmem>>
      %dma_wait3A_851 = tpu.memref_squeeze %dma_wait3A_850 : memref<1x128x64xf32, #tpu.memory_space<vmem>> -> memref<128x64xf32, #tpu.memory_space<vmem>>
      %dma_wait3A_852 = arith.constant 0 : i32
      %dma_wait3A_853 = tpu.memref_slice %arg15[%add3A_90, %dma_wait3A_852] : memref<65536x128xf32, #tpu.memory_space<hbm>> -> memref<128x64xf32, #tpu.memory_space<hbm>>
      %dma_wait3A_854 = arith.constant 0 : i32
      %dma_wait3A_855 = tpu.memref_slice %arg15[%add3A_90, %dma_wait3A_854] : memref<65536x128xf32, #tpu.memory_space<hbm>> -> memref<128x64xf32, #tpu.memory_space<hbm>>
      %dma_wait3A_856 = arith.constant 0 : i32
      %dma_wait3A_857 = arith.constant 0 : i32
      %dma_wait3A_858 = tpu.memref_slice %arg21[%run_scoped3A_573, %dma_wait3A_856, %dma_wait3A_857] : memref<5x128x64xf32, #tpu.memory_space<vmem>> -> memref<1x128x64xf32, #tpu.memory_space<vmem>>
      %dma_wait3A_859 = tpu.memref_squeeze %dma_wait3A_858 : memref<1x128x64xf32, #tpu.memory_space<vmem>> -> memref<128x64xf32, #tpu.memory_space<vmem>>
      tpu.wait_dma2 semaphore(%run_scoped3A_835 : memref<!tpu.dma_semaphore, #tpu.memory_space<semaphore_mem>>) src(%dma_wait3A_859 : memref<128x64xf32, #tpu.memory_space<vmem>>) dst(%dma_wait3A_855 : memref<128x64xf32, #tpu.memory_space<hbm>>)
      tpu.yield
    }) : () -> ()
    "tpu.region"() ({
      %run_scoped3A_835 = tpu.sem_alloc : memref<!tpu.dma_semaphore, #tpu.memory_space<semaphore_mem>>
      %dma_start3A_836 = tpu.memref_slice %arg18[%add3A_90] : memref<65536xf32, #tpu.memory_space<hbm>> -> memref<128xf32, #tpu.memory_space<hbm>>
      %dma_start3A_837 = tpu.memref_slice %arg18[%add3A_90] : memref<65536xf32, #tpu.memory_space<hbm>> -> memref<128xf32, #tpu.memory_space<hbm>>
      tpu.enqueue_dma source(%arg23 : memref<128xf32, #tpu.memory_space<vmem>>) target(%dma_start3A_837 : memref<128xf32, #tpu.memory_space<hbm>>) target_semaphore(%run_scoped3A_835 : memref<!tpu.dma_semaphore, #tpu.memory_space<semaphore_mem>>)
      %dma_wait3A_838 = tpu.memref_slice %arg18[%add3A_90] : memref<65536xf32, #tpu.memory_space<hbm>> -> memref<128xf32, #tpu.memory_space<hbm>>
      %dma_wait3A_839 = tpu.memref_slice %arg18[%add3A_90] : memref<65536xf32, #tpu.memory_space<hbm>> -> memref<128xf32, #tpu.memory_space<hbm>>
      tpu.wait_dma2 semaphore(%run_scoped3A_835 : memref<!tpu.dma_semaphore, #tpu.memory_space<semaphore_mem>>) src(%arg23 : memref<128xf32, #tpu.memory_space<vmem>>) dst(%dma_wait3A_839 : memref<128xf32, #tpu.memory_space<hbm>>)
      tpu.yield
    }) : () -> ()
    %dma_start3A_574 = arith.constant 0 : i32
    %dma_start3A_575 = arith.constant 0 : i32
    %dma_start3A_576 = arith.constant 0 : i32
    %dma_start3A_577 = tpu.memref_slice %arg21[%dma_start3A_574, %dma_start3A_575, %dma_start3A_576] : memref<5x128x64xf32, #tpu.memory_space<vmem>> -> memref<1x128x64xf32, #tpu.memory_space<vmem>>
    %dma_start3A_578 = tpu.memref_squeeze %dma_start3A_577 : memref<1x128x64xf32, #tpu.memory_space<vmem>> -> memref<128x64xf32, #tpu.memory_space<vmem>>
    %dma_start3A_579 = arith.constant 2048 : i32
    %dma_start3A_580 = tpu.memref_slice %arg22[%dma_start3A_579] : memref<3072xi32, #tpu.memory_space<vmem>> -> memref<128xi32, #tpu.memory_space<vmem>>
    %dma_start3A_581 = arith.constant 0 : i32
    %dma_start3A_582 = arith.constant 0 : i32
    %dma_start3A_583 = tpu.memref_slice %arg3[%dma_start3A_581, %dma_start3A_582] : memref<100000x64xf32, #tpu.memory_space<hbm>> -> memref<100000x64xf32, #tpu.memory_space<hbm>>
    tpu.enqueue_indirect_dma source(%dma_start3A_583 : memref<100000x64xf32, #tpu.memory_space<hbm>>) target(%dma_start3A_578 : memref<128x64xf32, #tpu.memory_space<vmem>>) offsets(%dma_start3A_580 : memref<128xi32, #tpu.memory_space<vmem>>) semaphore(%arg36 : memref<!tpu.dma_semaphore, #tpu.memory_space<semaphore_mem>>)
    %dma_start3A_584 = arith.constant 2048 : i32
    %dma_start3A_585 = tpu.memref_slice %arg22[%dma_start3A_584] : memref<3072xi32, #tpu.memory_space<vmem>> -> memref<128xi32, #tpu.memory_space<vmem>>
    %dma_start3A_586 = arith.constant 0 : i32
    %dma_start3A_587 = tpu.memref_slice %arg5[%dma_start3A_586] : memref<100000xf32, #tpu.memory_space<hbm>> -> memref<100000xf32, #tpu.memory_space<hbm>>
    tpu.enqueue_indirect_dma source(%dma_start3A_587 : memref<100000xf32, #tpu.memory_space<hbm>>) target(%arg23 : memref<128xf32, #tpu.memory_space<vmem>>) offsets(%dma_start3A_585 : memref<128xi32, #tpu.memory_space<vmem>>) semaphore(%arg38 : memref<!tpu.dma_semaphore, #tpu.memory_space<semaphore_mem>>)
    %dma_wait3A_588 = arith.constant 1 : i32
    %dma_wait3A_589 = arith.constant 0 : i32
    %dma_wait3A_590 = arith.constant 0 : i32
    %dma_wait3A_591 = tpu.memref_slice %arg21[%dma_wait3A_588, %dma_wait3A_589, %dma_wait3A_590] : memref<5x128x64xf32, #tpu.memory_space<vmem>> -> memref<1x128x64xf32, #tpu.memory_space<vmem>>
    %dma_wait3A_592 = tpu.memref_squeeze %dma_wait3A_591 : memref<1x128x64xf32, #tpu.memory_space<vmem>> -> memref<128x64xf32, #tpu.memory_space<vmem>>
    %dma_wait3A_593 = arith.constant 1920 : i32
    %dma_wait3A_594 = tpu.memref_slice %arg22[%dma_wait3A_593] : memref<3072xi32, #tpu.memory_space<vmem>> -> memref<128xi32, #tpu.memory_space<vmem>>
    %dma_wait3A_595 = arith.constant 0 : i32
    %dma_wait3A_596 = arith.constant 0 : i32
    %dma_wait3A_597 = tpu.memref_slice %arg3[%dma_wait3A_595, %dma_wait3A_596] : memref<100000x64xf32, #tpu.memory_space<hbm>> -> memref<100000x64xf32, #tpu.memory_space<hbm>>
    tpu.wait_indirect_dma semaphore(%arg37 : memref<!tpu.dma_semaphore, #tpu.memory_space<semaphore_mem>>) src(%dma_wait3A_597 : memref<100000x64xf32, #tpu.memory_space<hbm>>) dst(%dma_wait3A_592 : memref<128x64xf32, #tpu.memory_space<vmem>>)
    %dma_wait3A_598 = arith.constant 1920 : i32
    %dma_wait3A_599 = tpu.memref_slice %arg22[%dma_wait3A_598] : memref<3072xi32, #tpu.memory_space<vmem>> -> memref<128xi32, #tpu.memory_space<vmem>>
    %dma_wait3A_600 = arith.constant 0 : i32
    %dma_wait3A_601 = tpu.memref_slice %arg5[%dma_wait3A_600] : memref<100000xf32, #tpu.memory_space<hbm>> -> memref<100000xf32, #tpu.memory_space<hbm>>
    tpu.wait_indirect_dma semaphore(%arg39 : memref<!tpu.dma_semaphore, #tpu.memory_space<semaphore_mem>>) src(%dma_wait3A_601 : memref<100000xf32, #tpu.memory_space<hbm>>) dst(%arg24 : memref<128xf32, #tpu.memory_space<vmem>>)
    %run_scoped3A_602 = arith.constant 1 : i32
    "tpu.region"() ({
      %run_scoped3A_835 = tpu.sem_alloc : memref<!tpu.dma_semaphore, #tpu.memory_space<semaphore_mem>>
      %dma_start3A_836 = arith.constant 0 : i32
      %dma_start3A_837 = arith.constant 0 : i32
      %dma_start3A_838 = tpu.memref_slice %arg21[%run_scoped3A_602, %dma_start3A_836, %dma_start3A_837] : memref<5x128x64xf32, #tpu.memory_space<vmem>> -> memref<1x128x64xf32, #tpu.memory_space<vmem>>
      %dma_start3A_839 = tpu.memref_squeeze %dma_start3A_838 : memref<1x128x64xf32, #tpu.memory_space<vmem>> -> memref<128x64xf32, #tpu.memory_space<vmem>>
      %dma_start3A_840 = arith.constant 0 : i32
      %dma_start3A_841 = tpu.memref_slice %arg15[%add3A_94, %dma_start3A_840] : memref<65536x128xf32, #tpu.memory_space<hbm>> -> memref<128x64xf32, #tpu.memory_space<hbm>>
      %dma_start3A_842 = arith.constant 0 : i32
      %dma_start3A_843 = tpu.memref_slice %arg15[%add3A_94, %dma_start3A_842] : memref<65536x128xf32, #tpu.memory_space<hbm>> -> memref<128x64xf32, #tpu.memory_space<hbm>>
      %dma_start3A_844 = arith.constant 0 : i32
      %dma_start3A_845 = arith.constant 0 : i32
      %dma_start3A_846 = tpu.memref_slice %arg21[%run_scoped3A_602, %dma_start3A_844, %dma_start3A_845] : memref<5x128x64xf32, #tpu.memory_space<vmem>> -> memref<1x128x64xf32, #tpu.memory_space<vmem>>
      %dma_start3A_847 = tpu.memref_squeeze %dma_start3A_846 : memref<1x128x64xf32, #tpu.memory_space<vmem>> -> memref<128x64xf32, #tpu.memory_space<vmem>>
      tpu.enqueue_dma source(%dma_start3A_847 : memref<128x64xf32, #tpu.memory_space<vmem>>) target(%dma_start3A_843 : memref<128x64xf32, #tpu.memory_space<hbm>>) target_semaphore(%run_scoped3A_835 : memref<!tpu.dma_semaphore, #tpu.memory_space<semaphore_mem>>)
      %dma_wait3A_848 = arith.constant 0 : i32
      %dma_wait3A_849 = arith.constant 0 : i32
      %dma_wait3A_850 = tpu.memref_slice %arg21[%run_scoped3A_602, %dma_wait3A_848, %dma_wait3A_849] : memref<5x128x64xf32, #tpu.memory_space<vmem>> -> memref<1x128x64xf32, #tpu.memory_space<vmem>>
      %dma_wait3A_851 = tpu.memref_squeeze %dma_wait3A_850 : memref<1x128x64xf32, #tpu.memory_space<vmem>> -> memref<128x64xf32, #tpu.memory_space<vmem>>
      %dma_wait3A_852 = arith.constant 0 : i32
      %dma_wait3A_853 = tpu.memref_slice %arg15[%add3A_94, %dma_wait3A_852] : memref<65536x128xf32, #tpu.memory_space<hbm>> -> memref<128x64xf32, #tpu.memory_space<hbm>>
      %dma_wait3A_854 = arith.constant 0 : i32
      %dma_wait3A_855 = tpu.memref_slice %arg15[%add3A_94, %dma_wait3A_854] : memref<65536x128xf32, #tpu.memory_space<hbm>> -> memref<128x64xf32, #tpu.memory_space<hbm>>
      %dma_wait3A_856 = arith.constant 0 : i32
      %dma_wait3A_857 = arith.constant 0 : i32
      %dma_wait3A_858 = tpu.memref_slice %arg21[%run_scoped3A_602, %dma_wait3A_856, %dma_wait3A_857] : memref<5x128x64xf32, #tpu.memory_space<vmem>> -> memref<1x128x64xf32, #tpu.memory_space<vmem>>
      %dma_wait3A_859 = tpu.memref_squeeze %dma_wait3A_858 : memref<1x128x64xf32, #tpu.memory_space<vmem>> -> memref<128x64xf32, #tpu.memory_space<vmem>>
      tpu.wait_dma2 semaphore(%run_scoped3A_835 : memref<!tpu.dma_semaphore, #tpu.memory_space<semaphore_mem>>) src(%dma_wait3A_859 : memref<128x64xf32, #tpu.memory_space<vmem>>) dst(%dma_wait3A_855 : memref<128x64xf32, #tpu.memory_space<hbm>>)
      tpu.yield
    }) : () -> ()
    "tpu.region"() ({
      %run_scoped3A_835 = tpu.sem_alloc : memref<!tpu.dma_semaphore, #tpu.memory_space<semaphore_mem>>
      %dma_start3A_836 = tpu.memref_slice %arg18[%add3A_94] : memref<65536xf32, #tpu.memory_space<hbm>> -> memref<128xf32, #tpu.memory_space<hbm>>
      %dma_start3A_837 = tpu.memref_slice %arg18[%add3A_94] : memref<65536xf32, #tpu.memory_space<hbm>> -> memref<128xf32, #tpu.memory_space<hbm>>
      tpu.enqueue_dma source(%arg24 : memref<128xf32, #tpu.memory_space<vmem>>) target(%dma_start3A_837 : memref<128xf32, #tpu.memory_space<hbm>>) target_semaphore(%run_scoped3A_835 : memref<!tpu.dma_semaphore, #tpu.memory_space<semaphore_mem>>)
      %dma_wait3A_838 = tpu.memref_slice %arg18[%add3A_94] : memref<65536xf32, #tpu.memory_space<hbm>> -> memref<128xf32, #tpu.memory_space<hbm>>
      %dma_wait3A_839 = tpu.memref_slice %arg18[%add3A_94] : memref<65536xf32, #tpu.memory_space<hbm>> -> memref<128xf32, #tpu.memory_space<hbm>>
      tpu.wait_dma2 semaphore(%run_scoped3A_835 : memref<!tpu.dma_semaphore, #tpu.memory_space<semaphore_mem>>) src(%arg24 : memref<128xf32, #tpu.memory_space<vmem>>) dst(%dma_wait3A_839 : memref<128xf32, #tpu.memory_space<hbm>>)
      tpu.yield
    }) : () -> ()
    %dma_start3A_603 = arith.constant 1 : i32
    %dma_start3A_604 = arith.constant 0 : i32
    %dma_start3A_605 = arith.constant 0 : i32
    %dma_start3A_606 = tpu.memref_slice %arg21[%dma_start3A_603, %dma_start3A_604, %dma_start3A_605] : memref<5x128x64xf32, #tpu.memory_space<vmem>> -> memref<1x128x64xf32, #tpu.memory_space<vmem>>
    %dma_start3A_607 = tpu.memref_squeeze %dma_start3A_606 : memref<1x128x64xf32, #tpu.memory_space<vmem>> -> memref<128x64xf32, #tpu.memory_space<vmem>>
    %dma_start3A_608 = arith.constant 2176 : i32
    %dma_start3A_609 = tpu.memref_slice %arg22[%dma_start3A_608] : memref<3072xi32, #tpu.memory_space<vmem>> -> memref<128xi32, #tpu.memory_space<vmem>>
    %dma_start3A_610 = arith.constant 0 : i32
    %dma_start3A_611 = arith.constant 0 : i32
    %dma_start3A_612 = tpu.memref_slice %arg3[%dma_start3A_610, %dma_start3A_611] : memref<100000x64xf32, #tpu.memory_space<hbm>> -> memref<100000x64xf32, #tpu.memory_space<hbm>>
    tpu.enqueue_indirect_dma source(%dma_start3A_612 : memref<100000x64xf32, #tpu.memory_space<hbm>>) target(%dma_start3A_607 : memref<128x64xf32, #tpu.memory_space<vmem>>) offsets(%dma_start3A_609 : memref<128xi32, #tpu.memory_space<vmem>>) semaphore(%arg37 : memref<!tpu.dma_semaphore, #tpu.memory_space<semaphore_mem>>)
    %dma_start3A_613 = arith.constant 2176 : i32
    %dma_start3A_614 = tpu.memref_slice %arg22[%dma_start3A_613] : memref<3072xi32, #tpu.memory_space<vmem>> -> memref<128xi32, #tpu.memory_space<vmem>>
    %dma_start3A_615 = arith.constant 0 : i32
    %dma_start3A_616 = tpu.memref_slice %arg5[%dma_start3A_615] : memref<100000xf32, #tpu.memory_space<hbm>> -> memref<100000xf32, #tpu.memory_space<hbm>>
    tpu.enqueue_indirect_dma source(%dma_start3A_616 : memref<100000xf32, #tpu.memory_space<hbm>>) target(%arg24 : memref<128xf32, #tpu.memory_space<vmem>>) offsets(%dma_start3A_614 : memref<128xi32, #tpu.memory_space<vmem>>) semaphore(%arg39 : memref<!tpu.dma_semaphore, #tpu.memory_space<semaphore_mem>>)
    %dma_wait3A_617 = arith.constant 0 : i32
    %dma_wait3A_618 = arith.constant 0 : i32
    %dma_wait3A_619 = arith.constant 0 : i32
    %dma_wait3A_620 = tpu.memref_slice %arg21[%dma_wait3A_617, %dma_wait3A_618, %dma_wait3A_619] : memref<5x128x64xf32, #tpu.memory_space<vmem>> -> memref<1x128x64xf32, #tpu.memory_space<vmem>>
    %dma_wait3A_621 = tpu.memref_squeeze %dma_wait3A_620 : memref<1x128x64xf32, #tpu.memory_space<vmem>> -> memref<128x64xf32, #tpu.memory_space<vmem>>
    %dma_wait3A_622 = arith.constant 2048 : i32
    %dma_wait3A_623 = tpu.memref_slice %arg22[%dma_wait3A_622] : memref<3072xi32, #tpu.memory_space<vmem>> -> memref<128xi32, #tpu.memory_space<vmem>>
    %dma_wait3A_624 = arith.constant 0 : i32
    %dma_wait3A_625 = arith.constant 0 : i32
    %dma_wait3A_626 = tpu.memref_slice %arg3[%dma_wait3A_624, %dma_wait3A_625] : memref<100000x64xf32, #tpu.memory_space<hbm>> -> memref<100000x64xf32, #tpu.memory_space<hbm>>
    tpu.wait_indirect_dma semaphore(%arg36 : memref<!tpu.dma_semaphore, #tpu.memory_space<semaphore_mem>>) src(%dma_wait3A_626 : memref<100000x64xf32, #tpu.memory_space<hbm>>) dst(%dma_wait3A_621 : memref<128x64xf32, #tpu.memory_space<vmem>>)
    %dma_wait3A_627 = arith.constant 2048 : i32
    %dma_wait3A_628 = tpu.memref_slice %arg22[%dma_wait3A_627] : memref<3072xi32, #tpu.memory_space<vmem>> -> memref<128xi32, #tpu.memory_space<vmem>>
    %dma_wait3A_629 = arith.constant 0 : i32
    %dma_wait3A_630 = tpu.memref_slice %arg5[%dma_wait3A_629] : memref<100000xf32, #tpu.memory_space<hbm>> -> memref<100000xf32, #tpu.memory_space<hbm>>
    tpu.wait_indirect_dma semaphore(%arg38 : memref<!tpu.dma_semaphore, #tpu.memory_space<semaphore_mem>>) src(%dma_wait3A_630 : memref<100000xf32, #tpu.memory_space<hbm>>) dst(%arg23 : memref<128xf32, #tpu.memory_space<vmem>>)
    %run_scoped3A_631 = arith.constant 0 : i32
    "tpu.region"() ({
      %run_scoped3A_835 = tpu.sem_alloc : memref<!tpu.dma_semaphore, #tpu.memory_space<semaphore_mem>>
      %dma_start3A_836 = arith.constant 0 : i32
      %dma_start3A_837 = arith.constant 0 : i32
      %dma_start3A_838 = tpu.memref_slice %arg21[%run_scoped3A_631, %dma_start3A_836, %dma_start3A_837] : memref<5x128x64xf32, #tpu.memory_space<vmem>> -> memref<1x128x64xf32, #tpu.memory_space<vmem>>
      %dma_start3A_839 = tpu.memref_squeeze %dma_start3A_838 : memref<1x128x64xf32, #tpu.memory_space<vmem>> -> memref<128x64xf32, #tpu.memory_space<vmem>>
      %dma_start3A_840 = arith.constant 0 : i32
      %dma_start3A_841 = tpu.memref_slice %arg15[%add3A_98, %dma_start3A_840] : memref<65536x128xf32, #tpu.memory_space<hbm>> -> memref<128x64xf32, #tpu.memory_space<hbm>>
      %dma_start3A_842 = arith.constant 0 : i32
      %dma_start3A_843 = tpu.memref_slice %arg15[%add3A_98, %dma_start3A_842] : memref<65536x128xf32, #tpu.memory_space<hbm>> -> memref<128x64xf32, #tpu.memory_space<hbm>>
      %dma_start3A_844 = arith.constant 0 : i32
      %dma_start3A_845 = arith.constant 0 : i32
      %dma_start3A_846 = tpu.memref_slice %arg21[%run_scoped3A_631, %dma_start3A_844, %dma_start3A_845] : memref<5x128x64xf32, #tpu.memory_space<vmem>> -> memref<1x128x64xf32, #tpu.memory_space<vmem>>
      %dma_start3A_847 = tpu.memref_squeeze %dma_start3A_846 : memref<1x128x64xf32, #tpu.memory_space<vmem>> -> memref<128x64xf32, #tpu.memory_space<vmem>>
      tpu.enqueue_dma source(%dma_start3A_847 : memref<128x64xf32, #tpu.memory_space<vmem>>) target(%dma_start3A_843 : memref<128x64xf32, #tpu.memory_space<hbm>>) target_semaphore(%run_scoped3A_835 : memref<!tpu.dma_semaphore, #tpu.memory_space<semaphore_mem>>)
      %dma_wait3A_848 = arith.constant 0 : i32
      %dma_wait3A_849 = arith.constant 0 : i32
      %dma_wait3A_850 = tpu.memref_slice %arg21[%run_scoped3A_631, %dma_wait3A_848, %dma_wait3A_849] : memref<5x128x64xf32, #tpu.memory_space<vmem>> -> memref<1x128x64xf32, #tpu.memory_space<vmem>>
      %dma_wait3A_851 = tpu.memref_squeeze %dma_wait3A_850 : memref<1x128x64xf32, #tpu.memory_space<vmem>> -> memref<128x64xf32, #tpu.memory_space<vmem>>
      %dma_wait3A_852 = arith.constant 0 : i32
      %dma_wait3A_853 = tpu.memref_slice %arg15[%add3A_98, %dma_wait3A_852] : memref<65536x128xf32, #tpu.memory_space<hbm>> -> memref<128x64xf32, #tpu.memory_space<hbm>>
      %dma_wait3A_854 = arith.constant 0 : i32
      %dma_wait3A_855 = tpu.memref_slice %arg15[%add3A_98, %dma_wait3A_854] : memref<65536x128xf32, #tpu.memory_space<hbm>> -> memref<128x64xf32, #tpu.memory_space<hbm>>
      %dma_wait3A_856 = arith.constant 0 : i32
      %dma_wait3A_857 = arith.constant 0 : i32
      %dma_wait3A_858 = tpu.memref_slice %arg21[%run_scoped3A_631, %dma_wait3A_856, %dma_wait3A_857] : memref<5x128x64xf32, #tpu.memory_space<vmem>> -> memref<1x128x64xf32, #tpu.memory_space<vmem>>
      %dma_wait3A_859 = tpu.memref_squeeze %dma_wait3A_858 : memref<1x128x64xf32, #tpu.memory_space<vmem>> -> memref<128x64xf32, #tpu.memory_space<vmem>>
      tpu.wait_dma2 semaphore(%run_scoped3A_835 : memref<!tpu.dma_semaphore, #tpu.memory_space<semaphore_mem>>) src(%dma_wait3A_859 : memref<128x64xf32, #tpu.memory_space<vmem>>) dst(%dma_wait3A_855 : memref<128x64xf32, #tpu.memory_space<hbm>>)
      tpu.yield
    }) : () -> ()
    "tpu.region"() ({
      %run_scoped3A_835 = tpu.sem_alloc : memref<!tpu.dma_semaphore, #tpu.memory_space<semaphore_mem>>
      %dma_start3A_836 = tpu.memref_slice %arg18[%add3A_98] : memref<65536xf32, #tpu.memory_space<hbm>> -> memref<128xf32, #tpu.memory_space<hbm>>
      %dma_start3A_837 = tpu.memref_slice %arg18[%add3A_98] : memref<65536xf32, #tpu.memory_space<hbm>> -> memref<128xf32, #tpu.memory_space<hbm>>
      tpu.enqueue_dma source(%arg23 : memref<128xf32, #tpu.memory_space<vmem>>) target(%dma_start3A_837 : memref<128xf32, #tpu.memory_space<hbm>>) target_semaphore(%run_scoped3A_835 : memref<!tpu.dma_semaphore, #tpu.memory_space<semaphore_mem>>)
      %dma_wait3A_838 = tpu.memref_slice %arg18[%add3A_98] : memref<65536xf32, #tpu.memory_space<hbm>> -> memref<128xf32, #tpu.memory_space<hbm>>
      %dma_wait3A_839 = tpu.memref_slice %arg18[%add3A_98] : memref<65536xf32, #tpu.memory_space<hbm>> -> memref<128xf32, #tpu.memory_space<hbm>>
      tpu.wait_dma2 semaphore(%run_scoped3A_835 : memref<!tpu.dma_semaphore, #tpu.memory_space<semaphore_mem>>) src(%arg23 : memref<128xf32, #tpu.memory_space<vmem>>) dst(%dma_wait3A_839 : memref<128xf32, #tpu.memory_space<hbm>>)
      tpu.yield
    }) : () -> ()
    %dma_start3A_632 = arith.constant 0 : i32
    %dma_start3A_633 = arith.constant 0 : i32
    %dma_start3A_634 = arith.constant 0 : i32
    %dma_start3A_635 = tpu.memref_slice %arg21[%dma_start3A_632, %dma_start3A_633, %dma_start3A_634] : memref<5x128x64xf32, #tpu.memory_space<vmem>> -> memref<1x128x64xf32, #tpu.memory_space<vmem>>
    %dma_start3A_636 = tpu.memref_squeeze %dma_start3A_635 : memref<1x128x64xf32, #tpu.memory_space<vmem>> -> memref<128x64xf32, #tpu.memory_space<vmem>>
    %dma_start3A_637 = arith.constant 2304 : i32
    %dma_start3A_638 = tpu.memref_slice %arg22[%dma_start3A_637] : memref<3072xi32, #tpu.memory_space<vmem>> -> memref<128xi32, #tpu.memory_space<vmem>>
    %dma_start3A_639 = arith.constant 0 : i32
    %dma_start3A_640 = arith.constant 0 : i32
    %dma_start3A_641 = tpu.memref_slice %arg3[%dma_start3A_639, %dma_start3A_640] : memref<100000x64xf32, #tpu.memory_space<hbm>> -> memref<100000x64xf32, #tpu.memory_space<hbm>>
    tpu.enqueue_indirect_dma source(%dma_start3A_641 : memref<100000x64xf32, #tpu.memory_space<hbm>>) target(%dma_start3A_636 : memref<128x64xf32, #tpu.memory_space<vmem>>) offsets(%dma_start3A_638 : memref<128xi32, #tpu.memory_space<vmem>>) semaphore(%arg36 : memref<!tpu.dma_semaphore, #tpu.memory_space<semaphore_mem>>)
    %dma_start3A_642 = arith.constant 2304 : i32
    %dma_start3A_643 = tpu.memref_slice %arg22[%dma_start3A_642] : memref<3072xi32, #tpu.memory_space<vmem>> -> memref<128xi32, #tpu.memory_space<vmem>>
    %dma_start3A_644 = arith.constant 0 : i32
    %dma_start3A_645 = tpu.memref_slice %arg5[%dma_start3A_644] : memref<100000xf32, #tpu.memory_space<hbm>> -> memref<100000xf32, #tpu.memory_space<hbm>>
    tpu.enqueue_indirect_dma source(%dma_start3A_645 : memref<100000xf32, #tpu.memory_space<hbm>>) target(%arg23 : memref<128xf32, #tpu.memory_space<vmem>>) offsets(%dma_start3A_643 : memref<128xi32, #tpu.memory_space<vmem>>) semaphore(%arg38 : memref<!tpu.dma_semaphore, #tpu.memory_space<semaphore_mem>>)
    %dma_wait3A_646 = arith.constant 1 : i32
    %dma_wait3A_647 = arith.constant 0 : i32
    %dma_wait3A_648 = arith.constant 0 : i32
    %dma_wait3A_649 = tpu.memref_slice %arg21[%dma_wait3A_646, %dma_wait3A_647, %dma_wait3A_648] : memref<5x128x64xf32, #tpu.memory_space<vmem>> -> memref<1x128x64xf32, #tpu.memory_space<vmem>>
    %dma_wait3A_650 = tpu.memref_squeeze %dma_wait3A_649 : memref<1x128x64xf32, #tpu.memory_space<vmem>> -> memref<128x64xf32, #tpu.memory_space<vmem>>
    %dma_wait3A_651 = arith.constant 2176 : i32
    %dma_wait3A_652 = tpu.memref_slice %arg22[%dma_wait3A_651] : memref<3072xi32, #tpu.memory_space<vmem>> -> memref<128xi32, #tpu.memory_space<vmem>>
    %dma_wait3A_653 = arith.constant 0 : i32
    %dma_wait3A_654 = arith.constant 0 : i32
    %dma_wait3A_655 = tpu.memref_slice %arg3[%dma_wait3A_653, %dma_wait3A_654] : memref<100000x64xf32, #tpu.memory_space<hbm>> -> memref<100000x64xf32, #tpu.memory_space<hbm>>
    tpu.wait_indirect_dma semaphore(%arg37 : memref<!tpu.dma_semaphore, #tpu.memory_space<semaphore_mem>>) src(%dma_wait3A_655 : memref<100000x64xf32, #tpu.memory_space<hbm>>) dst(%dma_wait3A_650 : memref<128x64xf32, #tpu.memory_space<vmem>>)
    %dma_wait3A_656 = arith.constant 2176 : i32
    %dma_wait3A_657 = tpu.memref_slice %arg22[%dma_wait3A_656] : memref<3072xi32, #tpu.memory_space<vmem>> -> memref<128xi32, #tpu.memory_space<vmem>>
    %dma_wait3A_658 = arith.constant 0 : i32
    %dma_wait3A_659 = tpu.memref_slice %arg5[%dma_wait3A_658] : memref<100000xf32, #tpu.memory_space<hbm>> -> memref<100000xf32, #tpu.memory_space<hbm>>
    tpu.wait_indirect_dma semaphore(%arg39 : memref<!tpu.dma_semaphore, #tpu.memory_space<semaphore_mem>>) src(%dma_wait3A_659 : memref<100000xf32, #tpu.memory_space<hbm>>) dst(%arg24 : memref<128xf32, #tpu.memory_space<vmem>>)
    %run_scoped3A_660 = arith.constant 1 : i32
    "tpu.region"() ({
      %run_scoped3A_835 = tpu.sem_alloc : memref<!tpu.dma_semaphore, #tpu.memory_space<semaphore_mem>>
      %dma_start3A_836 = arith.constant 0 : i32
      %dma_start3A_837 = arith.constant 0 : i32
      %dma_start3A_838 = tpu.memref_slice %arg21[%run_scoped3A_660, %dma_start3A_836, %dma_start3A_837] : memref<5x128x64xf32, #tpu.memory_space<vmem>> -> memref<1x128x64xf32, #tpu.memory_space<vmem>>
      %dma_start3A_839 = tpu.memref_squeeze %dma_start3A_838 : memref<1x128x64xf32, #tpu.memory_space<vmem>> -> memref<128x64xf32, #tpu.memory_space<vmem>>
      %dma_start3A_840 = arith.constant 0 : i32
      %dma_start3A_841 = tpu.memref_slice %arg15[%add3A_102, %dma_start3A_840] : memref<65536x128xf32, #tpu.memory_space<hbm>> -> memref<128x64xf32, #tpu.memory_space<hbm>>
      %dma_start3A_842 = arith.constant 0 : i32
      %dma_start3A_843 = tpu.memref_slice %arg15[%add3A_102, %dma_start3A_842] : memref<65536x128xf32, #tpu.memory_space<hbm>> -> memref<128x64xf32, #tpu.memory_space<hbm>>
      %dma_start3A_844 = arith.constant 0 : i32
      %dma_start3A_845 = arith.constant 0 : i32
      %dma_start3A_846 = tpu.memref_slice %arg21[%run_scoped3A_660, %dma_start3A_844, %dma_start3A_845] : memref<5x128x64xf32, #tpu.memory_space<vmem>> -> memref<1x128x64xf32, #tpu.memory_space<vmem>>
      %dma_start3A_847 = tpu.memref_squeeze %dma_start3A_846 : memref<1x128x64xf32, #tpu.memory_space<vmem>> -> memref<128x64xf32, #tpu.memory_space<vmem>>
      tpu.enqueue_dma source(%dma_start3A_847 : memref<128x64xf32, #tpu.memory_space<vmem>>) target(%dma_start3A_843 : memref<128x64xf32, #tpu.memory_space<hbm>>) target_semaphore(%run_scoped3A_835 : memref<!tpu.dma_semaphore, #tpu.memory_space<semaphore_mem>>)
      %dma_wait3A_848 = arith.constant 0 : i32
      %dma_wait3A_849 = arith.constant 0 : i32
      %dma_wait3A_850 = tpu.memref_slice %arg21[%run_scoped3A_660, %dma_wait3A_848, %dma_wait3A_849] : memref<5x128x64xf32, #tpu.memory_space<vmem>> -> memref<1x128x64xf32, #tpu.memory_space<vmem>>
      %dma_wait3A_851 = tpu.memref_squeeze %dma_wait3A_850 : memref<1x128x64xf32, #tpu.memory_space<vmem>> -> memref<128x64xf32, #tpu.memory_space<vmem>>
      %dma_wait3A_852 = arith.constant 0 : i32
      %dma_wait3A_853 = tpu.memref_slice %arg15[%add3A_102, %dma_wait3A_852] : memref<65536x128xf32, #tpu.memory_space<hbm>> -> memref<128x64xf32, #tpu.memory_space<hbm>>
      %dma_wait3A_854 = arith.constant 0 : i32
      %dma_wait3A_855 = tpu.memref_slice %arg15[%add3A_102, %dma_wait3A_854] : memref<65536x128xf32, #tpu.memory_space<hbm>> -> memref<128x64xf32, #tpu.memory_space<hbm>>
      %dma_wait3A_856 = arith.constant 0 : i32
      %dma_wait3A_857 = arith.constant 0 : i32
      %dma_wait3A_858 = tpu.memref_slice %arg21[%run_scoped3A_660, %dma_wait3A_856, %dma_wait3A_857] : memref<5x128x64xf32, #tpu.memory_space<vmem>> -> memref<1x128x64xf32, #tpu.memory_space<vmem>>
      %dma_wait3A_859 = tpu.memref_squeeze %dma_wait3A_858 : memref<1x128x64xf32, #tpu.memory_space<vmem>> -> memref<128x64xf32, #tpu.memory_space<vmem>>
      tpu.wait_dma2 semaphore(%run_scoped3A_835 : memref<!tpu.dma_semaphore, #tpu.memory_space<semaphore_mem>>) src(%dma_wait3A_859 : memref<128x64xf32, #tpu.memory_space<vmem>>) dst(%dma_wait3A_855 : memref<128x64xf32, #tpu.memory_space<hbm>>)
      tpu.yield
    }) : () -> ()
    "tpu.region"() ({
      %run_scoped3A_835 = tpu.sem_alloc : memref<!tpu.dma_semaphore, #tpu.memory_space<semaphore_mem>>
      %dma_start3A_836 = tpu.memref_slice %arg18[%add3A_102] : memref<65536xf32, #tpu.memory_space<hbm>> -> memref<128xf32, #tpu.memory_space<hbm>>
      %dma_start3A_837 = tpu.memref_slice %arg18[%add3A_102] : memref<65536xf32, #tpu.memory_space<hbm>> -> memref<128xf32, #tpu.memory_space<hbm>>
      tpu.enqueue_dma source(%arg24 : memref<128xf32, #tpu.memory_space<vmem>>) target(%dma_start3A_837 : memref<128xf32, #tpu.memory_space<hbm>>) target_semaphore(%run_scoped3A_835 : memref<!tpu.dma_semaphore, #tpu.memory_space<semaphore_mem>>)
      %dma_wait3A_838 = tpu.memref_slice %arg18[%add3A_102] : memref<65536xf32, #tpu.memory_space<hbm>> -> memref<128xf32, #tpu.memory_space<hbm>>
      %dma_wait3A_839 = tpu.memref_slice %arg18[%add3A_102] : memref<65536xf32, #tpu.memory_space<hbm>> -> memref<128xf32, #tpu.memory_space<hbm>>
      tpu.wait_dma2 semaphore(%run_scoped3A_835 : memref<!tpu.dma_semaphore, #tpu.memory_space<semaphore_mem>>) src(%arg24 : memref<128xf32, #tpu.memory_space<vmem>>) dst(%dma_wait3A_839 : memref<128xf32, #tpu.memory_space<hbm>>)
      tpu.yield
    }) : () -> ()
    %dma_start3A_661 = arith.constant 1 : i32
    %dma_start3A_662 = arith.constant 0 : i32
    %dma_start3A_663 = arith.constant 0 : i32
    %dma_start3A_664 = tpu.memref_slice %arg21[%dma_start3A_661, %dma_start3A_662, %dma_start3A_663] : memref<5x128x64xf32, #tpu.memory_space<vmem>> -> memref<1x128x64xf32, #tpu.memory_space<vmem>>
    %dma_start3A_665 = tpu.memref_squeeze %dma_start3A_664 : memref<1x128x64xf32, #tpu.memory_space<vmem>> -> memref<128x64xf32, #tpu.memory_space<vmem>>
    %dma_start3A_666 = arith.constant 2432 : i32
    %dma_start3A_667 = tpu.memref_slice %arg22[%dma_start3A_666] : memref<3072xi32, #tpu.memory_space<vmem>> -> memref<128xi32, #tpu.memory_space<vmem>>
    %dma_start3A_668 = arith.constant 0 : i32
    %dma_start3A_669 = arith.constant 0 : i32
    %dma_start3A_670 = tpu.memref_slice %arg3[%dma_start3A_668, %dma_start3A_669] : memref<100000x64xf32, #tpu.memory_space<hbm>> -> memref<100000x64xf32, #tpu.memory_space<hbm>>
    tpu.enqueue_indirect_dma source(%dma_start3A_670 : memref<100000x64xf32, #tpu.memory_space<hbm>>) target(%dma_start3A_665 : memref<128x64xf32, #tpu.memory_space<vmem>>) offsets(%dma_start3A_667 : memref<128xi32, #tpu.memory_space<vmem>>) semaphore(%arg37 : memref<!tpu.dma_semaphore, #tpu.memory_space<semaphore_mem>>)
    %dma_start3A_671 = arith.constant 2432 : i32
    %dma_start3A_672 = tpu.memref_slice %arg22[%dma_start3A_671] : memref<3072xi32, #tpu.memory_space<vmem>> -> memref<128xi32, #tpu.memory_space<vmem>>
    %dma_start3A_673 = arith.constant 0 : i32
    %dma_start3A_674 = tpu.memref_slice %arg5[%dma_start3A_673] : memref<100000xf32, #tpu.memory_space<hbm>> -> memref<100000xf32, #tpu.memory_space<hbm>>
    tpu.enqueue_indirect_dma source(%dma_start3A_674 : memref<100000xf32, #tpu.memory_space<hbm>>) target(%arg24 : memref<128xf32, #tpu.memory_space<vmem>>) offsets(%dma_start3A_672 : memref<128xi32, #tpu.memory_space<vmem>>) semaphore(%arg39 : memref<!tpu.dma_semaphore, #tpu.memory_space<semaphore_mem>>)
    %dma_wait3A_675 = arith.constant 0 : i32
    %dma_wait3A_676 = arith.constant 0 : i32
    %dma_wait3A_677 = arith.constant 0 : i32
    %dma_wait3A_678 = tpu.memref_slice %arg21[%dma_wait3A_675, %dma_wait3A_676, %dma_wait3A_677] : memref<5x128x64xf32, #tpu.memory_space<vmem>> -> memref<1x128x64xf32, #tpu.memory_space<vmem>>
    %dma_wait3A_679 = tpu.memref_squeeze %dma_wait3A_678 : memref<1x128x64xf32, #tpu.memory_space<vmem>> -> memref<128x64xf32, #tpu.memory_space<vmem>>
    %dma_wait3A_680 = arith.constant 2304 : i32
    %dma_wait3A_681 = tpu.memref_slice %arg22[%dma_wait3A_680] : memref<3072xi32, #tpu.memory_space<vmem>> -> memref<128xi32, #tpu.memory_space<vmem>>
    %dma_wait3A_682 = arith.constant 0 : i32
    %dma_wait3A_683 = arith.constant 0 : i32
    %dma_wait3A_684 = tpu.memref_slice %arg3[%dma_wait3A_682, %dma_wait3A_683] : memref<100000x64xf32, #tpu.memory_space<hbm>> -> memref<100000x64xf32, #tpu.memory_space<hbm>>
    tpu.wait_indirect_dma semaphore(%arg36 : memref<!tpu.dma_semaphore, #tpu.memory_space<semaphore_mem>>) src(%dma_wait3A_684 : memref<100000x64xf32, #tpu.memory_space<hbm>>) dst(%dma_wait3A_679 : memref<128x64xf32, #tpu.memory_space<vmem>>)
    %dma_wait3A_685 = arith.constant 2304 : i32
    %dma_wait3A_686 = tpu.memref_slice %arg22[%dma_wait3A_685] : memref<3072xi32, #tpu.memory_space<vmem>> -> memref<128xi32, #tpu.memory_space<vmem>>
    %dma_wait3A_687 = arith.constant 0 : i32
    %dma_wait3A_688 = tpu.memref_slice %arg5[%dma_wait3A_687] : memref<100000xf32, #tpu.memory_space<hbm>> -> memref<100000xf32, #tpu.memory_space<hbm>>
    tpu.wait_indirect_dma semaphore(%arg38 : memref<!tpu.dma_semaphore, #tpu.memory_space<semaphore_mem>>) src(%dma_wait3A_688 : memref<100000xf32, #tpu.memory_space<hbm>>) dst(%arg23 : memref<128xf32, #tpu.memory_space<vmem>>)
    %run_scoped3A_689 = arith.constant 0 : i32
    "tpu.region"() ({
      %run_scoped3A_835 = tpu.sem_alloc : memref<!tpu.dma_semaphore, #tpu.memory_space<semaphore_mem>>
      %dma_start3A_836 = arith.constant 0 : i32
      %dma_start3A_837 = arith.constant 0 : i32
      %dma_start3A_838 = tpu.memref_slice %arg21[%run_scoped3A_689, %dma_start3A_836, %dma_start3A_837] : memref<5x128x64xf32, #tpu.memory_space<vmem>> -> memref<1x128x64xf32, #tpu.memory_space<vmem>>
      %dma_start3A_839 = tpu.memref_squeeze %dma_start3A_838 : memref<1x128x64xf32, #tpu.memory_space<vmem>> -> memref<128x64xf32, #tpu.memory_space<vmem>>
      %dma_start3A_840 = arith.constant 0 : i32
      %dma_start3A_841 = tpu.memref_slice %arg15[%add3A_106, %dma_start3A_840] : memref<65536x128xf32, #tpu.memory_space<hbm>> -> memref<128x64xf32, #tpu.memory_space<hbm>>
      %dma_start3A_842 = arith.constant 0 : i32
      %dma_start3A_843 = tpu.memref_slice %arg15[%add3A_106, %dma_start3A_842] : memref<65536x128xf32, #tpu.memory_space<hbm>> -> memref<128x64xf32, #tpu.memory_space<hbm>>
      %dma_start3A_844 = arith.constant 0 : i32
      %dma_start3A_845 = arith.constant 0 : i32
      %dma_start3A_846 = tpu.memref_slice %arg21[%run_scoped3A_689, %dma_start3A_844, %dma_start3A_845] : memref<5x128x64xf32, #tpu.memory_space<vmem>> -> memref<1x128x64xf32, #tpu.memory_space<vmem>>
      %dma_start3A_847 = tpu.memref_squeeze %dma_start3A_846 : memref<1x128x64xf32, #tpu.memory_space<vmem>> -> memref<128x64xf32, #tpu.memory_space<vmem>>
      tpu.enqueue_dma source(%dma_start3A_847 : memref<128x64xf32, #tpu.memory_space<vmem>>) target(%dma_start3A_843 : memref<128x64xf32, #tpu.memory_space<hbm>>) target_semaphore(%run_scoped3A_835 : memref<!tpu.dma_semaphore, #tpu.memory_space<semaphore_mem>>)
      %dma_wait3A_848 = arith.constant 0 : i32
      %dma_wait3A_849 = arith.constant 0 : i32
      %dma_wait3A_850 = tpu.memref_slice %arg21[%run_scoped3A_689, %dma_wait3A_848, %dma_wait3A_849] : memref<5x128x64xf32, #tpu.memory_space<vmem>> -> memref<1x128x64xf32, #tpu.memory_space<vmem>>
      %dma_wait3A_851 = tpu.memref_squeeze %dma_wait3A_850 : memref<1x128x64xf32, #tpu.memory_space<vmem>> -> memref<128x64xf32, #tpu.memory_space<vmem>>
      %dma_wait3A_852 = arith.constant 0 : i32
      %dma_wait3A_853 = tpu.memref_slice %arg15[%add3A_106, %dma_wait3A_852] : memref<65536x128xf32, #tpu.memory_space<hbm>> -> memref<128x64xf32, #tpu.memory_space<hbm>>
      %dma_wait3A_854 = arith.constant 0 : i32
      %dma_wait3A_855 = tpu.memref_slice %arg15[%add3A_106, %dma_wait3A_854] : memref<65536x128xf32, #tpu.memory_space<hbm>> -> memref<128x64xf32, #tpu.memory_space<hbm>>
      %dma_wait3A_856 = arith.constant 0 : i32
      %dma_wait3A_857 = arith.constant 0 : i32
      %dma_wait3A_858 = tpu.memref_slice %arg21[%run_scoped3A_689, %dma_wait3A_856, %dma_wait3A_857] : memref<5x128x64xf32, #tpu.memory_space<vmem>> -> memref<1x128x64xf32, #tpu.memory_space<vmem>>
      %dma_wait3A_859 = tpu.memref_squeeze %dma_wait3A_858 : memref<1x128x64xf32, #tpu.memory_space<vmem>> -> memref<128x64xf32, #tpu.memory_space<vmem>>
      tpu.wait_dma2 semaphore(%run_scoped3A_835 : memref<!tpu.dma_semaphore, #tpu.memory_space<semaphore_mem>>) src(%dma_wait3A_859 : memref<128x64xf32, #tpu.memory_space<vmem>>) dst(%dma_wait3A_855 : memref<128x64xf32, #tpu.memory_space<hbm>>)
      tpu.yield
    }) : () -> ()
    "tpu.region"() ({
      %run_scoped3A_835 = tpu.sem_alloc : memref<!tpu.dma_semaphore, #tpu.memory_space<semaphore_mem>>
      %dma_start3A_836 = tpu.memref_slice %arg18[%add3A_106] : memref<65536xf32, #tpu.memory_space<hbm>> -> memref<128xf32, #tpu.memory_space<hbm>>
      %dma_start3A_837 = tpu.memref_slice %arg18[%add3A_106] : memref<65536xf32, #tpu.memory_space<hbm>> -> memref<128xf32, #tpu.memory_space<hbm>>
      tpu.enqueue_dma source(%arg23 : memref<128xf32, #tpu.memory_space<vmem>>) target(%dma_start3A_837 : memref<128xf32, #tpu.memory_space<hbm>>) target_semaphore(%run_scoped3A_835 : memref<!tpu.dma_semaphore, #tpu.memory_space<semaphore_mem>>)
      %dma_wait3A_838 = tpu.memref_slice %arg18[%add3A_106] : memref<65536xf32, #tpu.memory_space<hbm>> -> memref<128xf32, #tpu.memory_space<hbm>>
      %dma_wait3A_839 = tpu.memref_slice %arg18[%add3A_106] : memref<65536xf32, #tpu.memory_space<hbm>> -> memref<128xf32, #tpu.memory_space<hbm>>
      tpu.wait_dma2 semaphore(%run_scoped3A_835 : memref<!tpu.dma_semaphore, #tpu.memory_space<semaphore_mem>>) src(%arg23 : memref<128xf32, #tpu.memory_space<vmem>>) dst(%dma_wait3A_839 : memref<128xf32, #tpu.memory_space<hbm>>)
      tpu.yield
    }) : () -> ()
    %dma_start3A_690 = arith.constant 0 : i32
    %dma_start3A_691 = arith.constant 0 : i32
    %dma_start3A_692 = arith.constant 0 : i32
    %dma_start3A_693 = tpu.memref_slice %arg21[%dma_start3A_690, %dma_start3A_691, %dma_start3A_692] : memref<5x128x64xf32, #tpu.memory_space<vmem>> -> memref<1x128x64xf32, #tpu.memory_space<vmem>>
    %dma_start3A_694 = tpu.memref_squeeze %dma_start3A_693 : memref<1x128x64xf32, #tpu.memory_space<vmem>> -> memref<128x64xf32, #tpu.memory_space<vmem>>
    %dma_start3A_695 = arith.constant 2560 : i32
    %dma_start3A_696 = tpu.memref_slice %arg22[%dma_start3A_695] : memref<3072xi32, #tpu.memory_space<vmem>> -> memref<128xi32, #tpu.memory_space<vmem>>
    %dma_start3A_697 = arith.constant 0 : i32
    %dma_start3A_698 = arith.constant 0 : i32
    %dma_start3A_699 = tpu.memref_slice %arg3[%dma_start3A_697, %dma_start3A_698] : memref<100000x64xf32, #tpu.memory_space<hbm>> -> memref<100000x64xf32, #tpu.memory_space<hbm>>
    tpu.enqueue_indirect_dma source(%dma_start3A_699 : memref<100000x64xf32, #tpu.memory_space<hbm>>) target(%dma_start3A_694 : memref<128x64xf32, #tpu.memory_space<vmem>>) offsets(%dma_start3A_696 : memref<128xi32, #tpu.memory_space<vmem>>) semaphore(%arg36 : memref<!tpu.dma_semaphore, #tpu.memory_space<semaphore_mem>>)
    %dma_start3A_700 = arith.constant 2560 : i32
    %dma_start3A_701 = tpu.memref_slice %arg22[%dma_start3A_700] : memref<3072xi32, #tpu.memory_space<vmem>> -> memref<128xi32, #tpu.memory_space<vmem>>
    %dma_start3A_702 = arith.constant 0 : i32
    %dma_start3A_703 = tpu.memref_slice %arg5[%dma_start3A_702] : memref<100000xf32, #tpu.memory_space<hbm>> -> memref<100000xf32, #tpu.memory_space<hbm>>
    tpu.enqueue_indirect_dma source(%dma_start3A_703 : memref<100000xf32, #tpu.memory_space<hbm>>) target(%arg23 : memref<128xf32, #tpu.memory_space<vmem>>) offsets(%dma_start3A_701 : memref<128xi32, #tpu.memory_space<vmem>>) semaphore(%arg38 : memref<!tpu.dma_semaphore, #tpu.memory_space<semaphore_mem>>)
    %dma_wait3A_704 = arith.constant 1 : i32
    %dma_wait3A_705 = arith.constant 0 : i32
    %dma_wait3A_706 = arith.constant 0 : i32
    %dma_wait3A_707 = tpu.memref_slice %arg21[%dma_wait3A_704, %dma_wait3A_705, %dma_wait3A_706] : memref<5x128x64xf32, #tpu.memory_space<vmem>> -> memref<1x128x64xf32, #tpu.memory_space<vmem>>
    %dma_wait3A_708 = tpu.memref_squeeze %dma_wait3A_707 : memref<1x128x64xf32, #tpu.memory_space<vmem>> -> memref<128x64xf32, #tpu.memory_space<vmem>>
    %dma_wait3A_709 = arith.constant 2432 : i32
    %dma_wait3A_710 = tpu.memref_slice %arg22[%dma_wait3A_709] : memref<3072xi32, #tpu.memory_space<vmem>> -> memref<128xi32, #tpu.memory_space<vmem>>
    %dma_wait3A_711 = arith.constant 0 : i32
    %dma_wait3A_712 = arith.constant 0 : i32
    %dma_wait3A_713 = tpu.memref_slice %arg3[%dma_wait3A_711, %dma_wait3A_712] : memref<100000x64xf32, #tpu.memory_space<hbm>> -> memref<100000x64xf32, #tpu.memory_space<hbm>>
    tpu.wait_indirect_dma semaphore(%arg37 : memref<!tpu.dma_semaphore, #tpu.memory_space<semaphore_mem>>) src(%dma_wait3A_713 : memref<100000x64xf32, #tpu.memory_space<hbm>>) dst(%dma_wait3A_708 : memref<128x64xf32, #tpu.memory_space<vmem>>)
    %dma_wait3A_714 = arith.constant 2432 : i32
    %dma_wait3A_715 = tpu.memref_slice %arg22[%dma_wait3A_714] : memref<3072xi32, #tpu.memory_space<vmem>> -> memref<128xi32, #tpu.memory_space<vmem>>
    %dma_wait3A_716 = arith.constant 0 : i32
    %dma_wait3A_717 = tpu.memref_slice %arg5[%dma_wait3A_716] : memref<100000xf32, #tpu.memory_space<hbm>> -> memref<100000xf32, #tpu.memory_space<hbm>>
    tpu.wait_indirect_dma semaphore(%arg39 : memref<!tpu.dma_semaphore, #tpu.memory_space<semaphore_mem>>) src(%dma_wait3A_717 : memref<100000xf32, #tpu.memory_space<hbm>>) dst(%arg24 : memref<128xf32, #tpu.memory_space<vmem>>)
    %run_scoped3A_718 = arith.constant 1 : i32
    "tpu.region"() ({
      %run_scoped3A_835 = tpu.sem_alloc : memref<!tpu.dma_semaphore, #tpu.memory_space<semaphore_mem>>
      %dma_start3A_836 = arith.constant 0 : i32
      %dma_start3A_837 = arith.constant 0 : i32
      %dma_start3A_838 = tpu.memref_slice %arg21[%run_scoped3A_718, %dma_start3A_836, %dma_start3A_837] : memref<5x128x64xf32, #tpu.memory_space<vmem>> -> memref<1x128x64xf32, #tpu.memory_space<vmem>>
      %dma_start3A_839 = tpu.memref_squeeze %dma_start3A_838 : memref<1x128x64xf32, #tpu.memory_space<vmem>> -> memref<128x64xf32, #tpu.memory_space<vmem>>
      %dma_start3A_840 = arith.constant 0 : i32
      %dma_start3A_841 = tpu.memref_slice %arg15[%add3A_110, %dma_start3A_840] : memref<65536x128xf32, #tpu.memory_space<hbm>> -> memref<128x64xf32, #tpu.memory_space<hbm>>
      %dma_start3A_842 = arith.constant 0 : i32
      %dma_start3A_843 = tpu.memref_slice %arg15[%add3A_110, %dma_start3A_842] : memref<65536x128xf32, #tpu.memory_space<hbm>> -> memref<128x64xf32, #tpu.memory_space<hbm>>
      %dma_start3A_844 = arith.constant 0 : i32
      %dma_start3A_845 = arith.constant 0 : i32
      %dma_start3A_846 = tpu.memref_slice %arg21[%run_scoped3A_718, %dma_start3A_844, %dma_start3A_845] : memref<5x128x64xf32, #tpu.memory_space<vmem>> -> memref<1x128x64xf32, #tpu.memory_space<vmem>>
      %dma_start3A_847 = tpu.memref_squeeze %dma_start3A_846 : memref<1x128x64xf32, #tpu.memory_space<vmem>> -> memref<128x64xf32, #tpu.memory_space<vmem>>
      tpu.enqueue_dma source(%dma_start3A_847 : memref<128x64xf32, #tpu.memory_space<vmem>>) target(%dma_start3A_843 : memref<128x64xf32, #tpu.memory_space<hbm>>) target_semaphore(%run_scoped3A_835 : memref<!tpu.dma_semaphore, #tpu.memory_space<semaphore_mem>>)
      %dma_wait3A_848 = arith.constant 0 : i32
      %dma_wait3A_849 = arith.constant 0 : i32
      %dma_wait3A_850 = tpu.memref_slice %arg21[%run_scoped3A_718, %dma_wait3A_848, %dma_wait3A_849] : memref<5x128x64xf32, #tpu.memory_space<vmem>> -> memref<1x128x64xf32, #tpu.memory_space<vmem>>
      %dma_wait3A_851 = tpu.memref_squeeze %dma_wait3A_850 : memref<1x128x64xf32, #tpu.memory_space<vmem>> -> memref<128x64xf32, #tpu.memory_space<vmem>>
      %dma_wait3A_852 = arith.constant 0 : i32
      %dma_wait3A_853 = tpu.memref_slice %arg15[%add3A_110, %dma_wait3A_852] : memref<65536x128xf32, #tpu.memory_space<hbm>> -> memref<128x64xf32, #tpu.memory_space<hbm>>
      %dma_wait3A_854 = arith.constant 0 : i32
      %dma_wait3A_855 = tpu.memref_slice %arg15[%add3A_110, %dma_wait3A_854] : memref<65536x128xf32, #tpu.memory_space<hbm>> -> memref<128x64xf32, #tpu.memory_space<hbm>>
      %dma_wait3A_856 = arith.constant 0 : i32
      %dma_wait3A_857 = arith.constant 0 : i32
      %dma_wait3A_858 = tpu.memref_slice %arg21[%run_scoped3A_718, %dma_wait3A_856, %dma_wait3A_857] : memref<5x128x64xf32, #tpu.memory_space<vmem>> -> memref<1x128x64xf32, #tpu.memory_space<vmem>>
      %dma_wait3A_859 = tpu.memref_squeeze %dma_wait3A_858 : memref<1x128x64xf32, #tpu.memory_space<vmem>> -> memref<128x64xf32, #tpu.memory_space<vmem>>
      tpu.wait_dma2 semaphore(%run_scoped3A_835 : memref<!tpu.dma_semaphore, #tpu.memory_space<semaphore_mem>>) src(%dma_wait3A_859 : memref<128x64xf32, #tpu.memory_space<vmem>>) dst(%dma_wait3A_855 : memref<128x64xf32, #tpu.memory_space<hbm>>)
      tpu.yield
    }) : () -> ()
    "tpu.region"() ({
      %run_scoped3A_835 = tpu.sem_alloc : memref<!tpu.dma_semaphore, #tpu.memory_space<semaphore_mem>>
      %dma_start3A_836 = tpu.memref_slice %arg18[%add3A_110] : memref<65536xf32, #tpu.memory_space<hbm>> -> memref<128xf32, #tpu.memory_space<hbm>>
      %dma_start3A_837 = tpu.memref_slice %arg18[%add3A_110] : memref<65536xf32, #tpu.memory_space<hbm>> -> memref<128xf32, #tpu.memory_space<hbm>>
      tpu.enqueue_dma source(%arg24 : memref<128xf32, #tpu.memory_space<vmem>>) target(%dma_start3A_837 : memref<128xf32, #tpu.memory_space<hbm>>) target_semaphore(%run_scoped3A_835 : memref<!tpu.dma_semaphore, #tpu.memory_space<semaphore_mem>>)
      %dma_wait3A_838 = tpu.memref_slice %arg18[%add3A_110] : memref<65536xf32, #tpu.memory_space<hbm>> -> memref<128xf32, #tpu.memory_space<hbm>>
      %dma_wait3A_839 = tpu.memref_slice %arg18[%add3A_110] : memref<65536xf32, #tpu.memory_space<hbm>> -> memref<128xf32, #tpu.memory_space<hbm>>
      tpu.wait_dma2 semaphore(%run_scoped3A_835 : memref<!tpu.dma_semaphore, #tpu.memory_space<semaphore_mem>>) src(%arg24 : memref<128xf32, #tpu.memory_space<vmem>>) dst(%dma_wait3A_839 : memref<128xf32, #tpu.memory_space<hbm>>)
      tpu.yield
    }) : () -> ()
    %dma_start3A_719 = arith.constant 1 : i32
    %dma_start3A_720 = arith.constant 0 : i32
    %dma_start3A_721 = arith.constant 0 : i32
    %dma_start3A_722 = tpu.memref_slice %arg21[%dma_start3A_719, %dma_start3A_720, %dma_start3A_721] : memref<5x128x64xf32, #tpu.memory_space<vmem>> -> memref<1x128x64xf32, #tpu.memory_space<vmem>>
    %dma_start3A_723 = tpu.memref_squeeze %dma_start3A_722 : memref<1x128x64xf32, #tpu.memory_space<vmem>> -> memref<128x64xf32, #tpu.memory_space<vmem>>
    %dma_start3A_724 = arith.constant 2688 : i32
    %dma_start3A_725 = tpu.memref_slice %arg22[%dma_start3A_724] : memref<3072xi32, #tpu.memory_space<vmem>> -> memref<128xi32, #tpu.memory_space<vmem>>
    %dma_start3A_726 = arith.constant 0 : i32
    %dma_start3A_727 = arith.constant 0 : i32
    %dma_start3A_728 = tpu.memref_slice %arg3[%dma_start3A_726, %dma_start3A_727] : memref<100000x64xf32, #tpu.memory_space<hbm>> -> memref<100000x64xf32, #tpu.memory_space<hbm>>
    tpu.enqueue_indirect_dma source(%dma_start3A_728 : memref<100000x64xf32, #tpu.memory_space<hbm>>) target(%dma_start3A_723 : memref<128x64xf32, #tpu.memory_space<vmem>>) offsets(%dma_start3A_725 : memref<128xi32, #tpu.memory_space<vmem>>) semaphore(%arg37 : memref<!tpu.dma_semaphore, #tpu.memory_space<semaphore_mem>>)
    %dma_start3A_729 = arith.constant 2688 : i32
    %dma_start3A_730 = tpu.memref_slice %arg22[%dma_start3A_729] : memref<3072xi32, #tpu.memory_space<vmem>> -> memref<128xi32, #tpu.memory_space<vmem>>
    %dma_start3A_731 = arith.constant 0 : i32
    %dma_start3A_732 = tpu.memref_slice %arg5[%dma_start3A_731] : memref<100000xf32, #tpu.memory_space<hbm>> -> memref<100000xf32, #tpu.memory_space<hbm>>
    tpu.enqueue_indirect_dma source(%dma_start3A_732 : memref<100000xf32, #tpu.memory_space<hbm>>) target(%arg24 : memref<128xf32, #tpu.memory_space<vmem>>) offsets(%dma_start3A_730 : memref<128xi32, #tpu.memory_space<vmem>>) semaphore(%arg39 : memref<!tpu.dma_semaphore, #tpu.memory_space<semaphore_mem>>)
    %dma_wait3A_733 = arith.constant 0 : i32
    %dma_wait3A_734 = arith.constant 0 : i32
    %dma_wait3A_735 = arith.constant 0 : i32
    %dma_wait3A_736 = tpu.memref_slice %arg21[%dma_wait3A_733, %dma_wait3A_734, %dma_wait3A_735] : memref<5x128x64xf32, #tpu.memory_space<vmem>> -> memref<1x128x64xf32, #tpu.memory_space<vmem>>
    %dma_wait3A_737 = tpu.memref_squeeze %dma_wait3A_736 : memref<1x128x64xf32, #tpu.memory_space<vmem>> -> memref<128x64xf32, #tpu.memory_space<vmem>>
    %dma_wait3A_738 = arith.constant 2560 : i32
    %dma_wait3A_739 = tpu.memref_slice %arg22[%dma_wait3A_738] : memref<3072xi32, #tpu.memory_space<vmem>> -> memref<128xi32, #tpu.memory_space<vmem>>
    %dma_wait3A_740 = arith.constant 0 : i32
    %dma_wait3A_741 = arith.constant 0 : i32
    %dma_wait3A_742 = tpu.memref_slice %arg3[%dma_wait3A_740, %dma_wait3A_741] : memref<100000x64xf32, #tpu.memory_space<hbm>> -> memref<100000x64xf32, #tpu.memory_space<hbm>>
    tpu.wait_indirect_dma semaphore(%arg36 : memref<!tpu.dma_semaphore, #tpu.memory_space<semaphore_mem>>) src(%dma_wait3A_742 : memref<100000x64xf32, #tpu.memory_space<hbm>>) dst(%dma_wait3A_737 : memref<128x64xf32, #tpu.memory_space<vmem>>)
    %dma_wait3A_743 = arith.constant 2560 : i32
    %dma_wait3A_744 = tpu.memref_slice %arg22[%dma_wait3A_743] : memref<3072xi32, #tpu.memory_space<vmem>> -> memref<128xi32, #tpu.memory_space<vmem>>
    %dma_wait3A_745 = arith.constant 0 : i32
    %dma_wait3A_746 = tpu.memref_slice %arg5[%dma_wait3A_745] : memref<100000xf32, #tpu.memory_space<hbm>> -> memref<100000xf32, #tpu.memory_space<hbm>>
    tpu.wait_indirect_dma semaphore(%arg38 : memref<!tpu.dma_semaphore, #tpu.memory_space<semaphore_mem>>) src(%dma_wait3A_746 : memref<100000xf32, #tpu.memory_space<hbm>>) dst(%arg23 : memref<128xf32, #tpu.memory_space<vmem>>)
    %run_scoped3A_747 = arith.constant 0 : i32
    "tpu.region"() ({
      %run_scoped3A_835 = tpu.sem_alloc : memref<!tpu.dma_semaphore, #tpu.memory_space<semaphore_mem>>
      %dma_start3A_836 = arith.constant 0 : i32
      %dma_start3A_837 = arith.constant 0 : i32
      %dma_start3A_838 = tpu.memref_slice %arg21[%run_scoped3A_747, %dma_start3A_836, %dma_start3A_837] : memref<5x128x64xf32, #tpu.memory_space<vmem>> -> memref<1x128x64xf32, #tpu.memory_space<vmem>>
      %dma_start3A_839 = tpu.memref_squeeze %dma_start3A_838 : memref<1x128x64xf32, #tpu.memory_space<vmem>> -> memref<128x64xf32, #tpu.memory_space<vmem>>
      %dma_start3A_840 = arith.constant 0 : i32
      %dma_start3A_841 = tpu.memref_slice %arg15[%add3A_114, %dma_start3A_840] : memref<65536x128xf32, #tpu.memory_space<hbm>> -> memref<128x64xf32, #tpu.memory_space<hbm>>
      %dma_start3A_842 = arith.constant 0 : i32
      %dma_start3A_843 = tpu.memref_slice %arg15[%add3A_114, %dma_start3A_842] : memref<65536x128xf32, #tpu.memory_space<hbm>> -> memref<128x64xf32, #tpu.memory_space<hbm>>
      %dma_start3A_844 = arith.constant 0 : i32
      %dma_start3A_845 = arith.constant 0 : i32
      %dma_start3A_846 = tpu.memref_slice %arg21[%run_scoped3A_747, %dma_start3A_844, %dma_start3A_845] : memref<5x128x64xf32, #tpu.memory_space<vmem>> -> memref<1x128x64xf32, #tpu.memory_space<vmem>>
      %dma_start3A_847 = tpu.memref_squeeze %dma_start3A_846 : memref<1x128x64xf32, #tpu.memory_space<vmem>> -> memref<128x64xf32, #tpu.memory_space<vmem>>
      tpu.enqueue_dma source(%dma_start3A_847 : memref<128x64xf32, #tpu.memory_space<vmem>>) target(%dma_start3A_843 : memref<128x64xf32, #tpu.memory_space<hbm>>) target_semaphore(%run_scoped3A_835 : memref<!tpu.dma_semaphore, #tpu.memory_space<semaphore_mem>>)
      %dma_wait3A_848 = arith.constant 0 : i32
      %dma_wait3A_849 = arith.constant 0 : i32
      %dma_wait3A_850 = tpu.memref_slice %arg21[%run_scoped3A_747, %dma_wait3A_848, %dma_wait3A_849] : memref<5x128x64xf32, #tpu.memory_space<vmem>> -> memref<1x128x64xf32, #tpu.memory_space<vmem>>
      %dma_wait3A_851 = tpu.memref_squeeze %dma_wait3A_850 : memref<1x128x64xf32, #tpu.memory_space<vmem>> -> memref<128x64xf32, #tpu.memory_space<vmem>>
      %dma_wait3A_852 = arith.constant 0 : i32
      %dma_wait3A_853 = tpu.memref_slice %arg15[%add3A_114, %dma_wait3A_852] : memref<65536x128xf32, #tpu.memory_space<hbm>> -> memref<128x64xf32, #tpu.memory_space<hbm>>
      %dma_wait3A_854 = arith.constant 0 : i32
      %dma_wait3A_855 = tpu.memref_slice %arg15[%add3A_114, %dma_wait3A_854] : memref<65536x128xf32, #tpu.memory_space<hbm>> -> memref<128x64xf32, #tpu.memory_space<hbm>>
      %dma_wait3A_856 = arith.constant 0 : i32
      %dma_wait3A_857 = arith.constant 0 : i32
      %dma_wait3A_858 = tpu.memref_slice %arg21[%run_scoped3A_747, %dma_wait3A_856, %dma_wait3A_857] : memref<5x128x64xf32, #tpu.memory_space<vmem>> -> memref<1x128x64xf32, #tpu.memory_space<vmem>>
      %dma_wait3A_859 = tpu.memref_squeeze %dma_wait3A_858 : memref<1x128x64xf32, #tpu.memory_space<vmem>> -> memref<128x64xf32, #tpu.memory_space<vmem>>
      tpu.wait_dma2 semaphore(%run_scoped3A_835 : memref<!tpu.dma_semaphore, #tpu.memory_space<semaphore_mem>>) src(%dma_wait3A_859 : memref<128x64xf32, #tpu.memory_space<vmem>>) dst(%dma_wait3A_855 : memref<128x64xf32, #tpu.memory_space<hbm>>)
      tpu.yield
    }) : () -> ()
    "tpu.region"() ({
      %run_scoped3A_835 = tpu.sem_alloc : memref<!tpu.dma_semaphore, #tpu.memory_space<semaphore_mem>>
      %dma_start3A_836 = tpu.memref_slice %arg18[%add3A_114] : memref<65536xf32, #tpu.memory_space<hbm>> -> memref<128xf32, #tpu.memory_space<hbm>>
      %dma_start3A_837 = tpu.memref_slice %arg18[%add3A_114] : memref<65536xf32, #tpu.memory_space<hbm>> -> memref<128xf32, #tpu.memory_space<hbm>>
      tpu.enqueue_dma source(%arg23 : memref<128xf32, #tpu.memory_space<vmem>>) target(%dma_start3A_837 : memref<128xf32, #tpu.memory_space<hbm>>) target_semaphore(%run_scoped3A_835 : memref<!tpu.dma_semaphore, #tpu.memory_space<semaphore_mem>>)
      %dma_wait3A_838 = tpu.memref_slice %arg18[%add3A_114] : memref<65536xf32, #tpu.memory_space<hbm>> -> memref<128xf32, #tpu.memory_space<hbm>>
      %dma_wait3A_839 = tpu.memref_slice %arg18[%add3A_114] : memref<65536xf32, #tpu.memory_space<hbm>> -> memref<128xf32, #tpu.memory_space<hbm>>
      tpu.wait_dma2 semaphore(%run_scoped3A_835 : memref<!tpu.dma_semaphore, #tpu.memory_space<semaphore_mem>>) src(%arg23 : memref<128xf32, #tpu.memory_space<vmem>>) dst(%dma_wait3A_839 : memref<128xf32, #tpu.memory_space<hbm>>)
      tpu.yield
    }) : () -> ()
    %dma_start3A_748 = arith.constant 0 : i32
    %dma_start3A_749 = arith.constant 0 : i32
    %dma_start3A_750 = arith.constant 0 : i32
    %dma_start3A_751 = tpu.memref_slice %arg21[%dma_start3A_748, %dma_start3A_749, %dma_start3A_750] : memref<5x128x64xf32, #tpu.memory_space<vmem>> -> memref<1x128x64xf32, #tpu.memory_space<vmem>>
    %dma_start3A_752 = tpu.memref_squeeze %dma_start3A_751 : memref<1x128x64xf32, #tpu.memory_space<vmem>> -> memref<128x64xf32, #tpu.memory_space<vmem>>
    %dma_start3A_753 = arith.constant 2816 : i32
    %dma_start3A_754 = tpu.memref_slice %arg22[%dma_start3A_753] : memref<3072xi32, #tpu.memory_space<vmem>> -> memref<128xi32, #tpu.memory_space<vmem>>
    %dma_start3A_755 = arith.constant 0 : i32
    %dma_start3A_756 = arith.constant 0 : i32
    %dma_start3A_757 = tpu.memref_slice %arg3[%dma_start3A_755, %dma_start3A_756] : memref<100000x64xf32, #tpu.memory_space<hbm>> -> memref<100000x64xf32, #tpu.memory_space<hbm>>
    tpu.enqueue_indirect_dma source(%dma_start3A_757 : memref<100000x64xf32, #tpu.memory_space<hbm>>) target(%dma_start3A_752 : memref<128x64xf32, #tpu.memory_space<vmem>>) offsets(%dma_start3A_754 : memref<128xi32, #tpu.memory_space<vmem>>) semaphore(%arg36 : memref<!tpu.dma_semaphore, #tpu.memory_space<semaphore_mem>>)
    %dma_start3A_758 = arith.constant 2816 : i32
    %dma_start3A_759 = tpu.memref_slice %arg22[%dma_start3A_758] : memref<3072xi32, #tpu.memory_space<vmem>> -> memref<128xi32, #tpu.memory_space<vmem>>
    %dma_start3A_760 = arith.constant 0 : i32
    %dma_start3A_761 = tpu.memref_slice %arg5[%dma_start3A_760] : memref<100000xf32, #tpu.memory_space<hbm>> -> memref<100000xf32, #tpu.memory_space<hbm>>
    tpu.enqueue_indirect_dma source(%dma_start3A_761 : memref<100000xf32, #tpu.memory_space<hbm>>) target(%arg23 : memref<128xf32, #tpu.memory_space<vmem>>) offsets(%dma_start3A_759 : memref<128xi32, #tpu.memory_space<vmem>>) semaphore(%arg38 : memref<!tpu.dma_semaphore, #tpu.memory_space<semaphore_mem>>)
    %dma_wait3A_762 = arith.constant 1 : i32
    %dma_wait3A_763 = arith.constant 0 : i32
    %dma_wait3A_764 = arith.constant 0 : i32
    %dma_wait3A_765 = tpu.memref_slice %arg21[%dma_wait3A_762, %dma_wait3A_763, %dma_wait3A_764] : memref<5x128x64xf32, #tpu.memory_space<vmem>> -> memref<1x128x64xf32, #tpu.memory_space<vmem>>
    %dma_wait3A_766 = tpu.memref_squeeze %dma_wait3A_765 : memref<1x128x64xf32, #tpu.memory_space<vmem>> -> memref<128x64xf32, #tpu.memory_space<vmem>>
    %dma_wait3A_767 = arith.constant 2688 : i32
    %dma_wait3A_768 = tpu.memref_slice %arg22[%dma_wait3A_767] : memref<3072xi32, #tpu.memory_space<vmem>> -> memref<128xi32, #tpu.memory_space<vmem>>
    %dma_wait3A_769 = arith.constant 0 : i32
    %dma_wait3A_770 = arith.constant 0 : i32
    %dma_wait3A_771 = tpu.memref_slice %arg3[%dma_wait3A_769, %dma_wait3A_770] : memref<100000x64xf32, #tpu.memory_space<hbm>> -> memref<100000x64xf32, #tpu.memory_space<hbm>>
    tpu.wait_indirect_dma semaphore(%arg37 : memref<!tpu.dma_semaphore, #tpu.memory_space<semaphore_mem>>) src(%dma_wait3A_771 : memref<100000x64xf32, #tpu.memory_space<hbm>>) dst(%dma_wait3A_766 : memref<128x64xf32, #tpu.memory_space<vmem>>)
    %dma_wait3A_772 = arith.constant 2688 : i32
    %dma_wait3A_773 = tpu.memref_slice %arg22[%dma_wait3A_772] : memref<3072xi32, #tpu.memory_space<vmem>> -> memref<128xi32, #tpu.memory_space<vmem>>
    %dma_wait3A_774 = arith.constant 0 : i32
    %dma_wait3A_775 = tpu.memref_slice %arg5[%dma_wait3A_774] : memref<100000xf32, #tpu.memory_space<hbm>> -> memref<100000xf32, #tpu.memory_space<hbm>>
    tpu.wait_indirect_dma semaphore(%arg39 : memref<!tpu.dma_semaphore, #tpu.memory_space<semaphore_mem>>) src(%dma_wait3A_775 : memref<100000xf32, #tpu.memory_space<hbm>>) dst(%arg24 : memref<128xf32, #tpu.memory_space<vmem>>)
    %run_scoped3A_776 = arith.constant 1 : i32
    "tpu.region"() ({
      %run_scoped3A_835 = tpu.sem_alloc : memref<!tpu.dma_semaphore, #tpu.memory_space<semaphore_mem>>
      %dma_start3A_836 = arith.constant 0 : i32
      %dma_start3A_837 = arith.constant 0 : i32
      %dma_start3A_838 = tpu.memref_slice %arg21[%run_scoped3A_776, %dma_start3A_836, %dma_start3A_837] : memref<5x128x64xf32, #tpu.memory_space<vmem>> -> memref<1x128x64xf32, #tpu.memory_space<vmem>>
      %dma_start3A_839 = tpu.memref_squeeze %dma_start3A_838 : memref<1x128x64xf32, #tpu.memory_space<vmem>> -> memref<128x64xf32, #tpu.memory_space<vmem>>
      %dma_start3A_840 = arith.constant 0 : i32
      %dma_start3A_841 = tpu.memref_slice %arg15[%add3A_118, %dma_start3A_840] : memref<65536x128xf32, #tpu.memory_space<hbm>> -> memref<128x64xf32, #tpu.memory_space<hbm>>
      %dma_start3A_842 = arith.constant 0 : i32
      %dma_start3A_843 = tpu.memref_slice %arg15[%add3A_118, %dma_start3A_842] : memref<65536x128xf32, #tpu.memory_space<hbm>> -> memref<128x64xf32, #tpu.memory_space<hbm>>
      %dma_start3A_844 = arith.constant 0 : i32
      %dma_start3A_845 = arith.constant 0 : i32
      %dma_start3A_846 = tpu.memref_slice %arg21[%run_scoped3A_776, %dma_start3A_844, %dma_start3A_845] : memref<5x128x64xf32, #tpu.memory_space<vmem>> -> memref<1x128x64xf32, #tpu.memory_space<vmem>>
      %dma_start3A_847 = tpu.memref_squeeze %dma_start3A_846 : memref<1x128x64xf32, #tpu.memory_space<vmem>> -> memref<128x64xf32, #tpu.memory_space<vmem>>
      tpu.enqueue_dma source(%dma_start3A_847 : memref<128x64xf32, #tpu.memory_space<vmem>>) target(%dma_start3A_843 : memref<128x64xf32, #tpu.memory_space<hbm>>) target_semaphore(%run_scoped3A_835 : memref<!tpu.dma_semaphore, #tpu.memory_space<semaphore_mem>>)
      %dma_wait3A_848 = arith.constant 0 : i32
      %dma_wait3A_849 = arith.constant 0 : i32
      %dma_wait3A_850 = tpu.memref_slice %arg21[%run_scoped3A_776, %dma_wait3A_848, %dma_wait3A_849] : memref<5x128x64xf32, #tpu.memory_space<vmem>> -> memref<1x128x64xf32, #tpu.memory_space<vmem>>
      %dma_wait3A_851 = tpu.memref_squeeze %dma_wait3A_850 : memref<1x128x64xf32, #tpu.memory_space<vmem>> -> memref<128x64xf32, #tpu.memory_space<vmem>>
      %dma_wait3A_852 = arith.constant 0 : i32
      %dma_wait3A_853 = tpu.memref_slice %arg15[%add3A_118, %dma_wait3A_852] : memref<65536x128xf32, #tpu.memory_space<hbm>> -> memref<128x64xf32, #tpu.memory_space<hbm>>
      %dma_wait3A_854 = arith.constant 0 : i32
      %dma_wait3A_855 = tpu.memref_slice %arg15[%add3A_118, %dma_wait3A_854] : memref<65536x128xf32, #tpu.memory_space<hbm>> -> memref<128x64xf32, #tpu.memory_space<hbm>>
      %dma_wait3A_856 = arith.constant 0 : i32
      %dma_wait3A_857 = arith.constant 0 : i32
      %dma_wait3A_858 = tpu.memref_slice %arg21[%run_scoped3A_776, %dma_wait3A_856, %dma_wait3A_857] : memref<5x128x64xf32, #tpu.memory_space<vmem>> -> memref<1x128x64xf32, #tpu.memory_space<vmem>>
      %dma_wait3A_859 = tpu.memref_squeeze %dma_wait3A_858 : memref<1x128x64xf32, #tpu.memory_space<vmem>> -> memref<128x64xf32, #tpu.memory_space<vmem>>
      tpu.wait_dma2 semaphore(%run_scoped3A_835 : memref<!tpu.dma_semaphore, #tpu.memory_space<semaphore_mem>>) src(%dma_wait3A_859 : memref<128x64xf32, #tpu.memory_space<vmem>>) dst(%dma_wait3A_855 : memref<128x64xf32, #tpu.memory_space<hbm>>)
      tpu.yield
    }) : () -> ()
    "tpu.region"() ({
      %run_scoped3A_835 = tpu.sem_alloc : memref<!tpu.dma_semaphore, #tpu.memory_space<semaphore_mem>>
      %dma_start3A_836 = tpu.memref_slice %arg18[%add3A_118] : memref<65536xf32, #tpu.memory_space<hbm>> -> memref<128xf32, #tpu.memory_space<hbm>>
      %dma_start3A_837 = tpu.memref_slice %arg18[%add3A_118] : memref<65536xf32, #tpu.memory_space<hbm>> -> memref<128xf32, #tpu.memory_space<hbm>>
      tpu.enqueue_dma source(%arg24 : memref<128xf32, #tpu.memory_space<vmem>>) target(%dma_start3A_837 : memref<128xf32, #tpu.memory_space<hbm>>) target_semaphore(%run_scoped3A_835 : memref<!tpu.dma_semaphore, #tpu.memory_space<semaphore_mem>>)
      %dma_wait3A_838 = tpu.memref_slice %arg18[%add3A_118] : memref<65536xf32, #tpu.memory_space<hbm>> -> memref<128xf32, #tpu.memory_space<hbm>>
      %dma_wait3A_839 = tpu.memref_slice %arg18[%add3A_118] : memref<65536xf32, #tpu.memory_space<hbm>> -> memref<128xf32, #tpu.memory_space<hbm>>
      tpu.wait_dma2 semaphore(%run_scoped3A_835 : memref<!tpu.dma_semaphore, #tpu.memory_space<semaphore_mem>>) src(%arg24 : memref<128xf32, #tpu.memory_space<vmem>>) dst(%dma_wait3A_839 : memref<128xf32, #tpu.memory_space<hbm>>)
      tpu.yield
    }) : () -> ()
    %dma_start3A_777 = arith.constant 1 : i32
    %dma_start3A_778 = arith.constant 0 : i32
    %dma_start3A_779 = arith.constant 0 : i32
    %dma_start3A_780 = tpu.memref_slice %arg21[%dma_start3A_777, %dma_start3A_778, %dma_start3A_779] : memref<5x128x64xf32, #tpu.memory_space<vmem>> -> memref<1x128x64xf32, #tpu.memory_space<vmem>>
    %dma_start3A_781 = tpu.memref_squeeze %dma_start3A_780 : memref<1x128x64xf32, #tpu.memory_space<vmem>> -> memref<128x64xf32, #tpu.memory_space<vmem>>
    %dma_start3A_782 = arith.constant 2944 : i32
    %dma_start3A_783 = tpu.memref_slice %arg22[%dma_start3A_782] : memref<3072xi32, #tpu.memory_space<vmem>> -> memref<128xi32, #tpu.memory_space<vmem>>
    %dma_start3A_784 = arith.constant 0 : i32
    %dma_start3A_785 = arith.constant 0 : i32
    %dma_start3A_786 = tpu.memref_slice %arg3[%dma_start3A_784, %dma_start3A_785] : memref<100000x64xf32, #tpu.memory_space<hbm>> -> memref<100000x64xf32, #tpu.memory_space<hbm>>
    tpu.enqueue_indirect_dma source(%dma_start3A_786 : memref<100000x64xf32, #tpu.memory_space<hbm>>) target(%dma_start3A_781 : memref<128x64xf32, #tpu.memory_space<vmem>>) offsets(%dma_start3A_783 : memref<128xi32, #tpu.memory_space<vmem>>) semaphore(%arg37 : memref<!tpu.dma_semaphore, #tpu.memory_space<semaphore_mem>>)
    %dma_start3A_787 = arith.constant 2944 : i32
    %dma_start3A_788 = tpu.memref_slice %arg22[%dma_start3A_787] : memref<3072xi32, #tpu.memory_space<vmem>> -> memref<128xi32, #tpu.memory_space<vmem>>
    %dma_start3A_789 = arith.constant 0 : i32
    %dma_start3A_790 = tpu.memref_slice %arg5[%dma_start3A_789] : memref<100000xf32, #tpu.memory_space<hbm>> -> memref<100000xf32, #tpu.memory_space<hbm>>
    tpu.enqueue_indirect_dma source(%dma_start3A_790 : memref<100000xf32, #tpu.memory_space<hbm>>) target(%arg24 : memref<128xf32, #tpu.memory_space<vmem>>) offsets(%dma_start3A_788 : memref<128xi32, #tpu.memory_space<vmem>>) semaphore(%arg39 : memref<!tpu.dma_semaphore, #tpu.memory_space<semaphore_mem>>)
    %dma_wait3A_791 = arith.constant 0 : i32
    %dma_wait3A_792 = arith.constant 0 : i32
    %dma_wait3A_793 = arith.constant 0 : i32
    %dma_wait3A_794 = tpu.memref_slice %arg21[%dma_wait3A_791, %dma_wait3A_792, %dma_wait3A_793] : memref<5x128x64xf32, #tpu.memory_space<vmem>> -> memref<1x128x64xf32, #tpu.memory_space<vmem>>
    %dma_wait3A_795 = tpu.memref_squeeze %dma_wait3A_794 : memref<1x128x64xf32, #tpu.memory_space<vmem>> -> memref<128x64xf32, #tpu.memory_space<vmem>>
    %dma_wait3A_796 = arith.constant 2816 : i32
    %dma_wait3A_797 = tpu.memref_slice %arg22[%dma_wait3A_796] : memref<3072xi32, #tpu.memory_space<vmem>> -> memref<128xi32, #tpu.memory_space<vmem>>
    %dma_wait3A_798 = arith.constant 0 : i32
    %dma_wait3A_799 = arith.constant 0 : i32
    %dma_wait3A_800 = tpu.memref_slice %arg3[%dma_wait3A_798, %dma_wait3A_799] : memref<100000x64xf32, #tpu.memory_space<hbm>> -> memref<100000x64xf32, #tpu.memory_space<hbm>>
    tpu.wait_indirect_dma semaphore(%arg36 : memref<!tpu.dma_semaphore, #tpu.memory_space<semaphore_mem>>) src(%dma_wait3A_800 : memref<100000x64xf32, #tpu.memory_space<hbm>>) dst(%dma_wait3A_795 : memref<128x64xf32, #tpu.memory_space<vmem>>)
    %dma_wait3A_801 = arith.constant 2816 : i32
    %dma_wait3A_802 = tpu.memref_slice %arg22[%dma_wait3A_801] : memref<3072xi32, #tpu.memory_space<vmem>> -> memref<128xi32, #tpu.memory_space<vmem>>
    %dma_wait3A_803 = arith.constant 0 : i32
    %dma_wait3A_804 = tpu.memref_slice %arg5[%dma_wait3A_803] : memref<100000xf32, #tpu.memory_space<hbm>> -> memref<100000xf32, #tpu.memory_space<hbm>>
    tpu.wait_indirect_dma semaphore(%arg38 : memref<!tpu.dma_semaphore, #tpu.memory_space<semaphore_mem>>) src(%dma_wait3A_804 : memref<100000xf32, #tpu.memory_space<hbm>>) dst(%arg23 : memref<128xf32, #tpu.memory_space<vmem>>)
    %run_scoped3A_805 = arith.constant 0 : i32
    "tpu.region"() ({
      %run_scoped3A_835 = tpu.sem_alloc : memref<!tpu.dma_semaphore, #tpu.memory_space<semaphore_mem>>
      %dma_start3A_836 = arith.constant 0 : i32
      %dma_start3A_837 = arith.constant 0 : i32
      %dma_start3A_838 = tpu.memref_slice %arg21[%run_scoped3A_805, %dma_start3A_836, %dma_start3A_837] : memref<5x128x64xf32, #tpu.memory_space<vmem>> -> memref<1x128x64xf32, #tpu.memory_space<vmem>>
      %dma_start3A_839 = tpu.memref_squeeze %dma_start3A_838 : memref<1x128x64xf32, #tpu.memory_space<vmem>> -> memref<128x64xf32, #tpu.memory_space<vmem>>
      %dma_start3A_840 = arith.constant 0 : i32
      %dma_start3A_841 = tpu.memref_slice %arg15[%add3A_122, %dma_start3A_840] : memref<65536x128xf32, #tpu.memory_space<hbm>> -> memref<128x64xf32, #tpu.memory_space<hbm>>
      %dma_start3A_842 = arith.constant 0 : i32
      %dma_start3A_843 = tpu.memref_slice %arg15[%add3A_122, %dma_start3A_842] : memref<65536x128xf32, #tpu.memory_space<hbm>> -> memref<128x64xf32, #tpu.memory_space<hbm>>
      %dma_start3A_844 = arith.constant 0 : i32
      %dma_start3A_845 = arith.constant 0 : i32
      %dma_start3A_846 = tpu.memref_slice %arg21[%run_scoped3A_805, %dma_start3A_844, %dma_start3A_845] : memref<5x128x64xf32, #tpu.memory_space<vmem>> -> memref<1x128x64xf32, #tpu.memory_space<vmem>>
      %dma_start3A_847 = tpu.memref_squeeze %dma_start3A_846 : memref<1x128x64xf32, #tpu.memory_space<vmem>> -> memref<128x64xf32, #tpu.memory_space<vmem>>
      tpu.enqueue_dma source(%dma_start3A_847 : memref<128x64xf32, #tpu.memory_space<vmem>>) target(%dma_start3A_843 : memref<128x64xf32, #tpu.memory_space<hbm>>) target_semaphore(%run_scoped3A_835 : memref<!tpu.dma_semaphore, #tpu.memory_space<semaphore_mem>>)
      %dma_wait3A_848 = arith.constant 0 : i32
      %dma_wait3A_849 = arith.constant 0 : i32
      %dma_wait3A_850 = tpu.memref_slice %arg21[%run_scoped3A_805, %dma_wait3A_848, %dma_wait3A_849] : memref<5x128x64xf32, #tpu.memory_space<vmem>> -> memref<1x128x64xf32, #tpu.memory_space<vmem>>
      %dma_wait3A_851 = tpu.memref_squeeze %dma_wait3A_850 : memref<1x128x64xf32, #tpu.memory_space<vmem>> -> memref<128x64xf32, #tpu.memory_space<vmem>>
      %dma_wait3A_852 = arith.constant 0 : i32
      %dma_wait3A_853 = tpu.memref_slice %arg15[%add3A_122, %dma_wait3A_852] : memref<65536x128xf32, #tpu.memory_space<hbm>> -> memref<128x64xf32, #tpu.memory_space<hbm>>
      %dma_wait3A_854 = arith.constant 0 : i32
      %dma_wait3A_855 = tpu.memref_slice %arg15[%add3A_122, %dma_wait3A_854] : memref<65536x128xf32, #tpu.memory_space<hbm>> -> memref<128x64xf32, #tpu.memory_space<hbm>>
      %dma_wait3A_856 = arith.constant 0 : i32
      %dma_wait3A_857 = arith.constant 0 : i32
      %dma_wait3A_858 = tpu.memref_slice %arg21[%run_scoped3A_805, %dma_wait3A_856, %dma_wait3A_857] : memref<5x128x64xf32, #tpu.memory_space<vmem>> -> memref<1x128x64xf32, #tpu.memory_space<vmem>>
      %dma_wait3A_859 = tpu.memref_squeeze %dma_wait3A_858 : memref<1x128x64xf32, #tpu.memory_space<vmem>> -> memref<128x64xf32, #tpu.memory_space<vmem>>
      tpu.wait_dma2 semaphore(%run_scoped3A_835 : memref<!tpu.dma_semaphore, #tpu.memory_space<semaphore_mem>>) src(%dma_wait3A_859 : memref<128x64xf32, #tpu.memory_space<vmem>>) dst(%dma_wait3A_855 : memref<128x64xf32, #tpu.memory_space<hbm>>)
      tpu.yield
    }) : () -> ()
    "tpu.region"() ({
      %run_scoped3A_835 = tpu.sem_alloc : memref<!tpu.dma_semaphore, #tpu.memory_space<semaphore_mem>>
      %dma_start3A_836 = tpu.memref_slice %arg18[%add3A_122] : memref<65536xf32, #tpu.memory_space<hbm>> -> memref<128xf32, #tpu.memory_space<hbm>>
      %dma_start3A_837 = tpu.memref_slice %arg18[%add3A_122] : memref<65536xf32, #tpu.memory_space<hbm>> -> memref<128xf32, #tpu.memory_space<hbm>>
      tpu.enqueue_dma source(%arg23 : memref<128xf32, #tpu.memory_space<vmem>>) target(%dma_start3A_837 : memref<128xf32, #tpu.memory_space<hbm>>) target_semaphore(%run_scoped3A_835 : memref<!tpu.dma_semaphore, #tpu.memory_space<semaphore_mem>>)
      %dma_wait3A_838 = tpu.memref_slice %arg18[%add3A_122] : memref<65536xf32, #tpu.memory_space<hbm>> -> memref<128xf32, #tpu.memory_space<hbm>>
      %dma_wait3A_839 = tpu.memref_slice %arg18[%add3A_122] : memref<65536xf32, #tpu.memory_space<hbm>> -> memref<128xf32, #tpu.memory_space<hbm>>
      tpu.wait_dma2 semaphore(%run_scoped3A_835 : memref<!tpu.dma_semaphore, #tpu.memory_space<semaphore_mem>>) src(%arg23 : memref<128xf32, #tpu.memory_space<vmem>>) dst(%dma_wait3A_839 : memref<128xf32, #tpu.memory_space<hbm>>)
      tpu.yield
    }) : () -> ()
    %dma_wait3A_806 = arith.constant 1 : i32
    %dma_wait3A_807 = arith.constant 0 : i32
    %dma_wait3A_808 = arith.constant 0 : i32
    %dma_wait3A_809 = tpu.memref_slice %arg21[%dma_wait3A_806, %dma_wait3A_807, %dma_wait3A_808] : memref<5x128x64xf32, #tpu.memory_space<vmem>> -> memref<1x128x64xf32, #tpu.memory_space<vmem>>
    %dma_wait3A_810 = tpu.memref_squeeze %dma_wait3A_809 : memref<1x128x64xf32, #tpu.memory_space<vmem>> -> memref<128x64xf32, #tpu.memory_space<vmem>>
    %dma_wait3A_811 = arith.constant 2944 : i32
    %dma_wait3A_812 = tpu.memref_slice %arg22[%dma_wait3A_811] : memref<3072xi32, #tpu.memory_space<vmem>> -> memref<128xi32, #tpu.memory_space<vmem>>
    %dma_wait3A_813 = arith.constant 0 : i32
    %dma_wait3A_814 = arith.constant 0 : i32
    %dma_wait3A_815 = tpu.memref_slice %arg3[%dma_wait3A_813, %dma_wait3A_814] : memref<100000x64xf32, #tpu.memory_space<hbm>> -> memref<100000x64xf32, #tpu.memory_space<hbm>>
    tpu.wait_indirect_dma semaphore(%arg37 : memref<!tpu.dma_semaphore, #tpu.memory_space<semaphore_mem>>) src(%dma_wait3A_815 : memref<100000x64xf32, #tpu.memory_space<hbm>>) dst(%dma_wait3A_810 : memref<128x64xf32, #tpu.memory_space<vmem>>)
    %dma_wait3A_816 = arith.constant 2944 : i32
    %dma_wait3A_817 = tpu.memref_slice %arg22[%dma_wait3A_816] : memref<3072xi32, #tpu.memory_space<vmem>> -> memref<128xi32, #tpu.memory_space<vmem>>
    %dma_wait3A_818 = arith.constant 0 : i32
    %dma_wait3A_819 = tpu.memref_slice %arg5[%dma_wait3A_818] : memref<100000xf32, #tpu.memory_space<hbm>> -> memref<100000xf32, #tpu.memory_space<hbm>>
    tpu.wait_indirect_dma semaphore(%arg39 : memref<!tpu.dma_semaphore, #tpu.memory_space<semaphore_mem>>) src(%dma_wait3A_819 : memref<100000xf32, #tpu.memory_space<hbm>>) dst(%arg24 : memref<128xf32, #tpu.memory_space<vmem>>)
    %run_scoped3A_820 = arith.constant 1 : i32
    "tpu.region"() ({
      %run_scoped3A_835 = tpu.sem_alloc : memref<!tpu.dma_semaphore, #tpu.memory_space<semaphore_mem>>
      %dma_start3A_836 = arith.constant 0 : i32
      %dma_start3A_837 = arith.constant 0 : i32
      %dma_start3A_838 = tpu.memref_slice %arg21[%run_scoped3A_820, %dma_start3A_836, %dma_start3A_837] : memref<5x128x64xf32, #tpu.memory_space<vmem>> -> memref<1x128x64xf32, #tpu.memory_space<vmem>>
      %dma_start3A_839 = tpu.memref_squeeze %dma_start3A_838 : memref<1x128x64xf32, #tpu.memory_space<vmem>> -> memref<128x64xf32, #tpu.memory_space<vmem>>
      %dma_start3A_840 = arith.constant 0 : i32
      %dma_start3A_841 = tpu.memref_slice %arg15[%add3A_126, %dma_start3A_840] : memref<65536x128xf32, #tpu.memory_space<hbm>> -> memref<128x64xf32, #tpu.memory_space<hbm>>
      %dma_start3A_842 = arith.constant 0 : i32
      %dma_start3A_843 = tpu.memref_slice %arg15[%add3A_126, %dma_start3A_842] : memref<65536x128xf32, #tpu.memory_space<hbm>> -> memref<128x64xf32, #tpu.memory_space<hbm>>
      %dma_start3A_844 = arith.constant 0 : i32
      %dma_start3A_845 = arith.constant 0 : i32
      %dma_start3A_846 = tpu.memref_slice %arg21[%run_scoped3A_820, %dma_start3A_844, %dma_start3A_845] : memref<5x128x64xf32, #tpu.memory_space<vmem>> -> memref<1x128x64xf32, #tpu.memory_space<vmem>>
      %dma_start3A_847 = tpu.memref_squeeze %dma_start3A_846 : memref<1x128x64xf32, #tpu.memory_space<vmem>> -> memref<128x64xf32, #tpu.memory_space<vmem>>
      tpu.enqueue_dma source(%dma_start3A_847 : memref<128x64xf32, #tpu.memory_space<vmem>>) target(%dma_start3A_843 : memref<128x64xf32, #tpu.memory_space<hbm>>) target_semaphore(%run_scoped3A_835 : memref<!tpu.dma_semaphore, #tpu.memory_space<semaphore_mem>>)
      %dma_wait3A_848 = arith.constant 0 : i32
      %dma_wait3A_849 = arith.constant 0 : i32
      %dma_wait3A_850 = tpu.memref_slice %arg21[%run_scoped3A_820, %dma_wait3A_848, %dma_wait3A_849] : memref<5x128x64xf32, #tpu.memory_space<vmem>> -> memref<1x128x64xf32, #tpu.memory_space<vmem>>
      %dma_wait3A_851 = tpu.memref_squeeze %dma_wait3A_850 : memref<1x128x64xf32, #tpu.memory_space<vmem>> -> memref<128x64xf32, #tpu.memory_space<vmem>>
      %dma_wait3A_852 = arith.constant 0 : i32
      %dma_wait3A_853 = tpu.memref_slice %arg15[%add3A_126, %dma_wait3A_852] : memref<65536x128xf32, #tpu.memory_space<hbm>> -> memref<128x64xf32, #tpu.memory_space<hbm>>
      %dma_wait3A_854 = arith.constant 0 : i32
      %dma_wait3A_855 = tpu.memref_slice %arg15[%add3A_126, %dma_wait3A_854] : memref<65536x128xf32, #tpu.memory_space<hbm>> -> memref<128x64xf32, #tpu.memory_space<hbm>>
      %dma_wait3A_856 = arith.constant 0 : i32
      %dma_wait3A_857 = arith.constant 0 : i32
      %dma_wait3A_858 = tpu.memref_slice %arg21[%run_scoped3A_820, %dma_wait3A_856, %dma_wait3A_857] : memref<5x128x64xf32, #tpu.memory_space<vmem>> -> memref<1x128x64xf32, #tpu.memory_space<vmem>>
      %dma_wait3A_859 = tpu.memref_squeeze %dma_wait3A_858 : memref<1x128x64xf32, #tpu.memory_space<vmem>> -> memref<128x64xf32, #tpu.memory_space<vmem>>
      tpu.wait_dma2 semaphore(%run_scoped3A_835 : memref<!tpu.dma_semaphore, #tpu.memory_space<semaphore_mem>>) src(%dma_wait3A_859 : memref<128x64xf32, #tpu.memory_space<vmem>>) dst(%dma_wait3A_855 : memref<128x64xf32, #tpu.memory_space<hbm>>)
      tpu.yield
    }) : () -> ()
    "tpu.region"() ({
      %run_scoped3A_835 = tpu.sem_alloc : memref<!tpu.dma_semaphore, #tpu.memory_space<semaphore_mem>>
      %dma_start3A_836 = tpu.memref_slice %arg18[%add3A_126] : memref<65536xf32, #tpu.memory_space<hbm>> -> memref<128xf32, #tpu.memory_space<hbm>>
      %dma_start3A_837 = tpu.memref_slice %arg18[%add3A_126] : memref<65536xf32, #tpu.memory_space<hbm>> -> memref<128xf32, #tpu.memory_space<hbm>>
      tpu.enqueue_dma source(%arg24 : memref<128xf32, #tpu.memory_space<vmem>>) target(%dma_start3A_837 : memref<128xf32, #tpu.memory_space<hbm>>) target_semaphore(%run_scoped3A_835 : memref<!tpu.dma_semaphore, #tpu.memory_space<semaphore_mem>>)
      %dma_wait3A_838 = tpu.memref_slice %arg18[%add3A_126] : memref<65536xf32, #tpu.memory_space<hbm>> -> memref<128xf32, #tpu.memory_space<hbm>>
      %dma_wait3A_839 = tpu.memref_slice %arg18[%add3A_126] : memref<65536xf32, #tpu.memory_space<hbm>> -> memref<128xf32, #tpu.memory_space<hbm>>
      tpu.wait_dma2 semaphore(%run_scoped3A_835 : memref<!tpu.dma_semaphore, #tpu.memory_space<semaphore_mem>>) src(%arg24 : memref<128xf32, #tpu.memory_space<vmem>>) dst(%dma_wait3A_839 : memref<128xf32, #tpu.memory_space<hbm>>)
      tpu.yield
    }) : () -> ()
    %barrier3A = arith.constant 0 : index
    tpu.barrier barrier_id(%barrier3A)
    %scan3A = arith.constant 0 : i32
    %scan3A_821 = arith.constant 1 : i32
    %scan3A_822 = arith.constant 2 : i32
    %scan3A_823 = arith.constant 3 : i32
    %scan3A_824 = arith.constant 4 : i32
    %scan3A_825 = arith.constant 0 : i32
    %scan3A_826 = arith.constant 20 : i32
    %scan3A_827 = arith.addi %scan3A_825, %scan3A_826 : i32
    %scan3A_828 = arith.constant 1 : i32
    scf.for %scan3A_835 = %scan3A_825 to %scan3A_827 step %scan3A_828  : i32 {
      %mul3A_836 = arith.constant 10 : i32
      %mul3A_837 = arith.muli %scan3A_835, %mul3A_836 : i32
      %add3A_838 = arith.constant 0 : i32
      %add3A_839 = arith.addi %add3A_838, %mul3A_837 : i32
      %mul3A_840 = arith.constant 25600 : i32
      %mul3A_841 = arith.muli %add3A, %mul3A_840 : i32
      %mul3A_842 = arith.constant 128 : i32
      %mul3A_843 = arith.muli %add3A_839, %mul3A_842 : i32
      %add3A_844 = arith.addi %mul3A_841, %mul3A_843 : i32
      "tpu.region"() ({
        %run_scoped3A_1445 = tpu.sem_alloc : memref<!tpu.dma_semaphore, #tpu.memory_space<semaphore_mem>>
        %dma_start3A_1446 = tpu.memref_slice %arg6[%add3A_844] : memref<819200xi32, #tpu.memory_space<hbm>> -> memref<1280xi32, #tpu.memory_space<hbm>>
        %dma_start3A_1447 = tpu.memref_slice %arg6[%add3A_844] : memref<819200xi32, #tpu.memory_space<hbm>> -> memref<1280xi32, #tpu.memory_space<hbm>>
        tpu.enqueue_dma source(%dma_start3A_1447 : memref<1280xi32, #tpu.memory_space<hbm>>) target(%arg19 : memref<1280xi32, #tpu.memory_space<vmem>>) target_semaphore(%run_scoped3A_1445 : memref<!tpu.dma_semaphore, #tpu.memory_space<semaphore_mem>>)
        %dma_wait3A_1448 = tpu.memref_slice %arg6[%add3A_844] : memref<819200xi32, #tpu.memory_space<hbm>> -> memref<1280xi32, #tpu.memory_space<hbm>>
        %dma_wait3A_1449 = tpu.memref_slice %arg6[%add3A_844] : memref<819200xi32, #tpu.memory_space<hbm>> -> memref<1280xi32, #tpu.memory_space<hbm>>
        tpu.wait_dma2 semaphore(%run_scoped3A_1445 : memref<!tpu.dma_semaphore, #tpu.memory_space<semaphore_mem>>) src(%dma_wait3A_1449 : memref<1280xi32, #tpu.memory_space<hbm>>) dst(%arg19 : memref<1280xi32, #tpu.memory_space<vmem>>)
        tpu.yield
      }) : () -> ()
      %add3A_845 = arith.constant 0 : i32
      %add3A_846 = arith.addi %add3A_844, %add3A_845 : i32
      %dma_start3A_847 = arith.constant 0 : i32
      %dma_start3A_848 = arith.constant 0 : i32
      %dma_start3A_849 = tpu.memref_slice %arg20[%dma_start3A_847, %dma_start3A_848] : memref<10x128xi32, #tpu.memory_space<vmem>> -> memref<1x128xi32, #tpu.memory_space<vmem>>
      %dma_start3A_850 = tpu.memref_squeeze %dma_start3A_849 : memref<1x128xi32, #tpu.memory_space<vmem>> -> memref<128xi32, #tpu.memory_space<vmem>>
      %dma_start3A_851 = tpu.memref_slice %arg7[%add3A_846] : memref<819200xi32, #tpu.memory_space<hbm>> -> memref<128xi32, #tpu.memory_space<hbm>>
      %dma_start3A_852 = arith.constant 0 : i32
      %dma_start3A_853 = tpu.memref_slice %arg20[%dma_start3A_847, %dma_start3A_852] : memref<10x128xi32, #tpu.memory_space<vmem>> -> memref<1x128xi32, #tpu.memory_space<vmem>>
      %dma_start3A_854 = tpu.memref_squeeze %dma_start3A_853 : memref<1x128xi32, #tpu.memory_space<vmem>> -> memref<128xi32, #tpu.memory_space<vmem>>
      %dma_start3A_855 = tpu.memref_slice %arg7[%add3A_846] : memref<819200xi32, #tpu.memory_space<hbm>> -> memref<128xi32, #tpu.memory_space<hbm>>
      tpu.enqueue_dma source(%dma_start3A_855 : memref<128xi32, #tpu.memory_space<hbm>>) target(%dma_start3A_854 : memref<128xi32, #tpu.memory_space<vmem>>) target_semaphore(%arg36 : memref<!tpu.dma_semaphore, #tpu.memory_space<semaphore_mem>>)
      %add3A_856 = arith.constant 128 : i32
      %add3A_857 = arith.addi %add3A_844, %add3A_856 : i32
      %dma_start3A_858 = arith.constant 1 : i32
      %dma_start3A_859 = arith.constant 0 : i32
      %dma_start3A_860 = tpu.memref_slice %arg20[%dma_start3A_858, %dma_start3A_859] : memref<10x128xi32, #tpu.memory_space<vmem>> -> memref<1x128xi32, #tpu.memory_space<vmem>>
      %dma_start3A_861 = tpu.memref_squeeze %dma_start3A_860 : memref<1x128xi32, #tpu.memory_space<vmem>> -> memref<128xi32, #tpu.memory_space<vmem>>
      %dma_start3A_862 = tpu.memref_slice %arg7[%add3A_857] : memref<819200xi32, #tpu.memory_space<hbm>> -> memref<128xi32, #tpu.memory_space<hbm>>
      %dma_start3A_863 = arith.constant 0 : i32
      %dma_start3A_864 = tpu.memref_slice %arg20[%dma_start3A_858, %dma_start3A_863] : memref<10x128xi32, #tpu.memory_space<vmem>> -> memref<1x128xi32, #tpu.memory_space<vmem>>
      %dma_start3A_865 = tpu.memref_squeeze %dma_start3A_864 : memref<1x128xi32, #tpu.memory_space<vmem>> -> memref<128xi32, #tpu.memory_space<vmem>>
      %dma_start3A_866 = tpu.memref_slice %arg7[%add3A_857] : memref<819200xi32, #tpu.memory_space<hbm>> -> memref<128xi32, #tpu.memory_space<hbm>>
      tpu.enqueue_dma source(%dma_start3A_866 : memref<128xi32, #tpu.memory_space<hbm>>) target(%dma_start3A_865 : memref<128xi32, #tpu.memory_space<vmem>>) target_semaphore(%arg36 : memref<!tpu.dma_semaphore, #tpu.memory_space<semaphore_mem>>)
      %add3A_867 = arith.constant 256 : i32
      %add3A_868 = arith.addi %add3A_844, %add3A_867 : i32
      %dma_start3A_869 = arith.constant 2 : i32
      %dma_start3A_870 = arith.constant 0 : i32
      %dma_start3A_871 = tpu.memref_slice %arg20[%dma_start3A_869, %dma_start3A_870] : memref<10x128xi32, #tpu.memory_space<vmem>> -> memref<1x128xi32, #tpu.memory_space<vmem>>
      %dma_start3A_872 = tpu.memref_squeeze %dma_start3A_871 : memref<1x128xi32, #tpu.memory_space<vmem>> -> memref<128xi32, #tpu.memory_space<vmem>>
      %dma_start3A_873 = tpu.memref_slice %arg7[%add3A_868] : memref<819200xi32, #tpu.memory_space<hbm>> -> memref<128xi32, #tpu.memory_space<hbm>>
      %dma_start3A_874 = arith.constant 0 : i32
      %dma_start3A_875 = tpu.memref_slice %arg20[%dma_start3A_869, %dma_start3A_874] : memref<10x128xi32, #tpu.memory_space<vmem>> -> memref<1x128xi32, #tpu.memory_space<vmem>>
      %dma_start3A_876 = tpu.memref_squeeze %dma_start3A_875 : memref<1x128xi32, #tpu.memory_space<vmem>> -> memref<128xi32, #tpu.memory_space<vmem>>
      %dma_start3A_877 = tpu.memref_slice %arg7[%add3A_868] : memref<819200xi32, #tpu.memory_space<hbm>> -> memref<128xi32, #tpu.memory_space<hbm>>
      tpu.enqueue_dma source(%dma_start3A_877 : memref<128xi32, #tpu.memory_space<hbm>>) target(%dma_start3A_876 : memref<128xi32, #tpu.memory_space<vmem>>) target_semaphore(%arg36 : memref<!tpu.dma_semaphore, #tpu.memory_space<semaphore_mem>>)
      %add3A_878 = arith.constant 384 : i32
      %add3A_879 = arith.addi %add3A_844, %add3A_878 : i32
      %dma_start3A_880 = arith.constant 3 : i32
      %dma_start3A_881 = arith.constant 0 : i32
      %dma_start3A_882 = tpu.memref_slice %arg20[%dma_start3A_880, %dma_start3A_881] : memref<10x128xi32, #tpu.memory_space<vmem>> -> memref<1x128xi32, #tpu.memory_space<vmem>>
      %dma_start3A_883 = tpu.memref_squeeze %dma_start3A_882 : memref<1x128xi32, #tpu.memory_space<vmem>> -> memref<128xi32, #tpu.memory_space<vmem>>
      %dma_start3A_884 = tpu.memref_slice %arg7[%add3A_879] : memref<819200xi32, #tpu.memory_space<hbm>> -> memref<128xi32, #tpu.memory_space<hbm>>
      %dma_start3A_885 = arith.constant 0 : i32
      %dma_start3A_886 = tpu.memref_slice %arg20[%dma_start3A_880, %dma_start3A_885] : memref<10x128xi32, #tpu.memory_space<vmem>> -> memref<1x128xi32, #tpu.memory_space<vmem>>
      %dma_start3A_887 = tpu.memref_squeeze %dma_start3A_886 : memref<1x128xi32, #tpu.memory_space<vmem>> -> memref<128xi32, #tpu.memory_space<vmem>>
      %dma_start3A_888 = tpu.memref_slice %arg7[%add3A_879] : memref<819200xi32, #tpu.memory_space<hbm>> -> memref<128xi32, #tpu.memory_space<hbm>>
      tpu.enqueue_dma source(%dma_start3A_888 : memref<128xi32, #tpu.memory_space<hbm>>) target(%dma_start3A_887 : memref<128xi32, #tpu.memory_space<vmem>>) target_semaphore(%arg36 : memref<!tpu.dma_semaphore, #tpu.memory_space<semaphore_mem>>)
      %add3A_889 = arith.constant 512 : i32
      %add3A_890 = arith.addi %add3A_844, %add3A_889 : i32
      %dma_start3A_891 = arith.constant 4 : i32
      %dma_start3A_892 = arith.constant 0 : i32
      %dma_start3A_893 = tpu.memref_slice %arg20[%dma_start3A_891, %dma_start3A_892] : memref<10x128xi32, #tpu.memory_space<vmem>> -> memref<1x128xi32, #tpu.memory_space<vmem>>
      %dma_start3A_894 = tpu.memref_squeeze %dma_start3A_893 : memref<1x128xi32, #tpu.memory_space<vmem>> -> memref<128xi32, #tpu.memory_space<vmem>>
      %dma_start3A_895 = tpu.memref_slice %arg7[%add3A_890] : memref<819200xi32, #tpu.memory_space<hbm>> -> memref<128xi32, #tpu.memory_space<hbm>>
      %dma_start3A_896 = arith.constant 0 : i32
      %dma_start3A_897 = tpu.memref_slice %arg20[%dma_start3A_891, %dma_start3A_896] : memref<10x128xi32, #tpu.memory_space<vmem>> -> memref<1x128xi32, #tpu.memory_space<vmem>>
      %dma_start3A_898 = tpu.memref_squeeze %dma_start3A_897 : memref<1x128xi32, #tpu.memory_space<vmem>> -> memref<128xi32, #tpu.memory_space<vmem>>
      %dma_start3A_899 = tpu.memref_slice %arg7[%add3A_890] : memref<819200xi32, #tpu.memory_space<hbm>> -> memref<128xi32, #tpu.memory_space<hbm>>
      tpu.enqueue_dma source(%dma_start3A_899 : memref<128xi32, #tpu.memory_space<hbm>>) target(%dma_start3A_898 : memref<128xi32, #tpu.memory_space<vmem>>) target_semaphore(%arg36 : memref<!tpu.dma_semaphore, #tpu.memory_space<semaphore_mem>>)
      %add3A_900 = arith.constant 640 : i32
      %add3A_901 = arith.addi %add3A_844, %add3A_900 : i32
      %dma_start3A_902 = arith.constant 5 : i32
      %dma_start3A_903 = arith.constant 0 : i32
      %dma_start3A_904 = tpu.memref_slice %arg20[%dma_start3A_902, %dma_start3A_903] : memref<10x128xi32, #tpu.memory_space<vmem>> -> memref<1x128xi32, #tpu.memory_space<vmem>>
      %dma_start3A_905 = tpu.memref_squeeze %dma_start3A_904 : memref<1x128xi32, #tpu.memory_space<vmem>> -> memref<128xi32, #tpu.memory_space<vmem>>
      %dma_start3A_906 = tpu.memref_slice %arg7[%add3A_901] : memref<819200xi32, #tpu.memory_space<hbm>> -> memref<128xi32, #tpu.memory_space<hbm>>
      %dma_start3A_907 = arith.constant 0 : i32
      %dma_start3A_908 = tpu.memref_slice %arg20[%dma_start3A_902, %dma_start3A_907] : memref<10x128xi32, #tpu.memory_space<vmem>> -> memref<1x128xi32, #tpu.memory_space<vmem>>
      %dma_start3A_909 = tpu.memref_squeeze %dma_start3A_908 : memref<1x128xi32, #tpu.memory_space<vmem>> -> memref<128xi32, #tpu.memory_space<vmem>>
      %dma_start3A_910 = tpu.memref_slice %arg7[%add3A_901] : memref<819200xi32, #tpu.memory_space<hbm>> -> memref<128xi32, #tpu.memory_space<hbm>>
      tpu.enqueue_dma source(%dma_start3A_910 : memref<128xi32, #tpu.memory_space<hbm>>) target(%dma_start3A_909 : memref<128xi32, #tpu.memory_space<vmem>>) target_semaphore(%arg36 : memref<!tpu.dma_semaphore, #tpu.memory_space<semaphore_mem>>)
      %add3A_911 = arith.constant 768 : i32
      %add3A_912 = arith.addi %add3A_844, %add3A_911 : i32
      %dma_start3A_913 = arith.constant 6 : i32
      %dma_start3A_914 = arith.constant 0 : i32
      %dma_start3A_915 = tpu.memref_slice %arg20[%dma_start3A_913, %dma_start3A_914] : memref<10x128xi32, #tpu.memory_space<vmem>> -> memref<1x128xi32, #tpu.memory_space<vmem>>
      %dma_start3A_916 = tpu.memref_squeeze %dma_start3A_915 : memref<1x128xi32, #tpu.memory_space<vmem>> -> memref<128xi32, #tpu.memory_space<vmem>>
      %dma_start3A_917 = tpu.memref_slice %arg7[%add3A_912] : memref<819200xi32, #tpu.memory_space<hbm>> -> memref<128xi32, #tpu.memory_space<hbm>>
      %dma_start3A_918 = arith.constant 0 : i32
      %dma_start3A_919 = tpu.memref_slice %arg20[%dma_start3A_913, %dma_start3A_918] : memref<10x128xi32, #tpu.memory_space<vmem>> -> memref<1x128xi32, #tpu.memory_space<vmem>>
      %dma_start3A_920 = tpu.memref_squeeze %dma_start3A_919 : memref<1x128xi32, #tpu.memory_space<vmem>> -> memref<128xi32, #tpu.memory_space<vmem>>
      %dma_start3A_921 = tpu.memref_slice %arg7[%add3A_912] : memref<819200xi32, #tpu.memory_space<hbm>> -> memref<128xi32, #tpu.memory_space<hbm>>
      tpu.enqueue_dma source(%dma_start3A_921 : memref<128xi32, #tpu.memory_space<hbm>>) target(%dma_start3A_920 : memref<128xi32, #tpu.memory_space<vmem>>) target_semaphore(%arg36 : memref<!tpu.dma_semaphore, #tpu.memory_space<semaphore_mem>>)
      %add3A_922 = arith.constant 896 : i32
      %add3A_923 = arith.addi %add3A_844, %add3A_922 : i32
      %dma_start3A_924 = arith.constant 7 : i32
      %dma_start3A_925 = arith.constant 0 : i32
      %dma_start3A_926 = tpu.memref_slice %arg20[%dma_start3A_924, %dma_start3A_925] : memref<10x128xi32, #tpu.memory_space<vmem>> -> memref<1x128xi32, #tpu.memory_space<vmem>>
      %dma_start3A_927 = tpu.memref_squeeze %dma_start3A_926 : memref<1x128xi32, #tpu.memory_space<vmem>> -> memref<128xi32, #tpu.memory_space<vmem>>
      %dma_start3A_928 = tpu.memref_slice %arg7[%add3A_923] : memref<819200xi32, #tpu.memory_space<hbm>> -> memref<128xi32, #tpu.memory_space<hbm>>
      %dma_start3A_929 = arith.constant 0 : i32
      %dma_start3A_930 = tpu.memref_slice %arg20[%dma_start3A_924, %dma_start3A_929] : memref<10x128xi32, #tpu.memory_space<vmem>> -> memref<1x128xi32, #tpu.memory_space<vmem>>
      %dma_start3A_931 = tpu.memref_squeeze %dma_start3A_930 : memref<1x128xi32, #tpu.memory_space<vmem>> -> memref<128xi32, #tpu.memory_space<vmem>>
      %dma_start3A_932 = tpu.memref_slice %arg7[%add3A_923] : memref<819200xi32, #tpu.memory_space<hbm>> -> memref<128xi32, #tpu.memory_space<hbm>>
      tpu.enqueue_dma source(%dma_start3A_932 : memref<128xi32, #tpu.memory_space<hbm>>) target(%dma_start3A_931 : memref<128xi32, #tpu.memory_space<vmem>>) target_semaphore(%arg36 : memref<!tpu.dma_semaphore, #tpu.memory_space<semaphore_mem>>)
      %add3A_933 = arith.constant 1024 : i32
      %add3A_934 = arith.addi %add3A_844, %add3A_933 : i32
      %dma_start3A_935 = arith.constant 8 : i32
      %dma_start3A_936 = arith.constant 0 : i32
      %dma_start3A_937 = tpu.memref_slice %arg20[%dma_start3A_935, %dma_start3A_936] : memref<10x128xi32, #tpu.memory_space<vmem>> -> memref<1x128xi32, #tpu.memory_space<vmem>>
      %dma_start3A_938 = tpu.memref_squeeze %dma_start3A_937 : memref<1x128xi32, #tpu.memory_space<vmem>> -> memref<128xi32, #tpu.memory_space<vmem>>
      %dma_start3A_939 = tpu.memref_slice %arg7[%add3A_934] : memref<819200xi32, #tpu.memory_space<hbm>> -> memref<128xi32, #tpu.memory_space<hbm>>
      %dma_start3A_940 = arith.constant 0 : i32
      %dma_start3A_941 = tpu.memref_slice %arg20[%dma_start3A_935, %dma_start3A_940] : memref<10x128xi32, #tpu.memory_space<vmem>> -> memref<1x128xi32, #tpu.memory_space<vmem>>
      %dma_start3A_942 = tpu.memref_squeeze %dma_start3A_941 : memref<1x128xi32, #tpu.memory_space<vmem>> -> memref<128xi32, #tpu.memory_space<vmem>>
      %dma_start3A_943 = tpu.memref_slice %arg7[%add3A_934] : memref<819200xi32, #tpu.memory_space<hbm>> -> memref<128xi32, #tpu.memory_space<hbm>>
      tpu.enqueue_dma source(%dma_start3A_943 : memref<128xi32, #tpu.memory_space<hbm>>) target(%dma_start3A_942 : memref<128xi32, #tpu.memory_space<vmem>>) target_semaphore(%arg36 : memref<!tpu.dma_semaphore, #tpu.memory_space<semaphore_mem>>)
      %add3A_944 = arith.constant 1152 : i32
      %add3A_945 = arith.addi %add3A_844, %add3A_944 : i32
      %dma_start3A_946 = arith.constant 9 : i32
      %dma_start3A_947 = arith.constant 0 : i32
      %dma_start3A_948 = tpu.memref_slice %arg20[%dma_start3A_946, %dma_start3A_947] : memref<10x128xi32, #tpu.memory_space<vmem>> -> memref<1x128xi32, #tpu.memory_space<vmem>>
      %dma_start3A_949 = tpu.memref_squeeze %dma_start3A_948 : memref<1x128xi32, #tpu.memory_space<vmem>> -> memref<128xi32, #tpu.memory_space<vmem>>
      %dma_start3A_950 = tpu.memref_slice %arg7[%add3A_945] : memref<819200xi32, #tpu.memory_space<hbm>> -> memref<128xi32, #tpu.memory_space<hbm>>
      %dma_start3A_951 = arith.constant 0 : i32
      %dma_start3A_952 = tpu.memref_slice %arg20[%dma_start3A_946, %dma_start3A_951] : memref<10x128xi32, #tpu.memory_space<vmem>> -> memref<1x128xi32, #tpu.memory_space<vmem>>
      %dma_start3A_953 = tpu.memref_squeeze %dma_start3A_952 : memref<1x128xi32, #tpu.memory_space<vmem>> -> memref<128xi32, #tpu.memory_space<vmem>>
      %dma_start3A_954 = tpu.memref_slice %arg7[%add3A_945] : memref<819200xi32, #tpu.memory_space<hbm>> -> memref<128xi32, #tpu.memory_space<hbm>>
      tpu.enqueue_dma source(%dma_start3A_954 : memref<128xi32, #tpu.memory_space<hbm>>) target(%dma_start3A_953 : memref<128xi32, #tpu.memory_space<vmem>>) target_semaphore(%arg36 : memref<!tpu.dma_semaphore, #tpu.memory_space<semaphore_mem>>)
      %dma_wait3A_955 = arith.constant 0 : i32
      %dma_wait3A_956 = arith.constant 0 : i32
      %dma_wait3A_957 = tpu.memref_slice %arg20[%dma_wait3A_955, %dma_wait3A_956] : memref<10x128xi32, #tpu.memory_space<vmem>> -> memref<1x128xi32, #tpu.memory_space<vmem>>
      %dma_wait3A_958 = tpu.memref_squeeze %dma_wait3A_957 : memref<1x128xi32, #tpu.memory_space<vmem>> -> memref<128xi32, #tpu.memory_space<vmem>>
      %dma_wait3A_959 = tpu.memref_slice %arg7[%add3A_846] : memref<819200xi32, #tpu.memory_space<hbm>> -> memref<128xi32, #tpu.memory_space<hbm>>
      %dma_wait3A_960 = arith.constant 0 : i32
      %dma_wait3A_961 = tpu.memref_slice %arg20[%dma_wait3A_955, %dma_wait3A_960] : memref<10x128xi32, #tpu.memory_space<vmem>> -> memref<1x128xi32, #tpu.memory_space<vmem>>
      %dma_wait3A_962 = tpu.memref_squeeze %dma_wait3A_961 : memref<1x128xi32, #tpu.memory_space<vmem>> -> memref<128xi32, #tpu.memory_space<vmem>>
      %dma_wait3A_963 = tpu.memref_slice %arg7[%add3A_846] : memref<819200xi32, #tpu.memory_space<hbm>> -> memref<128xi32, #tpu.memory_space<hbm>>
      tpu.wait_dma2 semaphore(%arg36 : memref<!tpu.dma_semaphore, #tpu.memory_space<semaphore_mem>>) src(%dma_wait3A_963 : memref<128xi32, #tpu.memory_space<hbm>>) dst(%dma_wait3A_962 : memref<128xi32, #tpu.memory_space<vmem>>)
      %dma_wait3A_964 = arith.constant 1 : i32
      %dma_wait3A_965 = arith.constant 0 : i32
      %dma_wait3A_966 = tpu.memref_slice %arg20[%dma_wait3A_964, %dma_wait3A_965] : memref<10x128xi32, #tpu.memory_space<vmem>> -> memref<1x128xi32, #tpu.memory_space<vmem>>
      %dma_wait3A_967 = tpu.memref_squeeze %dma_wait3A_966 : memref<1x128xi32, #tpu.memory_space<vmem>> -> memref<128xi32, #tpu.memory_space<vmem>>
      %dma_wait3A_968 = tpu.memref_slice %arg7[%add3A_857] : memref<819200xi32, #tpu.memory_space<hbm>> -> memref<128xi32, #tpu.memory_space<hbm>>
      %dma_wait3A_969 = arith.constant 0 : i32
      %dma_wait3A_970 = tpu.memref_slice %arg20[%dma_wait3A_964, %dma_wait3A_969] : memref<10x128xi32, #tpu.memory_space<vmem>> -> memref<1x128xi32, #tpu.memory_space<vmem>>
      %dma_wait3A_971 = tpu.memref_squeeze %dma_wait3A_970 : memref<1x128xi32, #tpu.memory_space<vmem>> -> memref<128xi32, #tpu.memory_space<vmem>>
      %dma_wait3A_972 = tpu.memref_slice %arg7[%add3A_857] : memref<819200xi32, #tpu.memory_space<hbm>> -> memref<128xi32, #tpu.memory_space<hbm>>
      tpu.wait_dma2 semaphore(%arg36 : memref<!tpu.dma_semaphore, #tpu.memory_space<semaphore_mem>>) src(%dma_wait3A_972 : memref<128xi32, #tpu.memory_space<hbm>>) dst(%dma_wait3A_971 : memref<128xi32, #tpu.memory_space<vmem>>)
      %dma_wait3A_973 = arith.constant 2 : i32
      %dma_wait3A_974 = arith.constant 0 : i32
      %dma_wait3A_975 = tpu.memref_slice %arg20[%dma_wait3A_973, %dma_wait3A_974] : memref<10x128xi32, #tpu.memory_space<vmem>> -> memref<1x128xi32, #tpu.memory_space<vmem>>
      %dma_wait3A_976 = tpu.memref_squeeze %dma_wait3A_975 : memref<1x128xi32, #tpu.memory_space<vmem>> -> memref<128xi32, #tpu.memory_space<vmem>>
      %dma_wait3A_977 = tpu.memref_slice %arg7[%add3A_868] : memref<819200xi32, #tpu.memory_space<hbm>> -> memref<128xi32, #tpu.memory_space<hbm>>
      %dma_wait3A_978 = arith.constant 0 : i32
      %dma_wait3A_979 = tpu.memref_slice %arg20[%dma_wait3A_973, %dma_wait3A_978] : memref<10x128xi32, #tpu.memory_space<vmem>> -> memref<1x128xi32, #tpu.memory_space<vmem>>
      %dma_wait3A_980 = tpu.memref_squeeze %dma_wait3A_979 : memref<1x128xi32, #tpu.memory_space<vmem>> -> memref<128xi32, #tpu.memory_space<vmem>>
      %dma_wait3A_981 = tpu.memref_slice %arg7[%add3A_868] : memref<819200xi32, #tpu.memory_space<hbm>> -> memref<128xi32, #tpu.memory_space<hbm>>
      tpu.wait_dma2 semaphore(%arg36 : memref<!tpu.dma_semaphore, #tpu.memory_space<semaphore_mem>>) src(%dma_wait3A_981 : memref<128xi32, #tpu.memory_space<hbm>>) dst(%dma_wait3A_980 : memref<128xi32, #tpu.memory_space<vmem>>)
      %dma_wait3A_982 = arith.constant 3 : i32
      %dma_wait3A_983 = arith.constant 0 : i32
      %dma_wait3A_984 = tpu.memref_slice %arg20[%dma_wait3A_982, %dma_wait3A_983] : memref<10x128xi32, #tpu.memory_space<vmem>> -> memref<1x128xi32, #tpu.memory_space<vmem>>
      %dma_wait3A_985 = tpu.memref_squeeze %dma_wait3A_984 : memref<1x128xi32, #tpu.memory_space<vmem>> -> memref<128xi32, #tpu.memory_space<vmem>>
      %dma_wait3A_986 = tpu.memref_slice %arg7[%add3A_879] : memref<819200xi32, #tpu.memory_space<hbm>> -> memref<128xi32, #tpu.memory_space<hbm>>
      %dma_wait3A_987 = arith.constant 0 : i32
      %dma_wait3A_988 = tpu.memref_slice %arg20[%dma_wait3A_982, %dma_wait3A_987] : memref<10x128xi32, #tpu.memory_space<vmem>> -> memref<1x128xi32, #tpu.memory_space<vmem>>
      %dma_wait3A_989 = tpu.memref_squeeze %dma_wait3A_988 : memref<1x128xi32, #tpu.memory_space<vmem>> -> memref<128xi32, #tpu.memory_space<vmem>>
      %dma_wait3A_990 = tpu.memref_slice %arg7[%add3A_879] : memref<819200xi32, #tpu.memory_space<hbm>> -> memref<128xi32, #tpu.memory_space<hbm>>
      tpu.wait_dma2 semaphore(%arg36 : memref<!tpu.dma_semaphore, #tpu.memory_space<semaphore_mem>>) src(%dma_wait3A_990 : memref<128xi32, #tpu.memory_space<hbm>>) dst(%dma_wait3A_989 : memref<128xi32, #tpu.memory_space<vmem>>)
      %dma_wait3A_991 = arith.constant 4 : i32
      %dma_wait3A_992 = arith.constant 0 : i32
      %dma_wait3A_993 = tpu.memref_slice %arg20[%dma_wait3A_991, %dma_wait3A_992] : memref<10x128xi32, #tpu.memory_space<vmem>> -> memref<1x128xi32, #tpu.memory_space<vmem>>
      %dma_wait3A_994 = tpu.memref_squeeze %dma_wait3A_993 : memref<1x128xi32, #tpu.memory_space<vmem>> -> memref<128xi32, #tpu.memory_space<vmem>>
      %dma_wait3A_995 = tpu.memref_slice %arg7[%add3A_890] : memref<819200xi32, #tpu.memory_space<hbm>> -> memref<128xi32, #tpu.memory_space<hbm>>
      %dma_wait3A_996 = arith.constant 0 : i32
      %dma_wait3A_997 = tpu.memref_slice %arg20[%dma_wait3A_991, %dma_wait3A_996] : memref<10x128xi32, #tpu.memory_space<vmem>> -> memref<1x128xi32, #tpu.memory_space<vmem>>
      %dma_wait3A_998 = tpu.memref_squeeze %dma_wait3A_997 : memref<1x128xi32, #tpu.memory_space<vmem>> -> memref<128xi32, #tpu.memory_space<vmem>>
      %dma_wait3A_999 = tpu.memref_slice %arg7[%add3A_890] : memref<819200xi32, #tpu.memory_space<hbm>> -> memref<128xi32, #tpu.memory_space<hbm>>
      tpu.wait_dma2 semaphore(%arg36 : memref<!tpu.dma_semaphore, #tpu.memory_space<semaphore_mem>>) src(%dma_wait3A_999 : memref<128xi32, #tpu.memory_space<hbm>>) dst(%dma_wait3A_998 : memref<128xi32, #tpu.memory_space<vmem>>)
      %dma_wait3A_1000 = arith.constant 5 : i32
      %dma_wait3A_1001 = arith.constant 0 : i32
      %dma_wait3A_1002 = tpu.memref_slice %arg20[%dma_wait3A_1000, %dma_wait3A_1001] : memref<10x128xi32, #tpu.memory_space<vmem>> -> memref<1x128xi32, #tpu.memory_space<vmem>>
      %dma_wait3A_1003 = tpu.memref_squeeze %dma_wait3A_1002 : memref<1x128xi32, #tpu.memory_space<vmem>> -> memref<128xi32, #tpu.memory_space<vmem>>
      %dma_wait3A_1004 = tpu.memref_slice %arg7[%add3A_901] : memref<819200xi32, #tpu.memory_space<hbm>> -> memref<128xi32, #tpu.memory_space<hbm>>
      %dma_wait3A_1005 = arith.constant 0 : i32
      %dma_wait3A_1006 = tpu.memref_slice %arg20[%dma_wait3A_1000, %dma_wait3A_1005] : memref<10x128xi32, #tpu.memory_space<vmem>> -> memref<1x128xi32, #tpu.memory_space<vmem>>
      %dma_wait3A_1007 = tpu.memref_squeeze %dma_wait3A_1006 : memref<1x128xi32, #tpu.memory_space<vmem>> -> memref<128xi32, #tpu.memory_space<vmem>>
      %dma_wait3A_1008 = tpu.memref_slice %arg7[%add3A_901] : memref<819200xi32, #tpu.memory_space<hbm>> -> memref<128xi32, #tpu.memory_space<hbm>>
      tpu.wait_dma2 semaphore(%arg36 : memref<!tpu.dma_semaphore, #tpu.memory_space<semaphore_mem>>) src(%dma_wait3A_1008 : memref<128xi32, #tpu.memory_space<hbm>>) dst(%dma_wait3A_1007 : memref<128xi32, #tpu.memory_space<vmem>>)
      %dma_wait3A_1009 = arith.constant 6 : i32
      %dma_wait3A_1010 = arith.constant 0 : i32
      %dma_wait3A_1011 = tpu.memref_slice %arg20[%dma_wait3A_1009, %dma_wait3A_1010] : memref<10x128xi32, #tpu.memory_space<vmem>> -> memref<1x128xi32, #tpu.memory_space<vmem>>
      %dma_wait3A_1012 = tpu.memref_squeeze %dma_wait3A_1011 : memref<1x128xi32, #tpu.memory_space<vmem>> -> memref<128xi32, #tpu.memory_space<vmem>>
      %dma_wait3A_1013 = tpu.memref_slice %arg7[%add3A_912] : memref<819200xi32, #tpu.memory_space<hbm>> -> memref<128xi32, #tpu.memory_space<hbm>>
      %dma_wait3A_1014 = arith.constant 0 : i32
      %dma_wait3A_1015 = tpu.memref_slice %arg20[%dma_wait3A_1009, %dma_wait3A_1014] : memref<10x128xi32, #tpu.memory_space<vmem>> -> memref<1x128xi32, #tpu.memory_space<vmem>>
      %dma_wait3A_1016 = tpu.memref_squeeze %dma_wait3A_1015 : memref<1x128xi32, #tpu.memory_space<vmem>> -> memref<128xi32, #tpu.memory_space<vmem>>
      %dma_wait3A_1017 = tpu.memref_slice %arg7[%add3A_912] : memref<819200xi32, #tpu.memory_space<hbm>> -> memref<128xi32, #tpu.memory_space<hbm>>
      tpu.wait_dma2 semaphore(%arg36 : memref<!tpu.dma_semaphore, #tpu.memory_space<semaphore_mem>>) src(%dma_wait3A_1017 : memref<128xi32, #tpu.memory_space<hbm>>) dst(%dma_wait3A_1016 : memref<128xi32, #tpu.memory_space<vmem>>)
      %dma_wait3A_1018 = arith.constant 7 : i32
      %dma_wait3A_1019 = arith.constant 0 : i32
      %dma_wait3A_1020 = tpu.memref_slice %arg20[%dma_wait3A_1018, %dma_wait3A_1019] : memref<10x128xi32, #tpu.memory_space<vmem>> -> memref<1x128xi32, #tpu.memory_space<vmem>>
      %dma_wait3A_1021 = tpu.memref_squeeze %dma_wait3A_1020 : memref<1x128xi32, #tpu.memory_space<vmem>> -> memref<128xi32, #tpu.memory_space<vmem>>
      %dma_wait3A_1022 = tpu.memref_slice %arg7[%add3A_923] : memref<819200xi32, #tpu.memory_space<hbm>> -> memref<128xi32, #tpu.memory_space<hbm>>
      %dma_wait3A_1023 = arith.constant 0 : i32
      %dma_wait3A_1024 = tpu.memref_slice %arg20[%dma_wait3A_1018, %dma_wait3A_1023] : memref<10x128xi32, #tpu.memory_space<vmem>> -> memref<1x128xi32, #tpu.memory_space<vmem>>
      %dma_wait3A_1025 = tpu.memref_squeeze %dma_wait3A_1024 : memref<1x128xi32, #tpu.memory_space<vmem>> -> memref<128xi32, #tpu.memory_space<vmem>>
      %dma_wait3A_1026 = tpu.memref_slice %arg7[%add3A_923] : memref<819200xi32, #tpu.memory_space<hbm>> -> memref<128xi32, #tpu.memory_space<hbm>>
      tpu.wait_dma2 semaphore(%arg36 : memref<!tpu.dma_semaphore, #tpu.memory_space<semaphore_mem>>) src(%dma_wait3A_1026 : memref<128xi32, #tpu.memory_space<hbm>>) dst(%dma_wait3A_1025 : memref<128xi32, #tpu.memory_space<vmem>>)
      %dma_wait3A_1027 = arith.constant 8 : i32
      %dma_wait3A_1028 = arith.constant 0 : i32
      %dma_wait3A_1029 = tpu.memref_slice %arg20[%dma_wait3A_1027, %dma_wait3A_1028] : memref<10x128xi32, #tpu.memory_space<vmem>> -> memref<1x128xi32, #tpu.memory_space<vmem>>
      %dma_wait3A_1030 = tpu.memref_squeeze %dma_wait3A_1029 : memref<1x128xi32, #tpu.memory_space<vmem>> -> memref<128xi32, #tpu.memory_space<vmem>>
      %dma_wait3A_1031 = tpu.memref_slice %arg7[%add3A_934] : memref<819200xi32, #tpu.memory_space<hbm>> -> memref<128xi32, #tpu.memory_space<hbm>>
      %dma_wait3A_1032 = arith.constant 0 : i32
      %dma_wait3A_1033 = tpu.memref_slice %arg20[%dma_wait3A_1027, %dma_wait3A_1032] : memref<10x128xi32, #tpu.memory_space<vmem>> -> memref<1x128xi32, #tpu.memory_space<vmem>>
      %dma_wait3A_1034 = tpu.memref_squeeze %dma_wait3A_1033 : memref<1x128xi32, #tpu.memory_space<vmem>> -> memref<128xi32, #tpu.memory_space<vmem>>
      %dma_wait3A_1035 = tpu.memref_slice %arg7[%add3A_934] : memref<819200xi32, #tpu.memory_space<hbm>> -> memref<128xi32, #tpu.memory_space<hbm>>
      tpu.wait_dma2 semaphore(%arg36 : memref<!tpu.dma_semaphore, #tpu.memory_space<semaphore_mem>>) src(%dma_wait3A_1035 : memref<128xi32, #tpu.memory_space<hbm>>) dst(%dma_wait3A_1034 : memref<128xi32, #tpu.memory_space<vmem>>)
      %dma_wait3A_1036 = arith.constant 9 : i32
      %dma_wait3A_1037 = arith.constant 0 : i32
      %dma_wait3A_1038 = tpu.memref_slice %arg20[%dma_wait3A_1036, %dma_wait3A_1037] : memref<10x128xi32, #tpu.memory_space<vmem>> -> memref<1x128xi32, #tpu.memory_space<vmem>>
      %dma_wait3A_1039 = tpu.memref_squeeze %dma_wait3A_1038 : memref<1x128xi32, #tpu.memory_space<vmem>> -> memref<128xi32, #tpu.memory_space<vmem>>
      %dma_wait3A_1040 = tpu.memref_slice %arg7[%add3A_945] : memref<819200xi32, #tpu.memory_space<hbm>> -> memref<128xi32, #tpu.memory_space<hbm>>
      %dma_wait3A_1041 = arith.constant 0 : i32
      %dma_wait3A_1042 = tpu.memref_slice %arg20[%dma_wait3A_1036, %dma_wait3A_1041] : memref<10x128xi32, #tpu.memory_space<vmem>> -> memref<1x128xi32, #tpu.memory_space<vmem>>
      %dma_wait3A_1043 = tpu.memref_squeeze %dma_wait3A_1042 : memref<1x128xi32, #tpu.memory_space<vmem>> -> memref<128xi32, #tpu.memory_space<vmem>>
      %dma_wait3A_1044 = tpu.memref_slice %arg7[%add3A_945] : memref<819200xi32, #tpu.memory_space<hbm>> -> memref<128xi32, #tpu.memory_space<hbm>>
      tpu.wait_dma2 semaphore(%arg36 : memref<!tpu.dma_semaphore, #tpu.memory_space<semaphore_mem>>) src(%dma_wait3A_1044 : memref<128xi32, #tpu.memory_space<hbm>>) dst(%dma_wait3A_1043 : memref<128xi32, #tpu.memory_space<vmem>>)
      %dma_start3A_1045 = arith.constant 0 : i32
      %dma_start3A_1046 = arith.constant 0 : i32
      %dma_start3A_1047 = tpu.memref_slice %arg21[%scan3A, %dma_start3A_1045, %dma_start3A_1046] : memref<5x128x64xf32, #tpu.memory_space<vmem>> -> memref<1x128x64xf32, #tpu.memory_space<vmem>>
      %dma_start3A_1048 = tpu.memref_squeeze %dma_start3A_1047 : memref<1x128x64xf32, #tpu.memory_space<vmem>> -> memref<128x64xf32, #tpu.memory_space<vmem>>
      %dma_start3A_1049 = arith.constant 0 : i32
      %dma_start3A_1050 = tpu.memref_slice %arg19[%dma_start3A_1049] : memref<1280xi32, #tpu.memory_space<vmem>> -> memref<128xi32, #tpu.memory_space<vmem>>
      %dma_start3A_1051 = arith.constant 0 : i32
      %dma_start3A_1052 = arith.constant 0 : i32
      %dma_start3A_1053 = tpu.memref_slice %arg2[%dma_start3A_1051, %dma_start3A_1052] : memref<100000x64xf32, #tpu.memory_space<hbm>> -> memref<100000x64xf32, #tpu.memory_space<hbm>>
      tpu.enqueue_indirect_dma source(%dma_start3A_1053 : memref<100000x64xf32, #tpu.memory_space<hbm>>) target(%dma_start3A_1048 : memref<128x64xf32, #tpu.memory_space<vmem>>) offsets(%dma_start3A_1050 : memref<128xi32, #tpu.memory_space<vmem>>) semaphore(%arg26 : memref<!tpu.dma_semaphore, #tpu.memory_space<semaphore_mem>>)
      %dma_start3A_1054 = arith.constant 0 : i32
      %dma_start3A_1055 = arith.constant 0 : i32
      %dma_start3A_1056 = tpu.memref_slice %arg21[%scan3A_821, %dma_start3A_1054, %dma_start3A_1055] : memref<5x128x64xf32, #tpu.memory_space<vmem>> -> memref<1x128x64xf32, #tpu.memory_space<vmem>>
      %dma_start3A_1057 = tpu.memref_squeeze %dma_start3A_1056 : memref<1x128x64xf32, #tpu.memory_space<vmem>> -> memref<128x64xf32, #tpu.memory_space<vmem>>
      %dma_start3A_1058 = arith.constant 128 : i32
      %dma_start3A_1059 = tpu.memref_slice %arg19[%dma_start3A_1058] : memref<1280xi32, #tpu.memory_space<vmem>> -> memref<128xi32, #tpu.memory_space<vmem>>
      %dma_start3A_1060 = arith.constant 0 : i32
      %dma_start3A_1061 = arith.constant 0 : i32
      %dma_start3A_1062 = tpu.memref_slice %arg2[%dma_start3A_1060, %dma_start3A_1061] : memref<100000x64xf32, #tpu.memory_space<hbm>> -> memref<100000x64xf32, #tpu.memory_space<hbm>>
      tpu.enqueue_indirect_dma source(%dma_start3A_1062 : memref<100000x64xf32, #tpu.memory_space<hbm>>) target(%dma_start3A_1057 : memref<128x64xf32, #tpu.memory_space<vmem>>) offsets(%dma_start3A_1059 : memref<128xi32, #tpu.memory_space<vmem>>) semaphore(%arg27 : memref<!tpu.dma_semaphore, #tpu.memory_space<semaphore_mem>>)
      %dma_start3A_1063 = arith.constant 0 : i32
      %dma_start3A_1064 = arith.constant 0 : i32
      %dma_start3A_1065 = tpu.memref_slice %arg21[%scan3A_822, %dma_start3A_1063, %dma_start3A_1064] : memref<5x128x64xf32, #tpu.memory_space<vmem>> -> memref<1x128x64xf32, #tpu.memory_space<vmem>>
      %dma_start3A_1066 = tpu.memref_squeeze %dma_start3A_1065 : memref<1x128x64xf32, #tpu.memory_space<vmem>> -> memref<128x64xf32, #tpu.memory_space<vmem>>
      %dma_start3A_1067 = arith.constant 256 : i32
      %dma_start3A_1068 = tpu.memref_slice %arg19[%dma_start3A_1067] : memref<1280xi32, #tpu.memory_space<vmem>> -> memref<128xi32, #tpu.memory_space<vmem>>
      %dma_start3A_1069 = arith.constant 0 : i32
      %dma_start3A_1070 = arith.constant 0 : i32
      %dma_start3A_1071 = tpu.memref_slice %arg2[%dma_start3A_1069, %dma_start3A_1070] : memref<100000x64xf32, #tpu.memory_space<hbm>> -> memref<100000x64xf32, #tpu.memory_space<hbm>>
      tpu.enqueue_indirect_dma source(%dma_start3A_1071 : memref<100000x64xf32, #tpu.memory_space<hbm>>) target(%dma_start3A_1066 : memref<128x64xf32, #tpu.memory_space<vmem>>) offsets(%dma_start3A_1068 : memref<128xi32, #tpu.memory_space<vmem>>) semaphore(%arg28 : memref<!tpu.dma_semaphore, #tpu.memory_space<semaphore_mem>>)
      %dma_wait3A_1072 = arith.constant 0 : i32
      %dma_wait3A_1073 = arith.constant 0 : i32
      %dma_wait3A_1074 = tpu.memref_slice %arg21[%scan3A, %dma_wait3A_1072, %dma_wait3A_1073] : memref<5x128x64xf32, #tpu.memory_space<vmem>> -> memref<1x128x64xf32, #tpu.memory_space<vmem>>
      %dma_wait3A_1075 = tpu.memref_squeeze %dma_wait3A_1074 : memref<1x128x64xf32, #tpu.memory_space<vmem>> -> memref<128x64xf32, #tpu.memory_space<vmem>>
      %dma_wait3A_1076 = arith.constant 0 : i32
      %dma_wait3A_1077 = tpu.memref_slice %arg19[%dma_wait3A_1076] : memref<1280xi32, #tpu.memory_space<vmem>> -> memref<128xi32, #tpu.memory_space<vmem>>
      %dma_wait3A_1078 = arith.constant 0 : i32
      %dma_wait3A_1079 = arith.constant 0 : i32
      %dma_wait3A_1080 = tpu.memref_slice %arg2[%dma_wait3A_1078, %dma_wait3A_1079] : memref<100000x64xf32, #tpu.memory_space<hbm>> -> memref<100000x64xf32, #tpu.memory_space<hbm>>
      tpu.wait_indirect_dma semaphore(%arg26 : memref<!tpu.dma_semaphore, #tpu.memory_space<semaphore_mem>>) src(%dma_wait3A_1080 : memref<100000x64xf32, #tpu.memory_space<hbm>>) dst(%dma_wait3A_1075 : memref<128x64xf32, #tpu.memory_space<vmem>>)
      %dma_start3A_1081 = arith.constant 0 : i32
      %dma_start3A_1082 = arith.constant 0 : i32
      %dma_start3A_1083 = arith.constant 0 : i32
      %dma_start3A_1084 = tpu.memref_slice %arg21[%scan3A, %dma_start3A_1082, %dma_start3A_1083] : memref<5x128x64xf32, #tpu.memory_space<vmem>> -> memref<1x128x64xf32, #tpu.memory_space<vmem>>
      %dma_start3A_1085 = tpu.memref_squeeze %dma_start3A_1084 : memref<1x128x64xf32, #tpu.memory_space<vmem>> -> memref<128x64xf32, #tpu.memory_space<vmem>>
      %dma_start3A_1086 = arith.constant 0 : i32
      %dma_start3A_1087 = tpu.memref_slice %arg20[%dma_start3A_1081, %dma_start3A_1086] : memref<10x128xi32, #tpu.memory_space<vmem>> -> memref<1x128xi32, #tpu.memory_space<vmem>>
      %dma_start3A_1088 = tpu.memref_squeeze %dma_start3A_1087 : memref<1x128xi32, #tpu.memory_space<vmem>> -> memref<128xi32, #tpu.memory_space<vmem>>
      %dma_start3A_1089 = arith.constant 0 : i32
      %dma_start3A_1090 = arith.constant 0 : i32
      %dma_start3A_1091 = tpu.memref_slice %arg25[%dma_start3A_1089, %dma_start3A_1090] : memref<16384x64xf32, #tpu.memory_space<vmem_shared>> -> memref<16384x64xf32, #tpu.memory_space<vmem_shared>>
      tpu.enqueue_indirect_dma source(%dma_start3A_1085 : memref<128x64xf32, #tpu.memory_space<vmem>>) target(%dma_start3A_1091 : memref<16384x64xf32, #tpu.memory_space<vmem_shared>>) offsets(%dma_start3A_1088 : memref<128xi32, #tpu.memory_space<vmem>>) semaphore(%arg31 : memref<!tpu.dma_semaphore, #tpu.memory_space<semaphore_mem>>) {add = true}
      %dma_start3A_1092 = arith.constant 0 : i32
      %dma_start3A_1093 = arith.constant 0 : i32
      %dma_start3A_1094 = tpu.memref_slice %arg21[%scan3A_823, %dma_start3A_1092, %dma_start3A_1093] : memref<5x128x64xf32, #tpu.memory_space<vmem>> -> memref<1x128x64xf32, #tpu.memory_space<vmem>>
      %dma_start3A_1095 = tpu.memref_squeeze %dma_start3A_1094 : memref<1x128x64xf32, #tpu.memory_space<vmem>> -> memref<128x64xf32, #tpu.memory_space<vmem>>
      %dma_start3A_1096 = arith.constant 384 : i32
      %dma_start3A_1097 = tpu.memref_slice %arg19[%dma_start3A_1096] : memref<1280xi32, #tpu.memory_space<vmem>> -> memref<128xi32, #tpu.memory_space<vmem>>
      %dma_start3A_1098 = arith.constant 0 : i32
      %dma_start3A_1099 = arith.constant 0 : i32
      %dma_start3A_1100 = tpu.memref_slice %arg2[%dma_start3A_1098, %dma_start3A_1099] : memref<100000x64xf32, #tpu.memory_space<hbm>> -> memref<100000x64xf32, #tpu.memory_space<hbm>>
      tpu.enqueue_indirect_dma source(%dma_start3A_1100 : memref<100000x64xf32, #tpu.memory_space<hbm>>) target(%dma_start3A_1095 : memref<128x64xf32, #tpu.memory_space<vmem>>) offsets(%dma_start3A_1097 : memref<128xi32, #tpu.memory_space<vmem>>) semaphore(%arg29 : memref<!tpu.dma_semaphore, #tpu.memory_space<semaphore_mem>>)
      %dma_wait3A_1101 = arith.constant 0 : i32
      %dma_wait3A_1102 = arith.constant 0 : i32
      %dma_wait3A_1103 = tpu.memref_slice %arg21[%scan3A_821, %dma_wait3A_1101, %dma_wait3A_1102] : memref<5x128x64xf32, #tpu.memory_space<vmem>> -> memref<1x128x64xf32, #tpu.memory_space<vmem>>
      %dma_wait3A_1104 = tpu.memref_squeeze %dma_wait3A_1103 : memref<1x128x64xf32, #tpu.memory_space<vmem>> -> memref<128x64xf32, #tpu.memory_space<vmem>>
      %dma_wait3A_1105 = arith.constant 128 : i32
      %dma_wait3A_1106 = tpu.memref_slice %arg19[%dma_wait3A_1105] : memref<1280xi32, #tpu.memory_space<vmem>> -> memref<128xi32, #tpu.memory_space<vmem>>
      %dma_wait3A_1107 = arith.constant 0 : i32
      %dma_wait3A_1108 = arith.constant 0 : i32
      %dma_wait3A_1109 = tpu.memref_slice %arg2[%dma_wait3A_1107, %dma_wait3A_1108] : memref<100000x64xf32, #tpu.memory_space<hbm>> -> memref<100000x64xf32, #tpu.memory_space<hbm>>
      tpu.wait_indirect_dma semaphore(%arg27 : memref<!tpu.dma_semaphore, #tpu.memory_space<semaphore_mem>>) src(%dma_wait3A_1109 : memref<100000x64xf32, #tpu.memory_space<hbm>>) dst(%dma_wait3A_1104 : memref<128x64xf32, #tpu.memory_space<vmem>>)
      %dma_start3A_1110 = arith.constant 1 : i32
      %dma_start3A_1111 = arith.constant 0 : i32
      %dma_start3A_1112 = arith.constant 0 : i32
      %dma_start3A_1113 = tpu.memref_slice %arg21[%scan3A_821, %dma_start3A_1111, %dma_start3A_1112] : memref<5x128x64xf32, #tpu.memory_space<vmem>> -> memref<1x128x64xf32, #tpu.memory_space<vmem>>
      %dma_start3A_1114 = tpu.memref_squeeze %dma_start3A_1113 : memref<1x128x64xf32, #tpu.memory_space<vmem>> -> memref<128x64xf32, #tpu.memory_space<vmem>>
      %dma_start3A_1115 = arith.constant 0 : i32
      %dma_start3A_1116 = tpu.memref_slice %arg20[%dma_start3A_1110, %dma_start3A_1115] : memref<10x128xi32, #tpu.memory_space<vmem>> -> memref<1x128xi32, #tpu.memory_space<vmem>>
      %dma_start3A_1117 = tpu.memref_squeeze %dma_start3A_1116 : memref<1x128xi32, #tpu.memory_space<vmem>> -> memref<128xi32, #tpu.memory_space<vmem>>
      %dma_start3A_1118 = arith.constant 0 : i32
      %dma_start3A_1119 = arith.constant 0 : i32
      %dma_start3A_1120 = tpu.memref_slice %arg25[%dma_start3A_1118, %dma_start3A_1119] : memref<16384x64xf32, #tpu.memory_space<vmem_shared>> -> memref<16384x64xf32, #tpu.memory_space<vmem_shared>>
      tpu.enqueue_indirect_dma source(%dma_start3A_1114 : memref<128x64xf32, #tpu.memory_space<vmem>>) target(%dma_start3A_1120 : memref<16384x64xf32, #tpu.memory_space<vmem_shared>>) offsets(%dma_start3A_1117 : memref<128xi32, #tpu.memory_space<vmem>>) semaphore(%arg32 : memref<!tpu.dma_semaphore, #tpu.memory_space<semaphore_mem>>) {add = true}
      %dma_start3A_1121 = arith.constant 0 : i32
      %dma_start3A_1122 = arith.constant 0 : i32
      %dma_start3A_1123 = tpu.memref_slice %arg21[%scan3A_824, %dma_start3A_1121, %dma_start3A_1122] : memref<5x128x64xf32, #tpu.memory_space<vmem>> -> memref<1x128x64xf32, #tpu.memory_space<vmem>>
      %dma_start3A_1124 = tpu.memref_squeeze %dma_start3A_1123 : memref<1x128x64xf32, #tpu.memory_space<vmem>> -> memref<128x64xf32, #tpu.memory_space<vmem>>
      %dma_start3A_1125 = arith.constant 512 : i32
      %dma_start3A_1126 = tpu.memref_slice %arg19[%dma_start3A_1125] : memref<1280xi32, #tpu.memory_space<vmem>> -> memref<128xi32, #tpu.memory_space<vmem>>
      %dma_start3A_1127 = arith.constant 0 : i32
      %dma_start3A_1128 = arith.constant 0 : i32
      %dma_start3A_1129 = tpu.memref_slice %arg2[%dma_start3A_1127, %dma_start3A_1128] : memref<100000x64xf32, #tpu.memory_space<hbm>> -> memref<100000x64xf32, #tpu.memory_space<hbm>>
      tpu.enqueue_indirect_dma source(%dma_start3A_1129 : memref<100000x64xf32, #tpu.memory_space<hbm>>) target(%dma_start3A_1124 : memref<128x64xf32, #tpu.memory_space<vmem>>) offsets(%dma_start3A_1126 : memref<128xi32, #tpu.memory_space<vmem>>) semaphore(%arg30 : memref<!tpu.dma_semaphore, #tpu.memory_space<semaphore_mem>>)
      %dma_wait3A_1130 = arith.constant 0 : i32
      %dma_wait3A_1131 = arith.constant 0 : i32
      %dma_wait3A_1132 = tpu.memref_slice %arg21[%scan3A_822, %dma_wait3A_1130, %dma_wait3A_1131] : memref<5x128x64xf32, #tpu.memory_space<vmem>> -> memref<1x128x64xf32, #tpu.memory_space<vmem>>
      %dma_wait3A_1133 = tpu.memref_squeeze %dma_wait3A_1132 : memref<1x128x64xf32, #tpu.memory_space<vmem>> -> memref<128x64xf32, #tpu.memory_space<vmem>>
      %dma_wait3A_1134 = arith.constant 256 : i32
      %dma_wait3A_1135 = tpu.memref_slice %arg19[%dma_wait3A_1134] : memref<1280xi32, #tpu.memory_space<vmem>> -> memref<128xi32, #tpu.memory_space<vmem>>
      %dma_wait3A_1136 = arith.constant 0 : i32
      %dma_wait3A_1137 = arith.constant 0 : i32
      %dma_wait3A_1138 = tpu.memref_slice %arg2[%dma_wait3A_1136, %dma_wait3A_1137] : memref<100000x64xf32, #tpu.memory_space<hbm>> -> memref<100000x64xf32, #tpu.memory_space<hbm>>
      tpu.wait_indirect_dma semaphore(%arg28 : memref<!tpu.dma_semaphore, #tpu.memory_space<semaphore_mem>>) src(%dma_wait3A_1138 : memref<100000x64xf32, #tpu.memory_space<hbm>>) dst(%dma_wait3A_1133 : memref<128x64xf32, #tpu.memory_space<vmem>>)
      %dma_start3A_1139 = arith.constant 2 : i32
      %dma_start3A_1140 = arith.constant 0 : i32
      %dma_start3A_1141 = arith.constant 0 : i32
      %dma_start3A_1142 = tpu.memref_slice %arg21[%scan3A_822, %dma_start3A_1140, %dma_start3A_1141] : memref<5x128x64xf32, #tpu.memory_space<vmem>> -> memref<1x128x64xf32, #tpu.memory_space<vmem>>
      %dma_start3A_1143 = tpu.memref_squeeze %dma_start3A_1142 : memref<1x128x64xf32, #tpu.memory_space<vmem>> -> memref<128x64xf32, #tpu.memory_space<vmem>>
      %dma_start3A_1144 = arith.constant 0 : i32
      %dma_start3A_1145 = tpu.memref_slice %arg20[%dma_start3A_1139, %dma_start3A_1144] : memref<10x128xi32, #tpu.memory_space<vmem>> -> memref<1x128xi32, #tpu.memory_space<vmem>>
      %dma_start3A_1146 = tpu.memref_squeeze %dma_start3A_1145 : memref<1x128xi32, #tpu.memory_space<vmem>> -> memref<128xi32, #tpu.memory_space<vmem>>
      %dma_start3A_1147 = arith.constant 0 : i32
      %dma_start3A_1148 = arith.constant 0 : i32
      %dma_start3A_1149 = tpu.memref_slice %arg25[%dma_start3A_1147, %dma_start3A_1148] : memref<16384x64xf32, #tpu.memory_space<vmem_shared>> -> memref<16384x64xf32, #tpu.memory_space<vmem_shared>>
      tpu.enqueue_indirect_dma source(%dma_start3A_1143 : memref<128x64xf32, #tpu.memory_space<vmem>>) target(%dma_start3A_1149 : memref<16384x64xf32, #tpu.memory_space<vmem_shared>>) offsets(%dma_start3A_1146 : memref<128xi32, #tpu.memory_space<vmem>>) semaphore(%arg33 : memref<!tpu.dma_semaphore, #tpu.memory_space<semaphore_mem>>) {add = true}
      %dma_wait3A_1150 = arith.constant 0 : i32
      %dma_wait3A_1151 = arith.constant 0 : i32
      %dma_wait3A_1152 = arith.constant 0 : i32
      %dma_wait3A_1153 = tpu.memref_slice %arg21[%scan3A, %dma_wait3A_1151, %dma_wait3A_1152] : memref<5x128x64xf32, #tpu.memory_space<vmem>> -> memref<1x128x64xf32, #tpu.memory_space<vmem>>
      %dma_wait3A_1154 = tpu.memref_squeeze %dma_wait3A_1153 : memref<1x128x64xf32, #tpu.memory_space<vmem>> -> memref<128x64xf32, #tpu.memory_space<vmem>>
      %dma_wait3A_1155 = arith.constant 0 : i32
      %dma_wait3A_1156 = tpu.memref_slice %arg20[%dma_wait3A_1150, %dma_wait3A_1155] : memref<10x128xi32, #tpu.memory_space<vmem>> -> memref<1x128xi32, #tpu.memory_space<vmem>>
      %dma_wait3A_1157 = tpu.memref_squeeze %dma_wait3A_1156 : memref<1x128xi32, #tpu.memory_space<vmem>> -> memref<128xi32, #tpu.memory_space<vmem>>
      %dma_wait3A_1158 = arith.constant 0 : i32
      %dma_wait3A_1159 = arith.constant 0 : i32
      %dma_wait3A_1160 = tpu.memref_slice %arg25[%dma_wait3A_1158, %dma_wait3A_1159] : memref<16384x64xf32, #tpu.memory_space<vmem_shared>> -> memref<16384x64xf32, #tpu.memory_space<vmem_shared>>
      tpu.wait_indirect_dma semaphore(%arg31 : memref<!tpu.dma_semaphore, #tpu.memory_space<semaphore_mem>>) src(%dma_wait3A_1154 : memref<128x64xf32, #tpu.memory_space<vmem>>) dst(%dma_wait3A_1160 : memref<16384x64xf32, #tpu.memory_space<vmem_shared>>)
      %dma_start3A_1161 = arith.constant 0 : i32
      %dma_start3A_1162 = arith.constant 0 : i32
      %dma_start3A_1163 = tpu.memref_slice %arg21[%scan3A, %dma_start3A_1161, %dma_start3A_1162] : memref<5x128x64xf32, #tpu.memory_space<vmem>> -> memref<1x128x64xf32, #tpu.memory_space<vmem>>
      %dma_start3A_1164 = tpu.memref_squeeze %dma_start3A_1163 : memref<1x128x64xf32, #tpu.memory_space<vmem>> -> memref<128x64xf32, #tpu.memory_space<vmem>>
      %dma_start3A_1165 = arith.constant 640 : i32
      %dma_start3A_1166 = tpu.memref_slice %arg19[%dma_start3A_1165] : memref<1280xi32, #tpu.memory_space<vmem>> -> memref<128xi32, #tpu.memory_space<vmem>>
      %dma_start3A_1167 = arith.constant 0 : i32
      %dma_start3A_1168 = arith.constant 0 : i32
      %dma_start3A_1169 = tpu.memref_slice %arg2[%dma_start3A_1167, %dma_start3A_1168] : memref<100000x64xf32, #tpu.memory_space<hbm>> -> memref<100000x64xf32, #tpu.memory_space<hbm>>
      tpu.enqueue_indirect_dma source(%dma_start3A_1169 : memref<100000x64xf32, #tpu.memory_space<hbm>>) target(%dma_start3A_1164 : memref<128x64xf32, #tpu.memory_space<vmem>>) offsets(%dma_start3A_1166 : memref<128xi32, #tpu.memory_space<vmem>>) semaphore(%arg26 : memref<!tpu.dma_semaphore, #tpu.memory_space<semaphore_mem>>)
      %dma_wait3A_1170 = arith.constant 0 : i32
      %dma_wait3A_1171 = arith.constant 0 : i32
      %dma_wait3A_1172 = tpu.memref_slice %arg21[%scan3A_823, %dma_wait3A_1170, %dma_wait3A_1171] : memref<5x128x64xf32, #tpu.memory_space<vmem>> -> memref<1x128x64xf32, #tpu.memory_space<vmem>>
      %dma_wait3A_1173 = tpu.memref_squeeze %dma_wait3A_1172 : memref<1x128x64xf32, #tpu.memory_space<vmem>> -> memref<128x64xf32, #tpu.memory_space<vmem>>
      %dma_wait3A_1174 = arith.constant 384 : i32
      %dma_wait3A_1175 = tpu.memref_slice %arg19[%dma_wait3A_1174] : memref<1280xi32, #tpu.memory_space<vmem>> -> memref<128xi32, #tpu.memory_space<vmem>>
      %dma_wait3A_1176 = arith.constant 0 : i32
      %dma_wait3A_1177 = arith.constant 0 : i32
      %dma_wait3A_1178 = tpu.memref_slice %arg2[%dma_wait3A_1176, %dma_wait3A_1177] : memref<100000x64xf32, #tpu.memory_space<hbm>> -> memref<100000x64xf32, #tpu.memory_space<hbm>>
      tpu.wait_indirect_dma semaphore(%arg29 : memref<!tpu.dma_semaphore, #tpu.memory_space<semaphore_mem>>) src(%dma_wait3A_1178 : memref<100000x64xf32, #tpu.memory_space<hbm>>) dst(%dma_wait3A_1173 : memref<128x64xf32, #tpu.memory_space<vmem>>)
      %dma_start3A_1179 = arith.constant 3 : i32
      %dma_start3A_1180 = arith.constant 0 : i32
      %dma_start3A_1181 = arith.constant 0 : i32
      %dma_start3A_1182 = tpu.memref_slice %arg21[%scan3A_823, %dma_start3A_1180, %dma_start3A_1181] : memref<5x128x64xf32, #tpu.memory_space<vmem>> -> memref<1x128x64xf32, #tpu.memory_space<vmem>>
      %dma_start3A_1183 = tpu.memref_squeeze %dma_start3A_1182 : memref<1x128x64xf32, #tpu.memory_space<vmem>> -> memref<128x64xf32, #tpu.memory_space<vmem>>
      %dma_start3A_1184 = arith.constant 0 : i32
      %dma_start3A_1185 = tpu.memref_slice %arg20[%dma_start3A_1179, %dma_start3A_1184] : memref<10x128xi32, #tpu.memory_space<vmem>> -> memref<1x128xi32, #tpu.memory_space<vmem>>
      %dma_start3A_1186 = tpu.memref_squeeze %dma_start3A_1185 : memref<1x128xi32, #tpu.memory_space<vmem>> -> memref<128xi32, #tpu.memory_space<vmem>>
      %dma_start3A_1187 = arith.constant 0 : i32
      %dma_start3A_1188 = arith.constant 0 : i32
      %dma_start3A_1189 = tpu.memref_slice %arg25[%dma_start3A_1187, %dma_start3A_1188] : memref<16384x64xf32, #tpu.memory_space<vmem_shared>> -> memref<16384x64xf32, #tpu.memory_space<vmem_shared>>
      tpu.enqueue_indirect_dma source(%dma_start3A_1183 : memref<128x64xf32, #tpu.memory_space<vmem>>) target(%dma_start3A_1189 : memref<16384x64xf32, #tpu.memory_space<vmem_shared>>) offsets(%dma_start3A_1186 : memref<128xi32, #tpu.memory_space<vmem>>) semaphore(%arg34 : memref<!tpu.dma_semaphore, #tpu.memory_space<semaphore_mem>>) {add = true}
      %dma_wait3A_1190 = arith.constant 1 : i32
      %dma_wait3A_1191 = arith.constant 0 : i32
      %dma_wait3A_1192 = arith.constant 0 : i32
      %dma_wait3A_1193 = tpu.memref_slice %arg21[%scan3A_821, %dma_wait3A_1191, %dma_wait3A_1192] : memref<5x128x64xf32, #tpu.memory_space<vmem>> -> memref<1x128x64xf32, #tpu.memory_space<vmem>>
      %dma_wait3A_1194 = tpu.memref_squeeze %dma_wait3A_1193 : memref<1x128x64xf32, #tpu.memory_space<vmem>> -> memref<128x64xf32, #tpu.memory_space<vmem>>
      %dma_wait3A_1195 = arith.constant 0 : i32
      %dma_wait3A_1196 = tpu.memref_slice %arg20[%dma_wait3A_1190, %dma_wait3A_1195] : memref<10x128xi32, #tpu.memory_space<vmem>> -> memref<1x128xi32, #tpu.memory_space<vmem>>
      %dma_wait3A_1197 = tpu.memref_squeeze %dma_wait3A_1196 : memref<1x128xi32, #tpu.memory_space<vmem>> -> memref<128xi32, #tpu.memory_space<vmem>>
      %dma_wait3A_1198 = arith.constant 0 : i32
      %dma_wait3A_1199 = arith.constant 0 : i32
      %dma_wait3A_1200 = tpu.memref_slice %arg25[%dma_wait3A_1198, %dma_wait3A_1199] : memref<16384x64xf32, #tpu.memory_space<vmem_shared>> -> memref<16384x64xf32, #tpu.memory_space<vmem_shared>>
      tpu.wait_indirect_dma semaphore(%arg32 : memref<!tpu.dma_semaphore, #tpu.memory_space<semaphore_mem>>) src(%dma_wait3A_1194 : memref<128x64xf32, #tpu.memory_space<vmem>>) dst(%dma_wait3A_1200 : memref<16384x64xf32, #tpu.memory_space<vmem_shared>>)
      %dma_start3A_1201 = arith.constant 0 : i32
      %dma_start3A_1202 = arith.constant 0 : i32
      %dma_start3A_1203 = tpu.memref_slice %arg21[%scan3A_821, %dma_start3A_1201, %dma_start3A_1202] : memref<5x128x64xf32, #tpu.memory_space<vmem>> -> memref<1x128x64xf32, #tpu.memory_space<vmem>>
      %dma_start3A_1204 = tpu.memref_squeeze %dma_start3A_1203 : memref<1x128x64xf32, #tpu.memory_space<vmem>> -> memref<128x64xf32, #tpu.memory_space<vmem>>
      %dma_start3A_1205 = arith.constant 768 : i32
      %dma_start3A_1206 = tpu.memref_slice %arg19[%dma_start3A_1205] : memref<1280xi32, #tpu.memory_space<vmem>> -> memref<128xi32, #tpu.memory_space<vmem>>
      %dma_start3A_1207 = arith.constant 0 : i32
      %dma_start3A_1208 = arith.constant 0 : i32
      %dma_start3A_1209 = tpu.memref_slice %arg2[%dma_start3A_1207, %dma_start3A_1208] : memref<100000x64xf32, #tpu.memory_space<hbm>> -> memref<100000x64xf32, #tpu.memory_space<hbm>>
      tpu.enqueue_indirect_dma source(%dma_start3A_1209 : memref<100000x64xf32, #tpu.memory_space<hbm>>) target(%dma_start3A_1204 : memref<128x64xf32, #tpu.memory_space<vmem>>) offsets(%dma_start3A_1206 : memref<128xi32, #tpu.memory_space<vmem>>) semaphore(%arg27 : memref<!tpu.dma_semaphore, #tpu.memory_space<semaphore_mem>>)
      %dma_wait3A_1210 = arith.constant 0 : i32
      %dma_wait3A_1211 = arith.constant 0 : i32
      %dma_wait3A_1212 = tpu.memref_slice %arg21[%scan3A_824, %dma_wait3A_1210, %dma_wait3A_1211] : memref<5x128x64xf32, #tpu.memory_space<vmem>> -> memref<1x128x64xf32, #tpu.memory_space<vmem>>
      %dma_wait3A_1213 = tpu.memref_squeeze %dma_wait3A_1212 : memref<1x128x64xf32, #tpu.memory_space<vmem>> -> memref<128x64xf32, #tpu.memory_space<vmem>>
      %dma_wait3A_1214 = arith.constant 512 : i32
      %dma_wait3A_1215 = tpu.memref_slice %arg19[%dma_wait3A_1214] : memref<1280xi32, #tpu.memory_space<vmem>> -> memref<128xi32, #tpu.memory_space<vmem>>
      %dma_wait3A_1216 = arith.constant 0 : i32
      %dma_wait3A_1217 = arith.constant 0 : i32
      %dma_wait3A_1218 = tpu.memref_slice %arg2[%dma_wait3A_1216, %dma_wait3A_1217] : memref<100000x64xf32, #tpu.memory_space<hbm>> -> memref<100000x64xf32, #tpu.memory_space<hbm>>
      tpu.wait_indirect_dma semaphore(%arg30 : memref<!tpu.dma_semaphore, #tpu.memory_space<semaphore_mem>>) src(%dma_wait3A_1218 : memref<100000x64xf32, #tpu.memory_space<hbm>>) dst(%dma_wait3A_1213 : memref<128x64xf32, #tpu.memory_space<vmem>>)
      %dma_start3A_1219 = arith.constant 4 : i32
      %dma_start3A_1220 = arith.constant 0 : i32
      %dma_start3A_1221 = arith.constant 0 : i32
      %dma_start3A_1222 = tpu.memref_slice %arg21[%scan3A_824, %dma_start3A_1220, %dma_start3A_1221] : memref<5x128x64xf32, #tpu.memory_space<vmem>> -> memref<1x128x64xf32, #tpu.memory_space<vmem>>
      %dma_start3A_1223 = tpu.memref_squeeze %dma_start3A_1222 : memref<1x128x64xf32, #tpu.memory_space<vmem>> -> memref<128x64xf32, #tpu.memory_space<vmem>>
      %dma_start3A_1224 = arith.constant 0 : i32
      %dma_start3A_1225 = tpu.memref_slice %arg20[%dma_start3A_1219, %dma_start3A_1224] : memref<10x128xi32, #tpu.memory_space<vmem>> -> memref<1x128xi32, #tpu.memory_space<vmem>>
      %dma_start3A_1226 = tpu.memref_squeeze %dma_start3A_1225 : memref<1x128xi32, #tpu.memory_space<vmem>> -> memref<128xi32, #tpu.memory_space<vmem>>
      %dma_start3A_1227 = arith.constant 0 : i32
      %dma_start3A_1228 = arith.constant 0 : i32
      %dma_start3A_1229 = tpu.memref_slice %arg25[%dma_start3A_1227, %dma_start3A_1228] : memref<16384x64xf32, #tpu.memory_space<vmem_shared>> -> memref<16384x64xf32, #tpu.memory_space<vmem_shared>>
      tpu.enqueue_indirect_dma source(%dma_start3A_1223 : memref<128x64xf32, #tpu.memory_space<vmem>>) target(%dma_start3A_1229 : memref<16384x64xf32, #tpu.memory_space<vmem_shared>>) offsets(%dma_start3A_1226 : memref<128xi32, #tpu.memory_space<vmem>>) semaphore(%arg35 : memref<!tpu.dma_semaphore, #tpu.memory_space<semaphore_mem>>) {add = true}
      %dma_wait3A_1230 = arith.constant 2 : i32
      %dma_wait3A_1231 = arith.constant 0 : i32
      %dma_wait3A_1232 = arith.constant 0 : i32
      %dma_wait3A_1233 = tpu.memref_slice %arg21[%scan3A_822, %dma_wait3A_1231, %dma_wait3A_1232] : memref<5x128x64xf32, #tpu.memory_space<vmem>> -> memref<1x128x64xf32, #tpu.memory_space<vmem>>
      %dma_wait3A_1234 = tpu.memref_squeeze %dma_wait3A_1233 : memref<1x128x64xf32, #tpu.memory_space<vmem>> -> memref<128x64xf32, #tpu.memory_space<vmem>>
      %dma_wait3A_1235 = arith.constant 0 : i32
      %dma_wait3A_1236 = tpu.memref_slice %arg20[%dma_wait3A_1230, %dma_wait3A_1235] : memref<10x128xi32, #tpu.memory_space<vmem>> -> memref<1x128xi32, #tpu.memory_space<vmem>>
      %dma_wait3A_1237 = tpu.memref_squeeze %dma_wait3A_1236 : memref<1x128xi32, #tpu.memory_space<vmem>> -> memref<128xi32, #tpu.memory_space<vmem>>
      %dma_wait3A_1238 = arith.constant 0 : i32
      %dma_wait3A_1239 = arith.constant 0 : i32
      %dma_wait3A_1240 = tpu.memref_slice %arg25[%dma_wait3A_1238, %dma_wait3A_1239] : memref<16384x64xf32, #tpu.memory_space<vmem_shared>> -> memref<16384x64xf32, #tpu.memory_space<vmem_shared>>
      tpu.wait_indirect_dma semaphore(%arg33 : memref<!tpu.dma_semaphore, #tpu.memory_space<semaphore_mem>>) src(%dma_wait3A_1234 : memref<128x64xf32, #tpu.memory_space<vmem>>) dst(%dma_wait3A_1240 : memref<16384x64xf32, #tpu.memory_space<vmem_shared>>)
      %dma_start3A_1241 = arith.constant 0 : i32
      %dma_start3A_1242 = arith.constant 0 : i32
      %dma_start3A_1243 = tpu.memref_slice %arg21[%scan3A_822, %dma_start3A_1241, %dma_start3A_1242] : memref<5x128x64xf32, #tpu.memory_space<vmem>> -> memref<1x128x64xf32, #tpu.memory_space<vmem>>
      %dma_start3A_1244 = tpu.memref_squeeze %dma_start3A_1243 : memref<1x128x64xf32, #tpu.memory_space<vmem>> -> memref<128x64xf32, #tpu.memory_space<vmem>>
      %dma_start3A_1245 = arith.constant 896 : i32
      %dma_start3A_1246 = tpu.memref_slice %arg19[%dma_start3A_1245] : memref<1280xi32, #tpu.memory_space<vmem>> -> memref<128xi32, #tpu.memory_space<vmem>>
      %dma_start3A_1247 = arith.constant 0 : i32
      %dma_start3A_1248 = arith.constant 0 : i32
      %dma_start3A_1249 = tpu.memref_slice %arg2[%dma_start3A_1247, %dma_start3A_1248] : memref<100000x64xf32, #tpu.memory_space<hbm>> -> memref<100000x64xf32, #tpu.memory_space<hbm>>
      tpu.enqueue_indirect_dma source(%dma_start3A_1249 : memref<100000x64xf32, #tpu.memory_space<hbm>>) target(%dma_start3A_1244 : memref<128x64xf32, #tpu.memory_space<vmem>>) offsets(%dma_start3A_1246 : memref<128xi32, #tpu.memory_space<vmem>>) semaphore(%arg28 : memref<!tpu.dma_semaphore, #tpu.memory_space<semaphore_mem>>)
      %dma_wait3A_1250 = arith.constant 0 : i32
      %dma_wait3A_1251 = arith.constant 0 : i32
      %dma_wait3A_1252 = tpu.memref_slice %arg21[%scan3A, %dma_wait3A_1250, %dma_wait3A_1251] : memref<5x128x64xf32, #tpu.memory_space<vmem>> -> memref<1x128x64xf32, #tpu.memory_space<vmem>>
      %dma_wait3A_1253 = tpu.memref_squeeze %dma_wait3A_1252 : memref<1x128x64xf32, #tpu.memory_space<vmem>> -> memref<128x64xf32, #tpu.memory_space<vmem>>
      %dma_wait3A_1254 = arith.constant 640 : i32
      %dma_wait3A_1255 = tpu.memref_slice %arg19[%dma_wait3A_1254] : memref<1280xi32, #tpu.memory_space<vmem>> -> memref<128xi32, #tpu.memory_space<vmem>>
      %dma_wait3A_1256 = arith.constant 0 : i32
      %dma_wait3A_1257 = arith.constant 0 : i32
      %dma_wait3A_1258 = tpu.memref_slice %arg2[%dma_wait3A_1256, %dma_wait3A_1257] : memref<100000x64xf32, #tpu.memory_space<hbm>> -> memref<100000x64xf32, #tpu.memory_space<hbm>>
      tpu.wait_indirect_dma semaphore(%arg26 : memref<!tpu.dma_semaphore, #tpu.memory_space<semaphore_mem>>) src(%dma_wait3A_1258 : memref<100000x64xf32, #tpu.memory_space<hbm>>) dst(%dma_wait3A_1253 : memref<128x64xf32, #tpu.memory_space<vmem>>)
      %dma_start3A_1259 = arith.constant 5 : i32
      %dma_start3A_1260 = arith.constant 0 : i32
      %dma_start3A_1261 = arith.constant 0 : i32
      %dma_start3A_1262 = tpu.memref_slice %arg21[%scan3A, %dma_start3A_1260, %dma_start3A_1261] : memref<5x128x64xf32, #tpu.memory_space<vmem>> -> memref<1x128x64xf32, #tpu.memory_space<vmem>>
      %dma_start3A_1263 = tpu.memref_squeeze %dma_start3A_1262 : memref<1x128x64xf32, #tpu.memory_space<vmem>> -> memref<128x64xf32, #tpu.memory_space<vmem>>
      %dma_start3A_1264 = arith.constant 0 : i32
      %dma_start3A_1265 = tpu.memref_slice %arg20[%dma_start3A_1259, %dma_start3A_1264] : memref<10x128xi32, #tpu.memory_space<vmem>> -> memref<1x128xi32, #tpu.memory_space<vmem>>
      %dma_start3A_1266 = tpu.memref_squeeze %dma_start3A_1265 : memref<1x128xi32, #tpu.memory_space<vmem>> -> memref<128xi32, #tpu.memory_space<vmem>>
      %dma_start3A_1267 = arith.constant 0 : i32
      %dma_start3A_1268 = arith.constant 0 : i32
      %dma_start3A_1269 = tpu.memref_slice %arg25[%dma_start3A_1267, %dma_start3A_1268] : memref<16384x64xf32, #tpu.memory_space<vmem_shared>> -> memref<16384x64xf32, #tpu.memory_space<vmem_shared>>
      tpu.enqueue_indirect_dma source(%dma_start3A_1263 : memref<128x64xf32, #tpu.memory_space<vmem>>) target(%dma_start3A_1269 : memref<16384x64xf32, #tpu.memory_space<vmem_shared>>) offsets(%dma_start3A_1266 : memref<128xi32, #tpu.memory_space<vmem>>) semaphore(%arg31 : memref<!tpu.dma_semaphore, #tpu.memory_space<semaphore_mem>>) {add = true}
      %dma_wait3A_1270 = arith.constant 3 : i32
      %dma_wait3A_1271 = arith.constant 0 : i32
      %dma_wait3A_1272 = arith.constant 0 : i32
      %dma_wait3A_1273 = tpu.memref_slice %arg21[%scan3A_823, %dma_wait3A_1271, %dma_wait3A_1272] : memref<5x128x64xf32, #tpu.memory_space<vmem>> -> memref<1x128x64xf32, #tpu.memory_space<vmem>>
      %dma_wait3A_1274 = tpu.memref_squeeze %dma_wait3A_1273 : memref<1x128x64xf32, #tpu.memory_space<vmem>> -> memref<128x64xf32, #tpu.memory_space<vmem>>
      %dma_wait3A_1275 = arith.constant 0 : i32
      %dma_wait3A_1276 = tpu.memref_slice %arg20[%dma_wait3A_1270, %dma_wait3A_1275] : memref<10x128xi32, #tpu.memory_space<vmem>> -> memref<1x128xi32, #tpu.memory_space<vmem>>
      %dma_wait3A_1277 = tpu.memref_squeeze %dma_wait3A_1276 : memref<1x128xi32, #tpu.memory_space<vmem>> -> memref<128xi32, #tpu.memory_space<vmem>>
      %dma_wait3A_1278 = arith.constant 0 : i32
      %dma_wait3A_1279 = arith.constant 0 : i32
      %dma_wait3A_1280 = tpu.memref_slice %arg25[%dma_wait3A_1278, %dma_wait3A_1279] : memref<16384x64xf32, #tpu.memory_space<vmem_shared>> -> memref<16384x64xf32, #tpu.memory_space<vmem_shared>>
      tpu.wait_indirect_dma semaphore(%arg34 : memref<!tpu.dma_semaphore, #tpu.memory_space<semaphore_mem>>) src(%dma_wait3A_1274 : memref<128x64xf32, #tpu.memory_space<vmem>>) dst(%dma_wait3A_1280 : memref<16384x64xf32, #tpu.memory_space<vmem_shared>>)
      %dma_start3A_1281 = arith.constant 0 : i32
      %dma_start3A_1282 = arith.constant 0 : i32
      %dma_start3A_1283 = tpu.memref_slice %arg21[%scan3A_823, %dma_start3A_1281, %dma_start3A_1282] : memref<5x128x64xf32, #tpu.memory_space<vmem>> -> memref<1x128x64xf32, #tpu.memory_space<vmem>>
      %dma_start3A_1284 = tpu.memref_squeeze %dma_start3A_1283 : memref<1x128x64xf32, #tpu.memory_space<vmem>> -> memref<128x64xf32, #tpu.memory_space<vmem>>
      %dma_start3A_1285 = arith.constant 1024 : i32
      %dma_start3A_1286 = tpu.memref_slice %arg19[%dma_start3A_1285] : memref<1280xi32, #tpu.memory_space<vmem>> -> memref<128xi32, #tpu.memory_space<vmem>>
      %dma_start3A_1287 = arith.constant 0 : i32
      %dma_start3A_1288 = arith.constant 0 : i32
      %dma_start3A_1289 = tpu.memref_slice %arg2[%dma_start3A_1287, %dma_start3A_1288] : memref<100000x64xf32, #tpu.memory_space<hbm>> -> memref<100000x64xf32, #tpu.memory_space<hbm>>
      tpu.enqueue_indirect_dma source(%dma_start3A_1289 : memref<100000x64xf32, #tpu.memory_space<hbm>>) target(%dma_start3A_1284 : memref<128x64xf32, #tpu.memory_space<vmem>>) offsets(%dma_start3A_1286 : memref<128xi32, #tpu.memory_space<vmem>>) semaphore(%arg29 : memref<!tpu.dma_semaphore, #tpu.memory_space<semaphore_mem>>)
      %dma_wait3A_1290 = arith.constant 0 : i32
      %dma_wait3A_1291 = arith.constant 0 : i32
      %dma_wait3A_1292 = tpu.memref_slice %arg21[%scan3A_821, %dma_wait3A_1290, %dma_wait3A_1291] : memref<5x128x64xf32, #tpu.memory_space<vmem>> -> memref<1x128x64xf32, #tpu.memory_space<vmem>>
      %dma_wait3A_1293 = tpu.memref_squeeze %dma_wait3A_1292 : memref<1x128x64xf32, #tpu.memory_space<vmem>> -> memref<128x64xf32, #tpu.memory_space<vmem>>
      %dma_wait3A_1294 = arith.constant 768 : i32
      %dma_wait3A_1295 = tpu.memref_slice %arg19[%dma_wait3A_1294] : memref<1280xi32, #tpu.memory_space<vmem>> -> memref<128xi32, #tpu.memory_space<vmem>>
      %dma_wait3A_1296 = arith.constant 0 : i32
      %dma_wait3A_1297 = arith.constant 0 : i32
      %dma_wait3A_1298 = tpu.memref_slice %arg2[%dma_wait3A_1296, %dma_wait3A_1297] : memref<100000x64xf32, #tpu.memory_space<hbm>> -> memref<100000x64xf32, #tpu.memory_space<hbm>>
      tpu.wait_indirect_dma semaphore(%arg27 : memref<!tpu.dma_semaphore, #tpu.memory_space<semaphore_mem>>) src(%dma_wait3A_1298 : memref<100000x64xf32, #tpu.memory_space<hbm>>) dst(%dma_wait3A_1293 : memref<128x64xf32, #tpu.memory_space<vmem>>)
      %dma_start3A_1299 = arith.constant 6 : i32
      %dma_start3A_1300 = arith.constant 0 : i32
      %dma_start3A_1301 = arith.constant 0 : i32
      %dma_start3A_1302 = tpu.memref_slice %arg21[%scan3A_821, %dma_start3A_1300, %dma_start3A_1301] : memref<5x128x64xf32, #tpu.memory_space<vmem>> -> memref<1x128x64xf32, #tpu.memory_space<vmem>>
      %dma_start3A_1303 = tpu.memref_squeeze %dma_start3A_1302 : memref<1x128x64xf32, #tpu.memory_space<vmem>> -> memref<128x64xf32, #tpu.memory_space<vmem>>
      %dma_start3A_1304 = arith.constant 0 : i32
      %dma_start3A_1305 = tpu.memref_slice %arg20[%dma_start3A_1299, %dma_start3A_1304] : memref<10x128xi32, #tpu.memory_space<vmem>> -> memref<1x128xi32, #tpu.memory_space<vmem>>
      %dma_start3A_1306 = tpu.memref_squeeze %dma_start3A_1305 : memref<1x128xi32, #tpu.memory_space<vmem>> -> memref<128xi32, #tpu.memory_space<vmem>>
      %dma_start3A_1307 = arith.constant 0 : i32
      %dma_start3A_1308 = arith.constant 0 : i32
      %dma_start3A_1309 = tpu.memref_slice %arg25[%dma_start3A_1307, %dma_start3A_1308] : memref<16384x64xf32, #tpu.memory_space<vmem_shared>> -> memref<16384x64xf32, #tpu.memory_space<vmem_shared>>
      tpu.enqueue_indirect_dma source(%dma_start3A_1303 : memref<128x64xf32, #tpu.memory_space<vmem>>) target(%dma_start3A_1309 : memref<16384x64xf32, #tpu.memory_space<vmem_shared>>) offsets(%dma_start3A_1306 : memref<128xi32, #tpu.memory_space<vmem>>) semaphore(%arg32 : memref<!tpu.dma_semaphore, #tpu.memory_space<semaphore_mem>>) {add = true}
      %dma_wait3A_1310 = arith.constant 4 : i32
      %dma_wait3A_1311 = arith.constant 0 : i32
      %dma_wait3A_1312 = arith.constant 0 : i32
      %dma_wait3A_1313 = tpu.memref_slice %arg21[%scan3A_824, %dma_wait3A_1311, %dma_wait3A_1312] : memref<5x128x64xf32, #tpu.memory_space<vmem>> -> memref<1x128x64xf32, #tpu.memory_space<vmem>>
      %dma_wait3A_1314 = tpu.memref_squeeze %dma_wait3A_1313 : memref<1x128x64xf32, #tpu.memory_space<vmem>> -> memref<128x64xf32, #tpu.memory_space<vmem>>
      %dma_wait3A_1315 = arith.constant 0 : i32
      %dma_wait3A_1316 = tpu.memref_slice %arg20[%dma_wait3A_1310, %dma_wait3A_1315] : memref<10x128xi32, #tpu.memory_space<vmem>> -> memref<1x128xi32, #tpu.memory_space<vmem>>
      %dma_wait3A_1317 = tpu.memref_squeeze %dma_wait3A_1316 : memref<1x128xi32, #tpu.memory_space<vmem>> -> memref<128xi32, #tpu.memory_space<vmem>>
      %dma_wait3A_1318 = arith.constant 0 : i32
      %dma_wait3A_1319 = arith.constant 0 : i32
      %dma_wait3A_1320 = tpu.memref_slice %arg25[%dma_wait3A_1318, %dma_wait3A_1319] : memref<16384x64xf32, #tpu.memory_space<vmem_shared>> -> memref<16384x64xf32, #tpu.memory_space<vmem_shared>>
      tpu.wait_indirect_dma semaphore(%arg35 : memref<!tpu.dma_semaphore, #tpu.memory_space<semaphore_mem>>) src(%dma_wait3A_1314 : memref<128x64xf32, #tpu.memory_space<vmem>>) dst(%dma_wait3A_1320 : memref<16384x64xf32, #tpu.memory_space<vmem_shared>>)
      %dma_start3A_1321 = arith.constant 0 : i32
      %dma_start3A_1322 = arith.constant 0 : i32
      %dma_start3A_1323 = tpu.memref_slice %arg21[%scan3A_824, %dma_start3A_1321, %dma_start3A_1322] : memref<5x128x64xf32, #tpu.memory_space<vmem>> -> memref<1x128x64xf32, #tpu.memory_space<vmem>>
      %dma_start3A_1324 = tpu.memref_squeeze %dma_start3A_1323 : memref<1x128x64xf32, #tpu.memory_space<vmem>> -> memref<128x64xf32, #tpu.memory_space<vmem>>
      %dma_start3A_1325 = arith.constant 1152 : i32
      %dma_start3A_1326 = tpu.memref_slice %arg19[%dma_start3A_1325] : memref<1280xi32, #tpu.memory_space<vmem>> -> memref<128xi32, #tpu.memory_space<vmem>>
      %dma_start3A_1327 = arith.constant 0 : i32
      %dma_start3A_1328 = arith.constant 0 : i32
      %dma_start3A_1329 = tpu.memref_slice %arg2[%dma_start3A_1327, %dma_start3A_1328] : memref<100000x64xf32, #tpu.memory_space<hbm>> -> memref<100000x64xf32, #tpu.memory_space<hbm>>
      tpu.enqueue_indirect_dma source(%dma_start3A_1329 : memref<100000x64xf32, #tpu.memory_space<hbm>>) target(%dma_start3A_1324 : memref<128x64xf32, #tpu.memory_space<vmem>>) offsets(%dma_start3A_1326 : memref<128xi32, #tpu.memory_space<vmem>>) semaphore(%arg30 : memref<!tpu.dma_semaphore, #tpu.memory_space<semaphore_mem>>)
      %dma_wait3A_1330 = arith.constant 0 : i32
      %dma_wait3A_1331 = arith.constant 0 : i32
      %dma_wait3A_1332 = tpu.memref_slice %arg21[%scan3A_822, %dma_wait3A_1330, %dma_wait3A_1331] : memref<5x128x64xf32, #tpu.memory_space<vmem>> -> memref<1x128x64xf32, #tpu.memory_space<vmem>>
      %dma_wait3A_1333 = tpu.memref_squeeze %dma_wait3A_1332 : memref<1x128x64xf32, #tpu.memory_space<vmem>> -> memref<128x64xf32, #tpu.memory_space<vmem>>
      %dma_wait3A_1334 = arith.constant 896 : i32
      %dma_wait3A_1335 = tpu.memref_slice %arg19[%dma_wait3A_1334] : memref<1280xi32, #tpu.memory_space<vmem>> -> memref<128xi32, #tpu.memory_space<vmem>>
      %dma_wait3A_1336 = arith.constant 0 : i32
      %dma_wait3A_1337 = arith.constant 0 : i32
      %dma_wait3A_1338 = tpu.memref_slice %arg2[%dma_wait3A_1336, %dma_wait3A_1337] : memref<100000x64xf32, #tpu.memory_space<hbm>> -> memref<100000x64xf32, #tpu.memory_space<hbm>>
      tpu.wait_indirect_dma semaphore(%arg28 : memref<!tpu.dma_semaphore, #tpu.memory_space<semaphore_mem>>) src(%dma_wait3A_1338 : memref<100000x64xf32, #tpu.memory_space<hbm>>) dst(%dma_wait3A_1333 : memref<128x64xf32, #tpu.memory_space<vmem>>)
      %dma_start3A_1339 = arith.constant 7 : i32
      %dma_start3A_1340 = arith.constant 0 : i32
      %dma_start3A_1341 = arith.constant 0 : i32
      %dma_start3A_1342 = tpu.memref_slice %arg21[%scan3A_822, %dma_start3A_1340, %dma_start3A_1341] : memref<5x128x64xf32, #tpu.memory_space<vmem>> -> memref<1x128x64xf32, #tpu.memory_space<vmem>>
      %dma_start3A_1343 = tpu.memref_squeeze %dma_start3A_1342 : memref<1x128x64xf32, #tpu.memory_space<vmem>> -> memref<128x64xf32, #tpu.memory_space<vmem>>
      %dma_start3A_1344 = arith.constant 0 : i32
      %dma_start3A_1345 = tpu.memref_slice %arg20[%dma_start3A_1339, %dma_start3A_1344] : memref<10x128xi32, #tpu.memory_space<vmem>> -> memref<1x128xi32, #tpu.memory_space<vmem>>
      %dma_start3A_1346 = tpu.memref_squeeze %dma_start3A_1345 : memref<1x128xi32, #tpu.memory_space<vmem>> -> memref<128xi32, #tpu.memory_space<vmem>>
      %dma_start3A_1347 = arith.constant 0 : i32
      %dma_start3A_1348 = arith.constant 0 : i32
      %dma_start3A_1349 = tpu.memref_slice %arg25[%dma_start3A_1347, %dma_start3A_1348] : memref<16384x64xf32, #tpu.memory_space<vmem_shared>> -> memref<16384x64xf32, #tpu.memory_space<vmem_shared>>
      tpu.enqueue_indirect_dma source(%dma_start3A_1343 : memref<128x64xf32, #tpu.memory_space<vmem>>) target(%dma_start3A_1349 : memref<16384x64xf32, #tpu.memory_space<vmem_shared>>) offsets(%dma_start3A_1346 : memref<128xi32, #tpu.memory_space<vmem>>) semaphore(%arg33 : memref<!tpu.dma_semaphore, #tpu.memory_space<semaphore_mem>>) {add = true}
      %dma_wait3A_1350 = arith.constant 0 : i32
      %dma_wait3A_1351 = arith.constant 0 : i32
      %dma_wait3A_1352 = tpu.memref_slice %arg21[%scan3A_823, %dma_wait3A_1350, %dma_wait3A_1351] : memref<5x128x64xf32, #tpu.memory_space<vmem>> -> memref<1x128x64xf32, #tpu.memory_space<vmem>>
      %dma_wait3A_1353 = tpu.memref_squeeze %dma_wait3A_1352 : memref<1x128x64xf32, #tpu.memory_space<vmem>> -> memref<128x64xf32, #tpu.memory_space<vmem>>
      %dma_wait3A_1354 = arith.constant 1024 : i32
      %dma_wait3A_1355 = tpu.memref_slice %arg19[%dma_wait3A_1354] : memref<1280xi32, #tpu.memory_space<vmem>> -> memref<128xi32, #tpu.memory_space<vmem>>
      %dma_wait3A_1356 = arith.constant 0 : i32
      %dma_wait3A_1357 = arith.constant 0 : i32
      %dma_wait3A_1358 = tpu.memref_slice %arg2[%dma_wait3A_1356, %dma_wait3A_1357] : memref<100000x64xf32, #tpu.memory_space<hbm>> -> memref<100000x64xf32, #tpu.memory_space<hbm>>
      tpu.wait_indirect_dma semaphore(%arg29 : memref<!tpu.dma_semaphore, #tpu.memory_space<semaphore_mem>>) src(%dma_wait3A_1358 : memref<100000x64xf32, #tpu.memory_space<hbm>>) dst(%dma_wait3A_1353 : memref<128x64xf32, #tpu.memory_space<vmem>>)
      %dma_start3A_1359 = arith.constant 8 : i32
      %dma_start3A_1360 = arith.constant 0 : i32
      %dma_start3A_1361 = arith.constant 0 : i32
      %dma_start3A_1362 = tpu.memref_slice %arg21[%scan3A_823, %dma_start3A_1360, %dma_start3A_1361] : memref<5x128x64xf32, #tpu.memory_space<vmem>> -> memref<1x128x64xf32, #tpu.memory_space<vmem>>
      %dma_start3A_1363 = tpu.memref_squeeze %dma_start3A_1362 : memref<1x128x64xf32, #tpu.memory_space<vmem>> -> memref<128x64xf32, #tpu.memory_space<vmem>>
      %dma_start3A_1364 = arith.constant 0 : i32
      %dma_start3A_1365 = tpu.memref_slice %arg20[%dma_start3A_1359, %dma_start3A_1364] : memref<10x128xi32, #tpu.memory_space<vmem>> -> memref<1x128xi32, #tpu.memory_space<vmem>>
      %dma_start3A_1366 = tpu.memref_squeeze %dma_start3A_1365 : memref<1x128xi32, #tpu.memory_space<vmem>> -> memref<128xi32, #tpu.memory_space<vmem>>
      %dma_start3A_1367 = arith.constant 0 : i32
      %dma_start3A_1368 = arith.constant 0 : i32
      %dma_start3A_1369 = tpu.memref_slice %arg25[%dma_start3A_1367, %dma_start3A_1368] : memref<16384x64xf32, #tpu.memory_space<vmem_shared>> -> memref<16384x64xf32, #tpu.memory_space<vmem_shared>>
      tpu.enqueue_indirect_dma source(%dma_start3A_1363 : memref<128x64xf32, #tpu.memory_space<vmem>>) target(%dma_start3A_1369 : memref<16384x64xf32, #tpu.memory_space<vmem_shared>>) offsets(%dma_start3A_1366 : memref<128xi32, #tpu.memory_space<vmem>>) semaphore(%arg34 : memref<!tpu.dma_semaphore, #tpu.memory_space<semaphore_mem>>) {add = true}
      %dma_wait3A_1370 = arith.constant 0 : i32
      %dma_wait3A_1371 = arith.constant 0 : i32
      %dma_wait3A_1372 = tpu.memref_slice %arg21[%scan3A_824, %dma_wait3A_1370, %dma_wait3A_1371] : memref<5x128x64xf32, #tpu.memory_space<vmem>> -> memref<1x128x64xf32, #tpu.memory_space<vmem>>
      %dma_wait3A_1373 = tpu.memref_squeeze %dma_wait3A_1372 : memref<1x128x64xf32, #tpu.memory_space<vmem>> -> memref<128x64xf32, #tpu.memory_space<vmem>>
      %dma_wait3A_1374 = arith.constant 1152 : i32
      %dma_wait3A_1375 = tpu.memref_slice %arg19[%dma_wait3A_1374] : memref<1280xi32, #tpu.memory_space<vmem>> -> memref<128xi32, #tpu.memory_space<vmem>>
      %dma_wait3A_1376 = arith.constant 0 : i32
      %dma_wait3A_1377 = arith.constant 0 : i32
      %dma_wait3A_1378 = tpu.memref_slice %arg2[%dma_wait3A_1376, %dma_wait3A_1377] : memref<100000x64xf32, #tpu.memory_space<hbm>> -> memref<100000x64xf32, #tpu.memory_space<hbm>>
      tpu.wait_indirect_dma semaphore(%arg30 : memref<!tpu.dma_semaphore, #tpu.memory_space<semaphore_mem>>) src(%dma_wait3A_1378 : memref<100000x64xf32, #tpu.memory_space<hbm>>) dst(%dma_wait3A_1373 : memref<128x64xf32, #tpu.memory_space<vmem>>)
      %dma_start3A_1379 = arith.constant 9 : i32
      %dma_start3A_1380 = arith.constant 0 : i32
      %dma_start3A_1381 = arith.constant 0 : i32
      %dma_start3A_1382 = tpu.memref_slice %arg21[%scan3A_824, %dma_start3A_1380, %dma_start3A_1381] : memref<5x128x64xf32, #tpu.memory_space<vmem>> -> memref<1x128x64xf32, #tpu.memory_space<vmem>>
      %dma_start3A_1383 = tpu.memref_squeeze %dma_start3A_1382 : memref<1x128x64xf32, #tpu.memory_space<vmem>> -> memref<128x64xf32, #tpu.memory_space<vmem>>
      %dma_start3A_1384 = arith.constant 0 : i32
      %dma_start3A_1385 = tpu.memref_slice %arg20[%dma_start3A_1379, %dma_start3A_1384] : memref<10x128xi32, #tpu.memory_space<vmem>> -> memref<1x128xi32, #tpu.memory_space<vmem>>
      %dma_start3A_1386 = tpu.memref_squeeze %dma_start3A_1385 : memref<1x128xi32, #tpu.memory_space<vmem>> -> memref<128xi32, #tpu.memory_space<vmem>>
      %dma_start3A_1387 = arith.constant 0 : i32
      %dma_start3A_1388 = arith.constant 0 : i32
      %dma_start3A_1389 = tpu.memref_slice %arg25[%dma_start3A_1387, %dma_start3A_1388] : memref<16384x64xf32, #tpu.memory_space<vmem_shared>> -> memref<16384x64xf32, #tpu.memory_space<vmem_shared>>
      tpu.enqueue_indirect_dma source(%dma_start3A_1383 : memref<128x64xf32, #tpu.memory_space<vmem>>) target(%dma_start3A_1389 : memref<16384x64xf32, #tpu.memory_space<vmem_shared>>) offsets(%dma_start3A_1386 : memref<128xi32, #tpu.memory_space<vmem>>) semaphore(%arg35 : memref<!tpu.dma_semaphore, #tpu.memory_space<semaphore_mem>>) {add = true}
      %dma_wait3A_1390 = arith.constant 5 : i32
      %dma_wait3A_1391 = arith.constant 0 : i32
      %dma_wait3A_1392 = arith.constant 0 : i32
      %dma_wait3A_1393 = tpu.memref_slice %arg21[%scan3A, %dma_wait3A_1391, %dma_wait3A_1392] : memref<5x128x64xf32, #tpu.memory_space<vmem>> -> memref<1x128x64xf32, #tpu.memory_space<vmem>>
      %dma_wait3A_1394 = tpu.memref_squeeze %dma_wait3A_1393 : memref<1x128x64xf32, #tpu.memory_space<vmem>> -> memref<128x64xf32, #tpu.memory_space<vmem>>
      %dma_wait3A_1395 = arith.constant 0 : i32
      %dma_wait3A_1396 = tpu.memref_slice %arg20[%dma_wait3A_1390, %dma_wait3A_1395] : memref<10x128xi32, #tpu.memory_space<vmem>> -> memref<1x128xi32, #tpu.memory_space<vmem>>
      %dma_wait3A_1397 = tpu.memref_squeeze %dma_wait3A_1396 : memref<1x128xi32, #tpu.memory_space<vmem>> -> memref<128xi32, #tpu.memory_space<vmem>>
      %dma_wait3A_1398 = arith.constant 0 : i32
      %dma_wait3A_1399 = arith.constant 0 : i32
      %dma_wait3A_1400 = tpu.memref_slice %arg25[%dma_wait3A_1398, %dma_wait3A_1399] : memref<16384x64xf32, #tpu.memory_space<vmem_shared>> -> memref<16384x64xf32, #tpu.memory_space<vmem_shared>>
      tpu.wait_indirect_dma semaphore(%arg31 : memref<!tpu.dma_semaphore, #tpu.memory_space<semaphore_mem>>) src(%dma_wait3A_1394 : memref<128x64xf32, #tpu.memory_space<vmem>>) dst(%dma_wait3A_1400 : memref<16384x64xf32, #tpu.memory_space<vmem_shared>>)
      %dma_wait3A_1401 = arith.constant 6 : i32
      %dma_wait3A_1402 = arith.constant 0 : i32
      %dma_wait3A_1403 = arith.constant 0 : i32
      %dma_wait3A_1404 = tpu.memref_slice %arg21[%scan3A_821, %dma_wait3A_1402, %dma_wait3A_1403] : memref<5x128x64xf32, #tpu.memory_space<vmem>> -> memref<1x128x64xf32, #tpu.memory_space<vmem>>
      %dma_wait3A_1405 = tpu.memref_squeeze %dma_wait3A_1404 : memref<1x128x64xf32, #tpu.memory_space<vmem>> -> memref<128x64xf32, #tpu.memory_space<vmem>>
      %dma_wait3A_1406 = arith.constant 0 : i32
      %dma_wait3A_1407 = tpu.memref_slice %arg20[%dma_wait3A_1401, %dma_wait3A_1406] : memref<10x128xi32, #tpu.memory_space<vmem>> -> memref<1x128xi32, #tpu.memory_space<vmem>>
      %dma_wait3A_1408 = tpu.memref_squeeze %dma_wait3A_1407 : memref<1x128xi32, #tpu.memory_space<vmem>> -> memref<128xi32, #tpu.memory_space<vmem>>
      %dma_wait3A_1409 = arith.constant 0 : i32
      %dma_wait3A_1410 = arith.constant 0 : i32
      %dma_wait3A_1411 = tpu.memref_slice %arg25[%dma_wait3A_1409, %dma_wait3A_1410] : memref<16384x64xf32, #tpu.memory_space<vmem_shared>> -> memref<16384x64xf32, #tpu.memory_space<vmem_shared>>
      tpu.wait_indirect_dma semaphore(%arg32 : memref<!tpu.dma_semaphore, #tpu.memory_space<semaphore_mem>>) src(%dma_wait3A_1405 : memref<128x64xf32, #tpu.memory_space<vmem>>) dst(%dma_wait3A_1411 : memref<16384x64xf32, #tpu.memory_space<vmem_shared>>)
      %dma_wait3A_1412 = arith.constant 7 : i32
      %dma_wait3A_1413 = arith.constant 0 : i32
      %dma_wait3A_1414 = arith.constant 0 : i32
      %dma_wait3A_1415 = tpu.memref_slice %arg21[%scan3A_822, %dma_wait3A_1413, %dma_wait3A_1414] : memref<5x128x64xf32, #tpu.memory_space<vmem>> -> memref<1x128x64xf32, #tpu.memory_space<vmem>>
      %dma_wait3A_1416 = tpu.memref_squeeze %dma_wait3A_1415 : memref<1x128x64xf32, #tpu.memory_space<vmem>> -> memref<128x64xf32, #tpu.memory_space<vmem>>
      %dma_wait3A_1417 = arith.constant 0 : i32
      %dma_wait3A_1418 = tpu.memref_slice %arg20[%dma_wait3A_1412, %dma_wait3A_1417] : memref<10x128xi32, #tpu.memory_space<vmem>> -> memref<1x128xi32, #tpu.memory_space<vmem>>
      %dma_wait3A_1419 = tpu.memref_squeeze %dma_wait3A_1418 : memref<1x128xi32, #tpu.memory_space<vmem>> -> memref<128xi32, #tpu.memory_space<vmem>>
      %dma_wait3A_1420 = arith.constant 0 : i32
      %dma_wait3A_1421 = arith.constant 0 : i32
      %dma_wait3A_1422 = tpu.memref_slice %arg25[%dma_wait3A_1420, %dma_wait3A_1421] : memref<16384x64xf32, #tpu.memory_space<vmem_shared>> -> memref<16384x64xf32, #tpu.memory_space<vmem_shared>>
      tpu.wait_indirect_dma semaphore(%arg33 : memref<!tpu.dma_semaphore, #tpu.memory_space<semaphore_mem>>) src(%dma_wait3A_1416 : memref<128x64xf32, #tpu.memory_space<vmem>>) dst(%dma_wait3A_1422 : memref<16384x64xf32, #tpu.memory_space<vmem_shared>>)
      %dma_wait3A_1423 = arith.constant 8 : i32
      %dma_wait3A_1424 = arith.constant 0 : i32
      %dma_wait3A_1425 = arith.constant 0 : i32
      %dma_wait3A_1426 = tpu.memref_slice %arg21[%scan3A_823, %dma_wait3A_1424, %dma_wait3A_1425] : memref<5x128x64xf32, #tpu.memory_space<vmem>> -> memref<1x128x64xf32, #tpu.memory_space<vmem>>
      %dma_wait3A_1427 = tpu.memref_squeeze %dma_wait3A_1426 : memref<1x128x64xf32, #tpu.memory_space<vmem>> -> memref<128x64xf32, #tpu.memory_space<vmem>>
      %dma_wait3A_1428 = arith.constant 0 : i32
      %dma_wait3A_1429 = tpu.memref_slice %arg20[%dma_wait3A_1423, %dma_wait3A_1428] : memref<10x128xi32, #tpu.memory_space<vmem>> -> memref<1x128xi32, #tpu.memory_space<vmem>>
      %dma_wait3A_1430 = tpu.memref_squeeze %dma_wait3A_1429 : memref<1x128xi32, #tpu.memory_space<vmem>> -> memref<128xi32, #tpu.memory_space<vmem>>
      %dma_wait3A_1431 = arith.constant 0 : i32
      %dma_wait3A_1432 = arith.constant 0 : i32
      %dma_wait3A_1433 = tpu.memref_slice %arg25[%dma_wait3A_1431, %dma_wait3A_1432] : memref<16384x64xf32, #tpu.memory_space<vmem_shared>> -> memref<16384x64xf32, #tpu.memory_space<vmem_shared>>
      tpu.wait_indirect_dma semaphore(%arg34 : memref<!tpu.dma_semaphore, #tpu.memory_space<semaphore_mem>>) src(%dma_wait3A_1427 : memref<128x64xf32, #tpu.memory_space<vmem>>) dst(%dma_wait3A_1433 : memref<16384x64xf32, #tpu.memory_space<vmem_shared>>)
      %dma_wait3A_1434 = arith.constant 9 : i32
      %dma_wait3A_1435 = arith.constant 0 : i32
      %dma_wait3A_1436 = arith.constant 0 : i32
      %dma_wait3A_1437 = tpu.memref_slice %arg21[%scan3A_824, %dma_wait3A_1435, %dma_wait3A_1436] : memref<5x128x64xf32, #tpu.memory_space<vmem>> -> memref<1x128x64xf32, #tpu.memory_space<vmem>>
      %dma_wait3A_1438 = tpu.memref_squeeze %dma_wait3A_1437 : memref<1x128x64xf32, #tpu.memory_space<vmem>> -> memref<128x64xf32, #tpu.memory_space<vmem>>
      %dma_wait3A_1439 = arith.constant 0 : i32
      %dma_wait3A_1440 = tpu.memref_slice %arg20[%dma_wait3A_1434, %dma_wait3A_1439] : memref<10x128xi32, #tpu.memory_space<vmem>> -> memref<1x128xi32, #tpu.memory_space<vmem>>
      %dma_wait3A_1441 = tpu.memref_squeeze %dma_wait3A_1440 : memref<1x128xi32, #tpu.memory_space<vmem>> -> memref<128xi32, #tpu.memory_space<vmem>>
      %dma_wait3A_1442 = arith.constant 0 : i32
      %dma_wait3A_1443 = arith.constant 0 : i32
      %dma_wait3A_1444 = tpu.memref_slice %arg25[%dma_wait3A_1442, %dma_wait3A_1443] : memref<16384x64xf32, #tpu.memory_space<vmem_shared>> -> memref<16384x64xf32, #tpu.memory_space<vmem_shared>>
      tpu.wait_indirect_dma semaphore(%arg35 : memref<!tpu.dma_semaphore, #tpu.memory_space<semaphore_mem>>) src(%dma_wait3A_1438 : memref<128x64xf32, #tpu.memory_space<vmem>>) dst(%dma_wait3A_1444 : memref<16384x64xf32, #tpu.memory_space<vmem_shared>>)
    }
    %scan3A_829 = arith.constant 20 : i32
    %barrier3A_830 = arith.constant 0 : index
    tpu.barrier barrier_id(%barrier3A_830)
    %mul3A_831 = arith.constant 1024 : i32
    %mul3A_832 = arith.muli %arg1, %mul3A_831 : i32
    %mul3A_833 = arith.constant 1024 : i32
    %mul3A_834 = arith.muli %arg1, %mul3A_833 : i32
    "tpu.region"() ({
      %run_scoped3A_835 = tpu.sem_alloc : memref<!tpu.dma_semaphore, #tpu.memory_space<semaphore_mem>>
      %dma_start3A_836 = arith.constant 0 : i32
      %dma_start3A_837 = tpu.memref_slice %arg12[%arg0, %mul3A_834, %dma_start3A_836] : memref<2x16384x128xf32, #tpu.memory_space<hbm>> -> memref<1x1024x64xf32, #tpu.memory_space<hbm>>
      %dma_start3A_838 = tpu.memref_squeeze %dma_start3A_837 : memref<1x1024x64xf32, #tpu.memory_space<hbm>> -> memref<1024x64xf32, #tpu.memory_space<hbm>>
      %dma_start3A_839 = arith.constant 0 : i32
      %dma_start3A_840 = tpu.memref_slice %arg25[%mul3A_832, %dma_start3A_839] : memref<16384x64xf32, #tpu.memory_space<vmem_shared>> -> memref<1024x64xf32, #tpu.memory_space<vmem_shared>>
      tpu.enqueue_dma source(%dma_start3A_840 : memref<1024x64xf32, #tpu.memory_space<vmem_shared>>) target(%dma_start3A_838 : memref<1024x64xf32, #tpu.memory_space<hbm>>) target_semaphore(%run_scoped3A_835 : memref<!tpu.dma_semaphore, #tpu.memory_space<semaphore_mem>>)
      %dma_wait3A_841 = arith.constant 0 : i32
      %dma_wait3A_842 = tpu.memref_slice %arg12[%arg0, %mul3A_834, %dma_wait3A_841] : memref<2x16384x128xf32, #tpu.memory_space<hbm>> -> memref<1x1024x64xf32, #tpu.memory_space<hbm>>
      %dma_wait3A_843 = tpu.memref_squeeze %dma_wait3A_842 : memref<1x1024x64xf32, #tpu.memory_space<hbm>> -> memref<1024x64xf32, #tpu.memory_space<hbm>>
      %dma_wait3A_844 = arith.constant 0 : i32
      %dma_wait3A_845 = tpu.memref_slice %arg25[%mul3A_832, %dma_wait3A_844] : memref<16384x64xf32, #tpu.memory_space<vmem_shared>> -> memref<1024x64xf32, #tpu.memory_space<vmem_shared>>
      tpu.wait_dma2 semaphore(%run_scoped3A_835 : memref<!tpu.dma_semaphore, #tpu.memory_space<semaphore_mem>>) src(%dma_wait3A_845 : memref<1024x64xf32, #tpu.memory_space<vmem_shared>>) dst(%dma_wait3A_843 : memref<1024x64xf32, #tpu.memory_space<hbm>>)
      tpu.yield
    }) : () -> ()
    return
  }
}

module attributes {stable_mosaic.version = 14 : i64} {
  func.func @body(%arg0: i32, %arg1: memref<2x2048x128xf32, #tpu.memory_space<vmem>>, %arg2: memref<2048x128xf32, #tpu.memory_space<vmem>>, %arg3: memref<2048x128xf32, #tpu.memory_space<vmem>>, %arg4: memref<2048x4x128xf32, #tpu.memory_space<vmem>>, %arg5: memref<2048xf32, #tpu.memory_space<vmem>>, %arg6: memref<2048xf32, #tpu.memory_space<vmem>>, %arg7: memref<2048x4xf32, #tpu.memory_space<vmem>>, %arg8: memref<2048xf32, #tpu.memory_space<vmem>>, %arg9: memref<2048x4xf32, #tpu.memory_space<vmem>>) attributes {dimension_semantics = [#tpu.dimension_semantics<arbitrary>], iteration_bounds = array<i64: 8>, scalar_prefetch = 0 : i64, scratch_operands = 0 : i64, tpu.core_type = #tpu.core_type<tc>, window_params = [{transform_indices = @transform_0, window_bounds = array<i64: 2, 2048, 128>}, {transform_indices = @transform_1, window_bounds = array<i64: 2048, 128>}, {transform_indices = @transform_2, window_bounds = array<i64: 2048, 128>}, {transform_indices = @transform_3, window_bounds = array<i64: 2048, 4, 128>}, {transform_indices = @transform_4, window_bounds = array<i64: 2048>}, {transform_indices = @transform_5, window_bounds = array<i64: 2048>}, {transform_indices = @transform_6, window_bounds = array<i64: 2048, 4>}, {transform_indices = @transform_7, window_bounds = array<i64: 2048>}, {transform_indices = @transform_8, window_bounds = array<i64: 2048, 4>}]} {
    %get3A = arith.constant 0 : index
    %get3A_0 = arith.constant 0 : index
    %get3A_1 = arith.constant 0 : index
    %get3A_2 = vector.load %arg1[%get3A, %get3A_0, %get3A_1] : memref<2x2048x128xf32, #tpu.memory_space<vmem>>, vector<1x2048x64xf32>
    %get3A_3 = vector.shape_cast %get3A_2 : vector<1x2048x64xf32> to vector<2048x64xf32>
    %get3A_4 = arith.constant 1 : index
    %get3A_5 = arith.constant 0 : index
    %get3A_6 = arith.constant 0 : index
    %get3A_7 = vector.load %arg1[%get3A_4, %get3A_5, %get3A_6] : memref<2x2048x128xf32, #tpu.memory_space<vmem>>, vector<1x2048x64xf32>
    %get3A_8 = vector.shape_cast %get3A_7 : vector<1x2048x64xf32> to vector<2048x64xf32>
    %add3A = arith.addf %get3A_3, %get3A_8 : vector<2048x64xf32>
    %get3A_9 = arith.constant 0 : index
    %get3A_10 = arith.constant 0 : index
    %get3A_11 = vector.load %arg3[%get3A_9, %get3A_10] : memref<2048x128xf32, #tpu.memory_space<vmem>>, vector<2048x64xf32>
    %sub3A = arith.subf %add3A, %get3A_11 : vector<2048x64xf32>
    %get3A_12 = arith.constant 0 : index
    %get3A_13 = arith.constant 0 : index
    %get3A_14 = vector.load %arg2[%get3A_12, %get3A_13] : memref<2048x128xf32, #tpu.memory_space<vmem>>, vector<2048x64xf32>
    %mul3A = arith.mulf %sub3A, %get3A_14 : vector<2048x64xf32>
    %reduce_sum3A = arith.constant dense<0.000000e+00> : vector<2048xf32>
    %reduce_sum3A_15 = vector.multi_reduction <add>, %mul3A, %reduce_sum3A [1] : vector<2048x64xf32> to vector<2048xf32>
    %get3A_16 = arith.constant 0 : index
    %get3A_17 = vector.load %arg5[%get3A_16] : memref<2048xf32, #tpu.memory_space<vmem>>, vector<2048xf32>
    %get3A_18 = arith.constant 0 : index
    %get3A_19 = vector.load %arg6[%get3A_18] : memref<2048xf32, #tpu.memory_space<vmem>>, vector<2048xf32>
    %add3A_20 = arith.addf %get3A_17, %get3A_19 : vector<2048xf32>
    %add3A_21 = arith.addf %add3A_20, %reduce_sum3A_15 : vector<2048xf32>
    %swap3A = arith.constant 0 : index
    %swap3A_22 = vector.load %arg8[%swap3A] : memref<2048xf32, #tpu.memory_space<vmem>>, vector<2048xf32>
    tpu.vector_store %arg8[%swap3A], %add3A_21 {strides = array<i32>} : memref<2048xf32, #tpu.memory_space<vmem>>, vector<2048xf32>,
    %broadcast_in_dim3A = vector.shape_cast %sub3A : vector<2048x64xf32> to vector<2048x1x64xf32>
    %get3A_23 = arith.constant 0 : index
    %get3A_24 = arith.constant 0 : index
    %get3A_25 = arith.constant 0 : index
    %get3A_26 = vector.load %arg4[%get3A_23, %get3A_24, %get3A_25] : memref<2048x4x128xf32, #tpu.memory_space<vmem>>, vector<2048x4x64xf32>
    %mul3A_27 = vector.broadcast %broadcast_in_dim3A : vector<2048x1x64xf32> to vector<2048x4x64xf32>
    %mul3A_28 = arith.mulf %mul3A_27, %get3A_26 : vector<2048x4x64xf32>
    %reduce_sum3A_29 = arith.constant dense<0.000000e+00> : vector<2048x4xf32>
    %reduce_sum3A_30 = vector.multi_reduction <add>, %mul3A_28, %reduce_sum3A_29 [2] : vector<2048x4x64xf32> to vector<2048x4xf32>
    %get3A_31 = arith.constant 0 : index
    %get3A_32 = vector.load %arg5[%get3A_31] : memref<2048xf32, #tpu.memory_space<vmem>>, vector<2048xf32>
    %broadcast_in_dim3A_33 = vector.shape_cast %get3A_32 : vector<2048xf32> to vector<2048x1xf32>
    %get3A_34 = arith.constant 0 : index
    %get3A_35 = arith.constant 0 : index
    %get3A_36 = vector.load %arg7[%get3A_34, %get3A_35] : memref<2048x4xf32, #tpu.memory_space<vmem>>, vector<2048x4xf32>
    %add3A_37 = vector.broadcast %broadcast_in_dim3A_33 : vector<2048x1xf32> to vector<2048x4xf32>
    %add3A_38 = arith.addf %add3A_37, %get3A_36 : vector<2048x4xf32>
    %add3A_39 = arith.addf %add3A_38, %reduce_sum3A_30 : vector<2048x4xf32>
    %swap3A_40 = arith.constant 0 : index
    %swap3A_41 = arith.constant 0 : index
    %swap3A_42 = vector.load %arg9[%swap3A_40, %swap3A_41] : memref<2048x4xf32, #tpu.memory_space<vmem>>, vector<2048x4xf32>
    tpu.vector_store %arg9[%swap3A_40, %swap3A_41], %add3A_39 {strides = array<i32>} : memref<2048x4xf32, #tpu.memory_space<vmem>>, vector<2048x4xf32>,
    return
  }
  func.func @transform_0(%arg0: i32) -> (i32, i32, i32) {
    %c0_i32 = arith.constant 0 : i32
    %c0_i32_0 = arith.constant 0 : i32
    %c0_i32_1 = arith.constant 0 : i32
    return %c0_i32, %arg0, %c0_i32_0 : i32, i32, i32
  }
  func.func @transform_1(%arg0: i32) -> (i32, i32) {
    %c0_i32 = arith.constant 0 : i32
    %c0_i32_0 = arith.constant 0 : i32
    return %arg0, %c0_i32 : i32, i32
  }
  func.func @transform_2(%arg0: i32) -> (i32, i32) {
    %c0_i32 = arith.constant 0 : i32
    %c0_i32_0 = arith.constant 0 : i32
    return %arg0, %c0_i32 : i32, i32
  }
  func.func @transform_3(%arg0: i32) -> (i32, i32, i32) {
    %c0_i32 = arith.constant 0 : i32
    %c0_i32_0 = arith.constant 0 : i32
    %c0_i32_1 = arith.constant 0 : i32
    return %arg0, %c0_i32, %c0_i32_0 : i32, i32, i32
  }
  func.func @transform_4(%arg0: i32) -> i32 {
    %c0_i32 = arith.constant 0 : i32
    return %arg0 : i32
  }
  func.func @transform_5(%arg0: i32) -> i32 {
    %c0_i32 = arith.constant 0 : i32
    return %arg0 : i32
  }
  func.func @transform_6(%arg0: i32) -> (i32, i32) {
    %c0_i32 = arith.constant 0 : i32
    %c0_i32_0 = arith.constant 0 : i32
    return %arg0, %c0_i32 : i32, i32
  }
  func.func @transform_7(%arg0: i32) -> i32 {
    %c0_i32 = arith.constant 0 : i32
    return %arg0 : i32
  }
  func.func @transform_8(%arg0: i32) -> (i32, i32) {
    %c0_i32 = arith.constant 0 : i32
    %c0_i32_0 = arith.constant 0 : i32
    return %arg0, %c0_i32 : i32, i32
  }
}

</mosaic_0001>

<sc_bundles>
// kernel: kernel.4.cloned.1.call-start
scs
__scs_entry_jumppad:
0x0: {  	(pc) =	sbr.rel $0x88, $3  }
0x1: {  	(tag) =	ssettag $0x0;
	lr =	simm.s32 $0x1  }
0x2: {  	[smem:$0x3F98] =	sst lr;
	_ =	strace $0xD0000000  }
0x3: {  	_ = 	snop  }
0x4: {  	_ = 	snop  }
0x5: {  	_ = 	snop  }
0x6: {  	_ = 	snop  }
0x7: {  	_ = 	snop  }
__scs_overlays_trampoline_lowered:
0x8: {  	[smem:$0x3FA7] =	sst s0  }
0x9: {  	[smem:$0x3FA8] =	sst s1  }
0xa: {  	[smem:$0x3FA9] =	sst s2  }
0xb: {  	[smem:$0x3FAA] =	sst s3  }
0xc: {  	[smem:$0x3FAB] =	sst s4  }
0xd: {  	[smem:$0x3FAC] =	sst s5  }
0xe: {  	[smem:$0x3FAD] =	sst s6  }
0xf: {  	[smem:$0x3FAE] =	sst s7  }
0x10: {  	[smem:$0x3FAF] =	sst s8  }
0x11: {  	[smem:$0x3FB0] =	sst s9;
	s0 =	simm.s32 @!p0 $0x0  }
0x12: {  	s1 =	sld [smem:$0x3F96];
	s0 =	simm.s32 @p0 $0x1  }
0x13: {  	[smem:$0x3FB1] =	sst s0;
	s0 =	simm.s32 @!p1 $0x0  }
0x14: {  	s2 =	sld [smem:$0x3F95];
	s0 =	simm.s32 @p1 $0x1  }
0x15: {  	[smem:$0x3FB2] =	sst s0;
	s0 =	simm.s32 @!p2 $0x0  }
0x16: {  	s3 =	sld [smem:$0x3FDB];
	s0 =	simm.s32 @p2 $0x1  }
0x17: {  	s4 =	simm.s32 $0x1BF5;
	[smem:$0x3FB4] =	sst s0  }
0x18: {  	s0 =	sld [smem:$0x3F97];
	_ =	swait.ge [sflag:s4], $0x0  }
0x19: {  	s7 =	sld [smem:$0x3F98]  }
0x1a: {  	s8 =	sadd.s32 $0xFFFFE003, lr  }
0x1b: {  	s9 =	sadd.s32 $0xFFFFFEF7, lr;
	s5 =	simm.s32 $0xFFFFFFFF;
	p2 =	slt.u32 s8, $0xFFFFF086  }
0x1c: {  	p1 =	slt.u32 s9, $0xF7A;
	s5 =	simm.s32 @!p2 $0x0  }
0x1d: {  	s5 =	simm.s32 @p1 $0x1;
	p0 =	seq.s32 s7, s2  }
0x1e: {  	s7 =	smul.u32 @!p0 $0xF7A, s2;
	p2 =	seq.s32 @!p0 s5, $0x0  }
0x1f: {  	s9 =	smul.u32 $0xF7A, s1;
	s8 =	simm.s32 @!p0 $0x1BF5;
	p2 =	por !p2, p0  }
0x20: {  	[sflag:s8] =	ssyncset.s32 @!p0 $0xFFFFF086;
	s6 =	sadd.s32 @!p0 s3, s7;
	s7 =	simm.s32 @!p0 $0x108  }
0x21: {  	s3 =	sadd.s32 s3, s9;
	s6 =	sadd.s32 @!p0 $0x88, s6;
	s7 =	simm.s32 @p2 $0x1082  }
0x22: {  	[simem:s7], [sflag:s8] =	dma.local @!p0 [hbm:s6], $0xF7A  }
0x23: {  	s9 =	sor.u32 $0xD0000000, s2;
	s6 =	simm.s32 $0x108;
	_ =	swait.ge @!p0 [sflag:s8], $0x0  }
0x24: {  	s3 =	sadd.s32 $0x88, s3;
	s6 =	simm.s32 @!p1 $0x1082;
	[sflag:s4] =	ssyncset.s32 $0xFFFFF086  }
0x25: {  	[simem:s6], [sflag:s4] =	dma.local [hbm:s3], $0xF7A  }
0x26: {  	[smem:$0x3F98] =	sst s1;
	(tag) =	ssettag s2;
	_ =	strace s9  }
0x27: {  	s1 =	sld [smem:$0x3FA8]  }
0x28: {  	s2 =	sld [smem:$0x3FA9]  }
0x29: {  	s4 =	sld [smem:$0x3FAB]  }
0x2a: {  	p0 =	seq.s32 s5, $0x0;
	s5 =	sld [smem:$0x3FAC]  }
0x2b: {  	s6 =	sld [smem:$0x3FAD]  }
0x2c: {  	s7 =	sld [smem:$0x3FAE]  }
0x2d: {  	s3 =	simm.s32 $0x108;
	s8 =	sld [smem:$0x3FAF]  }
0x2e: {  	s3 =	simm.s32 @!p0 $0x1082;
	s9 =	sld [smem:$0x3FB0]  }
0x2f: {  	lr =	sadd.s32 s0, s3;
	s0 =	sld [smem:$0x3FA7]  }
0x30: {  	s3 =	sld [smem:$0x3FAA]  }
0x31: {  	[smem:$0x3FB3] =	sst s10  }
0x32: {  	s10 =	sld [smem:$0x3FB1];
	_ =	sdelay $0x3  }
0x33: {  	p0 =	seq.s32 s10, $0x1;
	s10 =	sld [smem:$0x3FB3];
	_ =	sdelay $0x3  }
0x34: {  	[smem:$0x3FB3] =	sst s10  }
0x35: {  	s10 =	sld [smem:$0x3FB2];
	_ =	sdelay $0x3  }
0x36: {  	p1 =	seq.s32 s10, $0x1;
	s10 =	sld [smem:$0x3FB3];
	_ =	sdelay $0x3  }
0x37: {  	[smem:$0x3FB3] =	sst s10  }
0x38: {  	s10 =	sld [smem:$0x3FB4]  }
0x39: {  	_ = 	snop;
	(pc) =	sbr.ind lr, $3  }
0x3a: {  	_ = 	snop  }
0x3b: {  	_ = 	snop  }
0x3c: {  	p2 =	seq.s32 s10, $0x1;
	s10 =	sld [smem:$0x3FB3]  }
0x3d: {  	_ =	shalt  }
0x3e: {  	_ =	shalt  }
0x3f: {  	_ =	shalt  }
0x40: {  	_ =	shalt  }
0x41: {  	_ =	shalt  }
0x42: {  	_ =	shalt  }
0x43: {  	_ =	shalt  }
0x44: {  	_ =	shalt  }
0x45: {  	_ =	shalt  }
0x46: {  	_ =	shalt  }
0x47: {  	_ =	shalt  }
0x48: {  	_ =	shalt  }
0x49: {  	_ =	shalt  }
0x4a: {  	_ =	shalt  }
0x4b: {  	_ =	shalt  }
0x4c: {  	_ =	shalt  }
0x4d: {  	_ =	shalt  }
0x4e: {  	_ =	shalt  }
0x4f: {  	_ =	shalt  }
0x50: {  	_ =	shalt  }
0x51: {  	_ =	shalt  }
0x52: {  	_ =	shalt  }
0x53: {  	_ =	shalt  }
0x54: {  	_ =	shalt  }
0x55: {  	_ =	shalt  }
0x56: {  	_ =	shalt  }
0x57: {  	_ =	shalt  }
0x58: {  	_ =	shalt  }
0x59: {  	_ =	shalt  }
0x5a: {  	_ =	shalt  }
0x5b: {  	_ =	shalt  }
0x5c: {  	_ =	shalt  }
0x5d: {  	_ =	shalt  }
0x5e: {  	_ =	shalt  }
0x5f: {  	_ =	shalt  }
0x60: {  	_ =	shalt  }
0x61: {  	_ =	shalt  }
0x62: {  	_ =	shalt  }
0x63: {  	_ =	shalt  }
0x64: {  	_ =	shalt  }
0x65: {  	_ =	shalt  }
0x66: {  	_ =	shalt  }
0x67: {  	_ =	shalt  }
0x68: {  	_ =	shalt  }
0x69: {  	_ =	shalt  }
0x6a: {  	_ =	shalt  }
0x6b: {  	_ =	shalt  }
0x6c: {  	_ =	shalt  }
0x6d: {  	_ =	shalt  }
0x6e: {  	_ =	shalt  }
0x6f: {  	_ =	shalt  }
0x70: {  	_ =	shalt  }
0x71: {  	_ =	shalt  }
0x72: {  	_ =	shalt  }
0x73: {  	_ =	shalt  }
0x74: {  	_ =	shalt  }
0x75: {  	_ =	shalt  }
0x76: {  	_ =	shalt  }
0x77: {  	_ =	shalt  }
0x78: {  	_ =	shalt  }
0x79: {  	_ =	shalt  }
0x7a: {  	_ =	shalt  }
0x7b: {  	_ =	shalt  }
0x7c: {  	_ =	shalt  }
0x7d: {  	_ =	shalt  }
0x7e: {  	_ =	shalt  }
0x7f: {  	_ =	shalt  }
0x80: {  	_ =	shalt  }
0x81: {  	_ =	shalt  }
0x82: {  	_ =	shalt  }
0x83: {  	_ =	shalt  }
0x84: {  	_ =	shalt  }
0x85: {  	_ =	shalt  }
0x86: {  	_ =	shalt  }
0x87: {  	_ =	shalt  }
.Lfunc_end0:
.L_simem_size_0:
called_computation_lowered:
.L_overlay_start_0:
0x88: {  	s2 =	sld [smem:$0x3FD9]  }
0x89: {  	s3 =	sld [smem:$0x3FFE];
	_ =	sdelay $0x1  }
0x8a: {  	s1 =	srdreg.scid  }
0x8b: {  	s0 =	sand.u32 $0x1, s1  }
0x8c: {  	s14 =	sshll.u32 s0, $0xA;
	s2 =	sadd.s32 s3, s2  }
0x8d: {  	s2 =	sadd.s32 s2, s14  }
0x8e: {  	[smem:$0x3FBF] =	sst s2  }
0x8f: {  	_ = 	snop  }
0x90: {  	s2 =	sld [smem:$0x3FC7]  }
0x91: {  	s15 =	sld [smem:$0x3FC6]  }
0x92: {  	s4 =	sld [smem:$0x3FC5]  }
0x93: {  	s5 =	sld [smem:$0x3FD0]  }
0x94: {  	s6 =	sld [smem:$0x3FC4]  }
0x95: {  	s7 =	sld [smem:$0x3FC2]  }
0x96: {  	s9 =	simm.s32 $0xA;
	s10 =	simm.s32 $0x10;
	s8 =	sld [smem:$0x3FC1]  }
0x97: {  	[smem:s10], [sflag:s9] =	dma.local [hbm:s5], $0x1  }
0x98: {  	_ =	swait.eq [sflag:s9], $0x1  }
0x99: {  	[sflag:s9] =	ssyncset.done $0x0  }
0x9a: {  	s16 =	sld [smem:$0x10];
	[sflag:s9] =	ssyncadd.s32 $0xFFFFFFFF  }
0x9b: {  	s17 =	sld [smem:$0x11];
	(tm) =	ssettm $0x1  }
0x9c: {  	s18 =	sld [smem:$0x3FFB];
	_ =	sdelay $0x3  }
0x9d: {  	_ =	strace s18  }
0x9e: {  	s10 =	sld [smem:$0x3FFC];
	_ =	sdelay $0x3  }
0x9f: {  	_ =	strace s10  }
0xa0: {  	s10 =	sld [smem:$0x3FFD];
	_ =	sdelay $0x3  }
0xa1: {  	_ =	strace s10  }
0xa2: {  	_ =	strace $0x8FFFFFFF  }
0xa3: {  	s19 =	sld [smem:$0x3FDB];
	_ =	sdelay $0x1  }
0xa4: {  	s11 =	simm.s32 $_scs_section_size  }
0xa5: {  	s12 =	simm.s32 $_size__tile_overlayer_lowered;
	s13 =	simm.s32 $_tile_overlayer_lowered  }
0xa6: {  	s22 =	simm.s32 $0x1BFF;
	s21 =	sshll.u32 s13, $0x1;
	s10 =	sadd.s32 s11, s19  }
0xa7: {  	s20 =	sshll.u32 s12, $0x1;
	s14 =	simm.s32 $0x0;
	s12 =	sadd.s32 s21, s10  }
0xa8: {  	[timem:s14], [sflag:s22] =	dma.local [hbm:s12], s20  }
0xa9: {  	_ =	swait.ge [sflag:s22], s20  }
0xaa: {  	s11 =	ssub.s32 $0x0, s20;
	[sflag:s22] =	ssyncset.done $0x0  }
0xab: {  	[sflag:s22] =	ssyncadd.s32 s11;
	_ =	sdelay $0x1  }
0xac: {  	s23 =	simm.s32 $0x1B8B  }
0xad: {  	_ =	swait.ge [sflag:s23], $0x1  }
0xae: {  	[sflag:s23] =	ssyncset.done $0x0  }
0xaf: {  	s25 =	simm.s32 $0x1B8E;
	s24 =	sld [smem:$0x3FFE];
	[sflag:s23] =	ssyncadd.s32 $0xFFFFFFFF  }
0xb0: {  	s26 =	simm.s32 $execute0_lowered;
	[smem:$0x3FD2] =	sst s25  }
0xb1: {  	s12 =	sshll.u32 s26, $0x1;
	_ =	strace $0x80000046;
	[dreg:$0x1] =	wrdreg $0xFFFFFFFF  }
0xb2: {  	s28 =	simm.s32 $_size_execute0_lowered;
	s10 =	sadd.s32 s10, s12;
	[dreg:$0x0] =	wrdreg $0x0  }
0xb3: {  	s12 =	sshll.u32 s28, $0x1;
	[dreg:$0x2] =	wrdreg s10  }
0xb4: {  	[dreg:$0x3] =	wrdreg s12  }
0xb5: {  	[dreg:$0x4] =	wrdreg $0xC0  }
0xb6: {  	_ =	task [dreg:s14], $0x5FFFF  }
0xb7: {  	[dreg:$0x1] =	wrdreg $0xFFFFFFFF  }
0xb8: {  	[dreg:$0x0] =	wrdreg $0x60  }
0xb9: {  	[dreg:$0x2] =	wrdreg s24  }
0xba: {  	[dreg:$0x3] =	wrdreg s2  }
0xbb: {  	[dreg:$0x4] =	wrdreg s15  }
0xbc: {  	[dreg:$0x5] =	wrdreg s7  }
0xbd: {  	[dreg:$0x6] =	wrdreg s8  }
0xbe: {  	[dreg:$0x7] =	wrdreg s4  }
0xbf: {  	[dreg:$0x8] =	wrdreg s6  }
0xc0: {  	[dreg:$0x9] =	wrdreg s17  }
0xc1: {  	[dreg:$0xa] =	wrdreg s16  }
0xc2: {  	[dreg:$0xb] =	wrdreg $0xB7000  }
0xc3: {  	[dreg:$0xc] =	wrdreg $0x9  }
0xc4: {  	_ =	task.clear_ibuf [dreg:s14], $0xDFFFF;
	_ =	strace $0x90000046  }
0xc5: {  	s29 =	simm.s32 $0x9;
	_ =	strace $0x80000048  }
0xc6: {  	_ =	swait.ge [sflag:s29], $0x1  }
0xc7: {  	[sflag:s29] =	ssyncadd.s32 $0xFFFFFFFF  }
0xc8: {  	_ =	strace $0x90000048  }
0xc9: {  	_ =	sfence  }
0xca: {  	s30 =	sld [smem:$0x0];
	_ =	sdelay $0x2  }
0xcb: {  	s31 =	sshll.u32 s1, $0xD;
	s1 =	sshrl.u32 s1, $0x2  }
0xcc: {  	s3 =	sand.u32 $0x4000, s31;
	s1 =	sadd.s32 s1, s30  }
0xcd: {  	s0 =	sor.u32 s3, s0;
	s1 =	sshll.u32 s1, $0x11  }
0xce: {  	s0 =	sor.u32 s1, s0  }
0xcf: {  	s0 =	sadd.s32 $0x8F2B, s0  }
0xd0: {  	[sflag:s0] =	ssyncadd.remote.s32 $0x1  }
0xd1: {  	_ =	sfence.sel $0xFFFF  }
0xd2: {  	[dreg:$0x0] =	wrdreg $0xFFFFFFFF;
	(pc) =	sbr.abs _section_cstart, $3  }
0xd3: {  	[dreg:$0x1] =	wrdreg $0xFFFFFFFF  }
0xd4: {  	_ =	task.clear_ibuf [dreg:s14], $0x2FFFF;
	_ =	strace $0x9FFFFFFF  }
0xd5: {  	(tm) =	ssettm $0x7FFFFFFF  }
tec
execute0_lowered:
.L_overlay_start_1:
0x0: {  	(tag) =	ssettag $0x1  }
0x1: {  	s0 =	rddreg [dreg:$0x0]  }
0x2: {  	s14 =	rddreg [dreg:$0x3]  }
0x3: {  	s10 =	rddreg [dreg:$0x4]  }
0x4: {  	s9 =	rddreg [dreg:$0x5]  }
0x5: {  	s8 =	rddreg [dreg:$0x6]  }
0x6: {  	s4 =	rddreg [dreg:$0x7]  }
0x7: {  	s7 =	rddreg [dreg:$0x8]  }
0x8: {  	s3 =	rddreg [dreg:$0x9];
	s5 =	simm.s32 $0x0;
	s1 =	srdreg.scid  }
0x9: {  	s25 =	stileid.u32;
	[smem:$0x7FF] =	sst s5  }
0xa: {  	s2 =	sand.u32 $0x1, s1;
	s15 =	sadd.s32 $0x5000, s0;
	s16 =	smul.u32 $0x6400, s25  }
0xb: {  	s17 =	sadd.s32 $0xC5800, s0;
	s1 =	sshll.u32 s2, $0x4;
	s12 =	ssub.s32 $0x2, s2  }
0xc: {  	s11 =	smul.u32 $0x64000, s2;
	s6 =	sor.u32 s25, s1;
	s24 =	sshrl.u32 s12, $0x1  }
0xd: {  	_ =	strace $0x80000047;
	s18 =	sshll.u32 s6, $0x9;
	s1 =	ssub.s32 s12, s24  }
0xe: {  	s16 =	sadd.s32 s16, s11;
	s19 =	sshll.u32 s6, $0xD;
	s13 =	sor.u32 $0x80, s18  }
0xf: {  	s11 =	sor.u32 $0x100, s18;
	s20 =	sshrl.u32 s16, $0x3;
	s12 =	sor.u32 $0x180, s18  }
0x10: {  	s26 =	sadd.s32 s15, s19;
	s22 =	sadd.s32 $0x480, s16;
	s24 =	sadd.s32 $0x400, s16  }
0x11: {  	s19 =	sadd.s32 s17, s19;
	[dreg:$0x1d] =	wrdreg s26;
	s21 =	sadd.s32 s20, s10  }
0x12: {  	s14 =	sadd.s32 s20, s14;
	s23 =	sshrl.u32 s22, $0x3;
	[dreg:$0x1e] =	wrdreg s19  }
0x13: {  	s18 =	sshrl.u32 s24, $0x3;
	s26 =	sor.u32 $0x380, s16;
	[dreg:$0xb] =	wrdreg s21  }
0x14: {  	s22 =	sor.u32 $0x300, s16;
	s24 =	sor.u32 $0x280, s16;
	[dreg:$0xc] =	wrdreg s14  }
0x15: {  	s14 =	sadd.s32 s23, s10;
	s18 =	sadd.s32 s18, s10;
	s20 =	sshrl.u32 s26, $0x3  }
0x16: {  	s23 =	sshrl.u32 s22, $0x3;
	s26 =	sor.u32 $0x200, s16;
	[dreg:$0xd] =	wrdreg s14  }
0x17: {  	[dreg:$0xe] =	wrdreg s18;
	s21 =	sadd.s32 s20, s10;
	s14 =	sadd.s32 s23, s10  }
0x18: {  	s18 =	sshrl.u32 s24, $0x3;
	s23 =	sshll.u32 s13, $0x4;
	[dreg:$0xf] =	wrdreg s21  }
0x19: {  	s24 =	sor.u32 $0x180, s16;
	[dreg:$0x10] =	wrdreg s14;
	s18 =	sadd.s32 s18, s10  }
0x1a: {  	s21 =	sshrl.u32 s26, $0x3;
	s26 =	sadd.s32 s15, s23;
	[dreg:$0x11] =	wrdreg s18  }
0x1b: {  	s16 =	sor.u32 $0x100, s16;
	s22 =	sadd.s32 s21, s10;
	[dreg:$0x1f] =	wrdreg s26  }
0x1c: {  	s14 =	sshrl.u32 s24, $0x3;
	s18 =	sadd.s32 s17, s23;
	[dreg:$0x12] =	wrdreg s22  }
0x1d: {  	s16 =	sshrl.u32 s16, $0x3;
	s14 =	sadd.s32 s14, s10;
	[smem:$0x7C2] =	sst s18  }
0x1e: {  	s20 =	sshll.u32 s12, $0x4;
	s10 =	sadd.s32 s16, s10;
	[dreg:$0x13] =	wrdreg s14  }
0x1f: {  	s24 =	sshll.u32 s6, $0x6;
	s21 =	sadd.s32 s15, s20;
	[dreg:$0x14] =	wrdreg s10  }
0x20: {  	s23 =	simm.s32 $0x180;
	s26 =	simm.s32 $0x200;
	[smem:$0x7C5] =	sst s21  }
0x21: {  	s9 =	sadd.s32 s9, s24;
	s8 =	sadd.s32 s8, s24;
	[dreg:$0x16] =	wrdreg s23  }
0x22: {  	s16 =	sshrl.u32 s13, $0x3;
	s18 =	sshll.u32 s11, $0x4;
	[dreg:$0x17] =	wrdreg s26  }
0x23: {  	s22 =	simm.s32 $0x100;
	s10 =	sadd.s32 s17, s20;
	[smem:$0x7C7] =	sst s9  }
0x24: {  	[smem:$0x7C8] =	sst s8;
	s8 =	sadd.s32 s7, s16;
	s20 =	sshrl.u32 s12, $0x3  }
0x25: {  	s23 =	sshll.u32 s6, $0xB;
	s19 =	sadd.s32 s15, s18;
	[smem:$0x7C6] =	sst s10  }
0x26: {  	s14 =	sadd.s32 s17, s18;
	[dreg:$0x15] =	wrdreg s22;
	s15 =	sadd.s32 $0x45000, s0  }
0x27: {  	s10 =	sadd.s32 s7, s24;
	s18 =	sshrl.u32 s11, $0x3;
	[smem:$0x7CC] =	sst s8  }
0x28: {  	s22 =	simm.s32 $0x280;
	s12 =	sor.u32 $0x80, s23;
	[smem:$0x7C3] =	sst s19  }
0x29: {  	s13 =	sor.u32 $0x100, s23;
	s11 =	sor.u32 $0x580, s23;
	[smem:$0x7C4] =	sst s14  }
0x2a: {  	s8 =	sor.u32 $0x700, s23;
	s17 =	sadd.s32 s15, s24;
	[smem:$0x7CA] =	sst s10  }
0x2b: {  	s19 =	sadd.s32 s15, s16;
	s21 =	sadd.s32 s15, s18;
	[dreg:$0x18] =	wrdreg s22  }
0x2c: {  	s10 =	sadd.s32 s7, s18;
	s9 =	sadd.s32 s15, s20;
	[smem:$0x7C9] =	sst s17  }
0x2d: {  	s7 =	sadd.s32 s7, s20;
	s14 =	sor.u32 $0x180, s23;
	[smem:$0x7CB] =	sst s19  }
0x2e: {  	s15 =	sor.u32 $0x200, s23;
	s16 =	sor.u32 $0x280, s23;
	[smem:$0x7CD] =	sst s21  }
0x2f: {  	s18 =	sor.u32 $0x380, s23;
	s20 =	sor.u32 $0x480, s23;
	[smem:$0x7CE] =	sst s10  }
0x30: {  	s22 =	sadd.s32 $0x310200, s0;
	s24 =	sshll.u32 s12, $0x4;
	[smem:$0x7CF] =	sst s9  }
0x31: {  	[smem:$0x7D0] =	sst s7;
	s17 =	sor.u32 $0x300, s23;
	s19 =	sor.u32 $0x400, s23  }
0x32: {  	s21 =	sor.u32 $0x500, s23;
	s9 =	sor.u32 $0x600, s23;
	s10 =	sor.u32 $0x680, s23  }
0x33: {  	s7 =	sor.u32 $0x780, s23;
	s23 =	sshll.u32 s6, $0xF;
	s24 =	sadd.s32 s22, s24  }
0x34: {  	s6 =	sshll.u32 s6, $0x8;
	s23 =	sadd.s32 s22, s23;
	[smem:$0x7D2] =	sst s24  }
0x35: {  	s26 =	sshll.u32 s13, $0x4;
	s4 =	sadd.s32 s4, s6;
	[smem:$0x7D1] =	sst s23  }
0x36: {  	s24 =	sshll.u32 s14, $0x4;
	s23 =	sadd.s32 s22, s26;
	[smem:$0x7E1] =	sst s4  }
0x37: {  	s26 =	sshll.u32 s15, $0x4;
	[smem:$0x7D3] =	sst s23;
	s23 =	sadd.s32 s22, s24  }
0x38: {  	s24 =	sadd.s32 s22, s26;
	s26 =	sshll.u32 s16, $0x4;
	[smem:$0x7D4] =	sst s23  }
0x39: {  	[smem:$0x7D5] =	sst s24;
	s23 =	sadd.s32 s22, s26;
	s24 =	sshll.u32 s17, $0x4  }
0x3a: {  	s26 =	sshll.u32 s18, $0x4;
	[smem:$0x7D6] =	sst s23;
	s23 =	sadd.s32 s22, s24  }
0x3b: {  	s24 =	sadd.s32 s22, s26;
	s26 =	sshll.u32 s19, $0x4;
	[smem:$0x7D7] =	sst s23  }
0x3c: {  	[smem:$0x7D8] =	sst s24;
	s23 =	sadd.s32 s22, s26;
	s24 =	sshll.u32 s20, $0x4  }
0x3d: {  	s26 =	sshll.u32 s21, $0x4;
	[smem:$0x7D9] =	sst s23;
	s23 =	sadd.s32 s22, s24  }
0x3e: {  	s24 =	sadd.s32 s22, s26;
	s26 =	sshll.u32 s11, $0x4;
	[smem:$0x7DA] =	sst s23  }
0x3f: {  	[smem:$0x7DB] =	sst s24;
	s23 =	sadd.s32 s22, s26;
	s24 =	sshll.u32 s9, $0x4  }
0x40: {  	s26 =	sshll.u32 s10, $0x4;
	[smem:$0x7DC] =	sst s23;
	s23 =	sadd.s32 s22, s24  }
0x41: {  	s24 =	sadd.s32 s22, s26;
	s26 =	sshll.u32 s8, $0x4;
	[smem:$0x7DD] =	sst s23  }
0x42: {  	[smem:$0x7DE] =	sst s24;
	s23 =	sadd.s32 s22, s26;
	s24 =	sshll.u32 s7, $0x4  }
0x43: {  	s26 =	simm.s32 $0x300;
	[smem:$0x7DF] =	sst s23;
	s22 =	sadd.s32 s22, s24  }
0x44: {  	[dreg:$0x19] =	wrdreg s26;
	s24 =	sshrl.u32 s12, $0x3;
	s12 =	sadd.s32 $0x3000, s0  }
0x45: {  	s26 =	sshrl.u32 s13, $0x3;
	s13 =	sshrl.u32 s15, $0x3;
	s15 =	sshrl.u32 s16, $0x3  }
0x46: {  	s23 =	sshrl.u32 s11, $0x3;
	s11 =	simm.s32 $0x380;
	[smem:$0x7E0] =	sst s22  }
0x47: {  	s16 =	sshrl.u32 s17, $0x3;
	s6 =	sadd.s32 s12, s6;
	[dreg:$0x1a] =	wrdreg s11  }
0x48: {  	s17 =	sshrl.u32 s18, $0x3;
	s4 =	sadd.s32 s12, s24;
	[smem:$0x7E2] =	sst s6  }
0x49: {  	s21 =	sshrl.u32 s21, $0x3;
	s18 =	sadd.s32 s12, s17;
	[smem:$0x7E3] =	sst s4  }
0x4a: {  	s22 =	sadd.s32 s12, s21;
	[smem:$0x7E9] =	sst s18  }
0x4b: {  	s17 =	sadd.s32 $0x24CC00, s0;
	[smem:$0x7EC] =	sst s22  }
0x4c: {  	s4 =	sadd.s32 s12, s26;
	[smem:$0x7F2] =	sst s17  }
0x4d: {  	s6 =	sshrl.u32 s14, $0x3;
	s14 =	sadd.s32 s12, s13;
	[smem:$0x7E4] =	sst s4  }
0x4e: {  	s26 =	sshrl.u32 s10, $0x3;
	s4 =	sadd.s32 s12, s6;
	[smem:$0x7E6] =	sst s14  }
0x4f: {  	s6 =	sadd.s32 s12, s26;
	[smem:$0x7E5] =	sst s4  }
0x50: {  	s14 =	simm.s32 $0x400;
	[smem:$0x7EF] =	sst s6  }
0x51: {  	s4 =	sadd.s32 s12, s15;
	[dreg:$0x1b] =	wrdreg s14  }
0x52: {  	s15 =	simm.s32 $0x480;
	[smem:$0x7E7] =	sst s4  }
0x53: {  	s19 =	sshrl.u32 s19, $0x3;
	s4 =	sadd.s32 s12, s16;
	[dreg:$0x1c] =	wrdreg s15  }
0x54: {  	[smem:$0x7E8] =	sst s4;
	s4 =	sadd.s32 s12, s19  }
0x55: {  	s20 =	sshrl.u32 s20, $0x3;
	s19 =	smax.u32 s1, $0x1;
	[smem:$0x7EA] =	sst s4  }
0x56: {  	s31 =	sadd.s32 $0x189600, s0;
	s4 =	sadd.s32 s12, s20;
	[smem:$0x7F5] =	sst s19  }
0x57: {  	s24 =	sshrl.u32 s9, $0x3;
	[smem:$0x7EB] =	sst s4;
	s4 =	sadd.s32 s12, s23  }
0x58: {  	s9 =	sshrl.u32 s8, $0x3;
	[smem:$0x7ED] =	sst s4;
	s4 =	sadd.s32 s12, s24  }
0x59: {  	s10 =	sshrl.u32 s7, $0x3;
	[smem:$0x7EE] =	sst s4;
	s4 =	sadd.s32 s12, s9  }
0x5a: {  	s16 =	sshll.u32 s25, $0x10;
	[smem:$0x7F0] =	sst s4;
	s4 =	sadd.s32 s12, s10  }
0x5b: {  	s13 =	sshll.u32 s25, $0xE;
	s10 =	sadd.s32 s16, s3;
	[smem:$0x7F1] =	sst s4  }
0x5c: {  	s4 =	sadd.s32 s13, s0;
	s0 =	sadd.s32 $0x2C00, s0;
	[smem:$0x7FD] =	sst s10  }
0x5d: {  	s28 =	simm.s32 $0x7;
	s20 =	sadd.s32 $0x2000, s10;
	[smem:$0x7F3] =	sst s0  }
0x5e: {  	s30 =	simm.s32 $0x8;
	s21 =	sadd.s32 $0x4000, s10;
	[smem:$0x7F6] =	sst s20  }
0x5f: {  	s29 =	simm.s32 $0x680;
	s22 =	sadd.s32 $0x6000, s10;
	[smem:$0x7F7] =	sst s21  }
0x60: {  	s2 =	sshll.u32 s2, $0x12;
	s23 =	sadd.s32 $0x8000, s10;
	[smem:$0x7F8] =	sst s22  }
0x61: {  	s7 =	simm.s32 $0x1;
	s24 =	sadd.s32 $0xA000, s10;
	[smem:$0x7F9] =	sst s23  }
0x62: {  	s1 =	simm.s32 $0x3;
	s25 =	sadd.s32 $0xC000, s10;
	[smem:$0x7FA] =	sst s24  }
0x63: {  	s19 =	simm.s32 $0x9;
	s26 =	sadd.s32 $0xE000, s10;
	[smem:$0x7FB] =	sst s25  }
0x64: {  	s2 =	sadd.s32 s2, s4;
	[smem:$0x7FC] =	sst s26;
	s21 =	simm.s32 $0x80  }
0x65: {  	s25 =	simm.s32 $0xB;
	s22 =	simm.s32 $0x6;
	s24 =	simm.s32 $0x4  }
0x66: {  	s26 =	simm.s32 $0x5;
	s0 =	simm.s32 $0x0;
	s18 =	sadd.s32 $0x45800, s2  }
0x67: {  	s2 =	simm.s32 $0xA;
	[smem:$0x7F4] =	sst s18;
	s18 =	simm.s32 $0x2  }
.LBB2_1:
0x68: {  	s8 =	sld [smem:$0x7F3];
	_ =	sdelay $0x1  }
0x69: {  	[smem:$0x7C1] =	sst s0;
	s17 =	simm.s32 $0xA00;
	s13 =	simm.s32 $0xF  }
0x6a: {  	[tilespmem:s17], [sflag:$0xF] =	stream.linear.gather [hbm4b:s8+s5], $0x2000, $0x38;
	[tilespmem:$0x1B700] =	vst v63  }
0x6b: {  	_ =	swait.ge [sflag:s13], $0x2000  }
0x6c: {  	[sflag:s13] =	ssyncset.done $0x0  }
0x6d: {  	[sflag:s13] =	ssyncadd.s32 $0xFFFFE000  }
0x6e: {  	[spmem:s10] =	stream.linear.scatter [tilespmem:s17], [sflag:$0xF], $0x2000, $0x38;
	[tilespmem:$0x1B700] =	vst v63  }
0x6f: {  	_ =	swait.ge [sflag:s13], $0x2000  }
0x70: {  	s10 =	sld [smem:$0x7F6]  }
0x71: {  	[sflag:s13] =	ssyncset.done $0x0  }
0x72: {  	[sflag:s13] =	ssyncadd.s32 $0xFFFFE000  }
0x73: {  	[spmem:s10] =	stream.linear.scatter [tilespmem:s17], [sflag:$0xF], $0x2000, $0x38;
	[tilespmem:$0x1B700] =	vst v63  }
0x74: {  	_ =	swait.ge [sflag:s13], $0x2000  }
0x75: {  	s11 =	sld [smem:$0x7F7]  }
0x76: {  	[sflag:s13] =	ssyncset.done $0x0  }
0x77: {  	[sflag:s13] =	ssyncadd.s32 $0xFFFFE000  }
0x78: {  	[spmem:s11] =	stream.linear.scatter [tilespmem:s17], [sflag:$0xF], $0x2000, $0x38;
	[tilespmem:$0x1B700] =	vst v63  }
0x79: {  	_ =	swait.ge [sflag:s13], $0x2000  }
0x7a: {  	s12 =	sld [smem:$0x7F8]  }
0x7b: {  	[sflag:s13] =	ssyncset.done $0x0  }
0x7c: {  	[sflag:s13] =	ssyncadd.s32 $0xFFFFE000  }
0x7d: {  	[spmem:s12] =	stream.linear.scatter [tilespmem:s17], [sflag:$0xF], $0x2000, $0x38;
	[tilespmem:$0x1B700] =	vst v63  }
0x7e: {  	_ =	swait.ge [sflag:s13], $0x2000  }
0x7f: {  	s14 =	sld [smem:$0x7F9]  }
0x80: {  	[sflag:s13] =	ssyncset.done $0x0  }
0x81: {  	[sflag:s13] =	ssyncadd.s32 $0xFFFFE000  }
0x82: {  	[spmem:s14] =	stream.linear.scatter [tilespmem:s17], [sflag:$0xF], $0x2000, $0x38;
	[tilespmem:$0x1B700] =	vst v63  }
0x83: {  	_ =	swait.ge [sflag:s13], $0x2000  }
0x84: {  	s15 =	sld [smem:$0x7FA]  }
0x85: {  	[sflag:s13] =	ssyncset.done $0x0  }
0x86: {  	[sflag:s13] =	ssyncadd.s32 $0xFFFFE000  }
0x87: {  	[spmem:s15] =	stream.linear.scatter [tilespmem:s17], [sflag:$0xF], $0x2000, $0x38;
	[tilespmem:$0x1B700] =	vst v63  }
0x88: {  	_ =	swait.ge [sflag:s13], $0x2000  }
0x89: {  	s16 =	sld [smem:$0x7FB]  }
0x8a: {  	[sflag:s13] =	ssyncset.done $0x0  }
0x8b: {  	[sflag:s13] =	ssyncadd.s32 $0xFFFFE000  }
0x8c: {  	[spmem:s16] =	stream.linear.scatter [tilespmem:s17], [sflag:$0xF], $0x2000, $0x38;
	[tilespmem:$0x1B700] =	vst v63  }
0x8d: {  	_ =	swait.ge [sflag:s13], $0x2000  }
0x8e: {  	s20 =	sld [smem:$0x7FC]  }
0x8f: {  	[sflag:s13] =	ssyncset.done $0x0  }
0x90: {  	[sflag:s13] =	ssyncadd.s32 $0xFFFFE000  }
0x91: {  	[spmem:s20] =	stream.linear.scatter [tilespmem:s17], [sflag:$0xF], $0x2000, $0x38;
	[tilespmem:$0x1B700] =	vst v63  }
0x92: {  	_ =	swait.ge [sflag:s13], $0x2000  }
0x93: {  	s23 =	sld [smem:$0x7C7]  }
0x94: {  	[sflag:s13] =	ssyncset.done $0x0  }
0x95: {  	s0 =	simm.s32 $0xAA00;
	[sflag:s13] =	ssyncadd.s32 $0xFFFFE000  }
0x96: {  	[tilespmem:s0], [sflag:$0xF] =	stream.linear.gather [hbm4b:s23+s5], $0x200, $0x38;
	[tilespmem:$0x1B700] =	vst v63  }
0x97: {  	_ =	swait.ge [sflag:s13], $0x200  }
0x98: {  	s4 =	sld [smem:$0x7C8]  }
0x99: {  	[sflag:s13] =	ssyncset.done $0x0  }
0x9a: {  	s12 =	simm.s32 $0xAC00;
	[sflag:s13] =	ssyncadd.s32 $0xFFFFFE00  }
0x9b: {  	[tilespmem:s12], [sflag:$0xF] =	stream.linear.gather [hbm4b:s4+s5], $0x200, $0x38;
	[tilespmem:$0x1B700] =	vst v63  }
0x9c: {  	_ =	swait.ge [sflag:s13], $0x200  }
0x9d: {  	s6 =	sld [smem:$0x7E1]  }
0x9e: {  	[sflag:s13] =	ssyncset.done $0x0  }
0x9f: {  	s16 =	simm.s32 $0xAE00;
	[sflag:s13] =	ssyncadd.s32 $0xFFFFFE00  }
0xa0: {  	[tilespmem:s16], [sflag:$0xF] =	stream.linear.gather [hbm4b:s6+s5], $0x800, $0x38;
	[tilespmem:$0x1B700] =	vst v63  }
0xa1: {  	_ =	swait.ge [sflag:s13], $0x800  }
0xa2: {  	s11 =	sld [smem:$0x7F2]  }
0xa3: {  	[sflag:s13] =	ssyncset.done $0x0  }
0xa4: {  	[sflag:s13] =	ssyncadd.s32 $0xFFFFF800  }
0xa5: {  	[tilespmem:s17], [sflag:$0xB] =	stream.indirect.gather [hbm4b:s11+s21], $0x40, s0, s21, $0xb8;
	[tilespmem:$0x1B700] =	vst v63  }
0xa6: {  	s6 =	simm.s32 $0xB600;
	s14 =	rddreg [dreg:$0x2]  }
0xa7: {  	[tilespmem:s6], [sflag:$0xD] =	stream.indirect.gather [hbm4b:s14+s21], $0x1, s0, s21, $0xb8;
	[tilespmem:$0x1B700] =	vst v63  }
0xa8: {  	s23 =	simm.s32 $0x2A00  }
0xa9: {  	[tilespmem:s23], [sflag:$0xC] =	stream.indirect.gather [hbm4b:s31+s21], $0x40, s0, s21, $0xb8;
	[tilespmem:$0x1B700] =	vst v63  }
0xaa: {  	s20 =	rddreg [dreg:$0x1];
	s0 =	simm.s32 $0xB680  }
0xab: {  	[tilespmem:s0], [sflag:$0xE] =	stream.indirect.gather [hbm4b:s20+s21], $0x1, s12, s21, $0xb8;
	[tilespmem:$0x1B700] =	vst v63  }
0xac: {  	_ =	swait.ge [sflag:s25], $0x2000  }
0xad: {  	[sflag:s25] =	ssyncset.done $0x0  }
0xae: {  	s15 =	simm.s32 $0xD;
	[sflag:s25] =	ssyncadd.s32 $0xFFFFE000  }
0xaf: {  	_ =	swait.ge [sflag:s15], $0x80  }
0xb0: {  	[sflag:s15] =	ssyncset.done $0x0  }
0xb1: {  	s4 =	simm.s32 $0x40;
	s8 =	rddreg [dreg:$0x1d];
	[sflag:s15] =	ssyncadd.s32 $0xFFFFFF80  }
0xb2: {  	[hbm4b:s8+s4] =	stream.strided.scatter [tilespmem:s17], [sflag:$0xF], $0x2000, s21, s4, $0x38;
	[tilespmem:$0x1B700] =	vst v63  }
0xb3: {  	_ =	swait.ge [sflag:s13], $0x2000  }
0xb4: {  	s9 =	sld [smem:$0x7C9]  }
0xb5: {  	[sflag:s13] =	ssyncset.done $0x0  }
0xb6: {  	[sflag:s13] =	ssyncadd.s32 $0xFFFFE000  }
0xb7: {  	[hbm4b:s9+s5] =	stream.linear.scatter [tilespmem:s6], [sflag:$0xF], $0x80, $0x38;
	[tilespmem:$0x1B700] =	vst v63  }
0xb8: {  	_ =	swait.ge [sflag:s13], $0x80  }
0xb9: {  	[sflag:s13] =	ssyncset.done $0x0  }
0xba: {  	s8 =	simm.s32 $0xAA80;
	[sflag:s13] =	ssyncadd.s32 $0xFFFFFF80  }
0xbb: {  	[tilespmem:s17], [sflag:$0xB] =	stream.indirect.gather [hbm4b:s11+s21], $0x40, s8, s21, $0xb8;
	[tilespmem:$0x1B700] =	vst v63  }
0xbc: {  	s9 =	simm.s32 $0xC  }
0xbd: {  	[tilespmem:s6], [sflag:$0xD] =	stream.indirect.gather [hbm4b:s14+s21], $0x1, s8, s21, $0xb8;
	[tilespmem:$0x1B700] =	vst v63  }
0xbe: {  	_ =	swait.ge [sflag:s9], $0x2000  }
0xbf: {  	[sflag:s9] =	ssyncset.done $0x0  }
0xc0: {  	s12 =	simm.s32 $0xE;
	[sflag:s9] =	ssyncadd.s32 $0xFFFFE000  }
0xc1: {  	_ =	swait.ge [sflag:s12], $0x80  }
0xc2: {  	[sflag:s12] =	ssyncset.done $0x0  }
0xc3: {  	s10 =	rddreg [dreg:$0x1e];
	[sflag:s12] =	ssyncadd.s32 $0xFFFFFF80  }
0xc4: {  	[hbm4b:s10+s4] =	stream.strided.scatter [tilespmem:s23], [sflag:$0xF], $0x2000, s21, s4, $0x38;
	[tilespmem:$0x1B700] =	vst v63  }
0xc5: {  	_ =	swait.ge [sflag:s13], $0x2000  }
0xc6: {  	s10 =	sld [smem:$0x7CA]  }
0xc7: {  	[sflag:s13] =	ssyncset.done $0x0  }
0xc8: {  	[sflag:s13] =	ssyncadd.s32 $0xFFFFE000  }
0xc9: {  	[hbm4b:s10+s5] =	stream.linear.scatter [tilespmem:s0], [sflag:$0xF], $0x80, $0x38;
	[tilespmem:$0x1B700] =	vst v63  }
0xca: {  	_ =	swait.ge [sflag:s13], $0x80  }
0xcb: {  	[sflag:s13] =	ssyncset.done $0x0  }
0xcc: {  	[sflag:s13] =	ssyncadd.s32 $0xFFFFFF80  }
0xcd: {  	[tilespmem:s23], [sflag:$0xC] =	stream.indirect.gather [hbm4b:s31+s21], $0x40, s8, s21, $0xb8;
	[tilespmem:$0x1B700] =	vst v63  }
0xce: {  	s10 =	simm.s32 $0xAC80  }
0xcf: {  	[tilespmem:s0], [sflag:$0xE] =	stream.indirect.gather [hbm4b:s20+s21], $0x1, s10, s21, $0xb8;
	[tilespmem:$0x1B700] =	vst v63  }
0xd0: {  	_ =	swait.ge [sflag:s25], $0x2000  }
0xd1: {  	[sflag:s25] =	ssyncset.done $0x0  }
0xd2: {  	[sflag:s25] =	ssyncadd.s32 $0xFFFFE000  }
0xd3: {  	_ =	swait.ge [sflag:s15], $0x80  }
0xd4: {  	[sflag:s15] =	ssyncset.done $0x0  }
0xd5: {  	s8 =	rddreg [dreg:$0x1f];
	[sflag:s15] =	ssyncadd.s32 $0xFFFFFF80  }
0xd6: {  	[hbm4b:s8+s4] =	stream.strided.scatter [tilespmem:s17], [sflag:$0xF], $0x2000, s21, s4, $0x38;
	[tilespmem:$0x1B700] =	vst v63  }
0xd7: {  	_ =	swait.ge [sflag:s13], $0x2000  }
0xd8: {  	s8 =	sld [smem:$0x7CB]  }
0xd9: {  	[sflag:s13] =	ssyncset.done $0x0  }
0xda: {  	[sflag:s13] =	ssyncadd.s32 $0xFFFFE000  }
0xdb: {  	[hbm4b:s8+s5] =	stream.linear.scatter [tilespmem:s6], [sflag:$0xF], $0x80, $0x38;
	[tilespmem:$0x1B700] =	vst v63  }
0xdc: {  	_ =	swait.ge [sflag:s13], $0x80  }
0xdd: {  	[sflag:s13] =	ssyncset.done $0x0  }
0xde: {  	s8 =	simm.s32 $0xAB00;
	[sflag:s13] =	ssyncadd.s32 $0xFFFFFF80  }
0xdf: {  	[tilespmem:s17], [sflag:$0xB] =	stream.indirect.gather [hbm4b:s11+s21], $0x40, s8, s21, $0xb8;
	[tilespmem:$0x1B700] =	vst v63  }
0xe0: {  	_ = 	snop  }
0xe1: {  	[tilespmem:s6], [sflag:$0xD] =	stream.indirect.gather [hbm4b:s14+s21], $0x1, s8, s21, $0xb8;
	[tilespmem:$0x1B700] =	vst v63  }
0xe2: {  	_ =	swait.ge [sflag:s9], $0x2000  }
0xe3: {  	[sflag:s9] =	ssyncset.done $0x0  }
0xe4: {  	[sflag:s9] =	ssyncadd.s32 $0xFFFFE000  }
0xe5: {  	_ =	swait.ge [sflag:s12], $0x80  }
0xe6: {  	s10 =	sld [smem:$0x7C2]  }
0xe7: {  	[sflag:s12] =	ssyncset.done $0x0  }
0xe8: {  	[sflag:s12] =	ssyncadd.s32 $0xFFFFFF80  }
0xe9: {  	[hbm4b:s10+s4] =	stream.strided.scatter [tilespmem:s23], [sflag:$0xF], $0x2000, s21, s4, $0x38;
	[tilespmem:$0x1B700] =	vst v63  }
0xea: {  	_ =	swait.ge [sflag:s13], $0x2000  }
0xeb: {  	s10 =	sld [smem:$0x7CC]  }
0xec: {  	[sflag:s13] =	ssyncset.done $0x0  }
0xed: {  	[sflag:s13] =	ssyncadd.s32 $0xFFFFE000  }
0xee: {  	[hbm4b:s10+s5] =	stream.linear.scatter [tilespmem:s0], [sflag:$0xF], $0x80, $0x38;
	[tilespmem:$0x1B700] =	vst v63  }
0xef: {  	_ =	swait.ge [sflag:s13], $0x80  }
0xf0: {  	[sflag:s13] =	ssyncset.done $0x0  }
0xf1: {  	[sflag:s13] =	ssyncadd.s32 $0xFFFFFF80  }
0xf2: {  	[tilespmem:s23], [sflag:$0xC] =	stream.indirect.gather [hbm4b:s31+s21], $0x40, s8, s21, $0xb8;
	[tilespmem:$0x1B700] =	vst v63  }
0xf3: {  	s10 =	simm.s32 $0xAD00  }
0xf4: {  	[tilespmem:s0], [sflag:$0xE] =	stream.indirect.gather [hbm4b:s20+s21], $0x1, s10, s21, $0xb8;
	[tilespmem:$0x1B700] =	vst v63  }
0xf5: {  	_ =	swait.ge [sflag:s25], $0x2000  }
0xf6: {  	[sflag:s25] =	ssyncset.done $0x0  }
0xf7: {  	[sflag:s25] =	ssyncadd.s32 $0xFFFFE000  }
0xf8: {  	_ =	swait.ge [sflag:s15], $0x80  }
0xf9: {  	s8 =	sld [smem:$0x7C3]  }
0xfa: {  	[sflag:s15] =	ssyncset.done $0x0  }
0xfb: {  	[sflag:s15] =	ssyncadd.s32 $0xFFFFFF80  }
0xfc: {  	[hbm4b:s8+s4] =	stream.strided.scatter [tilespmem:s17], [sflag:$0xF], $0x2000, s21, s4, $0x38;
	[tilespmem:$0x1B700] =	vst v63  }
0xfd: {  	_ =	swait.ge [sflag:s13], $0x2000  }
0xfe: {  	s8 =	sld [smem:$0x7CD]  }
0xff: {  	[sflag:s13] =	ssyncset.done $0x0  }
0x100: {  	[sflag:s13] =	ssyncadd.s32 $0xFFFFE000  }
0x101: {  	[hbm4b:s8+s5] =	stream.linear.scatter [tilespmem:s6], [sflag:$0xF], $0x80, $0x38;
	[tilespmem:$0x1B700] =	vst v63  }
0x102: {  	_ =	swait.ge [sflag:s13], $0x80  }
0x103: {  	[sflag:s13] =	ssyncset.done $0x0  }
0x104: {  	s8 =	simm.s32 $0xAB80;
	[sflag:s13] =	ssyncadd.s32 $0xFFFFFF80  }
0x105: {  	[tilespmem:s17], [sflag:$0xB] =	stream.indirect.gather [hbm4b:s11+s21], $0x40, s8, s21, $0xb8;
	[tilespmem:$0x1B700] =	vst v63  }
0x106: {  	_ = 	snop  }
0x107: {  	[tilespmem:s6], [sflag:$0xD] =	stream.indirect.gather [hbm4b:s14+s21], $0x1, s8, s21, $0xb8;
	[tilespmem:$0x1B700] =	vst v63  }
0x108: {  	_ =	swait.ge [sflag:s9], $0x2000  }
0x109: {  	[sflag:s9] =	ssyncset.done $0x0  }
0x10a: {  	[sflag:s9] =	ssyncadd.s32 $0xFFFFE000  }
0x10b: {  	_ =	swait.ge [sflag:s12], $0x80  }
0x10c: {  	s10 =	sld [smem:$0x7C4]  }
0x10d: {  	[sflag:s12] =	ssyncset.done $0x0  }
0x10e: {  	[sflag:s12] =	ssyncadd.s32 $0xFFFFFF80  }
0x10f: {  	[hbm4b:s10+s4] =	stream.strided.scatter [tilespmem:s23], [sflag:$0xF], $0x2000, s21, s4, $0x38;
	[tilespmem:$0x1B700] =	vst v63  }
0x110: {  	_ =	swait.ge [sflag:s13], $0x2000  }
0x111: {  	s10 =	sld [smem:$0x7CE]  }
0x112: {  	[sflag:s13] =	ssyncset.done $0x0  }
0x113: {  	[sflag:s13] =	ssyncadd.s32 $0xFFFFE000  }
0x114: {  	[hbm4b:s10+s5] =	stream.linear.scatter [tilespmem:s0], [sflag:$0xF], $0x80, $0x38;
	[tilespmem:$0x1B700] =	vst v63  }
0x115: {  	_ =	swait.ge [sflag:s13], $0x80  }
0x116: {  	[sflag:s13] =	ssyncset.done $0x0  }
0x117: {  	[sflag:s13] =	ssyncadd.s32 $0xFFFFFF80  }
0x118: {  	[tilespmem:s23], [sflag:$0xC] =	stream.indirect.gather [hbm4b:s31+s21], $0x40, s8, s21, $0xb8;
	[tilespmem:$0x1B700] =	vst v63  }
0x119: {  	s10 =	simm.s32 $0xAD80  }
0x11a: {  	[tilespmem:s0], [sflag:$0xE] =	stream.indirect.gather [hbm4b:s20+s21], $0x1, s10, s21, $0xb8;
	[tilespmem:$0x1B700] =	vst v63  }
0x11b: {  	_ =	swait.ge [sflag:s25], $0x2000  }
0x11c: {  	[sflag:s25] =	ssyncset.done $0x0  }
0x11d: {  	[sflag:s25] =	ssyncadd.s32 $0xFFFFE000  }
0x11e: {  	_ =	swait.ge [sflag:s15], $0x80  }
0x11f: {  	s20 =	sld [smem:$0x7C5]  }
0x120: {  	[sflag:s15] =	ssyncset.done $0x0  }
0x121: {  	[sflag:s15] =	ssyncadd.s32 $0xFFFFFF80  }
0x122: {  	[hbm4b:s20+s4] =	stream.strided.scatter [tilespmem:s17], [sflag:$0xF], $0x2000, s21, s4, $0x38;
	[tilespmem:$0x1B700] =	vst v63  }
0x123: {  	_ =	swait.ge [sflag:s13], $0x2000  }
0x124: {  	s10 =	sld [smem:$0x7CF]  }
0x125: {  	[sflag:s13] =	ssyncset.done $0x0  }
0x126: {  	[sflag:s13] =	ssyncadd.s32 $0xFFFFE000  }
0x127: {  	[hbm4b:s10+s5] =	stream.linear.scatter [tilespmem:s6], [sflag:$0xF], $0x80, $0x38;
	[tilespmem:$0x1B700] =	vst v63  }
0x128: {  	_ =	swait.ge [sflag:s13], $0x80  }
0x129: {  	[sflag:s13] =	ssyncset.done $0x0  }
0x12a: {  	[sflag:s13] =	ssyncadd.s32 $0xFFFFFF80  }
0x12b: {  	[tilespmem:s17], [sflag:$0xB] =	stream.indirect.gather [hbm4b:s11+s21], $0x40, s16, s21, $0xb8;
	[tilespmem:$0x1B700] =	vst v63  }
0x12c: {  	_ = 	snop  }
0x12d: {  	[tilespmem:s6], [sflag:$0xD] =	stream.indirect.gather [hbm4b:s14+s21], $0x1, s16, s21, $0xb8;
	[tilespmem:$0x1B700] =	vst v63  }
0x12e: {  	_ =	swait.ge [sflag:s9], $0x2000  }
0x12f: {  	[sflag:s9] =	ssyncset.done $0x0  }
0x130: {  	[sflag:s9] =	ssyncadd.s32 $0xFFFFE000  }
0x131: {  	_ =	swait.ge [sflag:s12], $0x80  }
0x132: {  	s16 =	sld [smem:$0x7C6]  }
0x133: {  	[sflag:s12] =	ssyncset.done $0x0  }
0x134: {  	[sflag:s12] =	ssyncadd.s32 $0xFFFFFF80  }
0x135: {  	[hbm4b:s16+s4] =	stream.strided.scatter [tilespmem:s23], [sflag:$0xF], $0x2000, s21, s4, $0x38;
	[tilespmem:$0x1B700] =	vst v63  }
0x136: {  	_ =	swait.ge [sflag:s13], $0x2000  }
0x137: {  	s20 =	sld [smem:$0x7D0]  }
0x138: {  	[sflag:s13] =	ssyncset.done $0x0  }
0x139: {  	[sflag:s13] =	ssyncadd.s32 $0xFFFFE000  }
0x13a: {  	[hbm4b:s20+s5] =	stream.linear.scatter [tilespmem:s0], [sflag:$0xF], $0x80, $0x38;
	[tilespmem:$0x1B700] =	vst v63  }
0x13b: {  	_ =	swait.ge [sflag:s13], $0x80  }
0x13c: {  	[sflag:s13] =	ssyncset.done $0x0  }
0x13d: {  	s10 =	simm.s32 $0xAE80;
	[sflag:s13] =	ssyncadd.s32 $0xFFFFFF80  }
0x13e: {  	[tilespmem:s23], [sflag:$0xC] =	stream.indirect.gather [hbm4b:s11+s21], $0x40, s10, s21, $0xb8;
	[tilespmem:$0x1B700] =	vst v63  }
0x13f: {  	_ = 	snop  }
0x140: {  	[tilespmem:s0], [sflag:$0xE] =	stream.indirect.gather [hbm4b:s14+s21], $0x1, s10, s21, $0xb8;
	[tilespmem:$0x1B700] =	vst v63  }
0x141: {  	_ =	swait.ge [sflag:s25], $0x2000  }
0x142: {  	[sflag:s25] =	ssyncset.done $0x0  }
0x143: {  	[sflag:s25] =	ssyncadd.s32 $0xFFFFE000  }
0x144: {  	_ =	swait.ge [sflag:s15], $0x80  }
0x145: {  	s16 =	sld [smem:$0x7D1]  }
0x146: {  	[sflag:s15] =	ssyncset.done $0x0  }
0x147: {  	[sflag:s15] =	ssyncadd.s32 $0xFFFFFF80  }
0x148: {  	[hbm4b:s16+s4] =	stream.strided.scatter [tilespmem:s17], [sflag:$0xF], $0x2000, s21, s4, $0x38;
	[tilespmem:$0x1B700] =	vst v63  }
0x149: {  	_ =	swait.ge [sflag:s13], $0x2000  }
0x14a: {  	s20 =	sld [smem:$0x7E2]  }
0x14b: {  	[sflag:s13] =	ssyncset.done $0x0  }
0x14c: {  	[sflag:s13] =	ssyncadd.s32 $0xFFFFE000  }
0x14d: {  	[hbm4b:s20+s5] =	stream.linear.scatter [tilespmem:s6], [sflag:$0xF], $0x80, $0x38;
	[tilespmem:$0x1B700] =	vst v63  }
0x14e: {  	_ =	swait.ge [sflag:s13], $0x80  }
0x14f: {  	[sflag:s13] =	ssyncset.done $0x0  }
0x150: {  	s10 =	simm.s32 $0xAF00;
	[sflag:s13] =	ssyncadd.s32 $0xFFFFFF80  }
0x151: {  	[tilespmem:s17], [sflag:$0xB] =	stream.indirect.gather [hbm4b:s11+s21], $0x40, s10, s21, $0xb8;
	[tilespmem:$0x1B700] =	vst v63  }
0x152: {  	_ = 	snop  }
0x153: {  	[tilespmem:s6], [sflag:$0xD] =	stream.indirect.gather [hbm4b:s14+s21], $0x1, s10, s21, $0xb8;
	[tilespmem:$0x1B700] =	vst v63  }
0x154: {  	_ =	swait.ge [sflag:s9], $0x2000  }
0x155: {  	[sflag:s9] =	ssyncset.done $0x0  }
0x156: {  	[sflag:s9] =	ssyncadd.s32 $0xFFFFE000  }
0x157: {  	_ =	swait.ge [sflag:s12], $0x80  }
0x158: {  	s16 =	sld [smem:$0x7D2]  }
0x159: {  	[sflag:s12] =	ssyncset.done $0x0  }
0x15a: {  	[sflag:s12] =	ssyncadd.s32 $0xFFFFFF80  }
0x15b: {  	[hbm4b:s16+s4] =	stream.strided.scatter [tilespmem:s23], [sflag:$0xF], $0x2000, s21, s4, $0x38;
	[tilespmem:$0x1B700] =	vst v63  }
0x15c: {  	_ =	swait.ge [sflag:s13], $0x2000  }
0x15d: {  	s20 =	sld [smem:$0x7E3]  }
0x15e: {  	[sflag:s13] =	ssyncset.done $0x0  }
0x15f: {  	[sflag:s13] =	ssyncadd.s32 $0xFFFFE000  }
0x160: {  	[hbm4b:s20+s5] =	stream.linear.scatter [tilespmem:s0], [sflag:$0xF], $0x80, $0x38;
	[tilespmem:$0x1B700] =	vst v63  }
0x161: {  	_ =	swait.ge [sflag:s13], $0x80  }
0x162: {  	[sflag:s13] =	ssyncset.done $0x0  }
0x163: {  	s10 =	simm.s32 $0xAF80;
	[sflag:s13] =	ssyncadd.s32 $0xFFFFFF80  }
0x164: {  	[tilespmem:s23], [sflag:$0xC] =	stream.indirect.gather [hbm4b:s11+s21], $0x40, s10, s21, $0xb8;
	[tilespmem:$0x1B700] =	vst v63  }
0x165: {  	_ = 	snop  }
0x166: {  	[tilespmem:s0], [sflag:$0xE] =	stream.indirect.gather [hbm4b:s14+s21], $0x1, s10, s21, $0xb8;
	[tilespmem:$0x1B700] =	vst v63  }
0x167: {  	_ =	swait.ge [sflag:s25], $0x2000  }
0x168: {  	[sflag:s25] =	ssyncset.done $0x0  }
0x169: {  	[sflag:s25] =	ssyncadd.s32 $0xFFFFE000  }
0x16a: {  	_ =	swait.ge [sflag:s15], $0x80  }
0x16b: {  	s16 =	sld [smem:$0x7D3]  }
0x16c: {  	[sflag:s15] =	ssyncset.done $0x0  }
0x16d: {  	[sflag:s15] =	ssyncadd.s32 $0xFFFFFF80  }
0x16e: {  	[hbm4b:s16+s4] =	stream.strided.scatter [tilespmem:s17], [sflag:$0xF], $0x2000, s21, s4, $0x38;
	[tilespmem:$0x1B700] =	vst v63  }
0x16f: {  	_ =	swait.ge [sflag:s13], $0x2000  }
0x170: {  	s20 =	sld [smem:$0x7E4]  }
0x171: {  	[sflag:s13] =	ssyncset.done $0x0  }
0x172: {  	[sflag:s13] =	ssyncadd.s32 $0xFFFFE000  }
0x173: {  	[hbm4b:s20+s5] =	stream.linear.scatter [tilespmem:s6], [sflag:$0xF], $0x80, $0x38;
	[tilespmem:$0x1B700] =	vst v63  }
0x174: {  	_ =	swait.ge [sflag:s13], $0x80  }
0x175: {  	[sflag:s13] =	ssyncset.done $0x0  }
0x176: {  	s10 =	simm.s32 $0xB000;
	[sflag:s13] =	ssyncadd.s32 $0xFFFFFF80  }
0x177: {  	[tilespmem:s17], [sflag:$0xB] =	stream.indirect.gather [hbm4b:s11+s21], $0x40, s10, s21, $0xb8;
	[tilespmem:$0x1B700] =	vst v63  }
0x178: {  	_ = 	snop  }
0x179: {  	[tilespmem:s6], [sflag:$0xD] =	stream.indirect.gather [hbm4b:s14+s21], $0x1, s10, s21, $0xb8;
	[tilespmem:$0x1B700] =	vst v63  }
0x17a: {  	_ =	swait.ge [sflag:s9], $0x2000  }
0x17b: {  	[sflag:s9] =	ssyncset.done $0x0  }
0x17c: {  	[sflag:s9] =	ssyncadd.s32 $0xFFFFE000  }
0x17d: {  	_ =	swait.ge [sflag:s12], $0x80  }
0x17e: {  	s16 =	sld [smem:$0x7D4]  }
0x17f: {  	[sflag:s12] =	ssyncset.done $0x0  }
0x180: {  	[sflag:s12] =	ssyncadd.s32 $0xFFFFFF80  }
0x181: {  	[hbm4b:s16+s4] =	stream.strided.scatter [tilespmem:s23], [sflag:$0xF], $0x2000, s21, s4, $0x38;
	[tilespmem:$0x1B700] =	vst v63  }
0x182: {  	_ =	swait.ge [sflag:s13], $0x2000  }
0x183: {  	s20 =	sld [smem:$0x7E5]  }
0x184: {  	[sflag:s13] =	ssyncset.done $0x0  }
0x185: {  	[sflag:s13] =	ssyncadd.s32 $0xFFFFE000  }
0x186: {  	[hbm4b:s20+s5] =	stream.linear.scatter [tilespmem:s0], [sflag:$0xF], $0x80, $0x38;
	[tilespmem:$0x1B700] =	vst v63  }
0x187: {  	_ =	swait.ge [sflag:s13], $0x80  }
0x188: {  	[sflag:s13] =	ssyncset.done $0x0  }
0x189: {  	s10 =	simm.s32 $0xB080;
	[sflag:s13] =	ssyncadd.s32 $0xFFFFFF80  }
0x18a: {  	[tilespmem:s23], [sflag:$0xC] =	stream.indirect.gather [hbm4b:s11+s21], $0x40, s10, s21, $0xb8;
	[tilespmem:$0x1B700] =	vst v63  }
0x18b: {  	_ = 	snop  }
0x18c: {  	[tilespmem:s0], [sflag:$0xE] =	stream.indirect.gather [hbm4b:s14+s21], $0x1, s10, s21, $0xb8;
	[tilespmem:$0x1B700] =	vst v63  }
0x18d: {  	_ =	swait.ge [sflag:s25], $0x2000  }
0x18e: {  	[sflag:s25] =	ssyncset.done $0x0  }
0x18f: {  	[sflag:s25] =	ssyncadd.s32 $0xFFFFE000  }
0x190: {  	_ =	swait.ge [sflag:s15], $0x80  }
0x191: {  	s16 =	sld [smem:$0x7D5]  }
0x192: {  	[sflag:s15] =	ssyncset.done $0x0  }
0x193: {  	[sflag:s15] =	ssyncadd.s32 $0xFFFFFF80  }
0x194: {  	[hbm4b:s16+s4] =	stream.strided.scatter [tilespmem:s17], [sflag:$0xF], $0x2000, s21, s4, $0x38;
	[tilespmem:$0x1B700] =	vst v63  }
0x195: {  	_ =	swait.ge [sflag:s13], $0x2000  }
0x196: {  	s20 =	sld [smem:$0x7E6]  }
0x197: {  	[sflag:s13] =	ssyncset.done $0x0  }
0x198: {  	[sflag:s13] =	ssyncadd.s32 $0xFFFFE000  }
0x199: {  	[hbm4b:s20+s5] =	stream.linear.scatter [tilespmem:s6], [sflag:$0xF], $0x80, $0x38;
	[tilespmem:$0x1B700] =	vst v63  }
0x19a: {  	_ =	swait.ge [sflag:s13], $0x80  }
0x19b: {  	[sflag:s13] =	ssyncset.done $0x0  }
0x19c: {  	s10 =	simm.s32 $0xB100;
	[sflag:s13] =	ssyncadd.s32 $0xFFFFFF80  }
0x19d: {  	[tilespmem:s17], [sflag:$0xB] =	stream.indirect.gather [hbm4b:s11+s21], $0x40, s10, s21, $0xb8;
	[tilespmem:$0x1B700] =	vst v63  }
0x19e: {  	_ = 	snop  }
0x19f: {  	[tilespmem:s6], [sflag:$0xD] =	stream.indirect.gather [hbm4b:s14+s21], $0x1, s10, s21, $0xb8;
	[tilespmem:$0x1B700] =	vst v63  }
0x1a0: {  	_ =	swait.ge [sflag:s9], $0x2000  }
0x1a1: {  	[sflag:s9] =	ssyncset.done $0x0  }
0x1a2: {  	[sflag:s9] =	ssyncadd.s32 $0xFFFFE000  }
0x1a3: {  	_ =	swait.ge [sflag:s12], $0x80  }
0x1a4: {  	s16 =	sld [smem:$0x7D6]  }
0x1a5: {  	[sflag:s12] =	ssyncset.done $0x0  }
0x1a6: {  	[sflag:s12] =	ssyncadd.s32 $0xFFFFFF80  }
0x1a7: {  	[hbm4b:s16+s4] =	stream.strided.scatter [tilespmem:s23], [sflag:$0xF], $0x2000, s21, s4, $0x38;
	[tilespmem:$0x1B700] =	vst v63  }
0x1a8: {  	_ =	swait.ge [sflag:s13], $0x2000  }
0x1a9: {  	s20 =	sld [smem:$0x7E7]  }
0x1aa: {  	[sflag:s13] =	ssyncset.done $0x0  }
0x1ab: {  	[sflag:s13] =	ssyncadd.s32 $0xFFFFE000  }
0x1ac: {  	[hbm4b:s20+s5] =	stream.linear.scatter [tilespmem:s0], [sflag:$0xF], $0x80, $0x38;
	[tilespmem:$0x1B700] =	vst v63  }
0x1ad: {  	_ =	swait.ge [sflag:s13], $0x80  }
0x1ae: {  	[sflag:s13] =	ssyncset.done $0x0  }
0x1af: {  	s10 =	simm.s32 $0xB180;
	[sflag:s13] =	ssyncadd.s32 $0xFFFFFF80  }
0x1b0: {  	[tilespmem:s23], [sflag:$0xC] =	stream.indirect.gather [hbm4b:s11+s21], $0x40, s10, s21, $0xb8;
	[tilespmem:$0x1B700] =	vst v63  }
0x1b1: {  	_ = 	snop  }
0x1b2: {  	[tilespmem:s0], [sflag:$0xE] =	stream.indirect.gather [hbm4b:s14+s21], $0x1, s10, s21, $0xb8;
	[tilespmem:$0x1B700] =	vst v63  }
0x1b3: {  	_ =	swait.ge [sflag:s25], $0x2000  }
0x1b4: {  	[sflag:s25] =	ssyncset.done $0x0  }
0x1b5: {  	[sflag:s25] =	ssyncadd.s32 $0xFFFFE000  }
0x1b6: {  	_ =	swait.ge [sflag:s15], $0x80  }
0x1b7: {  	s16 =	sld [smem:$0x7D7]  }
0x1b8: {  	[sflag:s15] =	ssyncset.done $0x0  }
0x1b9: {  	[sflag:s15] =	ssyncadd.s32 $0xFFFFFF80  }
0x1ba: {  	[hbm4b:s16+s4] =	stream.strided.scatter [tilespmem:s17], [sflag:$0xF], $0x2000, s21, s4, $0x38;
	[tilespmem:$0x1B700] =	vst v63  }
0x1bb: {  	_ =	swait.ge [sflag:s13], $0x2000  }
0x1bc: {  	s20 =	sld [smem:$0x7E8]  }
0x1bd: {  	[sflag:s13] =	ssyncset.done $0x0  }
0x1be: {  	[sflag:s13] =	ssyncadd.s32 $0xFFFFE000  }
0x1bf: {  	[hbm4b:s20+s5] =	stream.linear.scatter [tilespmem:s6], [sflag:$0xF], $0x80, $0x38;
	[tilespmem:$0x1B700] =	vst v63  }
0x1c0: {  	_ =	swait.ge [sflag:s13], $0x80  }
0x1c1: {  	[sflag:s13] =	ssyncset.done $0x0  }
0x1c2: {  	s10 =	simm.s32 $0xB200;
	[sflag:s13] =	ssyncadd.s32 $0xFFFFFF80  }
0x1c3: {  	[tilespmem:s17], [sflag:$0xB] =	stream.indirect.gather [hbm4b:s11+s21], $0x40, s10, s21, $0xb8;
	[tilespmem:$0x1B700] =	vst v63  }
0x1c4: {  	_ = 	snop  }
0x1c5: {  	[tilespmem:s6], [sflag:$0xD] =	stream.indirect.gather [hbm4b:s14+s21], $0x1, s10, s21, $0xb8;
	[tilespmem:$0x1B700] =	vst v63  }
0x1c6: {  	_ =	swait.ge [sflag:s9], $0x2000  }
0x1c7: {  	[sflag:s9] =	ssyncset.done $0x0  }
0x1c8: {  	[sflag:s9] =	ssyncadd.s32 $0xFFFFE000  }
0x1c9: {  	_ =	swait.ge [sflag:s12], $0x80  }
0x1ca: {  	s16 =	sld [smem:$0x7D8]  }
0x1cb: {  	[sflag:s12] =	ssyncset.done $0x0  }
0x1cc: {  	[sflag:s12] =	ssyncadd.s32 $0xFFFFFF80  }
0x1cd: {  	[hbm4b:s16+s4] =	stream.strided.scatter [tilespmem:s23], [sflag:$0xF], $0x2000, s21, s4, $0x38;
	[tilespmem:$0x1B700] =	vst v63  }
0x1ce: {  	_ =	swait.ge [sflag:s13], $0x2000  }
0x1cf: {  	s20 =	sld [smem:$0x7E9]  }
0x1d0: {  	[sflag:s13] =	ssyncset.done $0x0  }
0x1d1: {  	[sflag:s13] =	ssyncadd.s32 $0xFFFFE000  }
0x1d2: {  	[hbm4b:s20+s5] =	stream.linear.scatter [tilespmem:s0], [sflag:$0xF], $0x80, $0x38;
	[tilespmem:$0x1B700] =	vst v63  }
0x1d3: {  	_ =	swait.ge [sflag:s13], $0x80  }
0x1d4: {  	[sflag:s13] =	ssyncset.done $0x0  }
0x1d5: {  	s10 =	simm.s32 $0xB280;
	[sflag:s13] =	ssyncadd.s32 $0xFFFFFF80  }
0x1d6: {  	[tilespmem:s23], [sflag:$0xC] =	stream.indirect.gather [hbm4b:s11+s21], $0x40, s10, s21, $0xb8;
	[tilespmem:$0x1B700] =	vst v63  }
0x1d7: {  	_ = 	snop  }
0x1d8: {  	[tilespmem:s0], [sflag:$0xE] =	stream.indirect.gather [hbm4b:s14+s21], $0x1, s10, s21, $0xb8;
	[tilespmem:$0x1B700] =	vst v63  }
0x1d9: {  	_ =	swait.ge [sflag:s25], $0x2000  }
0x1da: {  	[sflag:s25] =	ssyncset.done $0x0  }
0x1db: {  	[sflag:s25] =	ssyncadd.s32 $0xFFFFE000  }
0x1dc: {  	_ =	swait.ge [sflag:s15], $0x80  }
0x1dd: {  	s16 =	sld [smem:$0x7D9]  }
0x1de: {  	[sflag:s15] =	ssyncset.done $0x0  }
0x1df: {  	[sflag:s15] =	ssyncadd.s32 $0xFFFFFF80  }
0x1e0: {  	[hbm4b:s16+s4] =	stream.strided.scatter [tilespmem:s17], [sflag:$0xF], $0x2000, s21, s4, $0x38;
	[tilespmem:$0x1B700] =	vst v63  }
0x1e1: {  	_ =	swait.ge [sflag:s13], $0x2000  }
0x1e2: {  	s20 =	sld [smem:$0x7EA]  }
0x1e3: {  	[sflag:s13] =	ssyncset.done $0x0  }
0x1e4: {  	[sflag:s13] =	ssyncadd.s32 $0xFFFFE000  }
0x1e5: {  	[hbm4b:s20+s5] =	stream.linear.scatter [tilespmem:s6], [sflag:$0xF], $0x80, $0x38;
	[tilespmem:$0x1B700] =	vst v63  }
0x1e6: {  	_ =	swait.ge [sflag:s13], $0x80  }
0x1e7: {  	[sflag:s13] =	ssyncset.done $0x0  }
0x1e8: {  	s10 =	simm.s32 $0xB300;
	[sflag:s13] =	ssyncadd.s32 $0xFFFFFF80  }
0x1e9: {  	[tilespmem:s17], [sflag:$0xB] =	stream.indirect.gather [hbm4b:s11+s21], $0x40, s10, s21, $0xb8;
	[tilespmem:$0x1B700] =	vst v63  }
0x1ea: {  	_ = 	snop  }
0x1eb: {  	[tilespmem:s6], [sflag:$0xD] =	stream.indirect.gather [hbm4b:s14+s21], $0x1, s10, s21, $0xb8;
	[tilespmem:$0x1B700] =	vst v63  }
0x1ec: {  	_ =	swait.ge [sflag:s9], $0x2000  }
0x1ed: {  	[sflag:s9] =	ssyncset.done $0x0  }
0x1ee: {  	[sflag:s9] =	ssyncadd.s32 $0xFFFFE000  }
0x1ef: {  	_ =	swait.ge [sflag:s12], $0x80  }
0x1f0: {  	s16 =	sld [smem:$0x7DA]  }
0x1f1: {  	[sflag:s12] =	ssyncset.done $0x0  }
0x1f2: {  	[sflag:s12] =	ssyncadd.s32 $0xFFFFFF80  }
0x1f3: {  	[hbm4b:s16+s4] =	stream.strided.scatter [tilespmem:s23], [sflag:$0xF], $0x2000, s21, s4, $0x38;
	[tilespmem:$0x1B700] =	vst v63  }
0x1f4: {  	_ =	swait.ge [sflag:s13], $0x2000  }
0x1f5: {  	s20 =	sld [smem:$0x7EB]  }
0x1f6: {  	[sflag:s13] =	ssyncset.done $0x0  }
0x1f7: {  	[sflag:s13] =	ssyncadd.s32 $0xFFFFE000  }
0x1f8: {  	[hbm4b:s20+s5] =	stream.linear.scatter [tilespmem:s0], [sflag:$0xF], $0x80, $0x38;
	[tilespmem:$0x1B700] =	vst v63  }
0x1f9: {  	_ =	swait.ge [sflag:s13], $0x80  }
0x1fa: {  	[sflag:s13] =	ssyncset.done $0x0  }
0x1fb: {  	s10 =	simm.s32 $0xB380;
	[sflag:s13] =	ssyncadd.s32 $0xFFFFFF80  }
0x1fc: {  	[tilespmem:s23], [sflag:$0xC] =	stream.indirect.gather [hbm4b:s11+s21], $0x40, s10, s21, $0xb8;
	[tilespmem:$0x1B700] =	vst v63  }
0x1fd: {  	_ = 	snop  }
0x1fe: {  	[tilespmem:s0], [sflag:$0xE] =	stream.indirect.gather [hbm4b:s14+s21], $0x1, s10, s21, $0xb8;
	[tilespmem:$0x1B700] =	vst v63  }
0x1ff: {  	_ =	swait.ge [sflag:s25], $0x2000  }
0x200: {  	[sflag:s25] =	ssyncset.done $0x0  }
0x201: {  	[sflag:s25] =	ssyncadd.s32 $0xFFFFE000  }
0x202: {  	_ =	swait.ge [sflag:s15], $0x80  }
0x203: {  	s16 =	sld [smem:$0x7DB]  }
0x204: {  	[sflag:s15] =	ssyncset.done $0x0  }
0x205: {  	[sflag:s15] =	ssyncadd.s32 $0xFFFFFF80  }
0x206: {  	[hbm4b:s16+s4] =	stream.strided.scatter [tilespmem:s17], [sflag:$0xF], $0x2000, s21, s4, $0x38;
	[tilespmem:$0x1B700] =	vst v63  }
0x207: {  	_ =	swait.ge [sflag:s13], $0x2000  }
0x208: {  	s20 =	sld [smem:$0x7EC]  }
0x209: {  	[sflag:s13] =	ssyncset.done $0x0  }
0x20a: {  	[sflag:s13] =	ssyncadd.s32 $0xFFFFE000  }
0x20b: {  	[hbm4b:s20+s5] =	stream.linear.scatter [tilespmem:s6], [sflag:$0xF], $0x80, $0x38;
	[tilespmem:$0x1B700] =	vst v63  }
0x20c: {  	_ =	swait.ge [sflag:s13], $0x80  }
0x20d: {  	[sflag:s13] =	ssyncset.done $0x0  }
0x20e: {  	s10 =	simm.s32 $0xB400;
	[sflag:s13] =	ssyncadd.s32 $0xFFFFFF80  }
0x20f: {  	[tilespmem:s17], [sflag:$0xB] =	stream.indirect.gather [hbm4b:s11+s21], $0x40, s10, s21, $0xb8;
	[tilespmem:$0x1B700] =	vst v63  }
0x210: {  	_ = 	snop  }
0x211: {  	[tilespmem:s6], [sflag:$0xD] =	stream.indirect.gather [hbm4b:s14+s21], $0x1, s10, s21, $0xb8;
	[tilespmem:$0x1B700] =	vst v63  }
0x212: {  	_ =	swait.ge [sflag:s9], $0x2000  }
0x213: {  	[sflag:s9] =	ssyncset.done $0x0  }
0x214: {  	[sflag:s9] =	ssyncadd.s32 $0xFFFFE000  }
0x215: {  	_ =	swait.ge [sflag:s12], $0x80  }
0x216: {  	s16 =	sld [smem:$0x7DC]  }
0x217: {  	[sflag:s12] =	ssyncset.done $0x0  }
0x218: {  	[sflag:s12] =	ssyncadd.s32 $0xFFFFFF80  }
0x219: {  	[hbm4b:s16+s4] =	stream.strided.scatter [tilespmem:s23], [sflag:$0xF], $0x2000, s21, s4, $0x38;
	[tilespmem:$0x1B700] =	vst v63  }
0x21a: {  	_ =	swait.ge [sflag:s13], $0x2000  }
0x21b: {  	s20 =	sld [smem:$0x7ED]  }
0x21c: {  	[sflag:s13] =	ssyncset.done $0x0  }
0x21d: {  	[sflag:s13] =	ssyncadd.s32 $0xFFFFE000  }
0x21e: {  	[hbm4b:s20+s5] =	stream.linear.scatter [tilespmem:s0], [sflag:$0xF], $0x80, $0x38;
	[tilespmem:$0x1B700] =	vst v63  }
0x21f: {  	_ =	swait.ge [sflag:s13], $0x80  }
0x220: {  	[sflag:s13] =	ssyncset.done $0x0  }
0x221: {  	s10 =	simm.s32 $0xB480;
	[sflag:s13] =	ssyncadd.s32 $0xFFFFFF80  }
0x222: {  	[tilespmem:s23], [sflag:$0xC] =	stream.indirect.gather [hbm4b:s11+s21], $0x40, s10, s21, $0xb8;
	[tilespmem:$0x1B700] =	vst v63  }
0x223: {  	_ = 	snop  }
0x224: {  	[tilespmem:s0], [sflag:$0xE] =	stream.indirect.gather [hbm4b:s14+s21], $0x1, s10, s21, $0xb8;
	[tilespmem:$0x1B700] =	vst v63  }
0x225: {  	_ =	swait.ge [sflag:s25], $0x2000  }
0x226: {  	[sflag:s25] =	ssyncset.done $0x0  }
0x227: {  	[sflag:s25] =	ssyncadd.s32 $0xFFFFE000  }
0x228: {  	_ =	swait.ge [sflag:s15], $0x80  }
0x229: {  	s16 =	sld [smem:$0x7DD]  }
0x22a: {  	[sflag:s15] =	ssyncset.done $0x0  }
0x22b: {  	[sflag:s15] =	ssyncadd.s32 $0xFFFFFF80  }
0x22c: {  	[hbm4b:s16+s4] =	stream.strided.scatter [tilespmem:s17], [sflag:$0xF], $0x2000, s21, s4, $0x38;
	[tilespmem:$0x1B700] =	vst v63  }
0x22d: {  	_ =	swait.ge [sflag:s13], $0x2000  }
0x22e: {  	s20 =	sld [smem:$0x7EE]  }
0x22f: {  	[sflag:s13] =	ssyncset.done $0x0  }
0x230: {  	[sflag:s13] =	ssyncadd.s32 $0xFFFFE000  }
0x231: {  	[hbm4b:s20+s5] =	stream.linear.scatter [tilespmem:s6], [sflag:$0xF], $0x80, $0x38;
	[tilespmem:$0x1B700] =	vst v63  }
0x232: {  	_ =	swait.ge [sflag:s13], $0x80  }
0x233: {  	[sflag:s13] =	ssyncset.done $0x0  }
0x234: {  	s10 =	simm.s32 $0xB500;
	[sflag:s13] =	ssyncadd.s32 $0xFFFFFF80  }
0x235: {  	[tilespmem:s17], [sflag:$0xB] =	stream.indirect.gather [hbm4b:s11+s21], $0x40, s10, s21, $0xb8;
	[tilespmem:$0x1B700] =	vst v63  }
0x236: {  	_ = 	snop  }
0x237: {  	[tilespmem:s6], [sflag:$0xD] =	stream.indirect.gather [hbm4b:s14+s21], $0x1, s10, s21, $0xb8;
	[tilespmem:$0x1B700] =	vst v63  }
0x238: {  	_ =	swait.ge [sflag:s9], $0x2000  }
0x239: {  	[sflag:s9] =	ssyncset.done $0x0  }
0x23a: {  	[sflag:s9] =	ssyncadd.s32 $0xFFFFE000  }
0x23b: {  	_ =	swait.ge [sflag:s12], $0x80  }
0x23c: {  	s16 =	sld [smem:$0x7DE]  }
0x23d: {  	[sflag:s12] =	ssyncset.done $0x0  }
0x23e: {  	[sflag:s12] =	ssyncadd.s32 $0xFFFFFF80  }
0x23f: {  	[hbm4b:s16+s4] =	stream.strided.scatter [tilespmem:s23], [sflag:$0xF], $0x2000, s21, s4, $0x38;
	[tilespmem:$0x1B700] =	vst v63  }
0x240: {  	_ =	swait.ge [sflag:s13], $0x2000  }
0x241: {  	s20 =	sld [smem:$0x7EF]  }
0x242: {  	[sflag:s13] =	ssyncset.done $0x0  }
0x243: {  	[sflag:s13] =	ssyncadd.s32 $0xFFFFE000  }
0x244: {  	[hbm4b:s20+s5] =	stream.linear.scatter [tilespmem:s0], [sflag:$0xF], $0x80, $0x38;
	[tilespmem:$0x1B700] =	vst v63  }
0x245: {  	_ =	swait.ge [sflag:s13], $0x80  }
0x246: {  	[sflag:s13] =	ssyncset.done $0x0  }
0x247: {  	s10 =	simm.s32 $0xB580;
	[sflag:s13] =	ssyncadd.s32 $0xFFFFFF80  }
0x248: {  	[tilespmem:s23], [sflag:$0xC] =	stream.indirect.gather [hbm4b:s11+s21], $0x40, s10, s21, $0xb8;
	[tilespmem:$0x1B700] =	vst v63  }
0x249: {  	_ = 	snop  }
0x24a: {  	[tilespmem:s0], [sflag:$0xE] =	stream.indirect.gather [hbm4b:s14+s21], $0x1, s10, s21, $0xb8;
	[tilespmem:$0x1B700] =	vst v63  }
0x24b: {  	_ =	swait.ge [sflag:s25], $0x2000  }
0x24c: {  	[sflag:s25] =	ssyncset.done $0x0  }
0x24d: {  	[sflag:s25] =	ssyncadd.s32 $0xFFFFE000  }
0x24e: {  	_ =	swait.ge [sflag:s15], $0x80  }
0x24f: {  	s16 =	sld [smem:$0x7DF]  }
0x250: {  	[sflag:s15] =	ssyncset.done $0x0  }
0x251: {  	[sflag:s15] =	ssyncadd.s32 $0xFFFFFF80  }
0x252: {  	[hbm4b:s16+s4] =	stream.strided.scatter [tilespmem:s17], [sflag:$0xF], $0x2000, s21, s4, $0x38;
	[tilespmem:$0x1B700] =	vst v63  }
0x253: {  	_ =	swait.ge [sflag:s13], $0x2000  }
0x254: {  	s20 =	sld [smem:$0x7F0]  }
0x255: {  	[sflag:s13] =	ssyncset.done $0x0  }
0x256: {  	[sflag:s13] =	ssyncadd.s32 $0xFFFFE000  }
0x257: {  	[hbm4b:s20+s5] =	stream.linear.scatter [tilespmem:s6], [sflag:$0xF], $0x80, $0x38;
	[tilespmem:$0x1B700] =	vst v63  }
0x258: {  	_ =	swait.ge [sflag:s13], $0x80  }
0x259: {  	[sflag:s13] =	ssyncset.done $0x0  }
0x25a: {  	[sflag:s13] =	ssyncadd.s32 $0xFFFFFF80  }
0x25b: {  	_ =	swait.ge [sflag:s9], $0x2000  }
0x25c: {  	[sflag:s9] =	ssyncset.done $0x0  }
0x25d: {  	[sflag:s9] =	ssyncadd.s32 $0xFFFFE000  }
0x25e: {  	_ =	swait.ge [sflag:s12], $0x80  }
0x25f: {  	s10 =	sld [smem:$0x7E0]  }
0x260: {  	[sflag:s12] =	ssyncset.done $0x0  }
0x261: {  	[sflag:s12] =	ssyncadd.s32 $0xFFFFFF80  }
0x262: {  	[hbm4b:s10+s4] =	stream.strided.scatter [tilespmem:s23], [sflag:$0xF], $0x2000, s21, s4, $0x38;
	[tilespmem:$0x1B700] =	vst v63  }
0x263: {  	_ =	swait.ge [sflag:s13], $0x2000  }
0x264: {  	s11 =	sld [smem:$0x7F1]  }
0x265: {  	[sflag:s13] =	ssyncset.done $0x0  }
0x266: {  	[sflag:s13] =	ssyncadd.s32 $0xFFFFE000  }
0x267: {  	[hbm4b:s11+s5] =	stream.linear.scatter [tilespmem:s0], [sflag:$0xF], $0x80, $0x38;
	[tilespmem:$0x1B700] =	vst v63  }
0x268: {  	_ =	swait.ge [sflag:s13], $0x80  }
0x269: {  	[sflag:s13] =	ssyncset.done $0x0  }
0x26a: {  	[sflag:s13] =	ssyncadd.s32 $0xFFFFFF80  }
0x26b: {  	[bflag:$0x0] =	sbarrier.arrive $0xFFFF  }
0x26c: {  	s12 =	rddreg [dreg:$0xc]  }
0x26d: {  	s8 =	sadd.s32 $0x0, s12  }
0x26e: {  	[tilespmem:s5], [sflag:$0xF] =	stream.linear.gather [hbm4b:s8+s5], $0x500, $0x38;
	[tilespmem:$0x1B700] =	vst v63  }
0x26f: {  	_ =	swait.ge [sflag:s13], $0x500  }
0x270: {  	s14 =	rddreg [dreg:$0xb];
	[sflag:s13] =	ssyncset.done $0x0  }
0x271: {  	s10 =	simm.s32 $0x500;
	[sflag:s13] =	ssyncadd.s32 $0xFFFFFB00;
	s8 =	sadd.s32 $0x0, s14  }
0x272: {  	[tilespmem:s10], [sflag:$0xB] =	stream.linear.gather [hbm4b:s8+s5], $0x80, $0x38;
	[tilespmem:$0x1B700] =	vst v63  }
0x273: {  	s11 =	simm.s32 $0x580;
	s15 =	rddreg [dreg:$0x14];
	s8 =	sadd.s32 $0x10, s8  }
0x274: {  	[tilespmem:s11], [sflag:$0xB] =	stream.linear.gather [hbm4b:s8+s5], $0x80, $0x38;
	[tilespmem:$0x1B700] =	vst v63  }
0x275: {  	s12 =	simm.s32 $0x600;
	s16 =	rddreg [dreg:$0x13];
	s20 =	sadd.s32 $0x0, s15  }
0x276: {  	[tilespmem:s12], [sflag:$0xB] =	stream.linear.gather [hbm4b:s20+s5], $0x80, $0x38;
	[tilespmem:$0x1B700] =	vst v63  }
0x277: {  	s0 =	rddreg [dreg:$0x12];
	s4 =	sadd.s32 $0x0, s16;
	s13 =	simm.s32 $0x680  }
0x278: {  	[tilespmem:s13], [sflag:$0xB] =	stream.linear.gather [hbm4b:s4+s5], $0x80, $0x38;
	[tilespmem:$0x1B700] =	vst v63  }
0x279: {  	s6 =	rddreg [dreg:$0x11];
	s16 =	sadd.s32 $0x0, s0;
	s14 =	simm.s32 $0x700  }
0x27a: {  	[tilespmem:s14], [sflag:$0xB] =	stream.linear.gather [hbm4b:s16+s5], $0x80, $0x38;
	[tilespmem:$0x1B700] =	vst v63  }
0x27b: {  	s0 =	sadd.s32 $0x0, s6;
	s20 =	rddreg [dreg:$0x10];
	s16 =	simm.s32 $0x780  }
0x27c: {  	[tilespmem:s16], [sflag:$0xB] =	stream.linear.gather [hbm4b:s0+s5], $0x80, $0x38;
	[tilespmem:$0x1B700] =	vst v63  }
0x27d: {  	s6 =	sadd.s32 $0x0, s20;
	s20 =	simm.s32 $0x800;
	s4 =	rddreg [dreg:$0xf]  }
0x27e: {  	[tilespmem:s20], [sflag:$0xB] =	stream.linear.gather [hbm4b:s6+s5], $0x80, $0x38;
	[tilespmem:$0x1B700] =	vst v63  }
0x27f: {  	s9 =	rddreg [dreg:$0xe];
	s0 =	sadd.s32 $0x0, s4;
	s4 =	simm.s32 $0x880  }
0x280: {  	[tilespmem:s4], [sflag:$0xB] =	stream.linear.gather [hbm4b:s0+s5], $0x80, $0x38;
	[tilespmem:$0x1B700] =	vst v63  }
0x281: {  	s9 =	sadd.s32 $0x0, s9;
	s6 =	rddreg [dreg:$0xd];
	s0 =	simm.s32 $0x900  }
0x282: {  	[tilespmem:s0], [sflag:$0xB] =	stream.linear.gather [hbm4b:s9+s5], $0x80, $0x38;
	[tilespmem:$0x1B700] =	vst v63  }
0x283: {  	s6 =	sadd.s32 $0x0, s6;
	s9 =	simm.s32 $0x980  }
0x284: {  	[tilespmem:s9], [sflag:$0xB] =	stream.linear.gather [hbm4b:s6+s5], $0x80, $0x38;
	[tilespmem:$0x1B700] =	vst v63  }
0x285: {  	_ =	swait.ge [sflag:s25], $0x80  }
0x286: {  	[sflag:s25] =	ssyncset.done $0x0  }
0x287: {  	[sflag:s25] =	ssyncadd.s32 $0xFFFFFF80  }
0x288: {  	_ =	swait.ge [sflag:s25], $0x80  }
0x289: {  	[sflag:s25] =	ssyncset.done $0x0  }
0x28a: {  	[sflag:s25] =	ssyncadd.s32 $0xFFFFFF80  }
0x28b: {  	_ =	swait.ge [sflag:s25], $0x80  }
0x28c: {  	[sflag:s25] =	ssyncset.done $0x0  }
0x28d: {  	[sflag:s25] =	ssyncadd.s32 $0xFFFFFF80  }
0x28e: {  	_ =	swait.ge [sflag:s25], $0x80  }
0x28f: {  	[sflag:s25] =	ssyncset.done $0x0  }
0x290: {  	[sflag:s25] =	ssyncadd.s32 $0xFFFFFF80  }
0x291: {  	_ =	swait.ge [sflag:s25], $0x80  }
0x292: {  	[sflag:s25] =	ssyncset.done $0x0  }
0x293: {  	[sflag:s25] =	ssyncadd.s32 $0xFFFFFF80  }
0x294: {  	_ =	swait.ge [sflag:s25], $0x80  }
0x295: {  	[sflag:s25] =	ssyncset.done $0x0  }
0x296: {  	[sflag:s25] =	ssyncadd.s32 $0xFFFFFF80  }
0x297: {  	_ =	swait.ge [sflag:s25], $0x80  }
0x298: {  	[sflag:s25] =	ssyncset.done $0x0  }
0x299: {  	[sflag:s25] =	ssyncadd.s32 $0xFFFFFF80  }
0x29a: {  	_ =	swait.ge [sflag:s25], $0x80  }
0x29b: {  	[sflag:s25] =	ssyncset.done $0x0  }
0x29c: {  	[sflag:s25] =	ssyncadd.s32 $0xFFFFFF80  }
0x29d: {  	_ =	swait.ge [sflag:s25], $0x80  }
0x29e: {  	[sflag:s25] =	ssyncset.done $0x0  }
0x29f: {  	[sflag:s25] =	ssyncadd.s32 $0xFFFFFF80  }
0x2a0: {  	_ =	swait.ge [sflag:s25], $0x80  }
0x2a1: {  	[sflag:s25] =	ssyncset.done $0x0  }
0x2a2: {  	[sflag:s25] =	ssyncadd.s32 $0xFFFFFF80  }
0x2a3: {  	[tilespmem:s17], [sflag:$0x1] =	stream.indirect.gather [hbm4b:s31+s21], $0x40, s5, s21, $0xb8;
	[tilespmem:$0x1B700] =	vst v63  }
0x2a4: {  	_ = 	snop  }
0x2a5: {  	[tilespmem:s23], [sflag:$0x2] =	stream.indirect.gather [hbm4b:s31+s21], $0x40, s21, s21, $0xb8;
	[tilespmem:$0x1B700] =	vst v63  }
0x2a6: {  	s6 =	simm.s32 $0x4A00;
	s15 =	rddreg [dreg:$0x15]  }
0x2a7: {  	[tilespmem:s6], [sflag:$0x3] =	stream.indirect.gather [hbm4b:s31+s21], $0x40, s15, s21, $0xb8;
	[tilespmem:$0x1B700] =	vst v63  }
0x2a8: {  	_ =	swait.ge [sflag:s7], $0x2000  }
0x2a9: {  	[sflag:s7] =	ssyncset.done $0x0  }
0x2aa: {  	[sflag:s7] =	ssyncadd.s32 $0xFFFFE000  }
0x2ab: {  	[spmem:s3] =	stream.indirect.scatter.add.f32 [tilespmem:s17], [sflag:$0x6], $0x40, s10, s21, $0xb8;
	[tilespmem:$0x1B700] =	vst v63  }
0x2ac: {  	s15 =	rddreg [dreg:$0x16];
	s10 =	simm.s32 $0x6A00  }
0x2ad: {  	[tilespmem:s10], [sflag:$0x4] =	stream.indirect.gather [hbm4b:s31+s21], $0x40, s15, s21, $0xb8;
	[tilespmem:$0x1B700] =	vst v63  }
0x2ae: {  	_ =	swait.ge [sflag:s18], $0x2000  }
0x2af: {  	[sflag:s18] =	ssyncset.done $0x0  }
0x2b0: {  	[sflag:s18] =	ssyncadd.s32 $0xFFFFE000  }
0x2b1: {  	[spmem:s3] =	stream.indirect.scatter.add.f32 [tilespmem:s23], [sflag:$0x7], $0x40, s11, s21, $0xb8;
	[tilespmem:$0x1B700] =	vst v63  }
0x2b2: {  	s15 =	rddreg [dreg:$0x17];
	s11 =	simm.s32 $0x8A00  }
0x2b3: {  	[tilespmem:s11], [sflag:$0x5] =	stream.indirect.gather [hbm4b:s31+s21], $0x40, s15, s21, $0xb8;
	[tilespmem:$0x1B700] =	vst v63  }
0x2b4: {  	_ =	swait.ge [sflag:s1], $0x2000  }
0x2b5: {  	[sflag:s1] =	ssyncset.done $0x0  }
0x2b6: {  	[sflag:s1] =	ssyncadd.s32 $0xFFFFE000  }
0x2b7: {  	[spmem:s3] =	stream.indirect.scatter.add.f32 [tilespmem:s6], [sflag:$0x8], $0x40, s12, s21, $0xb8;
	[tilespmem:$0x1B700] =	vst v63  }
0x2b8: {  	_ =	swait.ge [sflag:s22], $0x2000  }
0x2b9: {  	[sflag:s22] =	ssyncset.done $0x0  }
0x2ba: {  	s12 =	rddreg [dreg:$0x18];
	[sflag:s22] =	ssyncadd.s32 $0xFFFFE000  }
0x2bb: {  	[tilespmem:s17], [sflag:$0x1] =	stream.indirect.gather [hbm4b:s31+s21], $0x40, s12, s21, $0xb8;
	[tilespmem:$0x1B700] =	vst v63  }
0x2bc: {  	_ =	swait.ge [sflag:s24], $0x2000  }
0x2bd: {  	[sflag:s24] =	ssyncset.done $0x0  }
0x2be: {  	[sflag:s24] =	ssyncadd.s32 $0xFFFFE000  }
0x2bf: {  	[spmem:s3] =	stream.indirect.scatter.add.f32 [tilespmem:s10], [sflag:$0x9], $0x40, s13, s21, $0xb8;
	[tilespmem:$0x1B700] =	vst v63  }
0x2c0: {  	_ =	swait.ge [sflag:s28], $0x2000  }
0x2c1: {  	[sflag:s28] =	ssyncset.done $0x0  }
0x2c2: {  	s13 =	rddreg [dreg:$0x19];
	[sflag:s28] =	ssyncadd.s32 $0xFFFFE000  }
0x2c3: {  	[tilespmem:s23], [sflag:$0x2] =	stream.indirect.gather [hbm4b:s31+s21], $0x40, s13, s21, $0xb8;
	[tilespmem:$0x1B700] =	vst v63  }
0x2c4: {  	_ =	swait.ge [sflag:s26], $0x2000  }
0x2c5: {  	[sflag:s26] =	ssyncset.done $0x0  }
0x2c6: {  	[sflag:s26] =	ssyncadd.s32 $0xFFFFE000  }
0x2c7: {  	[spmem:s3] =	stream.indirect.scatter.add.f32 [tilespmem:s11], [sflag:$0xA], $0x40, s14, s21, $0xb8;
	[tilespmem:$0x1B700] =	vst v63  }
0x2c8: {  	_ =	swait.ge [sflag:s30], $0x2000  }
0x2c9: {  	[sflag:s30] =	ssyncset.done $0x0  }
0x2ca: {  	s15 =	rddreg [dreg:$0x1a];
	[sflag:s30] =	ssyncadd.s32 $0xFFFFE000  }
0x2cb: {  	[tilespmem:s6], [sflag:$0x3] =	stream.indirect.gather [hbm4b:s31+s21], $0x40, s15, s21, $0xb8;
	[tilespmem:$0x1B700] =	vst v63  }
0x2cc: {  	_ =	swait.ge [sflag:s7], $0x2000  }
0x2cd: {  	[sflag:s7] =	ssyncset.done $0x0  }
0x2ce: {  	[sflag:s7] =	ssyncadd.s32 $0xFFFFE000  }
0x2cf: {  	[spmem:s3] =	stream.indirect.scatter.add.f32 [tilespmem:s17], [sflag:$0x6], $0x40, s16, s21, $0xb8;
	[tilespmem:$0x1B700] =	vst v63  }
0x2d0: {  	_ =	swait.ge [sflag:s19], $0x2000  }
0x2d1: {  	[sflag:s19] =	ssyncset.done $0x0  }
0x2d2: {  	s17 =	rddreg [dreg:$0x1b];
	[sflag:s19] =	ssyncadd.s32 $0xFFFFE000  }
0x2d3: {  	[tilespmem:s10], [sflag:$0x4] =	stream.indirect.gather [hbm4b:s31+s21], $0x40, s17, s21, $0xb8;
	[tilespmem:$0x1B700] =	vst v63  }
0x2d4: {  	_ =	swait.ge [sflag:s18], $0x2000  }
0x2d5: {  	[sflag:s18] =	ssyncset.done $0x0  }
0x2d6: {  	[sflag:s18] =	ssyncadd.s32 $0xFFFFE000  }
0x2d7: {  	[spmem:s3] =	stream.indirect.scatter.add.f32 [tilespmem:s23], [sflag:$0x7], $0x40, s20, s21, $0xb8;
	[tilespmem:$0x1B700] =	vst v63  }
0x2d8: {  	_ =	swait.ge [sflag:s2], $0x2000  }
0x2d9: {  	[sflag:s2] =	ssyncset.done $0x0  }
0x2da: {  	s23 =	rddreg [dreg:$0x1c];
	[sflag:s2] =	ssyncadd.s32 $0xFFFFE000  }
0x2db: {  	[tilespmem:s11], [sflag:$0x5] =	stream.indirect.gather [hbm4b:s31+s21], $0x40, s23, s21, $0xb8;
	[tilespmem:$0x1B700] =	vst v63  }
0x2dc: {  	_ =	swait.ge [sflag:s1], $0x2000  }
0x2dd: {  	[sflag:s1] =	ssyncset.done $0x0  }
0x2de: {  	[sflag:s1] =	ssyncadd.s32 $0xFFFFE000  }
0x2df: {  	[spmem:s3] =	stream.indirect.scatter.add.f32 [tilespmem:s6], [sflag:$0x8], $0x40, s4, s21, $0xb8;
	[tilespmem:$0x1B700] =	vst v63  }
0x2e0: {  	_ =	swait.ge [sflag:s24], $0x2000  }
0x2e1: {  	[sflag:s24] =	ssyncset.done $0x0  }
0x2e2: {  	[sflag:s24] =	ssyncadd.s32 $0xFFFFE000  }
0x2e3: {  	[spmem:s3] =	stream.indirect.scatter.add.f32 [tilespmem:s10], [sflag:$0x9], $0x40, s0, s21, $0xb8;
	[tilespmem:$0x1B700] =	vst v63  }
0x2e4: {  	_ =	swait.ge [sflag:s26], $0x2000  }
0x2e5: {  	[sflag:s26] =	ssyncset.done $0x0  }
0x2e6: {  	[sflag:s26] =	ssyncadd.s32 $0xFFFFE000  }
0x2e7: {  	[spmem:s3] =	stream.indirect.scatter.add.f32 [tilespmem:s11], [sflag:$0xA], $0x40, s9, s21, $0xb8;
	[tilespmem:$0x1B700] =	vst v63  }
0x2e8: {  	_ =	swait.ge [sflag:s22], $0x2000  }
0x2e9: {  	[sflag:s22] =	ssyncset.done $0x0  }
0x2ea: {  	[sflag:s22] =	ssyncadd.s32 $0xFFFFE000  }
0x2eb: {  	_ =	swait.ge [sflag:s28], $0x2000  }
0x2ec: {  	[sflag:s28] =	ssyncset.done $0x0  }
0x2ed: {  	[sflag:s28] =	ssyncadd.s32 $0xFFFFE000  }
0x2ee: {  	_ =	swait.ge [sflag:s30], $0x2000  }
0x2ef: {  	[sflag:s30] =	ssyncset.done $0x0  }
0x2f0: {  	[sflag:s30] =	ssyncadd.s32 $0xFFFFE000  }
0x2f1: {  	_ =	swait.ge [sflag:s19], $0x2000  }
0x2f2: {  	[sflag:s19] =	ssyncset.done $0x0  }
0x2f3: {  	[sflag:s19] =	ssyncadd.s32 $0xFFFFE000  }
0x2f4: {  	s8 =	simm.s32 $0x140;
	_ =	swait.ge [sflag:s2], $0x2000  }
0x2f5: {  	s15 =	simm.s32 $0xA0;
	s9 =	rddreg [dreg:$0xc];
	[sflag:s2] =	ssyncset.done $0x0  }
.LBB2_2:
0x2f6: {  	[sflag:s2] =	ssyncadd.s32 $0xFFFFE000;
	s9 =	sadd.s32 s15, s9;
	s11 =	simm.s32 $0xF  }
0x2f7: {  	[tilespmem:s5], [sflag:$0xF] =	stream.linear.gather [hbm4b:s9+s5], $0x500, $0x38;
	[tilespmem:$0x1B700] =	vst v63  }
0x2f8: {  	_ =	swait.ge [sflag:s11], $0x500  }
0x2f9: {  	s4 =	rddreg [dreg:$0xb];
	[sflag:s11] =	ssyncset.done $0x0  }
0x2fa: {  	s13 =	simm.s32 $0x500;
	[sflag:s11] =	ssyncadd.s32 $0xFFFFFB00;
	s9 =	sadd.s32 s15, s4  }
0x2fb: {  	[tilespmem:s13], [sflag:$0xB] =	stream.linear.gather [hbm4b:s9+s5], $0x80, $0x38;
	[tilespmem:$0x1B700] =	vst v63  }
0x2fc: {  	s14 =	simm.s32 $0x580;
	s6 =	rddreg [dreg:$0x14];
	s9 =	sadd.s32 $0x10, s9  }
0x2fd: {  	[tilespmem:s14], [sflag:$0xB] =	stream.linear.gather [hbm4b:s9+s5], $0x80, $0x38;
	[tilespmem:$0x1B700] =	vst v63  }
0x2fe: {  	s20 =	simm.s32 $0x600;
	s12 =	rddreg [dreg:$0x13];
	s16 =	sadd.s32 s15, s6  }
0x2ff: {  	[tilespmem:s20], [sflag:$0xB] =	stream.linear.gather [hbm4b:s16+s5], $0x80, $0x38;
	[tilespmem:$0x1B700] =	vst v63  }
0x300: {  	s17 =	rddreg [dreg:$0x12];
	s23 =	sadd.s32 s15, s12  }
0x301: {  	[tilespmem:s29], [sflag:$0xB] =	stream.linear.gather [hbm4b:s23+s5], $0x80, $0x38;
	[tilespmem:$0x1B700] =	vst v63  }
0x302: {  	s0 =	rddreg [dreg:$0x11];
	s4 =	sadd.s32 s15, s17;
	s17 =	simm.s32 $0x700  }
0x303: {  	[tilespmem:s17], [sflag:$0xB] =	stream.linear.gather [hbm4b:s4+s5], $0x80, $0x38;
	[tilespmem:$0x1B700] =	vst v63  }
0x304: {  	s6 =	rddreg [dreg:$0x10];
	s16 =	simm.s32 $0x780;
	s23 =	sadd.s32 s15, s0  }
0x305: {  	[tilespmem:s16], [sflag:$0xB] =	stream.linear.gather [hbm4b:s23+s5], $0x80, $0x38;
	[tilespmem:$0x1B700] =	vst v63  }
0x306: {  	s0 =	rddreg [dreg:$0xf];
	s4 =	sadd.s32 s15, s6;
	s23 =	simm.s32 $0x800  }
0x307: {  	[tilespmem:s23], [sflag:$0xB] =	stream.linear.gather [hbm4b:s4+s5], $0x80, $0x38;
	[tilespmem:$0x1B700] =	vst v63  }
0x308: {  	s0 =	sadd.s32 s15, s0;
	s6 =	rddreg [dreg:$0xe];
	s4 =	simm.s32 $0x880  }
0x309: {  	[tilespmem:s4], [sflag:$0xB] =	stream.linear.gather [hbm4b:s0+s5], $0x80, $0x38;
	[tilespmem:$0x1B700] =	vst v63  }
0x30a: {  	s12 =	rddreg [dreg:$0xd];
	s6 =	sadd.s32 s15, s6;
	s0 =	simm.s32 $0x900  }
0x30b: {  	[tilespmem:s0], [sflag:$0xB] =	stream.linear.gather [hbm4b:s6+s5], $0x80, $0x38;
	[tilespmem:$0x1B700] =	vst v63  }
0x30c: {  	s11 =	sadd.s32 s15, s12;
	s12 =	simm.s32 $0x980  }
0x30d: {  	[tilespmem:s12], [sflag:$0xB] =	stream.linear.gather [hbm4b:s11+s5], $0x80, $0x38;
	[tilespmem:$0x1B700] =	vst v63  }
0x30e: {  	_ =	swait.ge [sflag:s25], $0x80  }
0x30f: {  	[sflag:s25] =	ssyncset.done $0x0  }
0x310: {  	[sflag:s25] =	ssyncadd.s32 $0xFFFFFF80  }
0x311: {  	_ =	swait.ge [sflag:s25], $0x80  }
0x312: {  	[sflag:s25] =	ssyncset.done $0x0  }
0x313: {  	[sflag:s25] =	ssyncadd.s32 $0xFFFFFF80  }
0x314: {  	_ =	swait.ge [sflag:s25], $0x80  }
0x315: {  	[sflag:s25] =	ssyncset.done $0x0  }
0x316: {  	[sflag:s25] =	ssyncadd.s32 $0xFFFFFF80  }
0x317: {  	_ =	swait.ge [sflag:s25], $0x80  }
0x318: {  	[sflag:s25] =	ssyncset.done $0x0  }
0x319: {  	[sflag:s25] =	ssyncadd.s32 $0xFFFFFF80  }
0x31a: {  	_ =	swait.ge [sflag:s25], $0x80  }
0x31b: {  	[sflag:s25] =	ssyncset.done $0x0  }
0x31c: {  	[sflag:s25] =	ssyncadd.s32 $0xFFFFFF80  }
0x31d: {  	_ =	swait.ge [sflag:s25], $0x80  }
0x31e: {  	[sflag:s25] =	ssyncset.done $0x0  }
0x31f: {  	[sflag:s25] =	ssyncadd.s32 $0xFFFFFF80  }
0x320: {  	_ =	swait.ge [sflag:s25], $0x80  }
0x321: {  	[sflag:s25] =	ssyncset.done $0x0  }
0x322: {  	[sflag:s25] =	ssyncadd.s32 $0xFFFFFF80  }
0x323: {  	_ =	swait.ge [sflag:s25], $0x80  }
0x324: {  	[sflag:s25] =	ssyncset.done $0x0  }
0x325: {  	[sflag:s25] =	ssyncadd.s32 $0xFFFFFF80  }
0x326: {  	_ =	swait.ge [sflag:s25], $0x80  }
0x327: {  	[sflag:s25] =	ssyncset.done $0x0  }
0x328: {  	[sflag:s25] =	ssyncadd.s32 $0xFFFFFF80  }
0x329: {  	_ =	swait.ge [sflag:s25], $0x80  }
0x32a: {  	s10 =	smov.u32 s8;
	[sflag:s25] =	ssyncset.done $0x0  }
0x32b: {  	s15 =	smov.u32 s10;
	s10 =	simm.s32 $0xA00;
	[sflag:s25] =	ssyncadd.s32 $0xFFFFFF80  }
0x32c: {  	[tilespmem:s10], [sflag:$0x1] =	stream.indirect.gather [hbm4b:s31+s21], $0x40, s5, s21, $0xb8;
	[tilespmem:$0x1B700] =	vst v63  }
0x32d: {  	s11 =	simm.s32 $0x2A00  }
0x32e: {  	[tilespmem:s11], [sflag:$0x2] =	stream.indirect.gather [hbm4b:s31+s21], $0x40, s21, s21, $0xb8;
	[tilespmem:$0x1B700] =	vst v63  }
0x32f: {  	s6 =	simm.s32 $0x4A00;
	s9 =	rddreg [dreg:$0x15]  }
0x330: {  	[tilespmem:s6], [sflag:$0x3] =	stream.indirect.gather [hbm4b:s31+s21], $0x40, s9, s21, $0xb8;
	[tilespmem:$0x1B700] =	vst v63  }
0x331: {  	_ =	swait.ge [sflag:s7], $0x2000  }
0x332: {  	[sflag:s7] =	ssyncset.done $0x0  }
0x333: {  	[sflag:s7] =	ssyncadd.s32 $0xFFFFE000  }
0x334: {  	[spmem:s3] =	stream.indirect.scatter.add.f32 [tilespmem:s10], [sflag:$0x6], $0x40, s13, s21, $0xb8;
	[tilespmem:$0x1B700] =	vst v63  }
0x335: {  	s9 =	rddreg [dreg:$0x16];
	s13 =	simm.s32 $0x6A00  }
0x336: {  	[tilespmem:s13], [sflag:$0x4] =	stream.indirect.gather [hbm4b:s31+s21], $0x40, s9, s21, $0xb8;
	[tilespmem:$0x1B700] =	vst v63  }
0x337: {  	_ =	swait.ge [sflag:s18], $0x2000  }
0x338: {  	[sflag:s18] =	ssyncset.done $0x0  }
0x339: {  	[sflag:s18] =	ssyncadd.s32 $0xFFFFE000  }
0x33a: {  	[spmem:s3] =	stream.indirect.scatter.add.f32 [tilespmem:s11], [sflag:$0x7], $0x40, s14, s21, $0xb8;
	[tilespmem:$0x1B700] =	vst v63  }
0x33b: {  	s9 =	rddreg [dreg:$0x17];
	s14 =	simm.s32 $0x8A00  }
0x33c: {  	[tilespmem:s14], [sflag:$0x5] =	stream.indirect.gather [hbm4b:s31+s21], $0x40, s9, s21, $0xb8;
	[tilespmem:$0x1B700] =	vst v63  }
0x33d: {  	_ =	swait.ge [sflag:s1], $0x2000  }
0x33e: {  	[sflag:s1] =	ssyncset.done $0x0  }
0x33f: {  	[sflag:s1] =	ssyncadd.s32 $0xFFFFE000  }
0x340: {  	[spmem:s3] =	stream.indirect.scatter.add.f32 [tilespmem:s6], [sflag:$0x8], $0x40, s20, s21, $0xb8;
	[tilespmem:$0x1B700] =	vst v63  }
0x341: {  	_ =	swait.ge [sflag:s22], $0x2000  }
0x342: {  	[sflag:s22] =	ssyncset.done $0x0  }
0x343: {  	s20 =	rddreg [dreg:$0x18];
	[sflag:s22] =	ssyncadd.s32 $0xFFFFE000  }
0x344: {  	[tilespmem:s10], [sflag:$0x1] =	stream.indirect.gather [hbm4b:s31+s21], $0x40, s20, s21, $0xb8;
	[tilespmem:$0x1B700] =	vst v63  }
0x345: {  	_ =	swait.ge [sflag:s24], $0x2000  }
0x346: {  	[sflag:s24] =	ssyncset.done $0x0  }
0x347: {  	[sflag:s24] =	ssyncadd.s32 $0xFFFFE000  }
0x348: {  	[spmem:s3] =	stream.indirect.scatter.add.f32 [tilespmem:s13], [sflag:$0x9], $0x40, s29, s21, $0xb8;
	[tilespmem:$0x1B700] =	vst v63  }
0x349: {  	_ =	swait.ge [sflag:s28], $0x2000  }
0x34a: {  	[sflag:s28] =	ssyncset.done $0x0  }
0x34b: {  	s20 =	rddreg [dreg:$0x19];
	[sflag:s28] =	ssyncadd.s32 $0xFFFFE000  }
0x34c: {  	[tilespmem:s11], [sflag:$0x2] =	stream.indirect.gather [hbm4b:s31+s21], $0x40, s20, s21, $0xb8;
	[tilespmem:$0x1B700] =	vst v63  }
0x34d: {  	_ =	swait.ge [sflag:s26], $0x2000  }
0x34e: {  	[sflag:s26] =	ssyncset.done $0x0  }
0x34f: {  	[sflag:s26] =	ssyncadd.s32 $0xFFFFE000  }
0x350: {  	[spmem:s3] =	stream.indirect.scatter.add.f32 [tilespmem:s14], [sflag:$0xA], $0x40, s17, s21, $0xb8;
	[tilespmem:$0x1B700] =	vst v63  }
0x351: {  	_ =	swait.ge [sflag:s30], $0x2000  }
0x352: {  	[sflag:s30] =	ssyncset.done $0x0  }
0x353: {  	s17 =	rddreg [dreg:$0x1a];
	[sflag:s30] =	ssyncadd.s32 $0xFFFFE000  }
0x354: {  	[tilespmem:s6], [sflag:$0x3] =	stream.indirect.gather [hbm4b:s31+s21], $0x40, s17, s21, $0xb8;
	[tilespmem:$0x1B700] =	vst v63  }
0x355: {  	_ =	swait.ge [sflag:s7], $0x2000  }
0x356: {  	[sflag:s7] =	ssyncset.done $0x0  }
0x357: {  	[sflag:s7] =	ssyncadd.s32 $0xFFFFE000  }
0x358: {  	[spmem:s3] =	stream.indirect.scatter.add.f32 [tilespmem:s10], [sflag:$0x6], $0x40, s16, s21, $0xb8;
	[tilespmem:$0x1B700] =	vst v63  }
0x359: {  	_ =	swait.ge [sflag:s19], $0x2000  }
0x35a: {  	[sflag:s19] =	ssyncset.done $0x0  }
0x35b: {  	s20 =	rddreg [dreg:$0x1b];
	[sflag:s19] =	ssyncadd.s32 $0xFFFFE000  }
0x35c: {  	[tilespmem:s13], [sflag:$0x4] =	stream.indirect.gather [hbm4b:s31+s21], $0x40, s20, s21, $0xb8;
	[tilespmem:$0x1B700] =	vst v63  }
0x35d: {  	_ =	swait.ge [sflag:s18], $0x2000  }
0x35e: {  	[sflag:s18] =	ssyncset.done $0x0  }
0x35f: {  	[sflag:s18] =	ssyncadd.s32 $0xFFFFE000  }
0x360: {  	[spmem:s3] =	stream.indirect.scatter.add.f32 [tilespmem:s11], [sflag:$0x7], $0x40, s23, s21, $0xb8;
	[tilespmem:$0x1B700] =	vst v63  }
0x361: {  	_ =	swait.ge [sflag:s2], $0x2000  }
0x362: {  	[sflag:s2] =	ssyncset.done $0x0  }
0x363: {  	s23 =	rddreg [dreg:$0x1c];
	[sflag:s2] =	ssyncadd.s32 $0xFFFFE000  }
0x364: {  	[tilespmem:s14], [sflag:$0x5] =	stream.indirect.gather [hbm4b:s31+s21], $0x40, s23, s21, $0xb8;
	[tilespmem:$0x1B700] =	vst v63  }
0x365: {  	_ =	swait.ge [sflag:s1], $0x2000  }
0x366: {  	[sflag:s1] =	ssyncset.done $0x0  }
0x367: {  	[sflag:s1] =	ssyncadd.s32 $0xFFFFE000  }
0x368: {  	[spmem:s3] =	stream.indirect.scatter.add.f32 [tilespmem:s6], [sflag:$0x8], $0x40, s4, s21, $0xb8;
	[tilespmem:$0x1B700] =	vst v63  }
0x369: {  	_ =	swait.ge [sflag:s24], $0x2000  }
0x36a: {  	[sflag:s24] =	ssyncset.done $0x0  }
0x36b: {  	[sflag:s24] =	ssyncadd.s32 $0xFFFFE000  }
0x36c: {  	[spmem:s3] =	stream.indirect.scatter.add.f32 [tilespmem:s13], [sflag:$0x9], $0x40, s0, s21, $0xb8;
	[tilespmem:$0x1B700] =	vst v63  }
0x36d: {  	_ =	swait.ge [sflag:s26], $0x2000  }
0x36e: {  	[sflag:s26] =	ssyncset.done $0x0  }
0x36f: {  	[sflag:s26] =	ssyncadd.s32 $0xFFFFE000  }
0x370: {  	[spmem:s3] =	stream.indirect.scatter.add.f32 [tilespmem:s14], [sflag:$0xA], $0x40, s12, s21, $0xb8;
	[tilespmem:$0x1B700] =	vst v63  }
0x371: {  	_ =	swait.ge [sflag:s22], $0x2000  }
0x372: {  	[sflag:s22] =	ssyncset.done $0x0  }
0x373: {  	[sflag:s22] =	ssyncadd.s32 $0xFFFFE000  }
0x374: {  	_ =	swait.ge [sflag:s28], $0x2000  }
0x375: {  	[sflag:s28] =	ssyncset.done $0x0  }
0x376: {  	[sflag:s28] =	ssyncadd.s32 $0xFFFFE000  }
0x377: {  	_ =	swait.ge [sflag:s30], $0x2000  }
0x378: {  	[sflag:s30] =	ssyncset.done $0x0  }
0x379: {  	p0 =	sne.s32 s8, $0xBE0;
	[sflag:s30] =	ssyncadd.s32 $0xFFFFE000  }
.Ltmp0:
0x37a: {  	_ =	swait.ge [sflag:s19], $0x2000;
	(pc) =	sbr.rel @p0 .LBB2_2-.Ltmp0, $4  }
0x37b: {  	[sflag:s19] =	ssyncset.done $0x0  }
0x37c: {  	[sflag:s19] =	ssyncadd.s32 $0xFFFFE000  }
0x37d: {  	_ =	swait.ge [sflag:s2], $0x2000  }
0x37e: {  	s8 =	sadd.s32 $0xA0, s8;
	s9 =	rddreg [dreg:$0xc];
	[sflag:s2] =	ssyncset.done $0x0  }
0x37f: {  	[sflag:s2] =	ssyncadd.s32 $0xFFFFE000;
	s8 =	sadd.s32 s15, s9;
	s17 =	simm.s32 $0xF  }
0x380: {  	[tilespmem:s5], [sflag:$0xF] =	stream.linear.gather [hbm4b:s8+s5], $0x500, $0x38;
	[tilespmem:$0x1B700] =	vst v63  }
0x381: {  	_ =	swait.ge [sflag:s17], $0x500  }
0x382: {  	s11 =	rddreg [dreg:$0xb];
	[sflag:s17] =	ssyncset.done $0x0  }
0x383: {  	s10 =	simm.s32 $0x500;
	[sflag:s17] =	ssyncadd.s32 $0xFFFFFB00;
	s8 =	sadd.s32 s15, s11  }
0x384: {  	[tilespmem:s10], [sflag:$0xB] =	stream.linear.gather [hbm4b:s8+s5], $0x80, $0x38;
	[tilespmem:$0x1B700] =	vst v63  }
0x385: {  	s12 =	rddreg [dreg:$0x14];
	s11 =	simm.s32 $0x580;
	s8 =	sadd.s32 $0x10, s8  }
0x386: {  	[tilespmem:s11], [sflag:$0xB] =	stream.linear.gather [hbm4b:s8+s5], $0x80, $0x38;
	[tilespmem:$0x1B700] =	vst v63  }
0x387: {  	s13 =	rddreg [dreg:$0x13];
	s9 =	sadd.s32 s15, s12;
	s12 =	simm.s32 $0x600  }
0x388: {  	[tilespmem:s12], [sflag:$0xB] =	stream.linear.gather [hbm4b:s9+s5], $0x80, $0x38;
	[tilespmem:$0x1B700] =	vst v63  }
0x389: {  	s14 =	rddreg [dreg:$0x12];
	s8 =	sadd.s32 s15, s13;
	s13 =	simm.s32 $0x680  }
0x38a: {  	[tilespmem:s13], [sflag:$0xB] =	stream.linear.gather [hbm4b:s8+s5], $0x80, $0x38;
	[tilespmem:$0x1B700] =	vst v63  }
0x38b: {  	s16 =	rddreg [dreg:$0x11];
	s9 =	sadd.s32 s15, s14;
	s14 =	simm.s32 $0x700  }
0x38c: {  	[tilespmem:s14], [sflag:$0xB] =	stream.linear.gather [hbm4b:s9+s5], $0x80, $0x38;
	[tilespmem:$0x1B700] =	vst v63  }
0x38d: {  	s20 =	rddreg [dreg:$0x10];
	s8 =	sadd.s32 s15, s16;
	s16 =	simm.s32 $0x780  }
0x38e: {  	[tilespmem:s16], [sflag:$0xB] =	stream.linear.gather [hbm4b:s8+s5], $0x80, $0x38;
	[tilespmem:$0x1B700] =	vst v63  }
0x38f: {  	s23 =	rddreg [dreg:$0xf];
	s9 =	sadd.s32 s15, s20;
	s20 =	simm.s32 $0x800  }
0x390: {  	[tilespmem:s20], [sflag:$0xB] =	stream.linear.gather [hbm4b:s9+s5], $0x80, $0x38;
	[tilespmem:$0x1B700] =	vst v63  }
0x391: {  	s4 =	simm.s32 $0x880;
	s0 =	rddreg [dreg:$0xe];
	s8 =	sadd.s32 s15, s23  }
0x392: {  	[tilespmem:s4], [sflag:$0xB] =	stream.linear.gather [hbm4b:s8+s5], $0x80, $0x38;
	[tilespmem:$0x1B700] =	vst v63  }
0x393: {  	s6 =	rddreg [dreg:$0xd];
	s9 =	sadd.s32 s15, s0;
	s0 =	simm.s32 $0x900  }
0x394: {  	[tilespmem:s0], [sflag:$0xB] =	stream.linear.gather [hbm4b:s9+s5], $0x80, $0x38;
	[tilespmem:$0x1B700] =	vst v63  }
0x395: {  	s23 =	simm.s32 $0x980;
	s8 =	sadd.s32 s15, s6  }
0x396: {  	[tilespmem:s23], [sflag:$0xB] =	stream.linear.gather [hbm4b:s8+s5], $0x80, $0x38;
	[tilespmem:$0x1B700] =	vst v63  }
0x397: {  	_ =	swait.ge [sflag:s25], $0x80  }
0x398: {  	[sflag:s25] =	ssyncset.done $0x0  }
0x399: {  	[sflag:s25] =	ssyncadd.s32 $0xFFFFFF80  }
0x39a: {  	_ =	swait.ge [sflag:s25], $0x80  }
0x39b: {  	[sflag:s25] =	ssyncset.done $0x0  }
0x39c: {  	[sflag:s25] =	ssyncadd.s32 $0xFFFFFF80  }
0x39d: {  	_ =	swait.ge [sflag:s25], $0x80  }
0x39e: {  	[sflag:s25] =	ssyncset.done $0x0  }
0x39f: {  	[sflag:s25] =	ssyncadd.s32 $0xFFFFFF80  }
0x3a0: {  	_ =	swait.ge [sflag:s25], $0x80  }
0x3a1: {  	[sflag:s25] =	ssyncset.done $0x0  }
0x3a2: {  	[sflag:s25] =	ssyncadd.s32 $0xFFFFFF80  }
0x3a3: {  	_ =	swait.ge [sflag:s25], $0x80  }
0x3a4: {  	[sflag:s25] =	ssyncset.done $0x0  }
0x3a5: {  	[sflag:s25] =	ssyncadd.s32 $0xFFFFFF80  }
0x3a6: {  	_ =	swait.ge [sflag:s25], $0x80  }
0x3a7: {  	[sflag:s25] =	ssyncset.done $0x0  }
0x3a8: {  	[sflag:s25] =	ssyncadd.s32 $0xFFFFFF80  }
0x3a9: {  	_ =	swait.ge [sflag:s25], $0x80  }
0x3aa: {  	[sflag:s25] =	ssyncset.done $0x0  }
0x3ab: {  	[sflag:s25] =	ssyncadd.s32 $0xFFFFFF80  }
0x3ac: {  	_ =	swait.ge [sflag:s25], $0x80  }
0x3ad: {  	[sflag:s25] =	ssyncset.done $0x0  }
0x3ae: {  	[sflag:s25] =	ssyncadd.s32 $0xFFFFFF80  }
0x3af: {  	_ =	swait.ge [sflag:s25], $0x80  }
0x3b0: {  	[sflag:s25] =	ssyncset.done $0x0  }
0x3b1: {  	[sflag:s25] =	ssyncadd.s32 $0xFFFFFF80  }
0x3b2: {  	_ =	swait.ge [sflag:s25], $0x80  }
0x3b3: {  	[sflag:s25] =	ssyncset.done $0x0  }
0x3b4: {  	s9 =	simm.s32 $0xA00;
	[sflag:s25] =	ssyncadd.s32 $0xFFFFFF80  }
0x3b5: {  	[tilespmem:s9], [sflag:$0x1] =	stream.indirect.gather [hbm4b:s31+s21], $0x40, s5, s21, $0xb8;
	[tilespmem:$0x1B700] =	vst v63  }
0x3b6: {  	s15 =	simm.s32 $0x2A00  }
0x3b7: {  	[tilespmem:s15], [sflag:$0x2] =	stream.indirect.gather [hbm4b:s31+s21], $0x40, s21, s21, $0xb8;
	[tilespmem:$0x1B700] =	vst v63  }
0x3b8: {  	s6 =	simm.s32 $0x4A00;
	s8 =	rddreg [dreg:$0x15]  }
0x3b9: {  	[tilespmem:s6], [sflag:$0x3] =	stream.indirect.gather [hbm4b:s31+s21], $0x40, s8, s21, $0xb8;
	[tilespmem:$0x1B700] =	vst v63  }
0x3ba: {  	_ =	swait.ge [sflag:s7], $0x2000  }
0x3bb: {  	[sflag:s7] =	ssyncset.done $0x0  }
0x3bc: {  	[sflag:s7] =	ssyncadd.s32 $0xFFFFE000  }
0x3bd: {  	[spmem:s3] =	stream.indirect.scatter.add.f32 [tilespmem:s9], [sflag:$0x6], $0x40, s10, s21, $0xb8;
	[tilespmem:$0x1B700] =	vst v63  }
0x3be: {  	s8 =	rddreg [dreg:$0x16];
	s10 =	simm.s32 $0x6A00  }
0x3bf: {  	[tilespmem:s10], [sflag:$0x4] =	stream.indirect.gather [hbm4b:s31+s21], $0x40, s8, s21, $0xb8;
	[tilespmem:$0x1B700] =	vst v63  }
0x3c0: {  	_ =	swait.ge [sflag:s18], $0x2000  }
0x3c1: {  	[sflag:s18] =	ssyncset.done $0x0  }
0x3c2: {  	[sflag:s18] =	ssyncadd.s32 $0xFFFFE000  }
0x3c3: {  	[spmem:s3] =	stream.indirect.scatter.add.f32 [tilespmem:s15], [sflag:$0x7], $0x40, s11, s21, $0xb8;
	[tilespmem:$0x1B700] =	vst v63  }
0x3c4: {  	s8 =	rddreg [dreg:$0x17];
	s11 =	simm.s32 $0x8A00  }
0x3c5: {  	[tilespmem:s11], [sflag:$0x5] =	stream.indirect.gather [hbm4b:s31+s21], $0x40, s8, s21, $0xb8;
	[tilespmem:$0x1B700] =	vst v63  }
0x3c6: {  	_ =	swait.ge [sflag:s1], $0x2000  }
0x3c7: {  	[sflag:s1] =	ssyncset.done $0x0  }
0x3c8: {  	[sflag:s1] =	ssyncadd.s32 $0xFFFFE000  }
0x3c9: {  	[spmem:s3] =	stream.indirect.scatter.add.f32 [tilespmem:s6], [sflag:$0x8], $0x40, s12, s21, $0xb8;
	[tilespmem:$0x1B700] =	vst v63  }
0x3ca: {  	_ =	swait.ge [sflag:s22], $0x2000  }
0x3cb: {  	[sflag:s22] =	ssyncset.done $0x0  }
0x3cc: {  	s12 =	rddreg [dreg:$0x18];
	[sflag:s22] =	ssyncadd.s32 $0xFFFFE000  }
0x3cd: {  	[tilespmem:s9], [sflag:$0x1] =	stream.indirect.gather [hbm4b:s31+s21], $0x40, s12, s21, $0xb8;
	[tilespmem:$0x1B700] =	vst v63  }
0x3ce: {  	_ =	swait.ge [sflag:s24], $0x2000  }
0x3cf: {  	[sflag:s24] =	ssyncset.done $0x0  }
0x3d0: {  	[sflag:s24] =	ssyncadd.s32 $0xFFFFE000  }
0x3d1: {  	[spmem:s3] =	stream.indirect.scatter.add.f32 [tilespmem:s10], [sflag:$0x9], $0x40, s13, s21, $0xb8;
	[tilespmem:$0x1B700] =	vst v63  }
0x3d2: {  	_ =	swait.ge [sflag:s28], $0x2000  }
0x3d3: {  	[sflag:s28] =	ssyncset.done $0x0  }
0x3d4: {  	s13 =	rddreg [dreg:$0x19];
	[sflag:s28] =	ssyncadd.s32 $0xFFFFE000  }
0x3d5: {  	[tilespmem:s15], [sflag:$0x2] =	stream.indirect.gather [hbm4b:s31+s21], $0x40, s13, s21, $0xb8;
	[tilespmem:$0x1B700] =	vst v63  }
0x3d6: {  	_ =	swait.ge [sflag:s26], $0x2000  }
0x3d7: {  	[sflag:s26] =	ssyncset.done $0x0  }
0x3d8: {  	[sflag:s26] =	ssyncadd.s32 $0xFFFFE000  }
0x3d9: {  	[spmem:s3] =	stream.indirect.scatter.add.f32 [tilespmem:s11], [sflag:$0xA], $0x40, s14, s21, $0xb8;
	[tilespmem:$0x1B700] =	vst v63  }
0x3da: {  	_ =	swait.ge [sflag:s30], $0x2000  }
0x3db: {  	[sflag:s30] =	ssyncset.done $0x0  }
0x3dc: {  	s14 =	rddreg [dreg:$0x1a];
	[sflag:s30] =	ssyncadd.s32 $0xFFFFE000  }
0x3dd: {  	[tilespmem:s6], [sflag:$0x3] =	stream.indirect.gather [hbm4b:s31+s21], $0x40, s14, s21, $0xb8;
	[tilespmem:$0x1B700] =	vst v63  }
0x3de: {  	_ =	swait.ge [sflag:s7], $0x2000  }
0x3df: {  	[sflag:s7] =	ssyncset.done $0x0  }
0x3e0: {  	[sflag:s7] =	ssyncadd.s32 $0xFFFFE000  }
0x3e1: {  	[spmem:s3] =	stream.indirect.scatter.add.f32 [tilespmem:s9], [sflag:$0x6], $0x40, s16, s21, $0xb8;
	[tilespmem:$0x1B700] =	vst v63  }
0x3e2: {  	_ =	swait.ge [sflag:s19], $0x2000  }
0x3e3: {  	[sflag:s19] =	ssyncset.done $0x0  }
0x3e4: {  	s9 =	rddreg [dreg:$0x1b];
	[sflag:s19] =	ssyncadd.s32 $0xFFFFE000  }
0x3e5: {  	[tilespmem:s10], [sflag:$0x4] =	stream.indirect.gather [hbm4b:s31+s21], $0x40, s9, s21, $0xb8;
	[tilespmem:$0x1B700] =	vst v63  }
0x3e6: {  	_ =	swait.ge [sflag:s18], $0x2000  }
0x3e7: {  	[sflag:s18] =	ssyncset.done $0x0  }
0x3e8: {  	[sflag:s18] =	ssyncadd.s32 $0xFFFFE000  }
0x3e9: {  	[spmem:s3] =	stream.indirect.scatter.add.f32 [tilespmem:s15], [sflag:$0x7], $0x40, s20, s21, $0xb8;
	[tilespmem:$0x1B700] =	vst v63  }
0x3ea: {  	_ =	swait.ge [sflag:s2], $0x2000  }
0x3eb: {  	[sflag:s2] =	ssyncset.done $0x0  }
0x3ec: {  	s12 =	rddreg [dreg:$0x1c];
	[sflag:s2] =	ssyncadd.s32 $0xFFFFE000  }
0x3ed: {  	[tilespmem:s11], [sflag:$0x5] =	stream.indirect.gather [hbm4b:s31+s21], $0x40, s12, s21, $0xb8;
	[tilespmem:$0x1B700] =	vst v63  }
0x3ee: {  	_ =	swait.ge [sflag:s1], $0x2000  }
0x3ef: {  	[sflag:s1] =	ssyncset.done $0x0  }
0x3f0: {  	[sflag:s1] =	ssyncadd.s32 $0xFFFFE000  }
0x3f1: {  	[spmem:s3] =	stream.indirect.scatter.add.f32 [tilespmem:s6], [sflag:$0x8], $0x40, s4, s21, $0xb8;
	[tilespmem:$0x1B700] =	vst v63  }
0x3f2: {  	_ =	swait.ge [sflag:s24], $0x2000  }
0x3f3: {  	[sflag:s24] =	ssyncset.done $0x0  }
0x3f4: {  	[sflag:s24] =	ssyncadd.s32 $0xFFFFE000  }
0x3f5: {  	[spmem:s3] =	stream.indirect.scatter.add.f32 [tilespmem:s10], [sflag:$0x9], $0x40, s0, s21, $0xb8;
	[tilespmem:$0x1B700] =	vst v63  }
0x3f6: {  	_ =	swait.ge [sflag:s26], $0x2000  }
0x3f7: {  	[sflag:s26] =	ssyncset.done $0x0  }
0x3f8: {  	[sflag:s26] =	ssyncadd.s32 $0xFFFFE000  }
0x3f9: {  	[spmem:s3] =	stream.indirect.scatter.add.f32 [tilespmem:s11], [sflag:$0xA], $0x40, s23, s21, $0xb8;
	[tilespmem:$0x1B700] =	vst v63  }
0x3fa: {  	_ =	swait.ge [sflag:s22], $0x2000  }
0x3fb: {  	[sflag:s22] =	ssyncset.done $0x0  }
0x3fc: {  	[sflag:s22] =	ssyncadd.s32 $0xFFFFE000  }
0x3fd: {  	_ =	swait.ge [sflag:s28], $0x2000  }
0x3fe: {  	[sflag:s28] =	ssyncset.done $0x0  }
0x3ff: {  	[sflag:s28] =	ssyncadd.s32 $0xFFFFE000  }
0x400: {  	_ =	swait.ge [sflag:s30], $0x2000  }
0x401: {  	[sflag:s30] =	ssyncset.done $0x0  }
0x402: {  	[sflag:s30] =	ssyncadd.s32 $0xFFFFE000  }
0x403: {  	_ =	swait.ge [sflag:s19], $0x2000  }
0x404: {  	[sflag:s19] =	ssyncset.done $0x0  }
0x405: {  	[sflag:s19] =	ssyncadd.s32 $0xFFFFE000  }
0x406: {  	_ =	swait.ge [sflag:s2], $0x2000  }
0x407: {  	[sflag:s2] =	ssyncset.done $0x0  }
0x408: {  	[sflag:s2] =	ssyncadd.s32 $0xFFFFE000  }
0x409: {  	[bflag:$0x0] =	sbarrier.arrive $0xFFFF  }
0x40a: {  	s10 =	sld [smem:$0x7FD]  }
0x40b: {  	s13 =	stileid.u32;
	s15 =	sld [smem:$0x7F4]  }
0x40c: {  	s8 =	sshll.u32 s13, $0x6  }
0x40d: {  	s8 =	sor.u32 $0x1C0F, s8;
	s16 =	simm.s32 $0x10;
	s14 =	sshrl.u32 s10, $0x3  }
0x40e: {  	[hbm:s15@s16], [sflag:s8] =	dma.strided [spmem:s14@s30], $0x2000, s7, $0x8   }
0x40f: {  	_ =	swait.ge [sflag:s17], $0x2000  }
0x410: {  	s20 =	sld [smem:$0x7C1]  }
0x411: {  	s23 =	sld [smem:$0x7F5];
	_ =	sdelay $0x1  }
0x412: {  	s0 =	sadd.s32 $0x1, s20  }
0x413: {  	p0 =	sne.s32 s0, s23  }
.Ltmp1:
0x414: {  	_ = 	snop;
	(pc) =	sbr.rel @p0 .LBB2_1-.Ltmp1, $3  }
0x415: {  	_ =	sdelay $0x1  }
0x416: {  	[sflag:s17] =	ssyncset.done $0x0  }
0x417: {  	[sflag:s17] =	ssyncadd.s32 $0xFFFFE000  }
0x418: {  	_ =	sfence.sel $0x180000  }
0x419: {  	[bflag:$0x0] =	sbarrier.arrive $0xFFFF  }
0x41a: {  	_ =	strace $0x90000047  }
0x41b: {  	s0 =	stileid.u32;
	[bflag:$0x2] =	sbarrier.arrive $0xFFFF  }
0x41c: {  	p0 =	sne.s32 s0, $0x0;
	s0 =	rddreg [dreg:$0xa]  }
0x41d: {  	s0 =	sadd.s32 @!p0 $0x100000, s0  }
0x41e: {  	[sflag:s0] =	ssyncadd.tile.s32 @!p0 $0x1;
	_ =	shalt  }
.Lfunc_end2:
_tile_overlayer_lowered:
.L_overlay_start_2:
0x41f: {  	(tag) =	ssettag $0x2  }
0x420: {  	s0 =	rddreg [dreg:$0x0];
	s2 =	stileid.u32  }
0x421: {  	s1 =	rddreg [dreg:$0x1];
	p0 =	sne.s32 s2, $0x0  }
0x422: {  	s3 =	rddreg [dreg:$0x2];
	[bflag:$0x3] =	sbarrier.arrive $0xFFFF;
	s2 =	simm.s32 @!p0 $0x1C0F  }
0x423: {  	[timem:s3], [sflag:s2] =	dma.local @!p0 [hbm:s0], s1  }
0x424: {  	s0 =	simm.s32 @!p0 $0xF  }
0x425: {  	_ =	swait.ge @!p0 [sflag:s0], s1  }
0x426: {  	s1 =	ssub.s32 @!p0 $0x0, s1;
	[sflag:s0] =	ssyncset.done @!p0 $0x0  }
0x427: {  	[sflag:s0] =	ssyncadd.s32 @!p0 s1  }
0x428: {  	[bflag:$0x3] =	sbarrier.arrive $0xFFFF  }
0x429: {  	_ =	shalt  }

</sc_bundles>
